<compile_context>
chip_gen: v7x
topology: tpu7x:2x2x1
jax: 0.10.2.dev20260603
libtpu: 0.0.44.dev20260713+nightly
codegen_flags: <defaults>
</compile_context>

<pallas_src>
import functools

import jax
import jax.numpy as jnp
from jax import lax
from jax.experimental import pallas as pl
from jax.experimental.pallas import tpu as pltpu
from jax.experimental.pallas import tpu_sc as plsc

N = 16777216
NBINS = 2048
NC, NS, L = 2, 16, 16
NW = NC * NS
CHUNK = N // NW
ROWS_PER_W = CHUNK // L
SUB = 32768
SROWS = SUB // L
NSUB = CHUNK // SUB
UNROLL = 8
PBINS = NBINS + 8
_mesh = plsc.VectorSubcoreMesh(
    core_axis_name="c", subcore_axis_name="s", num_cores=NC, num_subcores=NS
)
_sc_params = pltpu.CompilerParams(
    needs_layout_passes=False, use_tc_tiling_on_sc=False
)


@functools.partial(
    pl.kernel,
    out_type=jax.ShapeDtypeStruct((NW, 2, L), jnp.float32),
    mesh=_mesh,
    compiler_params=_sc_params,
    scratch_types=[
        pltpu.VMEM((SROWS, L), jnp.float32),
        pltpu.VMEM((SROWS, L), jnp.float32),
        pltpu.VMEM((2, L), jnp.float32),
        pltpu.SemaphoreType.DMA,
        pltpu.SemaphoreType.DMA,
    ],
)
def _sc_minmax(x_hbm, out_hbm, buf0, buf1, res, sem0, sem1):
    wid = lax.axis_index("s") * NC + lax.axis_index("c")
    base = wid * ROWS_PER_W

    big = jnp.full((L,), jnp.inf, jnp.float32)
    mns = [big] * UNROLL
    mxs = [-big] * UNROLL

    bufs = (buf0, buf1)
    sems = (sem0, sem1)
    handles = [None, None]
    handles[0] = pltpu.async_copy(x_hbm.at[pl.ds(base, SROWS)], buf0, sem0)
    for s in range(NSUB):
        if s + 1 < NSUB:
            handles[(s + 1) % 2] = pltpu.async_copy(
                x_hbm.at[pl.ds(base + (s + 1) * SROWS, SROWS)],
                bufs[(s + 1) % 2],
                sems[(s + 1) % 2],
            )
        handles[s % 2].wait()
        buf = bufs[s % 2]

        def _mm(i, carry):
            ms, xs = carry
            b = i * UNROLL
            ms = list(ms)
            xs = list(xs)
            for u in range(UNROLL):
                v = buf[b + u, :]
                ms[u] = jnp.minimum(ms[u], v)
                xs[u] = jnp.maximum(xs[u], v)
            return tuple(ms), tuple(xs)

        mns, mxs = lax.fori_loop(
            0, SROWS // UNROLL, _mm, (tuple(mns), tuple(mxs))
        )

    mn = mns[0]
    mx = mxs[0]
    for u in range(1, UNROLL):
        mn = jnp.minimum(mn, mns[u])
        mx = jnp.maximum(mx, mxs[u])
    res[0, :] = mn
    res[1, :] = mx
    pltpu.sync_copy(res, out_hbm.at[wid])


@functools.partial(
    pl.kernel,
    out_type=[
        jax.ShapeDtypeStruct((NW, NBINS), jnp.float32),
        jax.ShapeDtypeStruct((2, L), jnp.float32),
        jax.ShapeDtypeStruct((N // L, L), jnp.float32),
    ],
    mesh=_mesh,
    compiler_params=_sc_params,
    scratch_types=[
        pltpu.VMEM((SROWS, L), jnp.float32),
        pltpu.VMEM((SROWS, L), jnp.float32),
        pltpu.VMEM((L * PBINS,), jnp.float32),
        pltpu.VMEM((NBINS,), jnp.float32),
        pltpu.VMEM((NW, 2, L), jnp.float32),
        pltpu.VMEM((2, L), jnp.float32),
        pltpu.SemaphoreType.DMA,
        pltpu.SemaphoreType.DMA,
        pltpu.SemaphoreType.DMA,
        pltpu.SemaphoreType.DMA,
    ],
)
def _sc_hist(
    x_hbm, mm_hbm, out_hbm, stats_hbm, xcopy_hbm, buf0, buf1, hist, fold,
    mmv, statsv, sem0, sem1, osem0, osem1
):
    wid = lax.axis_index("s") * NC + lax.axis_index("c")
    base = wid * ROWS_PER_W

    pltpu.sync_copy(mm_hbm, mmv)
    mn = mmv[0, 0, :]
    mx = mmv[0, 1, :]
    for w in range(1, NW):
        mn = jnp.minimum(mn, mmv[w, 0, :])
        mx = jnp.maximum(mx, mmv[w, 1, :])
    mn_s = lax.reduce_min(mn, (0,))
    mx_s = lax.reduce_max(mx, (0,))
    mnv = jnp.full((L,), mn_s, jnp.float32)
    mxv = jnp.full((L,), mx_s, jnp.float32)

    rng = mxv - mnv
    rng = jnp.where(rng == 0.0, jnp.float32(1.0), rng)
    scale = jnp.float32(NBINS) / rng

    lanes = lax.iota(jnp.int32, L)
    lane_base = lanes * PBINS
    ones = jnp.ones((L,), jnp.float32)
    zeros = jnp.zeros((L,), jnp.float32)

    statsv[0, :] = mnv
    statsv[1, :] = mxv

    @pl.when(wid == 0)
    def _():
        pltpu.sync_copy(statsv, stats_hbm)

    @plsc.parallel_loop(0, (L * PBINS) // L, unroll=UNROLL)
    def _zero(i):
        hist[pl.ds(i * L, L)] = zeros

    bufs = (buf0, buf1)
    sems = (sem0, sem1)
    osems = (osem0, osem1)
    handles = [None, None]
    outh = [None, None]
    handles[0] = pltpu.async_copy(x_hbm.at[pl.ds(base, SROWS)], buf0, sem0)
    for s in range(NSUB):
        if s + 1 < NSUB:
            if outh[(s + 1) % 2] is not None:
                outh[(s + 1) % 2].wait()
            handles[(s + 1) % 2] = pltpu.async_copy(
                x_hbm.at[pl.ds(base + (s + 1) * SROWS, SROWS)],
                bufs[(s + 1) % 2],
                sems[(s + 1) % 2],
            )
        handles[s % 2].wait()
        buf = bufs[s % 2]

        outh[s % 2] = pltpu.async_copy(
            buf, xcopy_hbm.at[pl.ds(base + s * SROWS, SROWS)], osems[s % 2]
        )

        @plsc.parallel_loop(0, SROWS, unroll=UNROLL)
        def _binloop(i):
            v = buf[i, :]
            d = (v - mnv) * scale
            addr = d.astype(jnp.int32) + lane_base
            plsc.addupdate_scatter(hist, [addr], ones)

    outh[(NSUB - 1) % 2].wait()
    outh[NSUB % 2].wait()

    top = lane_base + (NBINS - 1)
    a = plsc.load_gather(hist, [top])
    b = plsc.load_gather(hist, [lane_base + NBINS])
    plsc.store_scatter(hist, [top], a + b)

    @plsc.parallel_loop(0, NBINS // L, unroll=2)
    def _fold(j):
        col = j * L
        acc = hist[pl.ds(col, L)]
        for l in range(1, L):
            acc = acc + hist[pl.ds(l * PBINS + col, L)]
        fold[pl.ds(col, L)] = acc

    pltpu.sync_copy(fold, out_hbm.at[wid])


def _reduce_body(p_ref, o_ref):
    o_ref[...] = jnp.sum(p_ref[...], axis=0, keepdims=True)


_reduce = pl.pallas_call(
    _reduce_body,
    in_specs=[pl.BlockSpec((NW, NBINS), lambda: (0, 0))],
    out_specs=pl.BlockSpec((1, NBINS), lambda: (0, 0)),
    out_shape=jax.ShapeDtypeStruct((1, NBINS), jnp.float32),
)


def kernel(x):
    x2 = x.reshape(N // L, L)
    mm = _sc_minmax(x2)
    partial, stats, x_copy = _sc_hist(x2, mm)
    hist = _reduce(partial).reshape(NBINS)
    return (x_copy.reshape(N), hist, stats[0, 0], stats[1, 0])

# --- scband reference (transcript-rebuilt; emitter-appended) ---
"""Pipeline reference for scband-histogram-observer-13116830122432 (READ-ONLY COPY).

The authoritative reference and input builder live on the scoring server;
editing this copy changes nothing except your own understanding.
"""

import jax, jax.numpy as jnp
import numpy as np

BINS = 2048

def setup_inputs(seed: int = 0) -> dict:
    key = jax.random.key(seed)
    x = jax.random.normal(key, (16777216,), dtype=jnp.float32)
    return {"x": x}

def _histc(x, bins, min_val, max_val):
    # Faithful translation of torch.histc: uniform bins over [min_val, max_val],
    # values on the right edge fall into the last bin.
    rng = max_val - min_val
    rng = jnp.where(rng == 0, jnp.float32(1.0), rng)
    idx = jnp.floor((x - min_val) / rng * bins).astype(jnp.int32)
    idx = jnp.clip(idx, 0, bins - 1)
    return jnp.bincount(idx, length=bins).astype(jnp.float32)

def reference(x):
    # HistogramObserver.forward, first-call path (histogram empty -> initialize):
    #   min_val = x.min(); max_val = x.max();
    #   histogram = torch.histc(x, bins, min=min_val, max=max_val)
    # and forward returns the input tensor unchanged.
    x_flat = x.reshape(-1)
    min_val = jnp.min(x_flat)
    max_val = jnp.max(x_flat)
    histogram = _histc(x_flat, BINS, min_val, max_val)
    return (x, histogram, min_val, max_val)

if __name__ == "__main__":
    import jax
    _d = setup_inputs()
    print(jax.jit(kernel)(*tuple(_d.values())))

</pallas_src>

<mosaic_0001>
#map = affine_map<(d0, d1) -> (0, 0)>
#map1 = affine_map<(d0, d1) -> (0, 0, 0)>
module attributes {stable_mosaic.version = 14 : i64} {
  func.func @_sc_minmax(%arg0: i32, %arg1: i32, %arg2: memref<1048576x16xf32, #tpu.memory_space<hbm>>, %arg3: memref<32x2x16xf32, #tpu.memory_space<hbm>>, %arg4: memref<2048x16xf32, #tpu.memory_space<vmem>>, %arg5: memref<2048x16xf32, #tpu.memory_space<vmem>>, %arg6: memref<2x16xf32, #tpu.memory_space<vmem>>, %arg7: memref<!tpu.dma_semaphore, #tpu.memory_space<semaphore_mem>>, %arg8: memref<!tpu.dma_semaphore, #tpu.memory_space<semaphore_mem>>) attributes {dimension_semantics = [#tpu.dimension_semantics<core_parallel>, #tpu.dimension_semantics<subcore_parallel>], iteration_bounds = array<i64: 2, 16>, scalar_prefetch = 0 : i64, scratch_operands = 5 : i64, tpu.core_type = #tpu.core_type<sc_vector_subcore>, window_params = [{transform_indices = #map}, {transform_indices = #map1}]} {
    %mul3A = arith.constant 2 : i32
    %mul3A_0 = arith.muli %arg1, %mul3A : i32
    %add3A = arith.addi %mul3A_0, %arg0 : i32
    %mul3A_1 = arith.constant 32768 : i32
    %mul3A_2 = arith.muli %add3A, %mul3A_1 : i32
    %broadcast_in_dim3A = arith.constant 0x7F800000 : f32
    %broadcast_in_dim3A_3 = vector.broadcast %broadcast_in_dim3A : f32 to vector<16xf32>
    %neg3A = arith.constant 0.000000e+00 : f32
    %neg3A_4 = vector.broadcast %neg3A : f32 to vector<16xf32>
    %neg3A_5 = arith.subf %neg3A_4, %broadcast_in_dim3A_3 : vector<16xf32>
    %dma_start3A = arith.constant 0 : i32
    %dma_start3A_6 = tpu.memref_slice %arg2[%mul3A_2, %dma_start3A] : memref<1048576x16xf32, #tpu.memory_space<hbm>> -> memref<2048x16xf32, #tpu.memory_space<hbm>>
    %dma_start3A_7 = arith.constant 0 : i32
    %dma_start3A_8 = tpu.memref_slice %arg2[%mul3A_2, %dma_start3A_7] : memref<1048576x16xf32, #tpu.memory_space<hbm>> -> memref<2048x16xf32, #tpu.memory_space<hbm>>
    tpu.enqueue_dma source(%dma_start3A_8 : memref<2048x16xf32, #tpu.memory_space<hbm>>) target(%arg4 : memref<2048x16xf32, #tpu.memory_space<vmem>>) target_semaphore(%arg7 : memref<!tpu.dma_semaphore, #tpu.memory_space<semaphore_mem>>)
    %add3A_9 = arith.constant 2048 : i32
    %add3A_10 = arith.addi %mul3A_2, %add3A_9 : i32
    %dma_start3A_11 = arith.constant 0 : i32
    %dma_start3A_12 = tpu.memref_slice %arg2[%add3A_10, %dma_start3A_11] : memref<1048576x16xf32, #tpu.memory_space<hbm>> -> memref<2048x16xf32, #tpu.memory_space<hbm>>
    %dma_start3A_13 = arith.constant 0 : i32
    %dma_start3A_14 = tpu.memref_slice %arg2[%add3A_10, %dma_start3A_13] : memref<1048576x16xf32, #tpu.memory_space<hbm>> -> memref<2048x16xf32, #tpu.memory_space<hbm>>
    tpu.enqueue_dma source(%dma_start3A_14 : memref<2048x16xf32, #tpu.memory_space<hbm>>) target(%arg5 : memref<2048x16xf32, #tpu.memory_space<vmem>>) target_semaphore(%arg8 : memref<!tpu.dma_semaphore, #tpu.memory_space<semaphore_mem>>)
    %dma_wait3A = arith.constant 0 : i32
    %dma_wait3A_15 = tpu.memref_slice %arg2[%mul3A_2, %dma_wait3A] : memref<1048576x16xf32, #tpu.memory_space<hbm>> -> memref<2048x16xf32, #tpu.memory_space<hbm>>
    %dma_wait3A_16 = arith.constant 0 : i32
    %dma_wait3A_17 = tpu.memref_slice %arg2[%mul3A_2, %dma_wait3A_16] : memref<1048576x16xf32, #tpu.memory_space<hbm>> -> memref<2048x16xf32, #tpu.memory_space<hbm>>
    tpu.wait_dma2 semaphore(%arg7 : memref<!tpu.dma_semaphore, #tpu.memory_space<semaphore_mem>>) src(%dma_wait3A_17 : memref<2048x16xf32, #tpu.memory_space<hbm>>) dst(%arg4 : memref<2048x16xf32, #tpu.memory_space<vmem>>)
    %scan3A = arith.constant 0 : i32
    %scan3A_18 = arith.constant 256 : i32
    %scan3A_19 = arith.addi %scan3A, %scan3A_18 : i32
    %scan3A_20 = arith.constant 1 : i32
    %scan3A_21:16 = scf.for %scan3A_276 = %scan3A to %scan3A_19 step %scan3A_20 iter_args(%scan3A_277 = %broadcast_in_dim3A_3, %scan3A_278 = %broadcast_in_dim3A_3, %scan3A_279 = %broadcast_in_dim3A_3, %scan3A_280 = %broadcast_in_dim3A_3, %scan3A_281 = %broadcast_in_dim3A_3, %scan3A_282 = %broadcast_in_dim3A_3, %scan3A_283 = %broadcast_in_dim3A_3, %scan3A_284 = %broadcast_in_dim3A_3, %scan3A_285 = %neg3A_5, %scan3A_286 = %neg3A_5, %scan3A_287 = %neg3A_5, %scan3A_288 = %neg3A_5, %scan3A_289 = %neg3A_5, %scan3A_290 = %neg3A_5, %scan3A_291 = %neg3A_5, %scan3A_292 = %neg3A_5) -> (vector<16xf32>, vector<16xf32>, vector<16xf32>, vector<16xf32>, vector<16xf32>, vector<16xf32>, vector<16xf32>, vector<16xf32>, vector<16xf32>, vector<16xf32>, vector<16xf32>, vector<16xf32>, vector<16xf32>, vector<16xf32>, vector<16xf32>, vector<16xf32>)  : i32 {
      %mul3A_293 = arith.constant 8 : i32
      %mul3A_294 = arith.muli %scan3A_276, %mul3A_293 : i32
      %add3A_295 = arith.constant 0 : i32
      %add3A_296 = arith.addi %mul3A_294, %add3A_295 : i32
      %get3A = arith.index_cast %add3A_296 : i32 to index
      %get3A_297 = arith.constant 0 : index
      %get3A_298 = tpu.vector_load %arg4[%get3A, %get3A_297] {strides = array<i32>} : memref<2048x16xf32, #tpu.memory_space<vmem>>, vector<16xf32>,
      %min3A_299 = arith.minimumf %scan3A_277, %get3A_298 : vector<16xf32>
      %max3A_300 = arith.maximumf %scan3A_285, %get3A_298 : vector<16xf32>
      %add3A_301 = arith.constant 1 : i32
      %add3A_302 = arith.addi %mul3A_294, %add3A_301 : i32
      %get3A_303 = arith.index_cast %add3A_302 : i32 to index
      %get3A_304 = arith.constant 0 : index
      %get3A_305 = tpu.vector_load %arg4[%get3A_303, %get3A_304] {strides = array<i32>} : memref<2048x16xf32, #tpu.memory_space<vmem>>, vector<16xf32>,
      %min3A_306 = arith.minimumf %scan3A_278, %get3A_305 : vector<16xf32>
      %max3A_307 = arith.maximumf %scan3A_286, %get3A_305 : vector<16xf32>
      %add3A_308 = arith.constant 2 : i32
      %add3A_309 = arith.addi %mul3A_294, %add3A_308 : i32
      %get3A_310 = arith.index_cast %add3A_309 : i32 to index
      %get3A_311 = arith.constant 0 : index
      %get3A_312 = tpu.vector_load %arg4[%get3A_310, %get3A_311] {strides = array<i32>} : memref<2048x16xf32, #tpu.memory_space<vmem>>, vector<16xf32>,
      %min3A_313 = arith.minimumf %scan3A_279, %get3A_312 : vector<16xf32>
      %max3A_314 = arith.maximumf %scan3A_287, %get3A_312 : vector<16xf32>
      %add3A_315 = arith.constant 3 : i32
      %add3A_316 = arith.addi %mul3A_294, %add3A_315 : i32
      %get3A_317 = arith.index_cast %add3A_316 : i32 to index
      %get3A_318 = arith.constant 0 : index
      %get3A_319 = tpu.vector_load %arg4[%get3A_317, %get3A_318] {strides = array<i32>} : memref<2048x16xf32, #tpu.memory_space<vmem>>, vector<16xf32>,
      %min3A_320 = arith.minimumf %scan3A_280, %get3A_319 : vector<16xf32>
      %max3A_321 = arith.maximumf %scan3A_288, %get3A_319 : vector<16xf32>
      %add3A_322 = arith.constant 4 : i32
      %add3A_323 = arith.addi %mul3A_294, %add3A_322 : i32
      %get3A_324 = arith.index_cast %add3A_323 : i32 to index
      %get3A_325 = arith.constant 0 : index
      %get3A_326 = tpu.vector_load %arg4[%get3A_324, %get3A_325] {strides = array<i32>} : memref<2048x16xf32, #tpu.memory_space<vmem>>, vector<16xf32>,
      %min3A_327 = arith.minimumf %scan3A_281, %get3A_326 : vector<16xf32>
      %max3A_328 = arith.maximumf %scan3A_289, %get3A_326 : vector<16xf32>
      %add3A_329 = arith.constant 5 : i32
      %add3A_330 = arith.addi %mul3A_294, %add3A_329 : i32
      %get3A_331 = arith.index_cast %add3A_330 : i32 to index
      %get3A_332 = arith.constant 0 : index
      %get3A_333 = tpu.vector_load %arg4[%get3A_331, %get3A_332] {strides = array<i32>} : memref<2048x16xf32, #tpu.memory_space<vmem>>, vector<16xf32>,
      %min3A_334 = arith.minimumf %scan3A_282, %get3A_333 : vector<16xf32>
      %max3A_335 = arith.maximumf %scan3A_290, %get3A_333 : vector<16xf32>
      %add3A_336 = arith.constant 6 : i32
      %add3A_337 = arith.addi %mul3A_294, %add3A_336 : i32
      %get3A_338 = arith.index_cast %add3A_337 : i32 to index
      %get3A_339 = arith.constant 0 : index
      %get3A_340 = tpu.vector_load %arg4[%get3A_338, %get3A_339] {strides = array<i32>} : memref<2048x16xf32, #tpu.memory_space<vmem>>, vector<16xf32>,
      %min3A_341 = arith.minimumf %scan3A_283, %get3A_340 : vector<16xf32>
      %max3A_342 = arith.maximumf %scan3A_291, %get3A_340 : vector<16xf32>
      %add3A_343 = arith.constant 7 : i32
      %add3A_344 = arith.addi %mul3A_294, %add3A_343 : i32
      %get3A_345 = arith.index_cast %add3A_344 : i32 to index
      %get3A_346 = arith.constant 0 : index
      %get3A_347 = tpu.vector_load %arg4[%get3A_345, %get3A_346] {strides = array<i32>} : memref<2048x16xf32, #tpu.memory_space<vmem>>, vector<16xf32>,
      %min3A_348 = arith.minimumf %scan3A_284, %get3A_347 : vector<16xf32>
      %max3A_349 = arith.maximumf %scan3A_292, %get3A_347 : vector<16xf32>
      scf.yield %min3A_299, %min3A_306, %min3A_313, %min3A_320, %min3A_327, %min3A_334, %min3A_341, %min3A_348, %max3A_300, %max3A_307, %max3A_314, %max3A_321, %max3A_328, %max3A_335, %max3A_342, %max3A_349 : vector<16xf32>, vector<16xf32>, vector<16xf32>, vector<16xf32>, vector<16xf32>, vector<16xf32>, vector<16xf32>, vector<16xf32>, vector<16xf32>, vector<16xf32>, vector<16xf32>, vector<16xf32>, vector<16xf32>, vector<16xf32>, vector<16xf32>, vector<16xf32>
    }
    %scan3A_22 = arith.constant 256 : i32
    %add3A_23 = arith.constant 4096 : i32
    %add3A_24 = arith.addi %mul3A_2, %add3A_23 : i32
    %dma_start3A_25 = arith.constant 0 : i32
    %dma_start3A_26 = tpu.memref_slice %arg2[%add3A_24, %dma_start3A_25] : memref<1048576x16xf32, #tpu.memory_space<hbm>> -> memref<2048x16xf32, #tpu.memory_space<hbm>>
    %dma_start3A_27 = arith.constant 0 : i32
    %dma_start3A_28 = tpu.memref_slice %arg2[%add3A_24, %dma_start3A_27] : memref<1048576x16xf32, #tpu.memory_space<hbm>> -> memref<2048x16xf32, #tpu.memory_space<hbm>>
    tpu.enqueue_dma source(%dma_start3A_28 : memref<2048x16xf32, #tpu.memory_space<hbm>>) target(%arg4 : memref<2048x16xf32, #tpu.memory_space<vmem>>) target_semaphore(%arg7 : memref<!tpu.dma_semaphore, #tpu.memory_space<semaphore_mem>>)
    %dma_wait3A_29 = arith.constant 0 : i32
    %dma_wait3A_30 = tpu.memref_slice %arg2[%add3A_10, %dma_wait3A_29] : memref<1048576x16xf32, #tpu.memory_space<hbm>> -> memref<2048x16xf32, #tpu.memory_space<hbm>>
    %dma_wait3A_31 = arith.constant 0 : i32
    %dma_wait3A_32 = tpu.memref_slice %arg2[%add3A_10, %dma_wait3A_31] : memref<1048576x16xf32, #tpu.memory_space<hbm>> -> memref<2048x16xf32, #tpu.memory_space<hbm>>
    tpu.wait_dma2 semaphore(%arg8 : memref<!tpu.dma_semaphore, #tpu.memory_space<semaphore_mem>>) src(%dma_wait3A_32 : memref<2048x16xf32, #tpu.memory_space<hbm>>) dst(%arg5 : memref<2048x16xf32, #tpu.memory_space<vmem>>)
    %scan3A_33 = arith.constant 0 : i32
    %scan3A_34 = arith.constant 256 : i32
    %scan3A_35 = arith.addi %scan3A_33, %scan3A_34 : i32
    %scan3A_36 = arith.constant 1 : i32
    %scan3A_37:16 = scf.for %scan3A_276 = %scan3A_33 to %scan3A_35 step %scan3A_36 iter_args(%scan3A_277 = %scan3A_21#0, %scan3A_278 = %scan3A_21#1, %scan3A_279 = %scan3A_21#2, %scan3A_280 = %scan3A_21#3, %scan3A_281 = %scan3A_21#4, %scan3A_282 = %scan3A_21#5, %scan3A_283 = %scan3A_21#6, %scan3A_284 = %scan3A_21#7, %scan3A_285 = %scan3A_21#8, %scan3A_286 = %scan3A_21#9, %scan3A_287 = %scan3A_21#10, %scan3A_288 = %scan3A_21#11, %scan3A_289 = %scan3A_21#12, %scan3A_290 = %scan3A_21#13, %scan3A_291 = %scan3A_21#14, %scan3A_292 = %scan3A_21#15) -> (vector<16xf32>, vector<16xf32>, vector<16xf32>, vector<16xf32>, vector<16xf32>, vector<16xf32>, vector<16xf32>, vector<16xf32>, vector<16xf32>, vector<16xf32>, vector<16xf32>, vector<16xf32>, vector<16xf32>, vector<16xf32>, vector<16xf32>, vector<16xf32>)  : i32 {
      %mul3A_293 = arith.constant 8 : i32
      %mul3A_294 = arith.muli %scan3A_276, %mul3A_293 : i32
      %add3A_295 = arith.constant 0 : i32
      %add3A_296 = arith.addi %mul3A_294, %add3A_295 : i32
      %get3A = arith.index_cast %add3A_296 : i32 to index
      %get3A_297 = arith.constant 0 : index
      %get3A_298 = tpu.vector_load %arg5[%get3A, %get3A_297] {strides = array<i32>} : memref<2048x16xf32, #tpu.memory_space<vmem>>, vector<16xf32>,
      %min3A_299 = arith.minimumf %scan3A_277, %get3A_298 : vector<16xf32>
      %max3A_300 = arith.maximumf %scan3A_285, %get3A_298 : vector<16xf32>
      %add3A_301 = arith.constant 1 : i32
      %add3A_302 = arith.addi %mul3A_294, %add3A_301 : i32
      %get3A_303 = arith.index_cast %add3A_302 : i32 to index
      %get3A_304 = arith.constant 0 : index
      %get3A_305 = tpu.vector_load %arg5[%get3A_303, %get3A_304] {strides = array<i32>} : memref<2048x16xf32, #tpu.memory_space<vmem>>, vector<16xf32>,
      %min3A_306 = arith.minimumf %scan3A_278, %get3A_305 : vector<16xf32>
      %max3A_307 = arith.maximumf %scan3A_286, %get3A_305 : vector<16xf32>
      %add3A_308 = arith.constant 2 : i32
      %add3A_309 = arith.addi %mul3A_294, %add3A_308 : i32
      %get3A_310 = arith.index_cast %add3A_309 : i32 to index
      %get3A_311 = arith.constant 0 : index
      %get3A_312 = tpu.vector_load %arg5[%get3A_310, %get3A_311] {strides = array<i32>} : memref<2048x16xf32, #tpu.memory_space<vmem>>, vector<16xf32>,
      %min3A_313 = arith.minimumf %scan3A_279, %get3A_312 : vector<16xf32>
      %max3A_314 = arith.maximumf %scan3A_287, %get3A_312 : vector<16xf32>
      %add3A_315 = arith.constant 3 : i32
      %add3A_316 = arith.addi %mul3A_294, %add3A_315 : i32
      %get3A_317 = arith.index_cast %add3A_316 : i32 to index
      %get3A_318 = arith.constant 0 : index
      %get3A_319 = tpu.vector_load %arg5[%get3A_317, %get3A_318] {strides = array<i32>} : memref<2048x16xf32, #tpu.memory_space<vmem>>, vector<16xf32>,
      %min3A_320 = arith.minimumf %scan3A_280, %get3A_319 : vector<16xf32>
      %max3A_321 = arith.maximumf %scan3A_288, %get3A_319 : vector<16xf32>
      %add3A_322 = arith.constant 4 : i32
      %add3A_323 = arith.addi %mul3A_294, %add3A_322 : i32
      %get3A_324 = arith.index_cast %add3A_323 : i32 to index
      %get3A_325 = arith.constant 0 : index
      %get3A_326 = tpu.vector_load %arg5[%get3A_324, %get3A_325] {strides = array<i32>} : memref<2048x16xf32, #tpu.memory_space<vmem>>, vector<16xf32>,
      %min3A_327 = arith.minimumf %scan3A_281, %get3A_326 : vector<16xf32>
      %max3A_328 = arith.maximumf %scan3A_289, %get3A_326 : vector<16xf32>
      %add3A_329 = arith.constant 5 : i32
      %add3A_330 = arith.addi %mul3A_294, %add3A_329 : i32
      %get3A_331 = arith.index_cast %add3A_330 : i32 to index
      %get3A_332 = arith.constant 0 : index
      %get3A_333 = tpu.vector_load %arg5[%get3A_331, %get3A_332] {strides = array<i32>} : memref<2048x16xf32, #tpu.memory_space<vmem>>, vector<16xf32>,
      %min3A_334 = arith.minimumf %scan3A_282, %get3A_333 : vector<16xf32>
      %max3A_335 = arith.maximumf %scan3A_290, %get3A_333 : vector<16xf32>
      %add3A_336 = arith.constant 6 : i32
      %add3A_337 = arith.addi %mul3A_294, %add3A_336 : i32
      %get3A_338 = arith.index_cast %add3A_337 : i32 to index
      %get3A_339 = arith.constant 0 : index
      %get3A_340 = tpu.vector_load %arg5[%get3A_338, %get3A_339] {strides = array<i32>} : memref<2048x16xf32, #tpu.memory_space<vmem>>, vector<16xf32>,
      %min3A_341 = arith.minimumf %scan3A_283, %get3A_340 : vector<16xf32>
      %max3A_342 = arith.maximumf %scan3A_291, %get3A_340 : vector<16xf32>
      %add3A_343 = arith.constant 7 : i32
      %add3A_344 = arith.addi %mul3A_294, %add3A_343 : i32
      %get3A_345 = arith.index_cast %add3A_344 : i32 to index
      %get3A_346 = arith.constant 0 : index
      %get3A_347 = tpu.vector_load %arg5[%get3A_345, %get3A_346] {strides = array<i32>} : memref<2048x16xf32, #tpu.memory_space<vmem>>, vector<16xf32>,
      %min3A_348 = arith.minimumf %scan3A_284, %get3A_347 : vector<16xf32>
      %max3A_349 = arith.maximumf %scan3A_292, %get3A_347 : vector<16xf32>
      scf.yield %min3A_299, %min3A_306, %min3A_313, %min3A_320, %min3A_327, %min3A_334, %min3A_341, %min3A_348, %max3A_300, %max3A_307, %max3A_314, %max3A_321, %max3A_328, %max3A_335, %max3A_342, %max3A_349 : vector<16xf32>, vector<16xf32>, vector<16xf32>, vector<16xf32>, vector<16xf32>, vector<16xf32>, vector<16xf32>, vector<16xf32>, vector<16xf32>, vector<16xf32>, vector<16xf32>, vector<16xf32>, vector<16xf32>, vector<16xf32>, vector<16xf32>, vector<16xf32>
    }
    %scan3A_38 = arith.constant 256 : i32
    %add3A_39 = arith.constant 6144 : i32
    %add3A_40 = arith.addi %mul3A_2, %add3A_39 : i32
    %dma_start3A_41 = arith.constant 0 : i32
    %dma_start3A_42 = tpu.memref_slice %arg2[%add3A_40, %dma_start3A_41] : memref<1048576x16xf32, #tpu.memory_space<hbm>> -> memref<2048x16xf32, #tpu.memory_space<hbm>>
    %dma_start3A_43 = arith.constant 0 : i32
    %dma_start3A_44 = tpu.memref_slice %arg2[%add3A_40, %dma_start3A_43] : memref<1048576x16xf32, #tpu.memory_space<hbm>> -> memref<2048x16xf32, #tpu.memory_space<hbm>>
    tpu.enqueue_dma source(%dma_start3A_44 : memref<2048x16xf32, #tpu.memory_space<hbm>>) target(%arg5 : memref<2048x16xf32, #tpu.memory_space<vmem>>) target_semaphore(%arg8 : memref<!tpu.dma_semaphore, #tpu.memory_space<semaphore_mem>>)
    %dma_wait3A_45 = arith.constant 0 : i32
    %dma_wait3A_46 = tpu.memref_slice %arg2[%add3A_24, %dma_wait3A_45] : memref<1048576x16xf32, #tpu.memory_space<hbm>> -> memref<2048x16xf32, #tpu.memory_space<hbm>>
    %dma_wait3A_47 = arith.constant 0 : i32
    %dma_wait3A_48 = tpu.memref_slice %arg2[%add3A_24, %dma_wait3A_47] : memref<1048576x16xf32, #tpu.memory_space<hbm>> -> memref<2048x16xf32, #tpu.memory_space<hbm>>
    tpu.wait_dma2 semaphore(%arg7 : memref<!tpu.dma_semaphore, #tpu.memory_space<semaphore_mem>>) src(%dma_wait3A_48 : memref<2048x16xf32, #tpu.memory_space<hbm>>) dst(%arg4 : memref<2048x16xf32, #tpu.memory_space<vmem>>)
    %scan3A_49 = arith.constant 0 : i32
    %scan3A_50 = arith.constant 256 : i32
    %scan3A_51 = arith.addi %scan3A_49, %scan3A_50 : i32
    %scan3A_52 = arith.constant 1 : i32
    %scan3A_53:16 = scf.for %scan3A_276 = %scan3A_49 to %scan3A_51 step %scan3A_52 iter_args(%scan3A_277 = %scan3A_37#0, %scan3A_278 = %scan3A_37#1, %scan3A_279 = %scan3A_37#2, %scan3A_280 = %scan3A_37#3, %scan3A_281 = %scan3A_37#4, %scan3A_282 = %scan3A_37#5, %scan3A_283 = %scan3A_37#6, %scan3A_284 = %scan3A_37#7, %scan3A_285 = %scan3A_37#8, %scan3A_286 = %scan3A_37#9, %scan3A_287 = %scan3A_37#10, %scan3A_288 = %scan3A_37#11, %scan3A_289 = %scan3A_37#12, %scan3A_290 = %scan3A_37#13, %scan3A_291 = %scan3A_37#14, %scan3A_292 = %scan3A_37#15) -> (vector<16xf32>, vector<16xf32>, vector<16xf32>, vector<16xf32>, vector<16xf32>, vector<16xf32>, vector<16xf32>, vector<16xf32>, vector<16xf32>, vector<16xf32>, vector<16xf32>, vector<16xf32>, vector<16xf32>, vector<16xf32>, vector<16xf32>, vector<16xf32>)  : i32 {
      %mul3A_293 = arith.constant 8 : i32
      %mul3A_294 = arith.muli %scan3A_276, %mul3A_293 : i32
      %add3A_295 = arith.constant 0 : i32
      %add3A_296 = arith.addi %mul3A_294, %add3A_295 : i32
      %get3A = arith.index_cast %add3A_296 : i32 to index
      %get3A_297 = arith.constant 0 : index
      %get3A_298 = tpu.vector_load %arg4[%get3A, %get3A_297] {strides = array<i32>} : memref<2048x16xf32, #tpu.memory_space<vmem>>, vector<16xf32>,
      %min3A_299 = arith.minimumf %scan3A_277, %get3A_298 : vector<16xf32>
      %max3A_300 = arith.maximumf %scan3A_285, %get3A_298 : vector<16xf32>
      %add3A_301 = arith.constant 1 : i32
      %add3A_302 = arith.addi %mul3A_294, %add3A_301 : i32
      %get3A_303 = arith.index_cast %add3A_302 : i32 to index
      %get3A_304 = arith.constant 0 : index
      %get3A_305 = tpu.vector_load %arg4[%get3A_303, %get3A_304] {strides = array<i32>} : memref<2048x16xf32, #tpu.memory_space<vmem>>, vector<16xf32>,
      %min3A_306 = arith.minimumf %scan3A_278, %get3A_305 : vector<16xf32>
      %max3A_307 = arith.maximumf %scan3A_286, %get3A_305 : vector<16xf32>
      %add3A_308 = arith.constant 2 : i32
      %add3A_309 = arith.addi %mul3A_294, %add3A_308 : i32
      %get3A_310 = arith.index_cast %add3A_309 : i32 to index
      %get3A_311 = arith.constant 0 : index
      %get3A_312 = tpu.vector_load %arg4[%get3A_310, %get3A_311] {strides = array<i32>} : memref<2048x16xf32, #tpu.memory_space<vmem>>, vector<16xf32>,
      %min3A_313 = arith.minimumf %scan3A_279, %get3A_312 : vector<16xf32>
      %max3A_314 = arith.maximumf %scan3A_287, %get3A_312 : vector<16xf32>
      %add3A_315 = arith.constant 3 : i32
      %add3A_316 = arith.addi %mul3A_294, %add3A_315 : i32
      %get3A_317 = arith.index_cast %add3A_316 : i32 to index
      %get3A_318 = arith.constant 0 : index
      %get3A_319 = tpu.vector_load %arg4[%get3A_317, %get3A_318] {strides = array<i32>} : memref<2048x16xf32, #tpu.memory_space<vmem>>, vector<16xf32>,
      %min3A_320 = arith.minimumf %scan3A_280, %get3A_319 : vector<16xf32>
      %max3A_321 = arith.maximumf %scan3A_288, %get3A_319 : vector<16xf32>
      %add3A_322 = arith.constant 4 : i32
      %add3A_323 = arith.addi %mul3A_294, %add3A_322 : i32
      %get3A_324 = arith.index_cast %add3A_323 : i32 to index
      %get3A_325 = arith.constant 0 : index
      %get3A_326 = tpu.vector_load %arg4[%get3A_324, %get3A_325] {strides = array<i32>} : memref<2048x16xf32, #tpu.memory_space<vmem>>, vector<16xf32>,
      %min3A_327 = arith.minimumf %scan3A_281, %get3A_326 : vector<16xf32>
      %max3A_328 = arith.maximumf %scan3A_289, %get3A_326 : vector<16xf32>
      %add3A_329 = arith.constant 5 : i32
      %add3A_330 = arith.addi %mul3A_294, %add3A_329 : i32
      %get3A_331 = arith.index_cast %add3A_330 : i32 to index
      %get3A_332 = arith.constant 0 : index
      %get3A_333 = tpu.vector_load %arg4[%get3A_331, %get3A_332] {strides = array<i32>} : memref<2048x16xf32, #tpu.memory_space<vmem>>, vector<16xf32>,
      %min3A_334 = arith.minimumf %scan3A_282, %get3A_333 : vector<16xf32>
      %max3A_335 = arith.maximumf %scan3A_290, %get3A_333 : vector<16xf32>
      %add3A_336 = arith.constant 6 : i32
      %add3A_337 = arith.addi %mul3A_294, %add3A_336 : i32
      %get3A_338 = arith.index_cast %add3A_337 : i32 to index
      %get3A_339 = arith.constant 0 : index
      %get3A_340 = tpu.vector_load %arg4[%get3A_338, %get3A_339] {strides = array<i32>} : memref<2048x16xf32, #tpu.memory_space<vmem>>, vector<16xf32>,
      %min3A_341 = arith.minimumf %scan3A_283, %get3A_340 : vector<16xf32>
      %max3A_342 = arith.maximumf %scan3A_291, %get3A_340 : vector<16xf32>
      %add3A_343 = arith.constant 7 : i32
      %add3A_344 = arith.addi %mul3A_294, %add3A_343 : i32
      %get3A_345 = arith.index_cast %add3A_344 : i32 to index
      %get3A_346 = arith.constant 0 : index
      %get3A_347 = tpu.vector_load %arg4[%get3A_345, %get3A_346] {strides = array<i32>} : memref<2048x16xf32, #tpu.memory_space<vmem>>, vector<16xf32>,
      %min3A_348 = arith.minimumf %scan3A_284, %get3A_347 : vector<16xf32>
      %max3A_349 = arith.maximumf %scan3A_292, %get3A_347 : vector<16xf32>
      scf.yield %min3A_299, %min3A_306, %min3A_313, %min3A_320, %min3A_327, %min3A_334, %min3A_341, %min3A_348, %max3A_300, %max3A_307, %max3A_314, %max3A_321, %max3A_328, %max3A_335, %max3A_342, %max3A_349 : vector<16xf32>, vector<16xf32>, vector<16xf32>, vector<16xf32>, vector<16xf32>, vector<16xf32>, vector<16xf32>, vector<16xf32>, vector<16xf32>, vector<16xf32>, vector<16xf32>, vector<16xf32>, vector<16xf32>, vector<16xf32>, vector<16xf32>, vector<16xf32>
    }
    %scan3A_54 = arith.constant 256 : i32
    %add3A_55 = arith.constant 8192 : i32
    %add3A_56 = arith.addi %mul3A_2, %add3A_55 : i32
    %dma_start3A_57 = arith.constant 0 : i32
    %dma_start3A_58 = tpu.memref_slice %arg2[%add3A_56, %dma_start3A_57] : memref<1048576x16xf32, #tpu.memory_space<hbm>> -> memref<2048x16xf32, #tpu.memory_space<hbm>>
    %dma_start3A_59 = arith.constant 0 : i32
    %dma_start3A_60 = tpu.memref_slice %arg2[%add3A_56, %dma_start3A_59] : memref<1048576x16xf32, #tpu.memory_space<hbm>> -> memref<2048x16xf32, #tpu.memory_space<hbm>>
    tpu.enqueue_dma source(%dma_start3A_60 : memref<2048x16xf32, #tpu.memory_space<hbm>>) target(%arg4 : memref<2048x16xf32, #tpu.memory_space<vmem>>) target_semaphore(%arg7 : memref<!tpu.dma_semaphore, #tpu.memory_space<semaphore_mem>>)
    %dma_wait3A_61 = arith.constant 0 : i32
    %dma_wait3A_62 = tpu.memref_slice %arg2[%add3A_40, %dma_wait3A_61] : memref<1048576x16xf32, #tpu.memory_space<hbm>> -> memref<2048x16xf32, #tpu.memory_space<hbm>>
    %dma_wait3A_63 = arith.constant 0 : i32
    %dma_wait3A_64 = tpu.memref_slice %arg2[%add3A_40, %dma_wait3A_63] : memref<1048576x16xf32, #tpu.memory_space<hbm>> -> memref<2048x16xf32, #tpu.memory_space<hbm>>
    tpu.wait_dma2 semaphore(%arg8 : memref<!tpu.dma_semaphore, #tpu.memory_space<semaphore_mem>>) src(%dma_wait3A_64 : memref<2048x16xf32, #tpu.memory_space<hbm>>) dst(%arg5 : memref<2048x16xf32, #tpu.memory_space<vmem>>)
    %scan3A_65 = arith.constant 0 : i32
    %scan3A_66 = arith.constant 256 : i32
    %scan3A_67 = arith.addi %scan3A_65, %scan3A_66 : i32
    %scan3A_68 = arith.constant 1 : i32
    %scan3A_69:16 = scf.for %scan3A_276 = %scan3A_65 to %scan3A_67 step %scan3A_68 iter_args(%scan3A_277 = %scan3A_53#0, %scan3A_278 = %scan3A_53#1, %scan3A_279 = %scan3A_53#2, %scan3A_280 = %scan3A_53#3, %scan3A_281 = %scan3A_53#4, %scan3A_282 = %scan3A_53#5, %scan3A_283 = %scan3A_53#6, %scan3A_284 = %scan3A_53#7, %scan3A_285 = %scan3A_53#8, %scan3A_286 = %scan3A_53#9, %scan3A_287 = %scan3A_53#10, %scan3A_288 = %scan3A_53#11, %scan3A_289 = %scan3A_53#12, %scan3A_290 = %scan3A_53#13, %scan3A_291 = %scan3A_53#14, %scan3A_292 = %scan3A_53#15) -> (vector<16xf32>, vector<16xf32>, vector<16xf32>, vector<16xf32>, vector<16xf32>, vector<16xf32>, vector<16xf32>, vector<16xf32>, vector<16xf32>, vector<16xf32>, vector<16xf32>, vector<16xf32>, vector<16xf32>, vector<16xf32>, vector<16xf32>, vector<16xf32>)  : i32 {
      %mul3A_293 = arith.constant 8 : i32
      %mul3A_294 = arith.muli %scan3A_276, %mul3A_293 : i32
      %add3A_295 = arith.constant 0 : i32
      %add3A_296 = arith.addi %mul3A_294, %add3A_295 : i32
      %get3A = arith.index_cast %add3A_296 : i32 to index
      %get3A_297 = arith.constant 0 : index
      %get3A_298 = tpu.vector_load %arg5[%get3A, %get3A_297] {strides = array<i32>} : memref<2048x16xf32, #tpu.memory_space<vmem>>, vector<16xf32>,
      %min3A_299 = arith.minimumf %scan3A_277, %get3A_298 : vector<16xf32>
      %max3A_300 = arith.maximumf %scan3A_285, %get3A_298 : vector<16xf32>
      %add3A_301 = arith.constant 1 : i32
      %add3A_302 = arith.addi %mul3A_294, %add3A_301 : i32
      %get3A_303 = arith.index_cast %add3A_302 : i32 to index
      %get3A_304 = arith.constant 0 : index
      %get3A_305 = tpu.vector_load %arg5[%get3A_303, %get3A_304] {strides = array<i32>} : memref<2048x16xf32, #tpu.memory_space<vmem>>, vector<16xf32>,
      %min3A_306 = arith.minimumf %scan3A_278, %get3A_305 : vector<16xf32>
      %max3A_307 = arith.maximumf %scan3A_286, %get3A_305 : vector<16xf32>
      %add3A_308 = arith.constant 2 : i32
      %add3A_309 = arith.addi %mul3A_294, %add3A_308 : i32
      %get3A_310 = arith.index_cast %add3A_309 : i32 to index
      %get3A_311 = arith.constant 0 : index
      %get3A_312 = tpu.vector_load %arg5[%get3A_310, %get3A_311] {strides = array<i32>} : memref<2048x16xf32, #tpu.memory_space<vmem>>, vector<16xf32>,
      %min3A_313 = arith.minimumf %scan3A_279, %get3A_312 : vector<16xf32>
      %max3A_314 = arith.maximumf %scan3A_287, %get3A_312 : vector<16xf32>
      %add3A_315 = arith.constant 3 : i32
      %add3A_316 = arith.addi %mul3A_294, %add3A_315 : i32
      %get3A_317 = arith.index_cast %add3A_316 : i32 to index
      %get3A_318 = arith.constant 0 : index
      %get3A_319 = tpu.vector_load %arg5[%get3A_317, %get3A_318] {strides = array<i32>} : memref<2048x16xf32, #tpu.memory_space<vmem>>, vector<16xf32>,
      %min3A_320 = arith.minimumf %scan3A_280, %get3A_319 : vector<16xf32>
      %max3A_321 = arith.maximumf %scan3A_288, %get3A_319 : vector<16xf32>
      %add3A_322 = arith.constant 4 : i32
      %add3A_323 = arith.addi %mul3A_294, %add3A_322 : i32
      %get3A_324 = arith.index_cast %add3A_323 : i32 to index
      %get3A_325 = arith.constant 0 : index
      %get3A_326 = tpu.vector_load %arg5[%get3A_324, %get3A_325] {strides = array<i32>} : memref<2048x16xf32, #tpu.memory_space<vmem>>, vector<16xf32>,
      %min3A_327 = arith.minimumf %scan3A_281, %get3A_326 : vector<16xf32>
      %max3A_328 = arith.maximumf %scan3A_289, %get3A_326 : vector<16xf32>
      %add3A_329 = arith.constant 5 : i32
      %add3A_330 = arith.addi %mul3A_294, %add3A_329 : i32
      %get3A_331 = arith.index_cast %add3A_330 : i32 to index
      %get3A_332 = arith.constant 0 : index
      %get3A_333 = tpu.vector_load %arg5[%get3A_331, %get3A_332] {strides = array<i32>} : memref<2048x16xf32, #tpu.memory_space<vmem>>, vector<16xf32>,
      %min3A_334 = arith.minimumf %scan3A_282, %get3A_333 : vector<16xf32>
      %max3A_335 = arith.maximumf %scan3A_290, %get3A_333 : vector<16xf32>
      %add3A_336 = arith.constant 6 : i32
      %add3A_337 = arith.addi %mul3A_294, %add3A_336 : i32
      %get3A_338 = arith.index_cast %add3A_337 : i32 to index
      %get3A_339 = arith.constant 0 : index
      %get3A_340 = tpu.vector_load %arg5[%get3A_338, %get3A_339] {strides = array<i32>} : memref<2048x16xf32, #tpu.memory_space<vmem>>, vector<16xf32>,
      %min3A_341 = arith.minimumf %scan3A_283, %get3A_340 : vector<16xf32>
      %max3A_342 = arith.maximumf %scan3A_291, %get3A_340 : vector<16xf32>
      %add3A_343 = arith.constant 7 : i32
      %add3A_344 = arith.addi %mul3A_294, %add3A_343 : i32
      %get3A_345 = arith.index_cast %add3A_344 : i32 to index
      %get3A_346 = arith.constant 0 : index
      %get3A_347 = tpu.vector_load %arg5[%get3A_345, %get3A_346] {strides = array<i32>} : memref<2048x16xf32, #tpu.memory_space<vmem>>, vector<16xf32>,
      %min3A_348 = arith.minimumf %scan3A_284, %get3A_347 : vector<16xf32>
      %max3A_349 = arith.maximumf %scan3A_292, %get3A_347 : vector<16xf32>
      scf.yield %min3A_299, %min3A_306, %min3A_313, %min3A_320, %min3A_327, %min3A_334, %min3A_341, %min3A_348, %max3A_300, %max3A_307, %max3A_314, %max3A_321, %max3A_328, %max3A_335, %max3A_342, %max3A_349 : vector<16xf32>, vector<16xf32>, vector<16xf32>, vector<16xf32>, vector<16xf32>, vector<16xf32>, vector<16xf32>, vector<16xf32>, vector<16xf32>, vector<16xf32>, vector<16xf32>, vector<16xf32>, vector<16xf32>, vector<16xf32>, vector<16xf32>, vector<16xf32>
    }
    %scan3A_70 = arith.constant 256 : i32
    %add3A_71 = arith.constant 10240 : i32
    %add3A_72 = arith.addi %mul3A_2, %add3A_71 : i32
    %dma_start3A_73 = arith.constant 0 : i32
    %dma_start3A_74 = tpu.memref_slice %arg2[%add3A_72, %dma_start3A_73] : memref<1048576x16xf32, #tpu.memory_space<hbm>> -> memref<2048x16xf32, #tpu.memory_space<hbm>>
    %dma_start3A_75 = arith.constant 0 : i32
    %dma_start3A_76 = tpu.memref_slice %arg2[%add3A_72, %dma_start3A_75] : memref<1048576x16xf32, #tpu.memory_space<hbm>> -> memref<2048x16xf32, #tpu.memory_space<hbm>>
    tpu.enqueue_dma source(%dma_start3A_76 : memref<2048x16xf32, #tpu.memory_space<hbm>>) target(%arg5 : memref<2048x16xf32, #tpu.memory_space<vmem>>) target_semaphore(%arg8 : memref<!tpu.dma_semaphore, #tpu.memory_space<semaphore_mem>>)
    %dma_wait3A_77 = arith.constant 0 : i32
    %dma_wait3A_78 = tpu.memref_slice %arg2[%add3A_56, %dma_wait3A_77] : memref<1048576x16xf32, #tpu.memory_space<hbm>> -> memref<2048x16xf32, #tpu.memory_space<hbm>>
    %dma_wait3A_79 = arith.constant 0 : i32
    %dma_wait3A_80 = tpu.memref_slice %arg2[%add3A_56, %dma_wait3A_79] : memref<1048576x16xf32, #tpu.memory_space<hbm>> -> memref<2048x16xf32, #tpu.memory_space<hbm>>
    tpu.wait_dma2 semaphore(%arg7 : memref<!tpu.dma_semaphore, #tpu.memory_space<semaphore_mem>>) src(%dma_wait3A_80 : memref<2048x16xf32, #tpu.memory_space<hbm>>) dst(%arg4 : memref<2048x16xf32, #tpu.memory_space<vmem>>)
    %scan3A_81 = arith.constant 0 : i32
    %scan3A_82 = arith.constant 256 : i32
    %scan3A_83 = arith.addi %scan3A_81, %scan3A_82 : i32
    %scan3A_84 = arith.constant 1 : i32
    %scan3A_85:16 = scf.for %scan3A_276 = %scan3A_81 to %scan3A_83 step %scan3A_84 iter_args(%scan3A_277 = %scan3A_69#0, %scan3A_278 = %scan3A_69#1, %scan3A_279 = %scan3A_69#2, %scan3A_280 = %scan3A_69#3, %scan3A_281 = %scan3A_69#4, %scan3A_282 = %scan3A_69#5, %scan3A_283 = %scan3A_69#6, %scan3A_284 = %scan3A_69#7, %scan3A_285 = %scan3A_69#8, %scan3A_286 = %scan3A_69#9, %scan3A_287 = %scan3A_69#10, %scan3A_288 = %scan3A_69#11, %scan3A_289 = %scan3A_69#12, %scan3A_290 = %scan3A_69#13, %scan3A_291 = %scan3A_69#14, %scan3A_292 = %scan3A_69#15) -> (vector<16xf32>, vector<16xf32>, vector<16xf32>, vector<16xf32>, vector<16xf32>, vector<16xf32>, vector<16xf32>, vector<16xf32>, vector<16xf32>, vector<16xf32>, vector<16xf32>, vector<16xf32>, vector<16xf32>, vector<16xf32>, vector<16xf32>, vector<16xf32>)  : i32 {
      %mul3A_293 = arith.constant 8 : i32
      %mul3A_294 = arith.muli %scan3A_276, %mul3A_293 : i32
      %add3A_295 = arith.constant 0 : i32
      %add3A_296 = arith.addi %mul3A_294, %add3A_295 : i32
      %get3A = arith.index_cast %add3A_296 : i32 to index
      %get3A_297 = arith.constant 0 : index
      %get3A_298 = tpu.vector_load %arg4[%get3A, %get3A_297] {strides = array<i32>} : memref<2048x16xf32, #tpu.memory_space<vmem>>, vector<16xf32>,
      %min3A_299 = arith.minimumf %scan3A_277, %get3A_298 : vector<16xf32>
      %max3A_300 = arith.maximumf %scan3A_285, %get3A_298 : vector<16xf32>
      %add3A_301 = arith.constant 1 : i32
      %add3A_302 = arith.addi %mul3A_294, %add3A_301 : i32
      %get3A_303 = arith.index_cast %add3A_302 : i32 to index
      %get3A_304 = arith.constant 0 : index
      %get3A_305 = tpu.vector_load %arg4[%get3A_303, %get3A_304] {strides = array<i32>} : memref<2048x16xf32, #tpu.memory_space<vmem>>, vector<16xf32>,
      %min3A_306 = arith.minimumf %scan3A_278, %get3A_305 : vector<16xf32>
      %max3A_307 = arith.maximumf %scan3A_286, %get3A_305 : vector<16xf32>
      %add3A_308 = arith.constant 2 : i32
      %add3A_309 = arith.addi %mul3A_294, %add3A_308 : i32
      %get3A_310 = arith.index_cast %add3A_309 : i32 to index
      %get3A_311 = arith.constant 0 : index
      %get3A_312 = tpu.vector_load %arg4[%get3A_310, %get3A_311] {strides = array<i32>} : memref<2048x16xf32, #tpu.memory_space<vmem>>, vector<16xf32>,
      %min3A_313 = arith.minimumf %scan3A_279, %get3A_312 : vector<16xf32>
      %max3A_314 = arith.maximumf %scan3A_287, %get3A_312 : vector<16xf32>
      %add3A_315 = arith.constant 3 : i32
      %add3A_316 = arith.addi %mul3A_294, %add3A_315 : i32
      %get3A_317 = arith.index_cast %add3A_316 : i32 to index
      %get3A_318 = arith.constant 0 : index
      %get3A_319 = tpu.vector_load %arg4[%get3A_317, %get3A_318] {strides = array<i32>} : memref<2048x16xf32, #tpu.memory_space<vmem>>, vector<16xf32>,
      %min3A_320 = arith.minimumf %scan3A_280, %get3A_319 : vector<16xf32>
      %max3A_321 = arith.maximumf %scan3A_288, %get3A_319 : vector<16xf32>
      %add3A_322 = arith.constant 4 : i32
      %add3A_323 = arith.addi %mul3A_294, %add3A_322 : i32
      %get3A_324 = arith.index_cast %add3A_323 : i32 to index
      %get3A_325 = arith.constant 0 : index
      %get3A_326 = tpu.vector_load %arg4[%get3A_324, %get3A_325] {strides = array<i32>} : memref<2048x16xf32, #tpu.memory_space<vmem>>, vector<16xf32>,
      %min3A_327 = arith.minimumf %scan3A_281, %get3A_326 : vector<16xf32>
      %max3A_328 = arith.maximumf %scan3A_289, %get3A_326 : vector<16xf32>
      %add3A_329 = arith.constant 5 : i32
      %add3A_330 = arith.addi %mul3A_294, %add3A_329 : i32
      %get3A_331 = arith.index_cast %add3A_330 : i32 to index
      %get3A_332 = arith.constant 0 : index
      %get3A_333 = tpu.vector_load %arg4[%get3A_331, %get3A_332] {strides = array<i32>} : memref<2048x16xf32, #tpu.memory_space<vmem>>, vector<16xf32>,
      %min3A_334 = arith.minimumf %scan3A_282, %get3A_333 : vector<16xf32>
      %max3A_335 = arith.maximumf %scan3A_290, %get3A_333 : vector<16xf32>
      %add3A_336 = arith.constant 6 : i32
      %add3A_337 = arith.addi %mul3A_294, %add3A_336 : i32
      %get3A_338 = arith.index_cast %add3A_337 : i32 to index
      %get3A_339 = arith.constant 0 : index
      %get3A_340 = tpu.vector_load %arg4[%get3A_338, %get3A_339] {strides = array<i32>} : memref<2048x16xf32, #tpu.memory_space<vmem>>, vector<16xf32>,
      %min3A_341 = arith.minimumf %scan3A_283, %get3A_340 : vector<16xf32>
      %max3A_342 = arith.maximumf %scan3A_291, %get3A_340 : vector<16xf32>
      %add3A_343 = arith.constant 7 : i32
      %add3A_344 = arith.addi %mul3A_294, %add3A_343 : i32
      %get3A_345 = arith.index_cast %add3A_344 : i32 to index
      %get3A_346 = arith.constant 0 : index
      %get3A_347 = tpu.vector_load %arg4[%get3A_345, %get3A_346] {strides = array<i32>} : memref<2048x16xf32, #tpu.memory_space<vmem>>, vector<16xf32>,
      %min3A_348 = arith.minimumf %scan3A_284, %get3A_347 : vector<16xf32>
      %max3A_349 = arith.maximumf %scan3A_292, %get3A_347 : vector<16xf32>
      scf.yield %min3A_299, %min3A_306, %min3A_313, %min3A_320, %min3A_327, %min3A_334, %min3A_341, %min3A_348, %max3A_300, %max3A_307, %max3A_314, %max3A_321, %max3A_328, %max3A_335, %max3A_342, %max3A_349 : vector<16xf32>, vector<16xf32>, vector<16xf32>, vector<16xf32>, vector<16xf32>, vector<16xf32>, vector<16xf32>, vector<16xf32>, vector<16xf32>, vector<16xf32>, vector<16xf32>, vector<16xf32>, vector<16xf32>, vector<16xf32>, vector<16xf32>, vector<16xf32>
    }
    %scan3A_86 = arith.constant 256 : i32
    %add3A_87 = arith.constant 12288 : i32
    %add3A_88 = arith.addi %mul3A_2, %add3A_87 : i32
    %dma_start3A_89 = arith.constant 0 : i32
    %dma_start3A_90 = tpu.memref_slice %arg2[%add3A_88, %dma_start3A_89] : memref<1048576x16xf32, #tpu.memory_space<hbm>> -> memref<2048x16xf32, #tpu.memory_space<hbm>>
    %dma_start3A_91 = arith.constant 0 : i32
    %dma_start3A_92 = tpu.memref_slice %arg2[%add3A_88, %dma_start3A_91] : memref<1048576x16xf32, #tpu.memory_space<hbm>> -> memref<2048x16xf32, #tpu.memory_space<hbm>>
    tpu.enqueue_dma source(%dma_start3A_92 : memref<2048x16xf32, #tpu.memory_space<hbm>>) target(%arg4 : memref<2048x16xf32, #tpu.memory_space<vmem>>) target_semaphore(%arg7 : memref<!tpu.dma_semaphore, #tpu.memory_space<semaphore_mem>>)
    %dma_wait3A_93 = arith.constant 0 : i32
    %dma_wait3A_94 = tpu.memref_slice %arg2[%add3A_72, %dma_wait3A_93] : memref<1048576x16xf32, #tpu.memory_space<hbm>> -> memref<2048x16xf32, #tpu.memory_space<hbm>>
    %dma_wait3A_95 = arith.constant 0 : i32
    %dma_wait3A_96 = tpu.memref_slice %arg2[%add3A_72, %dma_wait3A_95] : memref<1048576x16xf32, #tpu.memory_space<hbm>> -> memref<2048x16xf32, #tpu.memory_space<hbm>>
    tpu.wait_dma2 semaphore(%arg8 : memref<!tpu.dma_semaphore, #tpu.memory_space<semaphore_mem>>) src(%dma_wait3A_96 : memref<2048x16xf32, #tpu.memory_space<hbm>>) dst(%arg5 : memref<2048x16xf32, #tpu.memory_space<vmem>>)
    %scan3A_97 = arith.constant 0 : i32
    %scan3A_98 = arith.constant 256 : i32
    %scan3A_99 = arith.addi %scan3A_97, %scan3A_98 : i32
    %scan3A_100 = arith.constant 1 : i32
    %scan3A_101:16 = scf.for %scan3A_276 = %scan3A_97 to %scan3A_99 step %scan3A_100 iter_args(%scan3A_277 = %scan3A_85#0, %scan3A_278 = %scan3A_85#1, %scan3A_279 = %scan3A_85#2, %scan3A_280 = %scan3A_85#3, %scan3A_281 = %scan3A_85#4, %scan3A_282 = %scan3A_85#5, %scan3A_283 = %scan3A_85#6, %scan3A_284 = %scan3A_85#7, %scan3A_285 = %scan3A_85#8, %scan3A_286 = %scan3A_85#9, %scan3A_287 = %scan3A_85#10, %scan3A_288 = %scan3A_85#11, %scan3A_289 = %scan3A_85#12, %scan3A_290 = %scan3A_85#13, %scan3A_291 = %scan3A_85#14, %scan3A_292 = %scan3A_85#15) -> (vector<16xf32>, vector<16xf32>, vector<16xf32>, vector<16xf32>, vector<16xf32>, vector<16xf32>, vector<16xf32>, vector<16xf32>, vector<16xf32>, vector<16xf32>, vector<16xf32>, vector<16xf32>, vector<16xf32>, vector<16xf32>, vector<16xf32>, vector<16xf32>)  : i32 {
      %mul3A_293 = arith.constant 8 : i32
      %mul3A_294 = arith.muli %scan3A_276, %mul3A_293 : i32
      %add3A_295 = arith.constant 0 : i32
      %add3A_296 = arith.addi %mul3A_294, %add3A_295 : i32
      %get3A = arith.index_cast %add3A_296 : i32 to index
      %get3A_297 = arith.constant 0 : index
      %get3A_298 = tpu.vector_load %arg5[%get3A, %get3A_297] {strides = array<i32>} : memref<2048x16xf32, #tpu.memory_space<vmem>>, vector<16xf32>,
      %min3A_299 = arith.minimumf %scan3A_277, %get3A_298 : vector<16xf32>
      %max3A_300 = arith.maximumf %scan3A_285, %get3A_298 : vector<16xf32>
      %add3A_301 = arith.constant 1 : i32
      %add3A_302 = arith.addi %mul3A_294, %add3A_301 : i32
      %get3A_303 = arith.index_cast %add3A_302 : i32 to index
      %get3A_304 = arith.constant 0 : index
      %get3A_305 = tpu.vector_load %arg5[%get3A_303, %get3A_304] {strides = array<i32>} : memref<2048x16xf32, #tpu.memory_space<vmem>>, vector<16xf32>,
      %min3A_306 = arith.minimumf %scan3A_278, %get3A_305 : vector<16xf32>
      %max3A_307 = arith.maximumf %scan3A_286, %get3A_305 : vector<16xf32>
      %add3A_308 = arith.constant 2 : i32
      %add3A_309 = arith.addi %mul3A_294, %add3A_308 : i32
      %get3A_310 = arith.index_cast %add3A_309 : i32 to index
      %get3A_311 = arith.constant 0 : index
      %get3A_312 = tpu.vector_load %arg5[%get3A_310, %get3A_311] {strides = array<i32>} : memref<2048x16xf32, #tpu.memory_space<vmem>>, vector<16xf32>,
      %min3A_313 = arith.minimumf %scan3A_279, %get3A_312 : vector<16xf32>
      %max3A_314 = arith.maximumf %scan3A_287, %get3A_312 : vector<16xf32>
      %add3A_315 = arith.constant 3 : i32
      %add3A_316 = arith.addi %mul3A_294, %add3A_315 : i32
      %get3A_317 = arith.index_cast %add3A_316 : i32 to index
      %get3A_318 = arith.constant 0 : index
      %get3A_319 = tpu.vector_load %arg5[%get3A_317, %get3A_318] {strides = array<i32>} : memref<2048x16xf32, #tpu.memory_space<vmem>>, vector<16xf32>,
      %min3A_320 = arith.minimumf %scan3A_280, %get3A_319 : vector<16xf32>
      %max3A_321 = arith.maximumf %scan3A_288, %get3A_319 : vector<16xf32>
      %add3A_322 = arith.constant 4 : i32
      %add3A_323 = arith.addi %mul3A_294, %add3A_322 : i32
      %get3A_324 = arith.index_cast %add3A_323 : i32 to index
      %get3A_325 = arith.constant 0 : index
      %get3A_326 = tpu.vector_load %arg5[%get3A_324, %get3A_325] {strides = array<i32>} : memref<2048x16xf32, #tpu.memory_space<vmem>>, vector<16xf32>,
      %min3A_327 = arith.minimumf %scan3A_281, %get3A_326 : vector<16xf32>
      %max3A_328 = arith.maximumf %scan3A_289, %get3A_326 : vector<16xf32>
      %add3A_329 = arith.constant 5 : i32
      %add3A_330 = arith.addi %mul3A_294, %add3A_329 : i32
      %get3A_331 = arith.index_cast %add3A_330 : i32 to index
      %get3A_332 = arith.constant 0 : index
      %get3A_333 = tpu.vector_load %arg5[%get3A_331, %get3A_332] {strides = array<i32>} : memref<2048x16xf32, #tpu.memory_space<vmem>>, vector<16xf32>,
      %min3A_334 = arith.minimumf %scan3A_282, %get3A_333 : vector<16xf32>
      %max3A_335 = arith.maximumf %scan3A_290, %get3A_333 : vector<16xf32>
      %add3A_336 = arith.constant 6 : i32
      %add3A_337 = arith.addi %mul3A_294, %add3A_336 : i32
      %get3A_338 = arith.index_cast %add3A_337 : i32 to index
      %get3A_339 = arith.constant 0 : index
      %get3A_340 = tpu.vector_load %arg5[%get3A_338, %get3A_339] {strides = array<i32>} : memref<2048x16xf32, #tpu.memory_space<vmem>>, vector<16xf32>,
      %min3A_341 = arith.minimumf %scan3A_283, %get3A_340 : vector<16xf32>
      %max3A_342 = arith.maximumf %scan3A_291, %get3A_340 : vector<16xf32>
      %add3A_343 = arith.constant 7 : i32
      %add3A_344 = arith.addi %mul3A_294, %add3A_343 : i32
      %get3A_345 = arith.index_cast %add3A_344 : i32 to index
      %get3A_346 = arith.constant 0 : index
      %get3A_347 = tpu.vector_load %arg5[%get3A_345, %get3A_346] {strides = array<i32>} : memref<2048x16xf32, #tpu.memory_space<vmem>>, vector<16xf32>,
      %min3A_348 = arith.minimumf %scan3A_284, %get3A_347 : vector<16xf32>
      %max3A_349 = arith.maximumf %scan3A_292, %get3A_347 : vector<16xf32>
      scf.yield %min3A_299, %min3A_306, %min3A_313, %min3A_320, %min3A_327, %min3A_334, %min3A_341, %min3A_348, %max3A_300, %max3A_307, %max3A_314, %max3A_321, %max3A_328, %max3A_335, %max3A_342, %max3A_349 : vector<16xf32>, vector<16xf32>, vector<16xf32>, vector<16xf32>, vector<16xf32>, vector<16xf32>, vector<16xf32>, vector<16xf32>, vector<16xf32>, vector<16xf32>, vector<16xf32>, vector<16xf32>, vector<16xf32>, vector<16xf32>, vector<16xf32>, vector<16xf32>
    }
    %scan3A_102 = arith.constant 256 : i32
    %add3A_103 = arith.constant 14336 : i32
    %add3A_104 = arith.addi %mul3A_2, %add3A_103 : i32
    %dma_start3A_105 = arith.constant 0 : i32
    %dma_start3A_106 = tpu.memref_slice %arg2[%add3A_104, %dma_start3A_105] : memref<1048576x16xf32, #tpu.memory_space<hbm>> -> memref<2048x16xf32, #tpu.memory_space<hbm>>
    %dma_start3A_107 = arith.constant 0 : i32
    %dma_start3A_108 = tpu.memref_slice %arg2[%add3A_104, %dma_start3A_107] : memref<1048576x16xf32, #tpu.memory_space<hbm>> -> memref<2048x16xf32, #tpu.memory_space<hbm>>
    tpu.enqueue_dma source(%dma_start3A_108 : memref<2048x16xf32, #tpu.memory_space<hbm>>) target(%arg5 : memref<2048x16xf32, #tpu.memory_space<vmem>>) target_semaphore(%arg8 : memref<!tpu.dma_semaphore, #tpu.memory_space<semaphore_mem>>)
    %dma_wait3A_109 = arith.constant 0 : i32
    %dma_wait3A_110 = tpu.memref_slice %arg2[%add3A_88, %dma_wait3A_109] : memref<1048576x16xf32, #tpu.memory_space<hbm>> -> memref<2048x16xf32, #tpu.memory_space<hbm>>
    %dma_wait3A_111 = arith.constant 0 : i32
    %dma_wait3A_112 = tpu.memref_slice %arg2[%add3A_88, %dma_wait3A_111] : memref<1048576x16xf32, #tpu.memory_space<hbm>> -> memref<2048x16xf32, #tpu.memory_space<hbm>>
    tpu.wait_dma2 semaphore(%arg7 : memref<!tpu.dma_semaphore, #tpu.memory_space<semaphore_mem>>) src(%dma_wait3A_112 : memref<2048x16xf32, #tpu.memory_space<hbm>>) dst(%arg4 : memref<2048x16xf32, #tpu.memory_space<vmem>>)
    %scan3A_113 = arith.constant 0 : i32
    %scan3A_114 = arith.constant 256 : i32
    %scan3A_115 = arith.addi %scan3A_113, %scan3A_114 : i32
    %scan3A_116 = arith.constant 1 : i32
    %scan3A_117:16 = scf.for %scan3A_276 = %scan3A_113 to %scan3A_115 step %scan3A_116 iter_args(%scan3A_277 = %scan3A_101#0, %scan3A_278 = %scan3A_101#1, %scan3A_279 = %scan3A_101#2, %scan3A_280 = %scan3A_101#3, %scan3A_281 = %scan3A_101#4, %scan3A_282 = %scan3A_101#5, %scan3A_283 = %scan3A_101#6, %scan3A_284 = %scan3A_101#7, %scan3A_285 = %scan3A_101#8, %scan3A_286 = %scan3A_101#9, %scan3A_287 = %scan3A_101#10, %scan3A_288 = %scan3A_101#11, %scan3A_289 = %scan3A_101#12, %scan3A_290 = %scan3A_101#13, %scan3A_291 = %scan3A_101#14, %scan3A_292 = %scan3A_101#15) -> (vector<16xf32>, vector<16xf32>, vector<16xf32>, vector<16xf32>, vector<16xf32>, vector<16xf32>, vector<16xf32>, vector<16xf32>, vector<16xf32>, vector<16xf32>, vector<16xf32>, vector<16xf32>, vector<16xf32>, vector<16xf32>, vector<16xf32>, vector<16xf32>)  : i32 {
      %mul3A_293 = arith.constant 8 : i32
      %mul3A_294 = arith.muli %scan3A_276, %mul3A_293 : i32
      %add3A_295 = arith.constant 0 : i32
      %add3A_296 = arith.addi %mul3A_294, %add3A_295 : i32
      %get3A = arith.index_cast %add3A_296 : i32 to index
      %get3A_297 = arith.constant 0 : index
      %get3A_298 = tpu.vector_load %arg4[%get3A, %get3A_297] {strides = array<i32>} : memref<2048x16xf32, #tpu.memory_space<vmem>>, vector<16xf32>,
      %min3A_299 = arith.minimumf %scan3A_277, %get3A_298 : vector<16xf32>
      %max3A_300 = arith.maximumf %scan3A_285, %get3A_298 : vector<16xf32>
      %add3A_301 = arith.constant 1 : i32
      %add3A_302 = arith.addi %mul3A_294, %add3A_301 : i32
      %get3A_303 = arith.index_cast %add3A_302 : i32 to index
      %get3A_304 = arith.constant 0 : index
      %get3A_305 = tpu.vector_load %arg4[%get3A_303, %get3A_304] {strides = array<i32>} : memref<2048x16xf32, #tpu.memory_space<vmem>>, vector<16xf32>,
      %min3A_306 = arith.minimumf %scan3A_278, %get3A_305 : vector<16xf32>
      %max3A_307 = arith.maximumf %scan3A_286, %get3A_305 : vector<16xf32>
      %add3A_308 = arith.constant 2 : i32
      %add3A_309 = arith.addi %mul3A_294, %add3A_308 : i32
      %get3A_310 = arith.index_cast %add3A_309 : i32 to index
      %get3A_311 = arith.constant 0 : index
      %get3A_312 = tpu.vector_load %arg4[%get3A_310, %get3A_311] {strides = array<i32>} : memref<2048x16xf32, #tpu.memory_space<vmem>>, vector<16xf32>,
      %min3A_313 = arith.minimumf %scan3A_279, %get3A_312 : vector<16xf32>
      %max3A_314 = arith.maximumf %scan3A_287, %get3A_312 : vector<16xf32>
      %add3A_315 = arith.constant 3 : i32
      %add3A_316 = arith.addi %mul3A_294, %add3A_315 : i32
      %get3A_317 = arith.index_cast %add3A_316 : i32 to index
      %get3A_318 = arith.constant 0 : index
      %get3A_319 = tpu.vector_load %arg4[%get3A_317, %get3A_318] {strides = array<i32>} : memref<2048x16xf32, #tpu.memory_space<vmem>>, vector<16xf32>,
      %min3A_320 = arith.minimumf %scan3A_280, %get3A_319 : vector<16xf32>
      %max3A_321 = arith.maximumf %scan3A_288, %get3A_319 : vector<16xf32>
      %add3A_322 = arith.constant 4 : i32
      %add3A_323 = arith.addi %mul3A_294, %add3A_322 : i32
      %get3A_324 = arith.index_cast %add3A_323 : i32 to index
      %get3A_325 = arith.constant 0 : index
      %get3A_326 = tpu.vector_load %arg4[%get3A_324, %get3A_325] {strides = array<i32>} : memref<2048x16xf32, #tpu.memory_space<vmem>>, vector<16xf32>,
      %min3A_327 = arith.minimumf %scan3A_281, %get3A_326 : vector<16xf32>
      %max3A_328 = arith.maximumf %scan3A_289, %get3A_326 : vector<16xf32>
      %add3A_329 = arith.constant 5 : i32
      %add3A_330 = arith.addi %mul3A_294, %add3A_329 : i32
      %get3A_331 = arith.index_cast %add3A_330 : i32 to index
      %get3A_332 = arith.constant 0 : index
      %get3A_333 = tpu.vector_load %arg4[%get3A_331, %get3A_332] {strides = array<i32>} : memref<2048x16xf32, #tpu.memory_space<vmem>>, vector<16xf32>,
      %min3A_334 = arith.minimumf %scan3A_282, %get3A_333 : vector<16xf32>
      %max3A_335 = arith.maximumf %scan3A_290, %get3A_333 : vector<16xf32>
      %add3A_336 = arith.constant 6 : i32
      %add3A_337 = arith.addi %mul3A_294, %add3A_336 : i32
      %get3A_338 = arith.index_cast %add3A_337 : i32 to index
      %get3A_339 = arith.constant 0 : index
      %get3A_340 = tpu.vector_load %arg4[%get3A_338, %get3A_339] {strides = array<i32>} : memref<2048x16xf32, #tpu.memory_space<vmem>>, vector<16xf32>,
      %min3A_341 = arith.minimumf %scan3A_283, %get3A_340 : vector<16xf32>
      %max3A_342 = arith.maximumf %scan3A_291, %get3A_340 : vector<16xf32>
      %add3A_343 = arith.constant 7 : i32
      %add3A_344 = arith.addi %mul3A_294, %add3A_343 : i32
      %get3A_345 = arith.index_cast %add3A_344 : i32 to index
      %get3A_346 = arith.constant 0 : index
      %get3A_347 = tpu.vector_load %arg4[%get3A_345, %get3A_346] {strides = array<i32>} : memref<2048x16xf32, #tpu.memory_space<vmem>>, vector<16xf32>,
      %min3A_348 = arith.minimumf %scan3A_284, %get3A_347 : vector<16xf32>
      %max3A_349 = arith.maximumf %scan3A_292, %get3A_347 : vector<16xf32>
      scf.yield %min3A_299, %min3A_306, %min3A_313, %min3A_320, %min3A_327, %min3A_334, %min3A_341, %min3A_348, %max3A_300, %max3A_307, %max3A_314, %max3A_321, %max3A_328, %max3A_335, %max3A_342, %max3A_349 : vector<16xf32>, vector<16xf32>, vector<16xf32>, vector<16xf32>, vector<16xf32>, vector<16xf32>, vector<16xf32>, vector<16xf32>, vector<16xf32>, vector<16xf32>, vector<16xf32>, vector<16xf32>, vector<16xf32>, vector<16xf32>, vector<16xf32>, vector<16xf32>
    }
    %scan3A_118 = arith.constant 256 : i32
    %add3A_119 = arith.constant 16384 : i32
    %add3A_120 = arith.addi %mul3A_2, %add3A_119 : i32
    %dma_start3A_121 = arith.constant 0 : i32
    %dma_start3A_122 = tpu.memref_slice %arg2[%add3A_120, %dma_start3A_121] : memref<1048576x16xf32, #tpu.memory_space<hbm>> -> memref<2048x16xf32, #tpu.memory_space<hbm>>
    %dma_start3A_123 = arith.constant 0 : i32
    %dma_start3A_124 = tpu.memref_slice %arg2[%add3A_120, %dma_start3A_123] : memref<1048576x16xf32, #tpu.memory_space<hbm>> -> memref<2048x16xf32, #tpu.memory_space<hbm>>
    tpu.enqueue_dma source(%dma_start3A_124 : memref<2048x16xf32, #tpu.memory_space<hbm>>) target(%arg4 : memref<2048x16xf32, #tpu.memory_space<vmem>>) target_semaphore(%arg7 : memref<!tpu.dma_semaphore, #tpu.memory_space<semaphore_mem>>)
    %dma_wait3A_125 = arith.constant 0 : i32
    %dma_wait3A_126 = tpu.memref_slice %arg2[%add3A_104, %dma_wait3A_125] : memref<1048576x16xf32, #tpu.memory_space<hbm>> -> memref<2048x16xf32, #tpu.memory_space<hbm>>
    %dma_wait3A_127 = arith.constant 0 : i32
    %dma_wait3A_128 = tpu.memref_slice %arg2[%add3A_104, %dma_wait3A_127] : memref<1048576x16xf32, #tpu.memory_space<hbm>> -> memref<2048x16xf32, #tpu.memory_space<hbm>>
    tpu.wait_dma2 semaphore(%arg8 : memref<!tpu.dma_semaphore, #tpu.memory_space<semaphore_mem>>) src(%dma_wait3A_128 : memref<2048x16xf32, #tpu.memory_space<hbm>>) dst(%arg5 : memref<2048x16xf32, #tpu.memory_space<vmem>>)
    %scan3A_129 = arith.constant 0 : i32
    %scan3A_130 = arith.constant 256 : i32
    %scan3A_131 = arith.addi %scan3A_129, %scan3A_130 : i32
    %scan3A_132 = arith.constant 1 : i32
    %scan3A_133:16 = scf.for %scan3A_276 = %scan3A_129 to %scan3A_131 step %scan3A_132 iter_args(%scan3A_277 = %scan3A_117#0, %scan3A_278 = %scan3A_117#1, %scan3A_279 = %scan3A_117#2, %scan3A_280 = %scan3A_117#3, %scan3A_281 = %scan3A_117#4, %scan3A_282 = %scan3A_117#5, %scan3A_283 = %scan3A_117#6, %scan3A_284 = %scan3A_117#7, %scan3A_285 = %scan3A_117#8, %scan3A_286 = %scan3A_117#9, %scan3A_287 = %scan3A_117#10, %scan3A_288 = %scan3A_117#11, %scan3A_289 = %scan3A_117#12, %scan3A_290 = %scan3A_117#13, %scan3A_291 = %scan3A_117#14, %scan3A_292 = %scan3A_117#15) -> (vector<16xf32>, vector<16xf32>, vector<16xf32>, vector<16xf32>, vector<16xf32>, vector<16xf32>, vector<16xf32>, vector<16xf32>, vector<16xf32>, vector<16xf32>, vector<16xf32>, vector<16xf32>, vector<16xf32>, vector<16xf32>, vector<16xf32>, vector<16xf32>)  : i32 {
      %mul3A_293 = arith.constant 8 : i32
      %mul3A_294 = arith.muli %scan3A_276, %mul3A_293 : i32
      %add3A_295 = arith.constant 0 : i32
      %add3A_296 = arith.addi %mul3A_294, %add3A_295 : i32
      %get3A = arith.index_cast %add3A_296 : i32 to index
      %get3A_297 = arith.constant 0 : index
      %get3A_298 = tpu.vector_load %arg5[%get3A, %get3A_297] {strides = array<i32>} : memref<2048x16xf32, #tpu.memory_space<vmem>>, vector<16xf32>,
      %min3A_299 = arith.minimumf %scan3A_277, %get3A_298 : vector<16xf32>
      %max3A_300 = arith.maximumf %scan3A_285, %get3A_298 : vector<16xf32>
      %add3A_301 = arith.constant 1 : i32
      %add3A_302 = arith.addi %mul3A_294, %add3A_301 : i32
      %get3A_303 = arith.index_cast %add3A_302 : i32 to index
      %get3A_304 = arith.constant 0 : index
      %get3A_305 = tpu.vector_load %arg5[%get3A_303, %get3A_304] {strides = array<i32>} : memref<2048x16xf32, #tpu.memory_space<vmem>>, vector<16xf32>,
      %min3A_306 = arith.minimumf %scan3A_278, %get3A_305 : vector<16xf32>
      %max3A_307 = arith.maximumf %scan3A_286, %get3A_305 : vector<16xf32>
      %add3A_308 = arith.constant 2 : i32
      %add3A_309 = arith.addi %mul3A_294, %add3A_308 : i32
      %get3A_310 = arith.index_cast %add3A_309 : i32 to index
      %get3A_311 = arith.constant 0 : index
      %get3A_312 = tpu.vector_load %arg5[%get3A_310, %get3A_311] {strides = array<i32>} : memref<2048x16xf32, #tpu.memory_space<vmem>>, vector<16xf32>,
      %min3A_313 = arith.minimumf %scan3A_279, %get3A_312 : vector<16xf32>
      %max3A_314 = arith.maximumf %scan3A_287, %get3A_312 : vector<16xf32>
      %add3A_315 = arith.constant 3 : i32
      %add3A_316 = arith.addi %mul3A_294, %add3A_315 : i32
      %get3A_317 = arith.index_cast %add3A_316 : i32 to index
      %get3A_318 = arith.constant 0 : index
      %get3A_319 = tpu.vector_load %arg5[%get3A_317, %get3A_318] {strides = array<i32>} : memref<2048x16xf32, #tpu.memory_space<vmem>>, vector<16xf32>,
      %min3A_320 = arith.minimumf %scan3A_280, %get3A_319 : vector<16xf32>
      %max3A_321 = arith.maximumf %scan3A_288, %get3A_319 : vector<16xf32>
      %add3A_322 = arith.constant 4 : i32
      %add3A_323 = arith.addi %mul3A_294, %add3A_322 : i32
      %get3A_324 = arith.index_cast %add3A_323 : i32 to index
      %get3A_325 = arith.constant 0 : index
      %get3A_326 = tpu.vector_load %arg5[%get3A_324, %get3A_325] {strides = array<i32>} : memref<2048x16xf32, #tpu.memory_space<vmem>>, vector<16xf32>,
      %min3A_327 = arith.minimumf %scan3A_281, %get3A_326 : vector<16xf32>
      %max3A_328 = arith.maximumf %scan3A_289, %get3A_326 : vector<16xf32>
      %add3A_329 = arith.constant 5 : i32
      %add3A_330 = arith.addi %mul3A_294, %add3A_329 : i32
      %get3A_331 = arith.index_cast %add3A_330 : i32 to index
      %get3A_332 = arith.constant 0 : index
      %get3A_333 = tpu.vector_load %arg5[%get3A_331, %get3A_332] {strides = array<i32>} : memref<2048x16xf32, #tpu.memory_space<vmem>>, vector<16xf32>,
      %min3A_334 = arith.minimumf %scan3A_282, %get3A_333 : vector<16xf32>
      %max3A_335 = arith.maximumf %scan3A_290, %get3A_333 : vector<16xf32>
      %add3A_336 = arith.constant 6 : i32
      %add3A_337 = arith.addi %mul3A_294, %add3A_336 : i32
      %get3A_338 = arith.index_cast %add3A_337 : i32 to index
      %get3A_339 = arith.constant 0 : index
      %get3A_340 = tpu.vector_load %arg5[%get3A_338, %get3A_339] {strides = array<i32>} : memref<2048x16xf32, #tpu.memory_space<vmem>>, vector<16xf32>,
      %min3A_341 = arith.minimumf %scan3A_283, %get3A_340 : vector<16xf32>
      %max3A_342 = arith.maximumf %scan3A_291, %get3A_340 : vector<16xf32>
      %add3A_343 = arith.constant 7 : i32
      %add3A_344 = arith.addi %mul3A_294, %add3A_343 : i32
      %get3A_345 = arith.index_cast %add3A_344 : i32 to index
      %get3A_346 = arith.constant 0 : index
      %get3A_347 = tpu.vector_load %arg5[%get3A_345, %get3A_346] {strides = array<i32>} : memref<2048x16xf32, #tpu.memory_space<vmem>>, vector<16xf32>,
      %min3A_348 = arith.minimumf %scan3A_284, %get3A_347 : vector<16xf32>
      %max3A_349 = arith.maximumf %scan3A_292, %get3A_347 : vector<16xf32>
      scf.yield %min3A_299, %min3A_306, %min3A_313, %min3A_320, %min3A_327, %min3A_334, %min3A_341, %min3A_348, %max3A_300, %max3A_307, %max3A_314, %max3A_321, %max3A_328, %max3A_335, %max3A_342, %max3A_349 : vector<16xf32>, vector<16xf32>, vector<16xf32>, vector<16xf32>, vector<16xf32>, vector<16xf32>, vector<16xf32>, vector<16xf32>, vector<16xf32>, vector<16xf32>, vector<16xf32>, vector<16xf32>, vector<16xf32>, vector<16xf32>, vector<16xf32>, vector<16xf32>
    }
    %scan3A_134 = arith.constant 256 : i32
    %add3A_135 = arith.constant 18432 : i32
    %add3A_136 = arith.addi %mul3A_2, %add3A_135 : i32
    %dma_start3A_137 = arith.constant 0 : i32
    %dma_start3A_138 = tpu.memref_slice %arg2[%add3A_136, %dma_start3A_137] : memref<1048576x16xf32, #tpu.memory_space<hbm>> -> memref<2048x16xf32, #tpu.memory_space<hbm>>
    %dma_start3A_139 = arith.constant 0 : i32
    %dma_start3A_140 = tpu.memref_slice %arg2[%add3A_136, %dma_start3A_139] : memref<1048576x16xf32, #tpu.memory_space<hbm>> -> memref<2048x16xf32, #tpu.memory_space<hbm>>
    tpu.enqueue_dma source(%dma_start3A_140 : memref<2048x16xf32, #tpu.memory_space<hbm>>) target(%arg5 : memref<2048x16xf32, #tpu.memory_space<vmem>>) target_semaphore(%arg8 : memref<!tpu.dma_semaphore, #tpu.memory_space<semaphore_mem>>)
    %dma_wait3A_141 = arith.constant 0 : i32
    %dma_wait3A_142 = tpu.memref_slice %arg2[%add3A_120, %dma_wait3A_141] : memref<1048576x16xf32, #tpu.memory_space<hbm>> -> memref<2048x16xf32, #tpu.memory_space<hbm>>
    %dma_wait3A_143 = arith.constant 0 : i32
    %dma_wait3A_144 = tpu.memref_slice %arg2[%add3A_120, %dma_wait3A_143] : memref<1048576x16xf32, #tpu.memory_space<hbm>> -> memref<2048x16xf32, #tpu.memory_space<hbm>>
    tpu.wait_dma2 semaphore(%arg7 : memref<!tpu.dma_semaphore, #tpu.memory_space<semaphore_mem>>) src(%dma_wait3A_144 : memref<2048x16xf32, #tpu.memory_space<hbm>>) dst(%arg4 : memref<2048x16xf32, #tpu.memory_space<vmem>>)
    %scan3A_145 = arith.constant 0 : i32
    %scan3A_146 = arith.constant 256 : i32
    %scan3A_147 = arith.addi %scan3A_145, %scan3A_146 : i32
    %scan3A_148 = arith.constant 1 : i32
    %scan3A_149:16 = scf.for %scan3A_276 = %scan3A_145 to %scan3A_147 step %scan3A_148 iter_args(%scan3A_277 = %scan3A_133#0, %scan3A_278 = %scan3A_133#1, %scan3A_279 = %scan3A_133#2, %scan3A_280 = %scan3A_133#3, %scan3A_281 = %scan3A_133#4, %scan3A_282 = %scan3A_133#5, %scan3A_283 = %scan3A_133#6, %scan3A_284 = %scan3A_133#7, %scan3A_285 = %scan3A_133#8, %scan3A_286 = %scan3A_133#9, %scan3A_287 = %scan3A_133#10, %scan3A_288 = %scan3A_133#11, %scan3A_289 = %scan3A_133#12, %scan3A_290 = %scan3A_133#13, %scan3A_291 = %scan3A_133#14, %scan3A_292 = %scan3A_133#15) -> (vector<16xf32>, vector<16xf32>, vector<16xf32>, vector<16xf32>, vector<16xf32>, vector<16xf32>, vector<16xf32>, vector<16xf32>, vector<16xf32>, vector<16xf32>, vector<16xf32>, vector<16xf32>, vector<16xf32>, vector<16xf32>, vector<16xf32>, vector<16xf32>)  : i32 {
      %mul3A_293 = arith.constant 8 : i32
      %mul3A_294 = arith.muli %scan3A_276, %mul3A_293 : i32
      %add3A_295 = arith.constant 0 : i32
      %add3A_296 = arith.addi %mul3A_294, %add3A_295 : i32
      %get3A = arith.index_cast %add3A_296 : i32 to index
      %get3A_297 = arith.constant 0 : index
      %get3A_298 = tpu.vector_load %arg4[%get3A, %get3A_297] {strides = array<i32>} : memref<2048x16xf32, #tpu.memory_space<vmem>>, vector<16xf32>,
      %min3A_299 = arith.minimumf %scan3A_277, %get3A_298 : vector<16xf32>
      %max3A_300 = arith.maximumf %scan3A_285, %get3A_298 : vector<16xf32>
      %add3A_301 = arith.constant 1 : i32
      %add3A_302 = arith.addi %mul3A_294, %add3A_301 : i32
      %get3A_303 = arith.index_cast %add3A_302 : i32 to index
      %get3A_304 = arith.constant 0 : index
      %get3A_305 = tpu.vector_load %arg4[%get3A_303, %get3A_304] {strides = array<i32>} : memref<2048x16xf32, #tpu.memory_space<vmem>>, vector<16xf32>,
      %min3A_306 = arith.minimumf %scan3A_278, %get3A_305 : vector<16xf32>
      %max3A_307 = arith.maximumf %scan3A_286, %get3A_305 : vector<16xf32>
      %add3A_308 = arith.constant 2 : i32
      %add3A_309 = arith.addi %mul3A_294, %add3A_308 : i32
      %get3A_310 = arith.index_cast %add3A_309 : i32 to index
      %get3A_311 = arith.constant 0 : index
      %get3A_312 = tpu.vector_load %arg4[%get3A_310, %get3A_311] {strides = array<i32>} : memref<2048x16xf32, #tpu.memory_space<vmem>>, vector<16xf32>,
      %min3A_313 = arith.minimumf %scan3A_279, %get3A_312 : vector<16xf32>
      %max3A_314 = arith.maximumf %scan3A_287, %get3A_312 : vector<16xf32>
      %add3A_315 = arith.constant 3 : i32
      %add3A_316 = arith.addi %mul3A_294, %add3A_315 : i32
      %get3A_317 = arith.index_cast %add3A_316 : i32 to index
      %get3A_318 = arith.constant 0 : index
      %get3A_319 = tpu.vector_load %arg4[%get3A_317, %get3A_318] {strides = array<i32>} : memref<2048x16xf32, #tpu.memory_space<vmem>>, vector<16xf32>,
      %min3A_320 = arith.minimumf %scan3A_280, %get3A_319 : vector<16xf32>
      %max3A_321 = arith.maximumf %scan3A_288, %get3A_319 : vector<16xf32>
      %add3A_322 = arith.constant 4 : i32
      %add3A_323 = arith.addi %mul3A_294, %add3A_322 : i32
      %get3A_324 = arith.index_cast %add3A_323 : i32 to index
      %get3A_325 = arith.constant 0 : index
      %get3A_326 = tpu.vector_load %arg4[%get3A_324, %get3A_325] {strides = array<i32>} : memref<2048x16xf32, #tpu.memory_space<vmem>>, vector<16xf32>,
      %min3A_327 = arith.minimumf %scan3A_281, %get3A_326 : vector<16xf32>
      %max3A_328 = arith.maximumf %scan3A_289, %get3A_326 : vector<16xf32>
      %add3A_329 = arith.constant 5 : i32
      %add3A_330 = arith.addi %mul3A_294, %add3A_329 : i32
      %get3A_331 = arith.index_cast %add3A_330 : i32 to index
      %get3A_332 = arith.constant 0 : index
      %get3A_333 = tpu.vector_load %arg4[%get3A_331, %get3A_332] {strides = array<i32>} : memref<2048x16xf32, #tpu.memory_space<vmem>>, vector<16xf32>,
      %min3A_334 = arith.minimumf %scan3A_282, %get3A_333 : vector<16xf32>
      %max3A_335 = arith.maximumf %scan3A_290, %get3A_333 : vector<16xf32>
      %add3A_336 = arith.constant 6 : i32
      %add3A_337 = arith.addi %mul3A_294, %add3A_336 : i32
      %get3A_338 = arith.index_cast %add3A_337 : i32 to index
      %get3A_339 = arith.constant 0 : index
      %get3A_340 = tpu.vector_load %arg4[%get3A_338, %get3A_339] {strides = array<i32>} : memref<2048x16xf32, #tpu.memory_space<vmem>>, vector<16xf32>,
      %min3A_341 = arith.minimumf %scan3A_283, %get3A_340 : vector<16xf32>
      %max3A_342 = arith.maximumf %scan3A_291, %get3A_340 : vector<16xf32>
      %add3A_343 = arith.constant 7 : i32
      %add3A_344 = arith.addi %mul3A_294, %add3A_343 : i32
      %get3A_345 = arith.index_cast %add3A_344 : i32 to index
      %get3A_346 = arith.constant 0 : index
      %get3A_347 = tpu.vector_load %arg4[%get3A_345, %get3A_346] {strides = array<i32>} : memref<2048x16xf32, #tpu.memory_space<vmem>>, vector<16xf32>,
      %min3A_348 = arith.minimumf %scan3A_284, %get3A_347 : vector<16xf32>
      %max3A_349 = arith.maximumf %scan3A_292, %get3A_347 : vector<16xf32>
      scf.yield %min3A_299, %min3A_306, %min3A_313, %min3A_320, %min3A_327, %min3A_334, %min3A_341, %min3A_348, %max3A_300, %max3A_307, %max3A_314, %max3A_321, %max3A_328, %max3A_335, %max3A_342, %max3A_349 : vector<16xf32>, vector<16xf32>, vector<16xf32>, vector<16xf32>, vector<16xf32>, vector<16xf32>, vector<16xf32>, vector<16xf32>, vector<16xf32>, vector<16xf32>, vector<16xf32>, vector<16xf32>, vector<16xf32>, vector<16xf32>, vector<16xf32>, vector<16xf32>
    }
    %scan3A_150 = arith.constant 256 : i32
    %add3A_151 = arith.constant 20480 : i32
    %add3A_152 = arith.addi %mul3A_2, %add3A_151 : i32
    %dma_start3A_153 = arith.constant 0 : i32
    %dma_start3A_154 = tpu.memref_slice %arg2[%add3A_152, %dma_start3A_153] : memref<1048576x16xf32, #tpu.memory_space<hbm>> -> memref<2048x16xf32, #tpu.memory_space<hbm>>
    %dma_start3A_155 = arith.constant 0 : i32
    %dma_start3A_156 = tpu.memref_slice %arg2[%add3A_152, %dma_start3A_155] : memref<1048576x16xf32, #tpu.memory_space<hbm>> -> memref<2048x16xf32, #tpu.memory_space<hbm>>
    tpu.enqueue_dma source(%dma_start3A_156 : memref<2048x16xf32, #tpu.memory_space<hbm>>) target(%arg4 : memref<2048x16xf32, #tpu.memory_space<vmem>>) target_semaphore(%arg7 : memref<!tpu.dma_semaphore, #tpu.memory_space<semaphore_mem>>)
    %dma_wait3A_157 = arith.constant 0 : i32
    %dma_wait3A_158 = tpu.memref_slice %arg2[%add3A_136, %dma_wait3A_157] : memref<1048576x16xf32, #tpu.memory_space<hbm>> -> memref<2048x16xf32, #tpu.memory_space<hbm>>
    %dma_wait3A_159 = arith.constant 0 : i32
    %dma_wait3A_160 = tpu.memref_slice %arg2[%add3A_136, %dma_wait3A_159] : memref<1048576x16xf32, #tpu.memory_space<hbm>> -> memref<2048x16xf32, #tpu.memory_space<hbm>>
    tpu.wait_dma2 semaphore(%arg8 : memref<!tpu.dma_semaphore, #tpu.memory_space<semaphore_mem>>) src(%dma_wait3A_160 : memref<2048x16xf32, #tpu.memory_space<hbm>>) dst(%arg5 : memref<2048x16xf32, #tpu.memory_space<vmem>>)
    %scan3A_161 = arith.constant 0 : i32
    %scan3A_162 = arith.constant 256 : i32
    %scan3A_163 = arith.addi %scan3A_161, %scan3A_162 : i32
    %scan3A_164 = arith.constant 1 : i32
    %scan3A_165:16 = scf.for %scan3A_276 = %scan3A_161 to %scan3A_163 step %scan3A_164 iter_args(%scan3A_277 = %scan3A_149#0, %scan3A_278 = %scan3A_149#1, %scan3A_279 = %scan3A_149#2, %scan3A_280 = %scan3A_149#3, %scan3A_281 = %scan3A_149#4, %scan3A_282 = %scan3A_149#5, %scan3A_283 = %scan3A_149#6, %scan3A_284 = %scan3A_149#7, %scan3A_285 = %scan3A_149#8, %scan3A_286 = %scan3A_149#9, %scan3A_287 = %scan3A_149#10, %scan3A_288 = %scan3A_149#11, %scan3A_289 = %scan3A_149#12, %scan3A_290 = %scan3A_149#13, %scan3A_291 = %scan3A_149#14, %scan3A_292 = %scan3A_149#15) -> (vector<16xf32>, vector<16xf32>, vector<16xf32>, vector<16xf32>, vector<16xf32>, vector<16xf32>, vector<16xf32>, vector<16xf32>, vector<16xf32>, vector<16xf32>, vector<16xf32>, vector<16xf32>, vector<16xf32>, vector<16xf32>, vector<16xf32>, vector<16xf32>)  : i32 {
      %mul3A_293 = arith.constant 8 : i32
      %mul3A_294 = arith.muli %scan3A_276, %mul3A_293 : i32
      %add3A_295 = arith.constant 0 : i32
      %add3A_296 = arith.addi %mul3A_294, %add3A_295 : i32
      %get3A = arith.index_cast %add3A_296 : i32 to index
      %get3A_297 = arith.constant 0 : index
      %get3A_298 = tpu.vector_load %arg5[%get3A, %get3A_297] {strides = array<i32>} : memref<2048x16xf32, #tpu.memory_space<vmem>>, vector<16xf32>,
      %min3A_299 = arith.minimumf %scan3A_277, %get3A_298 : vector<16xf32>
      %max3A_300 = arith.maximumf %scan3A_285, %get3A_298 : vector<16xf32>
      %add3A_301 = arith.constant 1 : i32
      %add3A_302 = arith.addi %mul3A_294, %add3A_301 : i32
      %get3A_303 = arith.index_cast %add3A_302 : i32 to index
      %get3A_304 = arith.constant 0 : index
      %get3A_305 = tpu.vector_load %arg5[%get3A_303, %get3A_304] {strides = array<i32>} : memref<2048x16xf32, #tpu.memory_space<vmem>>, vector<16xf32>,
      %min3A_306 = arith.minimumf %scan3A_278, %get3A_305 : vector<16xf32>
      %max3A_307 = arith.maximumf %scan3A_286, %get3A_305 : vector<16xf32>
      %add3A_308 = arith.constant 2 : i32
      %add3A_309 = arith.addi %mul3A_294, %add3A_308 : i32
      %get3A_310 = arith.index_cast %add3A_309 : i32 to index
      %get3A_311 = arith.constant 0 : index
      %get3A_312 = tpu.vector_load %arg5[%get3A_310, %get3A_311] {strides = array<i32>} : memref<2048x16xf32, #tpu.memory_space<vmem>>, vector<16xf32>,
      %min3A_313 = arith.minimumf %scan3A_279, %get3A_312 : vector<16xf32>
      %max3A_314 = arith.maximumf %scan3A_287, %get3A_312 : vector<16xf32>
      %add3A_315 = arith.constant 3 : i32
      %add3A_316 = arith.addi %mul3A_294, %add3A_315 : i32
      %get3A_317 = arith.index_cast %add3A_316 : i32 to index
      %get3A_318 = arith.constant 0 : index
      %get3A_319 = tpu.vector_load %arg5[%get3A_317, %get3A_318] {strides = array<i32>} : memref<2048x16xf32, #tpu.memory_space<vmem>>, vector<16xf32>,
      %min3A_320 = arith.minimumf %scan3A_280, %get3A_319 : vector<16xf32>
      %max3A_321 = arith.maximumf %scan3A_288, %get3A_319 : vector<16xf32>
      %add3A_322 = arith.constant 4 : i32
      %add3A_323 = arith.addi %mul3A_294, %add3A_322 : i32
      %get3A_324 = arith.index_cast %add3A_323 : i32 to index
      %get3A_325 = arith.constant 0 : index
      %get3A_326 = tpu.vector_load %arg5[%get3A_324, %get3A_325] {strides = array<i32>} : memref<2048x16xf32, #tpu.memory_space<vmem>>, vector<16xf32>,
      %min3A_327 = arith.minimumf %scan3A_281, %get3A_326 : vector<16xf32>
      %max3A_328 = arith.maximumf %scan3A_289, %get3A_326 : vector<16xf32>
      %add3A_329 = arith.constant 5 : i32
      %add3A_330 = arith.addi %mul3A_294, %add3A_329 : i32
      %get3A_331 = arith.index_cast %add3A_330 : i32 to index
      %get3A_332 = arith.constant 0 : index
      %get3A_333 = tpu.vector_load %arg5[%get3A_331, %get3A_332] {strides = array<i32>} : memref<2048x16xf32, #tpu.memory_space<vmem>>, vector<16xf32>,
      %min3A_334 = arith.minimumf %scan3A_282, %get3A_333 : vector<16xf32>
      %max3A_335 = arith.maximumf %scan3A_290, %get3A_333 : vector<16xf32>
      %add3A_336 = arith.constant 6 : i32
      %add3A_337 = arith.addi %mul3A_294, %add3A_336 : i32
      %get3A_338 = arith.index_cast %add3A_337 : i32 to index
      %get3A_339 = arith.constant 0 : index
      %get3A_340 = tpu.vector_load %arg5[%get3A_338, %get3A_339] {strides = array<i32>} : memref<2048x16xf32, #tpu.memory_space<vmem>>, vector<16xf32>,
      %min3A_341 = arith.minimumf %scan3A_283, %get3A_340 : vector<16xf32>
      %max3A_342 = arith.maximumf %scan3A_291, %get3A_340 : vector<16xf32>
      %add3A_343 = arith.constant 7 : i32
      %add3A_344 = arith.addi %mul3A_294, %add3A_343 : i32
      %get3A_345 = arith.index_cast %add3A_344 : i32 to index
      %get3A_346 = arith.constant 0 : index
      %get3A_347 = tpu.vector_load %arg5[%get3A_345, %get3A_346] {strides = array<i32>} : memref<2048x16xf32, #tpu.memory_space<vmem>>, vector<16xf32>,
      %min3A_348 = arith.minimumf %scan3A_284, %get3A_347 : vector<16xf32>
      %max3A_349 = arith.maximumf %scan3A_292, %get3A_347 : vector<16xf32>
      scf.yield %min3A_299, %min3A_306, %min3A_313, %min3A_320, %min3A_327, %min3A_334, %min3A_341, %min3A_348, %max3A_300, %max3A_307, %max3A_314, %max3A_321, %max3A_328, %max3A_335, %max3A_342, %max3A_349 : vector<16xf32>, vector<16xf32>, vector<16xf32>, vector<16xf32>, vector<16xf32>, vector<16xf32>, vector<16xf32>, vector<16xf32>, vector<16xf32>, vector<16xf32>, vector<16xf32>, vector<16xf32>, vector<16xf32>, vector<16xf32>, vector<16xf32>, vector<16xf32>
    }
    %scan3A_166 = arith.constant 256 : i32
    %add3A_167 = arith.constant 22528 : i32
    %add3A_168 = arith.addi %mul3A_2, %add3A_167 : i32
    %dma_start3A_169 = arith.constant 0 : i32
    %dma_start3A_170 = tpu.memref_slice %arg2[%add3A_168, %dma_start3A_169] : memref<1048576x16xf32, #tpu.memory_space<hbm>> -> memref<2048x16xf32, #tpu.memory_space<hbm>>
    %dma_start3A_171 = arith.constant 0 : i32
    %dma_start3A_172 = tpu.memref_slice %arg2[%add3A_168, %dma_start3A_171] : memref<1048576x16xf32, #tpu.memory_space<hbm>> -> memref<2048x16xf32, #tpu.memory_space<hbm>>
    tpu.enqueue_dma source(%dma_start3A_172 : memref<2048x16xf32, #tpu.memory_space<hbm>>) target(%arg5 : memref<2048x16xf32, #tpu.memory_space<vmem>>) target_semaphore(%arg8 : memref<!tpu.dma_semaphore, #tpu.memory_space<semaphore_mem>>)
    %dma_wait3A_173 = arith.constant 0 : i32
    %dma_wait3A_174 = tpu.memref_slice %arg2[%add3A_152, %dma_wait3A_173] : memref<1048576x16xf32, #tpu.memory_space<hbm>> -> memref<2048x16xf32, #tpu.memory_space<hbm>>
    %dma_wait3A_175 = arith.constant 0 : i32
    %dma_wait3A_176 = tpu.memref_slice %arg2[%add3A_152, %dma_wait3A_175] : memref<1048576x16xf32, #tpu.memory_space<hbm>> -> memref<2048x16xf32, #tpu.memory_space<hbm>>
    tpu.wait_dma2 semaphore(%arg7 : memref<!tpu.dma_semaphore, #tpu.memory_space<semaphore_mem>>) src(%dma_wait3A_176 : memref<2048x16xf32, #tpu.memory_space<hbm>>) dst(%arg4 : memref<2048x16xf32, #tpu.memory_space<vmem>>)
    %scan3A_177 = arith.constant 0 : i32
    %scan3A_178 = arith.constant 256 : i32
    %scan3A_179 = arith.addi %scan3A_177, %scan3A_178 : i32
    %scan3A_180 = arith.constant 1 : i32
    %scan3A_181:16 = scf.for %scan3A_276 = %scan3A_177 to %scan3A_179 step %scan3A_180 iter_args(%scan3A_277 = %scan3A_165#0, %scan3A_278 = %scan3A_165#1, %scan3A_279 = %scan3A_165#2, %scan3A_280 = %scan3A_165#3, %scan3A_281 = %scan3A_165#4, %scan3A_282 = %scan3A_165#5, %scan3A_283 = %scan3A_165#6, %scan3A_284 = %scan3A_165#7, %scan3A_285 = %scan3A_165#8, %scan3A_286 = %scan3A_165#9, %scan3A_287 = %scan3A_165#10, %scan3A_288 = %scan3A_165#11, %scan3A_289 = %scan3A_165#12, %scan3A_290 = %scan3A_165#13, %scan3A_291 = %scan3A_165#14, %scan3A_292 = %scan3A_165#15) -> (vector<16xf32>, vector<16xf32>, vector<16xf32>, vector<16xf32>, vector<16xf32>, vector<16xf32>, vector<16xf32>, vector<16xf32>, vector<16xf32>, vector<16xf32>, vector<16xf32>, vector<16xf32>, vector<16xf32>, vector<16xf32>, vector<16xf32>, vector<16xf32>)  : i32 {
      %mul3A_293 = arith.constant 8 : i32
      %mul3A_294 = arith.muli %scan3A_276, %mul3A_293 : i32
      %add3A_295 = arith.constant 0 : i32
      %add3A_296 = arith.addi %mul3A_294, %add3A_295 : i32
      %get3A = arith.index_cast %add3A_296 : i32 to index
      %get3A_297 = arith.constant 0 : index
      %get3A_298 = tpu.vector_load %arg4[%get3A, %get3A_297] {strides = array<i32>} : memref<2048x16xf32, #tpu.memory_space<vmem>>, vector<16xf32>,
      %min3A_299 = arith.minimumf %scan3A_277, %get3A_298 : vector<16xf32>
      %max3A_300 = arith.maximumf %scan3A_285, %get3A_298 : vector<16xf32>
      %add3A_301 = arith.constant 1 : i32
      %add3A_302 = arith.addi %mul3A_294, %add3A_301 : i32
      %get3A_303 = arith.index_cast %add3A_302 : i32 to index
      %get3A_304 = arith.constant 0 : index
      %get3A_305 = tpu.vector_load %arg4[%get3A_303, %get3A_304] {strides = array<i32>} : memref<2048x16xf32, #tpu.memory_space<vmem>>, vector<16xf32>,
      %min3A_306 = arith.minimumf %scan3A_278, %get3A_305 : vector<16xf32>
      %max3A_307 = arith.maximumf %scan3A_286, %get3A_305 : vector<16xf32>
      %add3A_308 = arith.constant 2 : i32
      %add3A_309 = arith.addi %mul3A_294, %add3A_308 : i32
      %get3A_310 = arith.index_cast %add3A_309 : i32 to index
      %get3A_311 = arith.constant 0 : index
      %get3A_312 = tpu.vector_load %arg4[%get3A_310, %get3A_311] {strides = array<i32>} : memref<2048x16xf32, #tpu.memory_space<vmem>>, vector<16xf32>,
      %min3A_313 = arith.minimumf %scan3A_279, %get3A_312 : vector<16xf32>
      %max3A_314 = arith.maximumf %scan3A_287, %get3A_312 : vector<16xf32>
      %add3A_315 = arith.constant 3 : i32
      %add3A_316 = arith.addi %mul3A_294, %add3A_315 : i32
      %get3A_317 = arith.index_cast %add3A_316 : i32 to index
      %get3A_318 = arith.constant 0 : index
      %get3A_319 = tpu.vector_load %arg4[%get3A_317, %get3A_318] {strides = array<i32>} : memref<2048x16xf32, #tpu.memory_space<vmem>>, vector<16xf32>,
      %min3A_320 = arith.minimumf %scan3A_280, %get3A_319 : vector<16xf32>
      %max3A_321 = arith.maximumf %scan3A_288, %get3A_319 : vector<16xf32>
      %add3A_322 = arith.constant 4 : i32
      %add3A_323 = arith.addi %mul3A_294, %add3A_322 : i32
      %get3A_324 = arith.index_cast %add3A_323 : i32 to index
      %get3A_325 = arith.constant 0 : index
      %get3A_326 = tpu.vector_load %arg4[%get3A_324, %get3A_325] {strides = array<i32>} : memref<2048x16xf32, #tpu.memory_space<vmem>>, vector<16xf32>,
      %min3A_327 = arith.minimumf %scan3A_281, %get3A_326 : vector<16xf32>
      %max3A_328 = arith.maximumf %scan3A_289, %get3A_326 : vector<16xf32>
      %add3A_329 = arith.constant 5 : i32
      %add3A_330 = arith.addi %mul3A_294, %add3A_329 : i32
      %get3A_331 = arith.index_cast %add3A_330 : i32 to index
      %get3A_332 = arith.constant 0 : index
      %get3A_333 = tpu.vector_load %arg4[%get3A_331, %get3A_332] {strides = array<i32>} : memref<2048x16xf32, #tpu.memory_space<vmem>>, vector<16xf32>,
      %min3A_334 = arith.minimumf %scan3A_282, %get3A_333 : vector<16xf32>
      %max3A_335 = arith.maximumf %scan3A_290, %get3A_333 : vector<16xf32>
      %add3A_336 = arith.constant 6 : i32
      %add3A_337 = arith.addi %mul3A_294, %add3A_336 : i32
      %get3A_338 = arith.index_cast %add3A_337 : i32 to index
      %get3A_339 = arith.constant 0 : index
      %get3A_340 = tpu.vector_load %arg4[%get3A_338, %get3A_339] {strides = array<i32>} : memref<2048x16xf32, #tpu.memory_space<vmem>>, vector<16xf32>,
      %min3A_341 = arith.minimumf %scan3A_283, %get3A_340 : vector<16xf32>
      %max3A_342 = arith.maximumf %scan3A_291, %get3A_340 : vector<16xf32>
      %add3A_343 = arith.constant 7 : i32
      %add3A_344 = arith.addi %mul3A_294, %add3A_343 : i32
      %get3A_345 = arith.index_cast %add3A_344 : i32 to index
      %get3A_346 = arith.constant 0 : index
      %get3A_347 = tpu.vector_load %arg4[%get3A_345, %get3A_346] {strides = array<i32>} : memref<2048x16xf32, #tpu.memory_space<vmem>>, vector<16xf32>,
      %min3A_348 = arith.minimumf %scan3A_284, %get3A_347 : vector<16xf32>
      %max3A_349 = arith.maximumf %scan3A_292, %get3A_347 : vector<16xf32>
      scf.yield %min3A_299, %min3A_306, %min3A_313, %min3A_320, %min3A_327, %min3A_334, %min3A_341, %min3A_348, %max3A_300, %max3A_307, %max3A_314, %max3A_321, %max3A_328, %max3A_335, %max3A_342, %max3A_349 : vector<16xf32>, vector<16xf32>, vector<16xf32>, vector<16xf32>, vector<16xf32>, vector<16xf32>, vector<16xf32>, vector<16xf32>, vector<16xf32>, vector<16xf32>, vector<16xf32>, vector<16xf32>, vector<16xf32>, vector<16xf32>, vector<16xf32>, vector<16xf32>
    }
    %scan3A_182 = arith.constant 256 : i32
    %add3A_183 = arith.constant 24576 : i32
    %add3A_184 = arith.addi %mul3A_2, %add3A_183 : i32
    %dma_start3A_185 = arith.constant 0 : i32
    %dma_start3A_186 = tpu.memref_slice %arg2[%add3A_184, %dma_start3A_185] : memref<1048576x16xf32, #tpu.memory_space<hbm>> -> memref<2048x16xf32, #tpu.memory_space<hbm>>
    %dma_start3A_187 = arith.constant 0 : i32
    %dma_start3A_188 = tpu.memref_slice %arg2[%add3A_184, %dma_start3A_187] : memref<1048576x16xf32, #tpu.memory_space<hbm>> -> memref<2048x16xf32, #tpu.memory_space<hbm>>
    tpu.enqueue_dma source(%dma_start3A_188 : memref<2048x16xf32, #tpu.memory_space<hbm>>) target(%arg4 : memref<2048x16xf32, #tpu.memory_space<vmem>>) target_semaphore(%arg7 : memref<!tpu.dma_semaphore, #tpu.memory_space<semaphore_mem>>)
    %dma_wait3A_189 = arith.constant 0 : i32
    %dma_wait3A_190 = tpu.memref_slice %arg2[%add3A_168, %dma_wait3A_189] : memref<1048576x16xf32, #tpu.memory_space<hbm>> -> memref<2048x16xf32, #tpu.memory_space<hbm>>
    %dma_wait3A_191 = arith.constant 0 : i32
    %dma_wait3A_192 = tpu.memref_slice %arg2[%add3A_168, %dma_wait3A_191] : memref<1048576x16xf32, #tpu.memory_space<hbm>> -> memref<2048x16xf32, #tpu.memory_space<hbm>>
    tpu.wait_dma2 semaphore(%arg8 : memref<!tpu.dma_semaphore, #tpu.memory_space<semaphore_mem>>) src(%dma_wait3A_192 : memref<2048x16xf32, #tpu.memory_space<hbm>>) dst(%arg5 : memref<2048x16xf32, #tpu.memory_space<vmem>>)
    %scan3A_193 = arith.constant 0 : i32
    %scan3A_194 = arith.constant 256 : i32
    %scan3A_195 = arith.addi %scan3A_193, %scan3A_194 : i32
    %scan3A_196 = arith.constant 1 : i32
    %scan3A_197:16 = scf.for %scan3A_276 = %scan3A_193 to %scan3A_195 step %scan3A_196 iter_args(%scan3A_277 = %scan3A_181#0, %scan3A_278 = %scan3A_181#1, %scan3A_279 = %scan3A_181#2, %scan3A_280 = %scan3A_181#3, %scan3A_281 = %scan3A_181#4, %scan3A_282 = %scan3A_181#5, %scan3A_283 = %scan3A_181#6, %scan3A_284 = %scan3A_181#7, %scan3A_285 = %scan3A_181#8, %scan3A_286 = %scan3A_181#9, %scan3A_287 = %scan3A_181#10, %scan3A_288 = %scan3A_181#11, %scan3A_289 = %scan3A_181#12, %scan3A_290 = %scan3A_181#13, %scan3A_291 = %scan3A_181#14, %scan3A_292 = %scan3A_181#15) -> (vector<16xf32>, vector<16xf32>, vector<16xf32>, vector<16xf32>, vector<16xf32>, vector<16xf32>, vector<16xf32>, vector<16xf32>, vector<16xf32>, vector<16xf32>, vector<16xf32>, vector<16xf32>, vector<16xf32>, vector<16xf32>, vector<16xf32>, vector<16xf32>)  : i32 {
      %mul3A_293 = arith.constant 8 : i32
      %mul3A_294 = arith.muli %scan3A_276, %mul3A_293 : i32
      %add3A_295 = arith.constant 0 : i32
      %add3A_296 = arith.addi %mul3A_294, %add3A_295 : i32
      %get3A = arith.index_cast %add3A_296 : i32 to index
      %get3A_297 = arith.constant 0 : index
      %get3A_298 = tpu.vector_load %arg5[%get3A, %get3A_297] {strides = array<i32>} : memref<2048x16xf32, #tpu.memory_space<vmem>>, vector<16xf32>,
      %min3A_299 = arith.minimumf %scan3A_277, %get3A_298 : vector<16xf32>
      %max3A_300 = arith.maximumf %scan3A_285, %get3A_298 : vector<16xf32>
      %add3A_301 = arith.constant 1 : i32
      %add3A_302 = arith.addi %mul3A_294, %add3A_301 : i32
      %get3A_303 = arith.index_cast %add3A_302 : i32 to index
      %get3A_304 = arith.constant 0 : index
      %get3A_305 = tpu.vector_load %arg5[%get3A_303, %get3A_304] {strides = array<i32>} : memref<2048x16xf32, #tpu.memory_space<vmem>>, vector<16xf32>,
      %min3A_306 = arith.minimumf %scan3A_278, %get3A_305 : vector<16xf32>
      %max3A_307 = arith.maximumf %scan3A_286, %get3A_305 : vector<16xf32>
      %add3A_308 = arith.constant 2 : i32
      %add3A_309 = arith.addi %mul3A_294, %add3A_308 : i32
      %get3A_310 = arith.index_cast %add3A_309 : i32 to index
      %get3A_311 = arith.constant 0 : index
      %get3A_312 = tpu.vector_load %arg5[%get3A_310, %get3A_311] {strides = array<i32>} : memref<2048x16xf32, #tpu.memory_space<vmem>>, vector<16xf32>,
      %min3A_313 = arith.minimumf %scan3A_279, %get3A_312 : vector<16xf32>
      %max3A_314 = arith.maximumf %scan3A_287, %get3A_312 : vector<16xf32>
      %add3A_315 = arith.constant 3 : i32
      %add3A_316 = arith.addi %mul3A_294, %add3A_315 : i32
      %get3A_317 = arith.index_cast %add3A_316 : i32 to index
      %get3A_318 = arith.constant 0 : index
      %get3A_319 = tpu.vector_load %arg5[%get3A_317, %get3A_318] {strides = array<i32>} : memref<2048x16xf32, #tpu.memory_space<vmem>>, vector<16xf32>,
      %min3A_320 = arith.minimumf %scan3A_280, %get3A_319 : vector<16xf32>
      %max3A_321 = arith.maximumf %scan3A_288, %get3A_319 : vector<16xf32>
      %add3A_322 = arith.constant 4 : i32
      %add3A_323 = arith.addi %mul3A_294, %add3A_322 : i32
      %get3A_324 = arith.index_cast %add3A_323 : i32 to index
      %get3A_325 = arith.constant 0 : index
      %get3A_326 = tpu.vector_load %arg5[%get3A_324, %get3A_325] {strides = array<i32>} : memref<2048x16xf32, #tpu.memory_space<vmem>>, vector<16xf32>,
      %min3A_327 = arith.minimumf %scan3A_281, %get3A_326 : vector<16xf32>
      %max3A_328 = arith.maximumf %scan3A_289, %get3A_326 : vector<16xf32>
      %add3A_329 = arith.constant 5 : i32
      %add3A_330 = arith.addi %mul3A_294, %add3A_329 : i32
      %get3A_331 = arith.index_cast %add3A_330 : i32 to index
      %get3A_332 = arith.constant 0 : index
      %get3A_333 = tpu.vector_load %arg5[%get3A_331, %get3A_332] {strides = array<i32>} : memref<2048x16xf32, #tpu.memory_space<vmem>>, vector<16xf32>,
      %min3A_334 = arith.minimumf %scan3A_282, %get3A_333 : vector<16xf32>
      %max3A_335 = arith.maximumf %scan3A_290, %get3A_333 : vector<16xf32>
      %add3A_336 = arith.constant 6 : i32
      %add3A_337 = arith.addi %mul3A_294, %add3A_336 : i32
      %get3A_338 = arith.index_cast %add3A_337 : i32 to index
      %get3A_339 = arith.constant 0 : index
      %get3A_340 = tpu.vector_load %arg5[%get3A_338, %get3A_339] {strides = array<i32>} : memref<2048x16xf32, #tpu.memory_space<vmem>>, vector<16xf32>,
      %min3A_341 = arith.minimumf %scan3A_283, %get3A_340 : vector<16xf32>
      %max3A_342 = arith.maximumf %scan3A_291, %get3A_340 : vector<16xf32>
      %add3A_343 = arith.constant 7 : i32
      %add3A_344 = arith.addi %mul3A_294, %add3A_343 : i32
      %get3A_345 = arith.index_cast %add3A_344 : i32 to index
      %get3A_346 = arith.constant 0 : index
      %get3A_347 = tpu.vector_load %arg5[%get3A_345, %get3A_346] {strides = array<i32>} : memref<2048x16xf32, #tpu.memory_space<vmem>>, vector<16xf32>,
      %min3A_348 = arith.minimumf %scan3A_284, %get3A_347 : vector<16xf32>
      %max3A_349 = arith.maximumf %scan3A_292, %get3A_347 : vector<16xf32>
      scf.yield %min3A_299, %min3A_306, %min3A_313, %min3A_320, %min3A_327, %min3A_334, %min3A_341, %min3A_348, %max3A_300, %max3A_307, %max3A_314, %max3A_321, %max3A_328, %max3A_335, %max3A_342, %max3A_349 : vector<16xf32>, vector<16xf32>, vector<16xf32>, vector<16xf32>, vector<16xf32>, vector<16xf32>, vector<16xf32>, vector<16xf32>, vector<16xf32>, vector<16xf32>, vector<16xf32>, vector<16xf32>, vector<16xf32>, vector<16xf32>, vector<16xf32>, vector<16xf32>
    }
    %scan3A_198 = arith.constant 256 : i32
    %add3A_199 = arith.constant 26624 : i32
    %add3A_200 = arith.addi %mul3A_2, %add3A_199 : i32
    %dma_start3A_201 = arith.constant 0 : i32
    %dma_start3A_202 = tpu.memref_slice %arg2[%add3A_200, %dma_start3A_201] : memref<1048576x16xf32, #tpu.memory_space<hbm>> -> memref<2048x16xf32, #tpu.memory_space<hbm>>
    %dma_start3A_203 = arith.constant 0 : i32
    %dma_start3A_204 = tpu.memref_slice %arg2[%add3A_200, %dma_start3A_203] : memref<1048576x16xf32, #tpu.memory_space<hbm>> -> memref<2048x16xf32, #tpu.memory_space<hbm>>
    tpu.enqueue_dma source(%dma_start3A_204 : memref<2048x16xf32, #tpu.memory_space<hbm>>) target(%arg5 : memref<2048x16xf32, #tpu.memory_space<vmem>>) target_semaphore(%arg8 : memref<!tpu.dma_semaphore, #tpu.memory_space<semaphore_mem>>)
    %dma_wait3A_205 = arith.constant 0 : i32
    %dma_wait3A_206 = tpu.memref_slice %arg2[%add3A_184, %dma_wait3A_205] : memref<1048576x16xf32, #tpu.memory_space<hbm>> -> memref<2048x16xf32, #tpu.memory_space<hbm>>
    %dma_wait3A_207 = arith.constant 0 : i32
    %dma_wait3A_208 = tpu.memref_slice %arg2[%add3A_184, %dma_wait3A_207] : memref<1048576x16xf32, #tpu.memory_space<hbm>> -> memref<2048x16xf32, #tpu.memory_space<hbm>>
    tpu.wait_dma2 semaphore(%arg7 : memref<!tpu.dma_semaphore, #tpu.memory_space<semaphore_mem>>) src(%dma_wait3A_208 : memref<2048x16xf32, #tpu.memory_space<hbm>>) dst(%arg4 : memref<2048x16xf32, #tpu.memory_space<vmem>>)
    %scan3A_209 = arith.constant 0 : i32
    %scan3A_210 = arith.constant 256 : i32
    %scan3A_211 = arith.addi %scan3A_209, %scan3A_210 : i32
    %scan3A_212 = arith.constant 1 : i32
    %scan3A_213:16 = scf.for %scan3A_276 = %scan3A_209 to %scan3A_211 step %scan3A_212 iter_args(%scan3A_277 = %scan3A_197#0, %scan3A_278 = %scan3A_197#1, %scan3A_279 = %scan3A_197#2, %scan3A_280 = %scan3A_197#3, %scan3A_281 = %scan3A_197#4, %scan3A_282 = %scan3A_197#5, %scan3A_283 = %scan3A_197#6, %scan3A_284 = %scan3A_197#7, %scan3A_285 = %scan3A_197#8, %scan3A_286 = %scan3A_197#9, %scan3A_287 = %scan3A_197#10, %scan3A_288 = %scan3A_197#11, %scan3A_289 = %scan3A_197#12, %scan3A_290 = %scan3A_197#13, %scan3A_291 = %scan3A_197#14, %scan3A_292 = %scan3A_197#15) -> (vector<16xf32>, vector<16xf32>, vector<16xf32>, vector<16xf32>, vector<16xf32>, vector<16xf32>, vector<16xf32>, vector<16xf32>, vector<16xf32>, vector<16xf32>, vector<16xf32>, vector<16xf32>, vector<16xf32>, vector<16xf32>, vector<16xf32>, vector<16xf32>)  : i32 {
      %mul3A_293 = arith.constant 8 : i32
      %mul3A_294 = arith.muli %scan3A_276, %mul3A_293 : i32
      %add3A_295 = arith.constant 0 : i32
      %add3A_296 = arith.addi %mul3A_294, %add3A_295 : i32
      %get3A = arith.index_cast %add3A_296 : i32 to index
      %get3A_297 = arith.constant 0 : index
      %get3A_298 = tpu.vector_load %arg4[%get3A, %get3A_297] {strides = array<i32>} : memref<2048x16xf32, #tpu.memory_space<vmem>>, vector<16xf32>,
      %min3A_299 = arith.minimumf %scan3A_277, %get3A_298 : vector<16xf32>
      %max3A_300 = arith.maximumf %scan3A_285, %get3A_298 : vector<16xf32>
      %add3A_301 = arith.constant 1 : i32
      %add3A_302 = arith.addi %mul3A_294, %add3A_301 : i32
      %get3A_303 = arith.index_cast %add3A_302 : i32 to index
      %get3A_304 = arith.constant 0 : index
      %get3A_305 = tpu.vector_load %arg4[%get3A_303, %get3A_304] {strides = array<i32>} : memref<2048x16xf32, #tpu.memory_space<vmem>>, vector<16xf32>,
      %min3A_306 = arith.minimumf %scan3A_278, %get3A_305 : vector<16xf32>
      %max3A_307 = arith.maximumf %scan3A_286, %get3A_305 : vector<16xf32>
      %add3A_308 = arith.constant 2 : i32
      %add3A_309 = arith.addi %mul3A_294, %add3A_308 : i32
      %get3A_310 = arith.index_cast %add3A_309 : i32 to index
      %get3A_311 = arith.constant 0 : index
      %get3A_312 = tpu.vector_load %arg4[%get3A_310, %get3A_311] {strides = array<i32>} : memref<2048x16xf32, #tpu.memory_space<vmem>>, vector<16xf32>,
      %min3A_313 = arith.minimumf %scan3A_279, %get3A_312 : vector<16xf32>
      %max3A_314 = arith.maximumf %scan3A_287, %get3A_312 : vector<16xf32>
      %add3A_315 = arith.constant 3 : i32
      %add3A_316 = arith.addi %mul3A_294, %add3A_315 : i32
      %get3A_317 = arith.index_cast %add3A_316 : i32 to index
      %get3A_318 = arith.constant 0 : index
      %get3A_319 = tpu.vector_load %arg4[%get3A_317, %get3A_318] {strides = array<i32>} : memref<2048x16xf32, #tpu.memory_space<vmem>>, vector<16xf32>,
      %min3A_320 = arith.minimumf %scan3A_280, %get3A_319 : vector<16xf32>
      %max3A_321 = arith.maximumf %scan3A_288, %get3A_319 : vector<16xf32>
      %add3A_322 = arith.constant 4 : i32
      %add3A_323 = arith.addi %mul3A_294, %add3A_322 : i32
      %get3A_324 = arith.index_cast %add3A_323 : i32 to index
      %get3A_325 = arith.constant 0 : index
      %get3A_326 = tpu.vector_load %arg4[%get3A_324, %get3A_325] {strides = array<i32>} : memref<2048x16xf32, #tpu.memory_space<vmem>>, vector<16xf32>,
      %min3A_327 = arith.minimumf %scan3A_281, %get3A_326 : vector<16xf32>
      %max3A_328 = arith.maximumf %scan3A_289, %get3A_326 : vector<16xf32>
      %add3A_329 = arith.constant 5 : i32
      %add3A_330 = arith.addi %mul3A_294, %add3A_329 : i32
      %get3A_331 = arith.index_cast %add3A_330 : i32 to index
      %get3A_332 = arith.constant 0 : index
      %get3A_333 = tpu.vector_load %arg4[%get3A_331, %get3A_332] {strides = array<i32>} : memref<2048x16xf32, #tpu.memory_space<vmem>>, vector<16xf32>,
      %min3A_334 = arith.minimumf %scan3A_282, %get3A_333 : vector<16xf32>
      %max3A_335 = arith.maximumf %scan3A_290, %get3A_333 : vector<16xf32>
      %add3A_336 = arith.constant 6 : i32
      %add3A_337 = arith.addi %mul3A_294, %add3A_336 : i32
      %get3A_338 = arith.index_cast %add3A_337 : i32 to index
      %get3A_339 = arith.constant 0 : index
      %get3A_340 = tpu.vector_load %arg4[%get3A_338, %get3A_339] {strides = array<i32>} : memref<2048x16xf32, #tpu.memory_space<vmem>>, vector<16xf32>,
      %min3A_341 = arith.minimumf %scan3A_283, %get3A_340 : vector<16xf32>
      %max3A_342 = arith.maximumf %scan3A_291, %get3A_340 : vector<16xf32>
      %add3A_343 = arith.constant 7 : i32
      %add3A_344 = arith.addi %mul3A_294, %add3A_343 : i32
      %get3A_345 = arith.index_cast %add3A_344 : i32 to index
      %get3A_346 = arith.constant 0 : index
      %get3A_347 = tpu.vector_load %arg4[%get3A_345, %get3A_346] {strides = array<i32>} : memref<2048x16xf32, #tpu.memory_space<vmem>>, vector<16xf32>,
      %min3A_348 = arith.minimumf %scan3A_284, %get3A_347 : vector<16xf32>
      %max3A_349 = arith.maximumf %scan3A_292, %get3A_347 : vector<16xf32>
      scf.yield %min3A_299, %min3A_306, %min3A_313, %min3A_320, %min3A_327, %min3A_334, %min3A_341, %min3A_348, %max3A_300, %max3A_307, %max3A_314, %max3A_321, %max3A_328, %max3A_335, %max3A_342, %max3A_349 : vector<16xf32>, vector<16xf32>, vector<16xf32>, vector<16xf32>, vector<16xf32>, vector<16xf32>, vector<16xf32>, vector<16xf32>, vector<16xf32>, vector<16xf32>, vector<16xf32>, vector<16xf32>, vector<16xf32>, vector<16xf32>, vector<16xf32>, vector<16xf32>
    }
    %scan3A_214 = arith.constant 256 : i32
    %add3A_215 = arith.constant 28672 : i32
    %add3A_216 = arith.addi %mul3A_2, %add3A_215 : i32
    %dma_start3A_217 = arith.constant 0 : i32
    %dma_start3A_218 = tpu.memref_slice %arg2[%add3A_216, %dma_start3A_217] : memref<1048576x16xf32, #tpu.memory_space<hbm>> -> memref<2048x16xf32, #tpu.memory_space<hbm>>
    %dma_start3A_219 = arith.constant 0 : i32
    %dma_start3A_220 = tpu.memref_slice %arg2[%add3A_216, %dma_start3A_219] : memref<1048576x16xf32, #tpu.memory_space<hbm>> -> memref<2048x16xf32, #tpu.memory_space<hbm>>
    tpu.enqueue_dma source(%dma_start3A_220 : memref<2048x16xf32, #tpu.memory_space<hbm>>) target(%arg4 : memref<2048x16xf32, #tpu.memory_space<vmem>>) target_semaphore(%arg7 : memref<!tpu.dma_semaphore, #tpu.memory_space<semaphore_mem>>)
    %dma_wait3A_221 = arith.constant 0 : i32
    %dma_wait3A_222 = tpu.memref_slice %arg2[%add3A_200, %dma_wait3A_221] : memref<1048576x16xf32, #tpu.memory_space<hbm>> -> memref<2048x16xf32, #tpu.memory_space<hbm>>
    %dma_wait3A_223 = arith.constant 0 : i32
    %dma_wait3A_224 = tpu.memref_slice %arg2[%add3A_200, %dma_wait3A_223] : memref<1048576x16xf32, #tpu.memory_space<hbm>> -> memref<2048x16xf32, #tpu.memory_space<hbm>>
    tpu.wait_dma2 semaphore(%arg8 : memref<!tpu.dma_semaphore, #tpu.memory_space<semaphore_mem>>) src(%dma_wait3A_224 : memref<2048x16xf32, #tpu.memory_space<hbm>>) dst(%arg5 : memref<2048x16xf32, #tpu.memory_space<vmem>>)
    %scan3A_225 = arith.constant 0 : i32
    %scan3A_226 = arith.constant 256 : i32
    %scan3A_227 = arith.addi %scan3A_225, %scan3A_226 : i32
    %scan3A_228 = arith.constant 1 : i32
    %scan3A_229:16 = scf.for %scan3A_276 = %scan3A_225 to %scan3A_227 step %scan3A_228 iter_args(%scan3A_277 = %scan3A_213#0, %scan3A_278 = %scan3A_213#1, %scan3A_279 = %scan3A_213#2, %scan3A_280 = %scan3A_213#3, %scan3A_281 = %scan3A_213#4, %scan3A_282 = %scan3A_213#5, %scan3A_283 = %scan3A_213#6, %scan3A_284 = %scan3A_213#7, %scan3A_285 = %scan3A_213#8, %scan3A_286 = %scan3A_213#9, %scan3A_287 = %scan3A_213#10, %scan3A_288 = %scan3A_213#11, %scan3A_289 = %scan3A_213#12, %scan3A_290 = %scan3A_213#13, %scan3A_291 = %scan3A_213#14, %scan3A_292 = %scan3A_213#15) -> (vector<16xf32>, vector<16xf32>, vector<16xf32>, vector<16xf32>, vector<16xf32>, vector<16xf32>, vector<16xf32>, vector<16xf32>, vector<16xf32>, vector<16xf32>, vector<16xf32>, vector<16xf32>, vector<16xf32>, vector<16xf32>, vector<16xf32>, vector<16xf32>)  : i32 {
      %mul3A_293 = arith.constant 8 : i32
      %mul3A_294 = arith.muli %scan3A_276, %mul3A_293 : i32
      %add3A_295 = arith.constant 0 : i32
      %add3A_296 = arith.addi %mul3A_294, %add3A_295 : i32
      %get3A = arith.index_cast %add3A_296 : i32 to index
      %get3A_297 = arith.constant 0 : index
      %get3A_298 = tpu.vector_load %arg5[%get3A, %get3A_297] {strides = array<i32>} : memref<2048x16xf32, #tpu.memory_space<vmem>>, vector<16xf32>,
      %min3A_299 = arith.minimumf %scan3A_277, %get3A_298 : vector<16xf32>
      %max3A_300 = arith.maximumf %scan3A_285, %get3A_298 : vector<16xf32>
      %add3A_301 = arith.constant 1 : i32
      %add3A_302 = arith.addi %mul3A_294, %add3A_301 : i32
      %get3A_303 = arith.index_cast %add3A_302 : i32 to index
      %get3A_304 = arith.constant 0 : index
      %get3A_305 = tpu.vector_load %arg5[%get3A_303, %get3A_304] {strides = array<i32>} : memref<2048x16xf32, #tpu.memory_space<vmem>>, vector<16xf32>,
      %min3A_306 = arith.minimumf %scan3A_278, %get3A_305 : vector<16xf32>
      %max3A_307 = arith.maximumf %scan3A_286, %get3A_305 : vector<16xf32>
      %add3A_308 = arith.constant 2 : i32
      %add3A_309 = arith.addi %mul3A_294, %add3A_308 : i32
      %get3A_310 = arith.index_cast %add3A_309 : i32 to index
      %get3A_311 = arith.constant 0 : index
      %get3A_312 = tpu.vector_load %arg5[%get3A_310, %get3A_311] {strides = array<i32>} : memref<2048x16xf32, #tpu.memory_space<vmem>>, vector<16xf32>,
      %min3A_313 = arith.minimumf %scan3A_279, %get3A_312 : vector<16xf32>
      %max3A_314 = arith.maximumf %scan3A_287, %get3A_312 : vector<16xf32>
      %add3A_315 = arith.constant 3 : i32
      %add3A_316 = arith.addi %mul3A_294, %add3A_315 : i32
      %get3A_317 = arith.index_cast %add3A_316 : i32 to index
      %get3A_318 = arith.constant 0 : index
      %get3A_319 = tpu.vector_load %arg5[%get3A_317, %get3A_318] {strides = array<i32>} : memref<2048x16xf32, #tpu.memory_space<vmem>>, vector<16xf32>,
      %min3A_320 = arith.minimumf %scan3A_280, %get3A_319 : vector<16xf32>
      %max3A_321 = arith.maximumf %scan3A_288, %get3A_319 : vector<16xf32>
      %add3A_322 = arith.constant 4 : i32
      %add3A_323 = arith.addi %mul3A_294, %add3A_322 : i32
      %get3A_324 = arith.index_cast %add3A_323 : i32 to index
      %get3A_325 = arith.constant 0 : index
      %get3A_326 = tpu.vector_load %arg5[%get3A_324, %get3A_325] {strides = array<i32>} : memref<2048x16xf32, #tpu.memory_space<vmem>>, vector<16xf32>,
      %min3A_327 = arith.minimumf %scan3A_281, %get3A_326 : vector<16xf32>
      %max3A_328 = arith.maximumf %scan3A_289, %get3A_326 : vector<16xf32>
      %add3A_329 = arith.constant 5 : i32
      %add3A_330 = arith.addi %mul3A_294, %add3A_329 : i32
      %get3A_331 = arith.index_cast %add3A_330 : i32 to index
      %get3A_332 = arith.constant 0 : index
      %get3A_333 = tpu.vector_load %arg5[%get3A_331, %get3A_332] {strides = array<i32>} : memref<2048x16xf32, #tpu.memory_space<vmem>>, vector<16xf32>,
      %min3A_334 = arith.minimumf %scan3A_282, %get3A_333 : vector<16xf32>
      %max3A_335 = arith.maximumf %scan3A_290, %get3A_333 : vector<16xf32>
      %add3A_336 = arith.constant 6 : i32
      %add3A_337 = arith.addi %mul3A_294, %add3A_336 : i32
      %get3A_338 = arith.index_cast %add3A_337 : i32 to index
      %get3A_339 = arith.constant 0 : index
      %get3A_340 = tpu.vector_load %arg5[%get3A_338, %get3A_339] {strides = array<i32>} : memref<2048x16xf32, #tpu.memory_space<vmem>>, vector<16xf32>,
      %min3A_341 = arith.minimumf %scan3A_283, %get3A_340 : vector<16xf32>
      %max3A_342 = arith.maximumf %scan3A_291, %get3A_340 : vector<16xf32>
      %add3A_343 = arith.constant 7 : i32
      %add3A_344 = arith.addi %mul3A_294, %add3A_343 : i32
      %get3A_345 = arith.index_cast %add3A_344 : i32 to index
      %get3A_346 = arith.constant 0 : index
      %get3A_347 = tpu.vector_load %arg5[%get3A_345, %get3A_346] {strides = array<i32>} : memref<2048x16xf32, #tpu.memory_space<vmem>>, vector<16xf32>,
      %min3A_348 = arith.minimumf %scan3A_284, %get3A_347 : vector<16xf32>
      %max3A_349 = arith.maximumf %scan3A_292, %get3A_347 : vector<16xf32>
      scf.yield %min3A_299, %min3A_306, %min3A_313, %min3A_320, %min3A_327, %min3A_334, %min3A_341, %min3A_348, %max3A_300, %max3A_307, %max3A_314, %max3A_321, %max3A_328, %max3A_335, %max3A_342, %max3A_349 : vector<16xf32>, vector<16xf32>, vector<16xf32>, vector<16xf32>, vector<16xf32>, vector<16xf32>, vector<16xf32>, vector<16xf32>, vector<16xf32>, vector<16xf32>, vector<16xf32>, vector<16xf32>, vector<16xf32>, vector<16xf32>, vector<16xf32>, vector<16xf32>
    }
    %scan3A_230 = arith.constant 256 : i32
    %add3A_231 = arith.constant 30720 : i32
    %add3A_232 = arith.addi %mul3A_2, %add3A_231 : i32
    %dma_start3A_233 = arith.constant 0 : i32
    %dma_start3A_234 = tpu.memref_slice %arg2[%add3A_232, %dma_start3A_233] : memref<1048576x16xf32, #tpu.memory_space<hbm>> -> memref<2048x16xf32, #tpu.memory_space<hbm>>
    %dma_start3A_235 = arith.constant 0 : i32
    %dma_start3A_236 = tpu.memref_slice %arg2[%add3A_232, %dma_start3A_235] : memref<1048576x16xf32, #tpu.memory_space<hbm>> -> memref<2048x16xf32, #tpu.memory_space<hbm>>
    tpu.enqueue_dma source(%dma_start3A_236 : memref<2048x16xf32, #tpu.memory_space<hbm>>) target(%arg5 : memref<2048x16xf32, #tpu.memory_space<vmem>>) target_semaphore(%arg8 : memref<!tpu.dma_semaphore, #tpu.memory_space<semaphore_mem>>)
    %dma_wait3A_237 = arith.constant 0 : i32
    %dma_wait3A_238 = tpu.memref_slice %arg2[%add3A_216, %dma_wait3A_237] : memref<1048576x16xf32, #tpu.memory_space<hbm>> -> memref<2048x16xf32, #tpu.memory_space<hbm>>
    %dma_wait3A_239 = arith.constant 0 : i32
    %dma_wait3A_240 = tpu.memref_slice %arg2[%add3A_216, %dma_wait3A_239] : memref<1048576x16xf32, #tpu.memory_space<hbm>> -> memref<2048x16xf32, #tpu.memory_space<hbm>>
    tpu.wait_dma2 semaphore(%arg7 : memref<!tpu.dma_semaphore, #tpu.memory_space<semaphore_mem>>) src(%dma_wait3A_240 : memref<2048x16xf32, #tpu.memory_space<hbm>>) dst(%arg4 : memref<2048x16xf32, #tpu.memory_space<vmem>>)
    %scan3A_241 = arith.constant 0 : i32
    %scan3A_242 = arith.constant 256 : i32
    %scan3A_243 = arith.addi %scan3A_241, %scan3A_242 : i32
    %scan3A_244 = arith.constant 1 : i32
    %scan3A_245:16 = scf.for %scan3A_276 = %scan3A_241 to %scan3A_243 step %scan3A_244 iter_args(%scan3A_277 = %scan3A_229#0, %scan3A_278 = %scan3A_229#1, %scan3A_279 = %scan3A_229#2, %scan3A_280 = %scan3A_229#3, %scan3A_281 = %scan3A_229#4, %scan3A_282 = %scan3A_229#5, %scan3A_283 = %scan3A_229#6, %scan3A_284 = %scan3A_229#7, %scan3A_285 = %scan3A_229#8, %scan3A_286 = %scan3A_229#9, %scan3A_287 = %scan3A_229#10, %scan3A_288 = %scan3A_229#11, %scan3A_289 = %scan3A_229#12, %scan3A_290 = %scan3A_229#13, %scan3A_291 = %scan3A_229#14, %scan3A_292 = %scan3A_229#15) -> (vector<16xf32>, vector<16xf32>, vector<16xf32>, vector<16xf32>, vector<16xf32>, vector<16xf32>, vector<16xf32>, vector<16xf32>, vector<16xf32>, vector<16xf32>, vector<16xf32>, vector<16xf32>, vector<16xf32>, vector<16xf32>, vector<16xf32>, vector<16xf32>)  : i32 {
      %mul3A_293 = arith.constant 8 : i32
      %mul3A_294 = arith.muli %scan3A_276, %mul3A_293 : i32
      %add3A_295 = arith.constant 0 : i32
      %add3A_296 = arith.addi %mul3A_294, %add3A_295 : i32
      %get3A = arith.index_cast %add3A_296 : i32 to index
      %get3A_297 = arith.constant 0 : index
      %get3A_298 = tpu.vector_load %arg4[%get3A, %get3A_297] {strides = array<i32>} : memref<2048x16xf32, #tpu.memory_space<vmem>>, vector<16xf32>,
      %min3A_299 = arith.minimumf %scan3A_277, %get3A_298 : vector<16xf32>
      %max3A_300 = arith.maximumf %scan3A_285, %get3A_298 : vector<16xf32>
      %add3A_301 = arith.constant 1 : i32
      %add3A_302 = arith.addi %mul3A_294, %add3A_301 : i32
      %get3A_303 = arith.index_cast %add3A_302 : i32 to index
      %get3A_304 = arith.constant 0 : index
      %get3A_305 = tpu.vector_load %arg4[%get3A_303, %get3A_304] {strides = array<i32>} : memref<2048x16xf32, #tpu.memory_space<vmem>>, vector<16xf32>,
      %min3A_306 = arith.minimumf %scan3A_278, %get3A_305 : vector<16xf32>
      %max3A_307 = arith.maximumf %scan3A_286, %get3A_305 : vector<16xf32>
      %add3A_308 = arith.constant 2 : i32
      %add3A_309 = arith.addi %mul3A_294, %add3A_308 : i32
      %get3A_310 = arith.index_cast %add3A_309 : i32 to index
      %get3A_311 = arith.constant 0 : index
      %get3A_312 = tpu.vector_load %arg4[%get3A_310, %get3A_311] {strides = array<i32>} : memref<2048x16xf32, #tpu.memory_space<vmem>>, vector<16xf32>,
      %min3A_313 = arith.minimumf %scan3A_279, %get3A_312 : vector<16xf32>
      %max3A_314 = arith.maximumf %scan3A_287, %get3A_312 : vector<16xf32>
      %add3A_315 = arith.constant 3 : i32
      %add3A_316 = arith.addi %mul3A_294, %add3A_315 : i32
      %get3A_317 = arith.index_cast %add3A_316 : i32 to index
      %get3A_318 = arith.constant 0 : index
      %get3A_319 = tpu.vector_load %arg4[%get3A_317, %get3A_318] {strides = array<i32>} : memref<2048x16xf32, #tpu.memory_space<vmem>>, vector<16xf32>,
      %min3A_320 = arith.minimumf %scan3A_280, %get3A_319 : vector<16xf32>
      %max3A_321 = arith.maximumf %scan3A_288, %get3A_319 : vector<16xf32>
      %add3A_322 = arith.constant 4 : i32
      %add3A_323 = arith.addi %mul3A_294, %add3A_322 : i32
      %get3A_324 = arith.index_cast %add3A_323 : i32 to index
      %get3A_325 = arith.constant 0 : index
      %get3A_326 = tpu.vector_load %arg4[%get3A_324, %get3A_325] {strides = array<i32>} : memref<2048x16xf32, #tpu.memory_space<vmem>>, vector<16xf32>,
      %min3A_327 = arith.minimumf %scan3A_281, %get3A_326 : vector<16xf32>
      %max3A_328 = arith.maximumf %scan3A_289, %get3A_326 : vector<16xf32>
      %add3A_329 = arith.constant 5 : i32
      %add3A_330 = arith.addi %mul3A_294, %add3A_329 : i32
      %get3A_331 = arith.index_cast %add3A_330 : i32 to index
      %get3A_332 = arith.constant 0 : index
      %get3A_333 = tpu.vector_load %arg4[%get3A_331, %get3A_332] {strides = array<i32>} : memref<2048x16xf32, #tpu.memory_space<vmem>>, vector<16xf32>,
      %min3A_334 = arith.minimumf %scan3A_282, %get3A_333 : vector<16xf32>
      %max3A_335 = arith.maximumf %scan3A_290, %get3A_333 : vector<16xf32>
      %add3A_336 = arith.constant 6 : i32
      %add3A_337 = arith.addi %mul3A_294, %add3A_336 : i32
      %get3A_338 = arith.index_cast %add3A_337 : i32 to index
      %get3A_339 = arith.constant 0 : index
      %get3A_340 = tpu.vector_load %arg4[%get3A_338, %get3A_339] {strides = array<i32>} : memref<2048x16xf32, #tpu.memory_space<vmem>>, vector<16xf32>,
      %min3A_341 = arith.minimumf %scan3A_283, %get3A_340 : vector<16xf32>
      %max3A_342 = arith.maximumf %scan3A_291, %get3A_340 : vector<16xf32>
      %add3A_343 = arith.constant 7 : i32
      %add3A_344 = arith.addi %mul3A_294, %add3A_343 : i32
      %get3A_345 = arith.index_cast %add3A_344 : i32 to index
      %get3A_346 = arith.constant 0 : index
      %get3A_347 = tpu.vector_load %arg4[%get3A_345, %get3A_346] {strides = array<i32>} : memref<2048x16xf32, #tpu.memory_space<vmem>>, vector<16xf32>,
      %min3A_348 = arith.minimumf %scan3A_284, %get3A_347 : vector<16xf32>
      %max3A_349 = arith.maximumf %scan3A_292, %get3A_347 : vector<16xf32>
      scf.yield %min3A_299, %min3A_306, %min3A_313, %min3A_320, %min3A_327, %min3A_334, %min3A_341, %min3A_348, %max3A_300, %max3A_307, %max3A_314, %max3A_321, %max3A_328, %max3A_335, %max3A_342, %max3A_349 : vector<16xf32>, vector<16xf32>, vector<16xf32>, vector<16xf32>, vector<16xf32>, vector<16xf32>, vector<16xf32>, vector<16xf32>, vector<16xf32>, vector<16xf32>, vector<16xf32>, vector<16xf32>, vector<16xf32>, vector<16xf32>, vector<16xf32>, vector<16xf32>
    }
    %scan3A_246 = arith.constant 256 : i32
    %dma_wait3A_247 = arith.constant 0 : i32
    %dma_wait3A_248 = tpu.memref_slice %arg2[%add3A_232, %dma_wait3A_247] : memref<1048576x16xf32, #tpu.memory_space<hbm>> -> memref<2048x16xf32, #tpu.memory_space<hbm>>
    %dma_wait3A_249 = arith.constant 0 : i32
    %dma_wait3A_250 = tpu.memref_slice %arg2[%add3A_232, %dma_wait3A_249] : memref<1048576x16xf32, #tpu.memory_space<hbm>> -> memref<2048x16xf32, #tpu.memory_space<hbm>>
    tpu.wait_dma2 semaphore(%arg8 : memref<!tpu.dma_semaphore, #tpu.memory_space<semaphore_mem>>) src(%dma_wait3A_250 : memref<2048x16xf32, #tpu.memory_space<hbm>>) dst(%arg5 : memref<2048x16xf32, #tpu.memory_space<vmem>>)
    %scan3A_251 = arith.constant 0 : i32
    %scan3A_252 = arith.constant 256 : i32
    %scan3A_253 = arith.addi %scan3A_251, %scan3A_252 : i32
    %scan3A_254 = arith.constant 1 : i32
    %scan3A_255:16 = scf.for %scan3A_276 = %scan3A_251 to %scan3A_253 step %scan3A_254 iter_args(%scan3A_277 = %scan3A_245#0, %scan3A_278 = %scan3A_245#1, %scan3A_279 = %scan3A_245#2, %scan3A_280 = %scan3A_245#3, %scan3A_281 = %scan3A_245#4, %scan3A_282 = %scan3A_245#5, %scan3A_283 = %scan3A_245#6, %scan3A_284 = %scan3A_245#7, %scan3A_285 = %scan3A_245#8, %scan3A_286 = %scan3A_245#9, %scan3A_287 = %scan3A_245#10, %scan3A_288 = %scan3A_245#11, %scan3A_289 = %scan3A_245#12, %scan3A_290 = %scan3A_245#13, %scan3A_291 = %scan3A_245#14, %scan3A_292 = %scan3A_245#15) -> (vector<16xf32>, vector<16xf32>, vector<16xf32>, vector<16xf32>, vector<16xf32>, vector<16xf32>, vector<16xf32>, vector<16xf32>, vector<16xf32>, vector<16xf32>, vector<16xf32>, vector<16xf32>, vector<16xf32>, vector<16xf32>, vector<16xf32>, vector<16xf32>)  : i32 {
      %mul3A_293 = arith.constant 8 : i32
      %mul3A_294 = arith.muli %scan3A_276, %mul3A_293 : i32
      %add3A_295 = arith.constant 0 : i32
      %add3A_296 = arith.addi %mul3A_294, %add3A_295 : i32
      %get3A = arith.index_cast %add3A_296 : i32 to index
      %get3A_297 = arith.constant 0 : index
      %get3A_298 = tpu.vector_load %arg5[%get3A, %get3A_297] {strides = array<i32>} : memref<2048x16xf32, #tpu.memory_space<vmem>>, vector<16xf32>,
      %min3A_299 = arith.minimumf %scan3A_277, %get3A_298 : vector<16xf32>
      %max3A_300 = arith.maximumf %scan3A_285, %get3A_298 : vector<16xf32>
      %add3A_301 = arith.constant 1 : i32
      %add3A_302 = arith.addi %mul3A_294, %add3A_301 : i32
      %get3A_303 = arith.index_cast %add3A_302 : i32 to index
      %get3A_304 = arith.constant 0 : index
      %get3A_305 = tpu.vector_load %arg5[%get3A_303, %get3A_304] {strides = array<i32>} : memref<2048x16xf32, #tpu.memory_space<vmem>>, vector<16xf32>,
      %min3A_306 = arith.minimumf %scan3A_278, %get3A_305 : vector<16xf32>
      %max3A_307 = arith.maximumf %scan3A_286, %get3A_305 : vector<16xf32>
      %add3A_308 = arith.constant 2 : i32
      %add3A_309 = arith.addi %mul3A_294, %add3A_308 : i32
      %get3A_310 = arith.index_cast %add3A_309 : i32 to index
      %get3A_311 = arith.constant 0 : index
      %get3A_312 = tpu.vector_load %arg5[%get3A_310, %get3A_311] {strides = array<i32>} : memref<2048x16xf32, #tpu.memory_space<vmem>>, vector<16xf32>,
      %min3A_313 = arith.minimumf %scan3A_279, %get3A_312 : vector<16xf32>
      %max3A_314 = arith.maximumf %scan3A_287, %get3A_312 : vector<16xf32>
      %add3A_315 = arith.constant 3 : i32
      %add3A_316 = arith.addi %mul3A_294, %add3A_315 : i32
      %get3A_317 = arith.index_cast %add3A_316 : i32 to index
      %get3A_318 = arith.constant 0 : index
      %get3A_319 = tpu.vector_load %arg5[%get3A_317, %get3A_318] {strides = array<i32>} : memref<2048x16xf32, #tpu.memory_space<vmem>>, vector<16xf32>,
      %min3A_320 = arith.minimumf %scan3A_280, %get3A_319 : vector<16xf32>
      %max3A_321 = arith.maximumf %scan3A_288, %get3A_319 : vector<16xf32>
      %add3A_322 = arith.constant 4 : i32
      %add3A_323 = arith.addi %mul3A_294, %add3A_322 : i32
      %get3A_324 = arith.index_cast %add3A_323 : i32 to index
      %get3A_325 = arith.constant 0 : index
      %get3A_326 = tpu.vector_load %arg5[%get3A_324, %get3A_325] {strides = array<i32>} : memref<2048x16xf32, #tpu.memory_space<vmem>>, vector<16xf32>,
      %min3A_327 = arith.minimumf %scan3A_281, %get3A_326 : vector<16xf32>
      %max3A_328 = arith.maximumf %scan3A_289, %get3A_326 : vector<16xf32>
      %add3A_329 = arith.constant 5 : i32
      %add3A_330 = arith.addi %mul3A_294, %add3A_329 : i32
      %get3A_331 = arith.index_cast %add3A_330 : i32 to index
      %get3A_332 = arith.constant 0 : index
      %get3A_333 = tpu.vector_load %arg5[%get3A_331, %get3A_332] {strides = array<i32>} : memref<2048x16xf32, #tpu.memory_space<vmem>>, vector<16xf32>,
      %min3A_334 = arith.minimumf %scan3A_282, %get3A_333 : vector<16xf32>
      %max3A_335 = arith.maximumf %scan3A_290, %get3A_333 : vector<16xf32>
      %add3A_336 = arith.constant 6 : i32
      %add3A_337 = arith.addi %mul3A_294, %add3A_336 : i32
      %get3A_338 = arith.index_cast %add3A_337 : i32 to index
      %get3A_339 = arith.constant 0 : index
      %get3A_340 = tpu.vector_load %arg5[%get3A_338, %get3A_339] {strides = array<i32>} : memref<2048x16xf32, #tpu.memory_space<vmem>>, vector<16xf32>,
      %min3A_341 = arith.minimumf %scan3A_283, %get3A_340 : vector<16xf32>
      %max3A_342 = arith.maximumf %scan3A_291, %get3A_340 : vector<16xf32>
      %add3A_343 = arith.constant 7 : i32
      %add3A_344 = arith.addi %mul3A_294, %add3A_343 : i32
      %get3A_345 = arith.index_cast %add3A_344 : i32 to index
      %get3A_346 = arith.constant 0 : index
      %get3A_347 = tpu.vector_load %arg5[%get3A_345, %get3A_346] {strides = array<i32>} : memref<2048x16xf32, #tpu.memory_space<vmem>>, vector<16xf32>,
      %min3A_348 = arith.minimumf %scan3A_284, %get3A_347 : vector<16xf32>
      %max3A_349 = arith.maximumf %scan3A_292, %get3A_347 : vector<16xf32>
      scf.yield %min3A_299, %min3A_306, %min3A_313, %min3A_320, %min3A_327, %min3A_334, %min3A_341, %min3A_348, %max3A_300, %max3A_307, %max3A_314, %max3A_321, %max3A_328, %max3A_335, %max3A_342, %max3A_349 : vector<16xf32>, vector<16xf32>, vector<16xf32>, vector<16xf32>, vector<16xf32>, vector<16xf32>, vector<16xf32>, vector<16xf32>, vector<16xf32>, vector<16xf32>, vector<16xf32>, vector<16xf32>, vector<16xf32>, vector<16xf32>, vector<16xf32>, vector<16xf32>
    }
    %scan3A_256 = arith.constant 256 : i32
    %min3A = arith.minimumf %scan3A_255#0, %scan3A_255#1 : vector<16xf32>
    %max3A = arith.maximumf %scan3A_255#8, %scan3A_255#9 : vector<16xf32>
    %min3A_257 = arith.minimumf %min3A, %scan3A_255#2 : vector<16xf32>
    %max3A_258 = arith.maximumf %max3A, %scan3A_255#10 : vector<16xf32>
    %min3A_259 = arith.minimumf %min3A_257, %scan3A_255#3 : vector<16xf32>
    %max3A_260 = arith.maximumf %max3A_258, %scan3A_255#11 : vector<16xf32>
    %min3A_261 = arith.minimumf %min3A_259, %scan3A_255#4 : vector<16xf32>
    %max3A_262 = arith.maximumf %max3A_260, %scan3A_255#12 : vector<16xf32>
    %min3A_263 = arith.minimumf %min3A_261, %scan3A_255#5 : vector<16xf32>
    %max3A_264 = arith.maximumf %max3A_262, %scan3A_255#13 : vector<16xf32>
    %min3A_265 = arith.minimumf %min3A_263, %scan3A_255#6 : vector<16xf32>
    %max3A_266 = arith.maximumf %max3A_264, %scan3A_255#14 : vector<16xf32>
    %min3A_267 = arith.minimumf %min3A_265, %scan3A_255#7 : vector<16xf32>
    %max3A_268 = arith.maximumf %max3A_266, %scan3A_255#15 : vector<16xf32>
    %swap3A = arith.constant 0 : i32
    %swap3A_269 = arith.index_cast %swap3A : i32 to index
    %swap3A_270 = arith.constant 0 : index
    %swap3A_271 = tpu.vector_load %arg6[%swap3A_269, %swap3A_270] {strides = array<i32>} : memref<2x16xf32, #tpu.memory_space<vmem>>, vector<16xf32>,
    tpu.vector_store %arg6[%swap3A_269, %swap3A_270], %min3A_267 {strides = array<i32>} : memref<2x16xf32, #tpu.memory_space<vmem>>, vector<16xf32>,
    %swap3A_272 = arith.constant 1 : i32
    %swap3A_273 = arith.index_cast %swap3A_272 : i32 to index
    %swap3A_274 = arith.constant 0 : index
    %swap3A_275 = tpu.vector_load %arg6[%swap3A_273, %swap3A_274] {strides = array<i32>} : memref<2x16xf32, #tpu.memory_space<vmem>>, vector<16xf32>,
    tpu.vector_store %arg6[%swap3A_273, %swap3A_274], %max3A_268 {strides = array<i32>} : memref<2x16xf32, #tpu.memory_space<vmem>>, vector<16xf32>,
    "tpu.region"() ({
      %run_scoped3A = tpu.sem_alloc : memref<!tpu.dma_semaphore, #tpu.memory_space<semaphore_mem>>
      %dma_start3A_276 = arith.constant 0 : i32
      %dma_start3A_277 = arith.constant 0 : i32
      %dma_start3A_278 = tpu.memref_slice %arg3[%add3A, %dma_start3A_276, %dma_start3A_277] : memref<32x2x16xf32, #tpu.memory_space<hbm>> -> memref<1x2x16xf32, #tpu.memory_space<hbm>>
      %dma_start3A_279 = tpu.memref_squeeze %dma_start3A_278 : memref<1x2x16xf32, #tpu.memory_space<hbm>> -> memref<2x16xf32, #tpu.memory_space<hbm>>
      %dma_start3A_280 = arith.constant 0 : i32
      %dma_start3A_281 = arith.constant 0 : i32
      %dma_start3A_282 = tpu.memref_slice %arg3[%add3A, %dma_start3A_280, %dma_start3A_281] : memref<32x2x16xf32, #tpu.memory_space<hbm>> -> memref<1x2x16xf32, #tpu.memory_space<hbm>>
      %dma_start3A_283 = tpu.memref_squeeze %dma_start3A_282 : memref<1x2x16xf32, #tpu.memory_space<hbm>> -> memref<2x16xf32, #tpu.memory_space<hbm>>
      tpu.enqueue_dma source(%arg6 : memref<2x16xf32, #tpu.memory_space<vmem>>) target(%dma_start3A_283 : memref<2x16xf32, #tpu.memory_space<hbm>>) target_semaphore(%run_scoped3A : memref<!tpu.dma_semaphore, #tpu.memory_space<semaphore_mem>>)
      %dma_wait3A_284 = arith.constant 0 : i32
      %dma_wait3A_285 = arith.constant 0 : i32
      %dma_wait3A_286 = tpu.memref_slice %arg3[%add3A, %dma_wait3A_284, %dma_wait3A_285] : memref<32x2x16xf32, #tpu.memory_space<hbm>> -> memref<1x2x16xf32, #tpu.memory_space<hbm>>
      %dma_wait3A_287 = tpu.memref_squeeze %dma_wait3A_286 : memref<1x2x16xf32, #tpu.memory_space<hbm>> -> memref<2x16xf32, #tpu.memory_space<hbm>>
      %dma_wait3A_288 = arith.constant 0 : i32
      %dma_wait3A_289 = arith.constant 0 : i32
      %dma_wait3A_290 = tpu.memref_slice %arg3[%add3A, %dma_wait3A_288, %dma_wait3A_289] : memref<32x2x16xf32, #tpu.memory_space<hbm>> -> memref<1x2x16xf32, #tpu.memory_space<hbm>>
      %dma_wait3A_291 = tpu.memref_squeeze %dma_wait3A_290 : memref<1x2x16xf32, #tpu.memory_space<hbm>> -> memref<2x16xf32, #tpu.memory_space<hbm>>
      tpu.wait_dma2 semaphore(%run_scoped3A : memref<!tpu.dma_semaphore, #tpu.memory_space<semaphore_mem>>) src(%arg6 : memref<2x16xf32, #tpu.memory_space<vmem>>) dst(%dma_wait3A_291 : memref<2x16xf32, #tpu.memory_space<hbm>>)
      tpu.yield
    }) : () -> ()
    return
  }
}

#map = affine_map<(d0, d1) -> (0, 0)>
#map1 = affine_map<(d0, d1) -> (0, 0, 0)>
module attributes {stable_mosaic.version = 14 : i64} {
  func.func @_sc_hist(%arg0: i32, %arg1: i32, %arg2: memref<1048576x16xf32, #tpu.memory_space<hbm>>, %arg3: memref<32x2x16xf32, #tpu.memory_space<hbm>>, %arg4: memref<32x2048xf32, #tpu.memory_space<hbm>>, %arg5: memref<2x16xf32, #tpu.memory_space<hbm>>, %arg6: memref<1048576x16xf32, #tpu.memory_space<hbm>>, %arg7: memref<2048x16xf32, #tpu.memory_space<vmem>>, %arg8: memref<2048x16xf32, #tpu.memory_space<vmem>>, %arg9: memref<32896xf32, #tpu.memory_space<vmem>>, %arg10: memref<2048xf32, #tpu.memory_space<vmem>>, %arg11: memref<32x2x16xf32, #tpu.memory_space<vmem>>, %arg12: memref<2x16xf32, #tpu.memory_space<vmem>>, %arg13: memref<!tpu.dma_semaphore, #tpu.memory_space<semaphore_mem>>, %arg14: memref<!tpu.dma_semaphore, #tpu.memory_space<semaphore_mem>>, %arg15: memref<!tpu.dma_semaphore, #tpu.memory_space<semaphore_mem>>, %arg16: memref<!tpu.dma_semaphore, #tpu.memory_space<semaphore_mem>>) attributes {dimension_semantics = [#tpu.dimension_semantics<core_parallel>, #tpu.dimension_semantics<subcore_parallel>], iteration_bounds = array<i64: 2, 16>, scalar_prefetch = 0 : i64, scratch_operands = 10 : i64, tpu.core_type = #tpu.core_type<sc_vector_subcore>, window_params = [{transform_indices = #map}, {transform_indices = #map1}, {transform_indices = #map}, {transform_indices = #map}, {transform_indices = #map}]} {
    %mul3A = arith.constant 2 : i32
    %mul3A_0 = arith.muli %arg1, %mul3A : i32
    %add3A = arith.addi %mul3A_0, %arg0 : i32
    %mul3A_1 = arith.constant 32768 : i32
    %mul3A_2 = arith.muli %add3A, %mul3A_1 : i32
    "tpu.region"() ({
      %run_scoped3A = tpu.sem_alloc : memref<!tpu.dma_semaphore, #tpu.memory_space<semaphore_mem>>
      tpu.enqueue_dma source(%arg3 : memref<32x2x16xf32, #tpu.memory_space<hbm>>) target(%arg11 : memref<32x2x16xf32, #tpu.memory_space<vmem>>) target_semaphore(%run_scoped3A : memref<!tpu.dma_semaphore, #tpu.memory_space<semaphore_mem>>)
      tpu.wait_dma2 semaphore(%run_scoped3A : memref<!tpu.dma_semaphore, #tpu.memory_space<semaphore_mem>>) src(%arg3 : memref<32x2x16xf32, #tpu.memory_space<hbm>>) dst(%arg11 : memref<32x2x16xf32, #tpu.memory_space<vmem>>)
      tpu.yield
    }) : () -> ()
    %get3A = arith.constant 0 : i32
    %get3A_3 = arith.constant 0 : i32
    %get3A_4 = arith.index_cast %get3A : i32 to index
    %get3A_5 = arith.index_cast %get3A_3 : i32 to index
    %get3A_6 = arith.constant 0 : index
    %get3A_7 = tpu.vector_load %arg11[%get3A_4, %get3A_5, %get3A_6] {strides = array<i32>} : memref<32x2x16xf32, #tpu.memory_space<vmem>>, vector<16xf32>,
    %get3A_8 = arith.constant 0 : i32
    %get3A_9 = arith.constant 1 : i32
    %get3A_10 = arith.index_cast %get3A_8 : i32 to index
    %get3A_11 = arith.index_cast %get3A_9 : i32 to index
    %get3A_12 = arith.constant 0 : index
    %get3A_13 = tpu.vector_load %arg11[%get3A_10, %get3A_11, %get3A_12] {strides = array<i32>} : memref<32x2x16xf32, #tpu.memory_space<vmem>>, vector<16xf32>,
    %get3A_14 = arith.constant 1 : i32
    %get3A_15 = arith.constant 0 : i32
    %get3A_16 = arith.index_cast %get3A_14 : i32 to index
    %get3A_17 = arith.index_cast %get3A_15 : i32 to index
    %get3A_18 = arith.constant 0 : index
    %get3A_19 = tpu.vector_load %arg11[%get3A_16, %get3A_17, %get3A_18] {strides = array<i32>} : memref<32x2x16xf32, #tpu.memory_space<vmem>>, vector<16xf32>,
    %min3A = arith.minimumf %get3A_7, %get3A_19 : vector<16xf32>
    %get3A_20 = arith.constant 1 : i32
    %get3A_21 = arith.constant 1 : i32
    %get3A_22 = arith.index_cast %get3A_20 : i32 to index
    %get3A_23 = arith.index_cast %get3A_21 : i32 to index
    %get3A_24 = arith.constant 0 : index
    %get3A_25 = tpu.vector_load %arg11[%get3A_22, %get3A_23, %get3A_24] {strides = array<i32>} : memref<32x2x16xf32, #tpu.memory_space<vmem>>, vector<16xf32>,
    %max3A = arith.maximumf %get3A_13, %get3A_25 : vector<16xf32>
    %get3A_26 = arith.constant 2 : i32
    %get3A_27 = arith.constant 0 : i32
    %get3A_28 = arith.index_cast %get3A_26 : i32 to index
    %get3A_29 = arith.index_cast %get3A_27 : i32 to index
    %get3A_30 = arith.constant 0 : index
    %get3A_31 = tpu.vector_load %arg11[%get3A_28, %get3A_29, %get3A_30] {strides = array<i32>} : memref<32x2x16xf32, #tpu.memory_space<vmem>>, vector<16xf32>,
    %min3A_32 = arith.minimumf %min3A, %get3A_31 : vector<16xf32>
    %get3A_33 = arith.constant 2 : i32
    %get3A_34 = arith.constant 1 : i32
    %get3A_35 = arith.index_cast %get3A_33 : i32 to index
    %get3A_36 = arith.index_cast %get3A_34 : i32 to index
    %get3A_37 = arith.constant 0 : index
    %get3A_38 = tpu.vector_load %arg11[%get3A_35, %get3A_36, %get3A_37] {strides = array<i32>} : memref<32x2x16xf32, #tpu.memory_space<vmem>>, vector<16xf32>,
    %max3A_39 = arith.maximumf %max3A, %get3A_38 : vector<16xf32>
    %get3A_40 = arith.constant 3 : i32
    %get3A_41 = arith.constant 0 : i32
    %get3A_42 = arith.index_cast %get3A_40 : i32 to index
    %get3A_43 = arith.index_cast %get3A_41 : i32 to index
    %get3A_44 = arith.constant 0 : index
    %get3A_45 = tpu.vector_load %arg11[%get3A_42, %get3A_43, %get3A_44] {strides = array<i32>} : memref<32x2x16xf32, #tpu.memory_space<vmem>>, vector<16xf32>,
    %min3A_46 = arith.minimumf %min3A_32, %get3A_45 : vector<16xf32>
    %get3A_47 = arith.constant 3 : i32
    %get3A_48 = arith.constant 1 : i32
    %get3A_49 = arith.index_cast %get3A_47 : i32 to index
    %get3A_50 = arith.index_cast %get3A_48 : i32 to index
    %get3A_51 = arith.constant 0 : index
    %get3A_52 = tpu.vector_load %arg11[%get3A_49, %get3A_50, %get3A_51] {strides = array<i32>} : memref<32x2x16xf32, #tpu.memory_space<vmem>>, vector<16xf32>,
    %max3A_53 = arith.maximumf %max3A_39, %get3A_52 : vector<16xf32>
    %get3A_54 = arith.constant 4 : i32
    %get3A_55 = arith.constant 0 : i32
    %get3A_56 = arith.index_cast %get3A_54 : i32 to index
    %get3A_57 = arith.index_cast %get3A_55 : i32 to index
    %get3A_58 = arith.constant 0 : index
    %get3A_59 = tpu.vector_load %arg11[%get3A_56, %get3A_57, %get3A_58] {strides = array<i32>} : memref<32x2x16xf32, #tpu.memory_space<vmem>>, vector<16xf32>,
    %min3A_60 = arith.minimumf %min3A_46, %get3A_59 : vector<16xf32>
    %get3A_61 = arith.constant 4 : i32
    %get3A_62 = arith.constant 1 : i32
    %get3A_63 = arith.index_cast %get3A_61 : i32 to index
    %get3A_64 = arith.index_cast %get3A_62 : i32 to index
    %get3A_65 = arith.constant 0 : index
    %get3A_66 = tpu.vector_load %arg11[%get3A_63, %get3A_64, %get3A_65] {strides = array<i32>} : memref<32x2x16xf32, #tpu.memory_space<vmem>>, vector<16xf32>,
    %max3A_67 = arith.maximumf %max3A_53, %get3A_66 : vector<16xf32>
    %get3A_68 = arith.constant 5 : i32
    %get3A_69 = arith.constant 0 : i32
    %get3A_70 = arith.index_cast %get3A_68 : i32 to index
    %get3A_71 = arith.index_cast %get3A_69 : i32 to index
    %get3A_72 = arith.constant 0 : index
    %get3A_73 = tpu.vector_load %arg11[%get3A_70, %get3A_71, %get3A_72] {strides = array<i32>} : memref<32x2x16xf32, #tpu.memory_space<vmem>>, vector<16xf32>,
    %min3A_74 = arith.minimumf %min3A_60, %get3A_73 : vector<16xf32>
    %get3A_75 = arith.constant 5 : i32
    %get3A_76 = arith.constant 1 : i32
    %get3A_77 = arith.index_cast %get3A_75 : i32 to index
    %get3A_78 = arith.index_cast %get3A_76 : i32 to index
    %get3A_79 = arith.constant 0 : index
    %get3A_80 = tpu.vector_load %arg11[%get3A_77, %get3A_78, %get3A_79] {strides = array<i32>} : memref<32x2x16xf32, #tpu.memory_space<vmem>>, vector<16xf32>,
    %max3A_81 = arith.maximumf %max3A_67, %get3A_80 : vector<16xf32>
    %get3A_82 = arith.constant 6 : i32
    %get3A_83 = arith.constant 0 : i32
    %get3A_84 = arith.index_cast %get3A_82 : i32 to index
    %get3A_85 = arith.index_cast %get3A_83 : i32 to index
    %get3A_86 = arith.constant 0 : index
    %get3A_87 = tpu.vector_load %arg11[%get3A_84, %get3A_85, %get3A_86] {strides = array<i32>} : memref<32x2x16xf32, #tpu.memory_space<vmem>>, vector<16xf32>,
    %min3A_88 = arith.minimumf %min3A_74, %get3A_87 : vector<16xf32>
    %get3A_89 = arith.constant 6 : i32
    %get3A_90 = arith.constant 1 : i32
    %get3A_91 = arith.index_cast %get3A_89 : i32 to index
    %get3A_92 = arith.index_cast %get3A_90 : i32 to index
    %get3A_93 = arith.constant 0 : index
    %get3A_94 = tpu.vector_load %arg11[%get3A_91, %get3A_92, %get3A_93] {strides = array<i32>} : memref<32x2x16xf32, #tpu.memory_space<vmem>>, vector<16xf32>,
    %max3A_95 = arith.maximumf %max3A_81, %get3A_94 : vector<16xf32>
    %get3A_96 = arith.constant 7 : i32
    %get3A_97 = arith.constant 0 : i32
    %get3A_98 = arith.index_cast %get3A_96 : i32 to index
    %get3A_99 = arith.index_cast %get3A_97 : i32 to index
    %get3A_100 = arith.constant 0 : index
    %get3A_101 = tpu.vector_load %arg11[%get3A_98, %get3A_99, %get3A_100] {strides = array<i32>} : memref<32x2x16xf32, #tpu.memory_space<vmem>>, vector<16xf32>,
    %min3A_102 = arith.minimumf %min3A_88, %get3A_101 : vector<16xf32>
    %get3A_103 = arith.constant 7 : i32
    %get3A_104 = arith.constant 1 : i32
    %get3A_105 = arith.index_cast %get3A_103 : i32 to index
    %get3A_106 = arith.index_cast %get3A_104 : i32 to index
    %get3A_107 = arith.constant 0 : index
    %get3A_108 = tpu.vector_load %arg11[%get3A_105, %get3A_106, %get3A_107] {strides = array<i32>} : memref<32x2x16xf32, #tpu.memory_space<vmem>>, vector<16xf32>,
    %max3A_109 = arith.maximumf %max3A_95, %get3A_108 : vector<16xf32>
    %get3A_110 = arith.constant 8 : i32
    %get3A_111 = arith.constant 0 : i32
    %get3A_112 = arith.index_cast %get3A_110 : i32 to index
    %get3A_113 = arith.index_cast %get3A_111 : i32 to index
    %get3A_114 = arith.constant 0 : index
    %get3A_115 = tpu.vector_load %arg11[%get3A_112, %get3A_113, %get3A_114] {strides = array<i32>} : memref<32x2x16xf32, #tpu.memory_space<vmem>>, vector<16xf32>,
    %min3A_116 = arith.minimumf %min3A_102, %get3A_115 : vector<16xf32>
    %get3A_117 = arith.constant 8 : i32
    %get3A_118 = arith.constant 1 : i32
    %get3A_119 = arith.index_cast %get3A_117 : i32 to index
    %get3A_120 = arith.index_cast %get3A_118 : i32 to index
    %get3A_121 = arith.constant 0 : index
    %get3A_122 = tpu.vector_load %arg11[%get3A_119, %get3A_120, %get3A_121] {strides = array<i32>} : memref<32x2x16xf32, #tpu.memory_space<vmem>>, vector<16xf32>,
    %max3A_123 = arith.maximumf %max3A_109, %get3A_122 : vector<16xf32>
    %get3A_124 = arith.constant 9 : i32
    %get3A_125 = arith.constant 0 : i32
    %get3A_126 = arith.index_cast %get3A_124 : i32 to index
    %get3A_127 = arith.index_cast %get3A_125 : i32 to index
    %get3A_128 = arith.constant 0 : index
    %get3A_129 = tpu.vector_load %arg11[%get3A_126, %get3A_127, %get3A_128] {strides = array<i32>} : memref<32x2x16xf32, #tpu.memory_space<vmem>>, vector<16xf32>,
    %min3A_130 = arith.minimumf %min3A_116, %get3A_129 : vector<16xf32>
    %get3A_131 = arith.constant 9 : i32
    %get3A_132 = arith.constant 1 : i32
    %get3A_133 = arith.index_cast %get3A_131 : i32 to index
    %get3A_134 = arith.index_cast %get3A_132 : i32 to index
    %get3A_135 = arith.constant 0 : index
    %get3A_136 = tpu.vector_load %arg11[%get3A_133, %get3A_134, %get3A_135] {strides = array<i32>} : memref<32x2x16xf32, #tpu.memory_space<vmem>>, vector<16xf32>,
    %max3A_137 = arith.maximumf %max3A_123, %get3A_136 : vector<16xf32>
    %get3A_138 = arith.constant 10 : i32
    %get3A_139 = arith.constant 0 : i32
    %get3A_140 = arith.index_cast %get3A_138 : i32 to index
    %get3A_141 = arith.index_cast %get3A_139 : i32 to index
    %get3A_142 = arith.constant 0 : index
    %get3A_143 = tpu.vector_load %arg11[%get3A_140, %get3A_141, %get3A_142] {strides = array<i32>} : memref<32x2x16xf32, #tpu.memory_space<vmem>>, vector<16xf32>,
    %min3A_144 = arith.minimumf %min3A_130, %get3A_143 : vector<16xf32>
    %get3A_145 = arith.constant 10 : i32
    %get3A_146 = arith.constant 1 : i32
    %get3A_147 = arith.index_cast %get3A_145 : i32 to index
    %get3A_148 = arith.index_cast %get3A_146 : i32 to index
    %get3A_149 = arith.constant 0 : index
    %get3A_150 = tpu.vector_load %arg11[%get3A_147, %get3A_148, %get3A_149] {strides = array<i32>} : memref<32x2x16xf32, #tpu.memory_space<vmem>>, vector<16xf32>,
    %max3A_151 = arith.maximumf %max3A_137, %get3A_150 : vector<16xf32>
    %get3A_152 = arith.constant 11 : i32
    %get3A_153 = arith.constant 0 : i32
    %get3A_154 = arith.index_cast %get3A_152 : i32 to index
    %get3A_155 = arith.index_cast %get3A_153 : i32 to index
    %get3A_156 = arith.constant 0 : index
    %get3A_157 = tpu.vector_load %arg11[%get3A_154, %get3A_155, %get3A_156] {strides = array<i32>} : memref<32x2x16xf32, #tpu.memory_space<vmem>>, vector<16xf32>,
    %min3A_158 = arith.minimumf %min3A_144, %get3A_157 : vector<16xf32>
    %get3A_159 = arith.constant 11 : i32
    %get3A_160 = arith.constant 1 : i32
    %get3A_161 = arith.index_cast %get3A_159 : i32 to index
    %get3A_162 = arith.index_cast %get3A_160 : i32 to index
    %get3A_163 = arith.constant 0 : index
    %get3A_164 = tpu.vector_load %arg11[%get3A_161, %get3A_162, %get3A_163] {strides = array<i32>} : memref<32x2x16xf32, #tpu.memory_space<vmem>>, vector<16xf32>,
    %max3A_165 = arith.maximumf %max3A_151, %get3A_164 : vector<16xf32>
    %get3A_166 = arith.constant 12 : i32
    %get3A_167 = arith.constant 0 : i32
    %get3A_168 = arith.index_cast %get3A_166 : i32 to index
    %get3A_169 = arith.index_cast %get3A_167 : i32 to index
    %get3A_170 = arith.constant 0 : index
    %get3A_171 = tpu.vector_load %arg11[%get3A_168, %get3A_169, %get3A_170] {strides = array<i32>} : memref<32x2x16xf32, #tpu.memory_space<vmem>>, vector<16xf32>,
    %min3A_172 = arith.minimumf %min3A_158, %get3A_171 : vector<16xf32>
    %get3A_173 = arith.constant 12 : i32
    %get3A_174 = arith.constant 1 : i32
    %get3A_175 = arith.index_cast %get3A_173 : i32 to index
    %get3A_176 = arith.index_cast %get3A_174 : i32 to index
    %get3A_177 = arith.constant 0 : index
    %get3A_178 = tpu.vector_load %arg11[%get3A_175, %get3A_176, %get3A_177] {strides = array<i32>} : memref<32x2x16xf32, #tpu.memory_space<vmem>>, vector<16xf32>,
    %max3A_179 = arith.maximumf %max3A_165, %get3A_178 : vector<16xf32>
    %get3A_180 = arith.constant 13 : i32
    %get3A_181 = arith.constant 0 : i32
    %get3A_182 = arith.index_cast %get3A_180 : i32 to index
    %get3A_183 = arith.index_cast %get3A_181 : i32 to index
    %get3A_184 = arith.constant 0 : index
    %get3A_185 = tpu.vector_load %arg11[%get3A_182, %get3A_183, %get3A_184] {strides = array<i32>} : memref<32x2x16xf32, #tpu.memory_space<vmem>>, vector<16xf32>,
    %min3A_186 = arith.minimumf %min3A_172, %get3A_185 : vector<16xf32>
    %get3A_187 = arith.constant 13 : i32
    %get3A_188 = arith.constant 1 : i32
    %get3A_189 = arith.index_cast %get3A_187 : i32 to index
    %get3A_190 = arith.index_cast %get3A_188 : i32 to index
    %get3A_191 = arith.constant 0 : index
    %get3A_192 = tpu.vector_load %arg11[%get3A_189, %get3A_190, %get3A_191] {strides = array<i32>} : memref<32x2x16xf32, #tpu.memory_space<vmem>>, vector<16xf32>,
    %max3A_193 = arith.maximumf %max3A_179, %get3A_192 : vector<16xf32>
    %get3A_194 = arith.constant 14 : i32
    %get3A_195 = arith.constant 0 : i32
    %get3A_196 = arith.index_cast %get3A_194 : i32 to index
    %get3A_197 = arith.index_cast %get3A_195 : i32 to index
    %get3A_198 = arith.constant 0 : index
    %get3A_199 = tpu.vector_load %arg11[%get3A_196, %get3A_197, %get3A_198] {strides = array<i32>} : memref<32x2x16xf32, #tpu.memory_space<vmem>>, vector<16xf32>,
    %min3A_200 = arith.minimumf %min3A_186, %get3A_199 : vector<16xf32>
    %get3A_201 = arith.constant 14 : i32
    %get3A_202 = arith.constant 1 : i32
    %get3A_203 = arith.index_cast %get3A_201 : i32 to index
    %get3A_204 = arith.index_cast %get3A_202 : i32 to index
    %get3A_205 = arith.constant 0 : index
    %get3A_206 = tpu.vector_load %arg11[%get3A_203, %get3A_204, %get3A_205] {strides = array<i32>} : memref<32x2x16xf32, #tpu.memory_space<vmem>>, vector<16xf32>,
    %max3A_207 = arith.maximumf %max3A_193, %get3A_206 : vector<16xf32>
    %get3A_208 = arith.constant 15 : i32
    %get3A_209 = arith.constant 0 : i32
    %get3A_210 = arith.index_cast %get3A_208 : i32 to index
    %get3A_211 = arith.index_cast %get3A_209 : i32 to index
    %get3A_212 = arith.constant 0 : index
    %get3A_213 = tpu.vector_load %arg11[%get3A_210, %get3A_211, %get3A_212] {strides = array<i32>} : memref<32x2x16xf32, #tpu.memory_space<vmem>>, vector<16xf32>,
    %min3A_214 = arith.minimumf %min3A_200, %get3A_213 : vector<16xf32>
    %get3A_215 = arith.constant 15 : i32
    %get3A_216 = arith.constant 1 : i32
    %get3A_217 = arith.index_cast %get3A_215 : i32 to index
    %get3A_218 = arith.index_cast %get3A_216 : i32 to index
    %get3A_219 = arith.constant 0 : index
    %get3A_220 = tpu.vector_load %arg11[%get3A_217, %get3A_218, %get3A_219] {strides = array<i32>} : memref<32x2x16xf32, #tpu.memory_space<vmem>>, vector<16xf32>,
    %max3A_221 = arith.maximumf %max3A_207, %get3A_220 : vector<16xf32>
    %get3A_222 = arith.constant 16 : i32
    %get3A_223 = arith.constant 0 : i32
    %get3A_224 = arith.index_cast %get3A_222 : i32 to index
    %get3A_225 = arith.index_cast %get3A_223 : i32 to index
    %get3A_226 = arith.constant 0 : index
    %get3A_227 = tpu.vector_load %arg11[%get3A_224, %get3A_225, %get3A_226] {strides = array<i32>} : memref<32x2x16xf32, #tpu.memory_space<vmem>>, vector<16xf32>,
    %min3A_228 = arith.minimumf %min3A_214, %get3A_227 : vector<16xf32>
    %get3A_229 = arith.constant 16 : i32
    %get3A_230 = arith.constant 1 : i32
    %get3A_231 = arith.index_cast %get3A_229 : i32 to index
    %get3A_232 = arith.index_cast %get3A_230 : i32 to index
    %get3A_233 = arith.constant 0 : index
    %get3A_234 = tpu.vector_load %arg11[%get3A_231, %get3A_232, %get3A_233] {strides = array<i32>} : memref<32x2x16xf32, #tpu.memory_space<vmem>>, vector<16xf32>,
    %max3A_235 = arith.maximumf %max3A_221, %get3A_234 : vector<16xf32>
    %get3A_236 = arith.constant 17 : i32
    %get3A_237 = arith.constant 0 : i32
    %get3A_238 = arith.index_cast %get3A_236 : i32 to index
    %get3A_239 = arith.index_cast %get3A_237 : i32 to index
    %get3A_240 = arith.constant 0 : index
    %get3A_241 = tpu.vector_load %arg11[%get3A_238, %get3A_239, %get3A_240] {strides = array<i32>} : memref<32x2x16xf32, #tpu.memory_space<vmem>>, vector<16xf32>,
    %min3A_242 = arith.minimumf %min3A_228, %get3A_241 : vector<16xf32>
    %get3A_243 = arith.constant 17 : i32
    %get3A_244 = arith.constant 1 : i32
    %get3A_245 = arith.index_cast %get3A_243 : i32 to index
    %get3A_246 = arith.index_cast %get3A_244 : i32 to index
    %get3A_247 = arith.constant 0 : index
    %get3A_248 = tpu.vector_load %arg11[%get3A_245, %get3A_246, %get3A_247] {strides = array<i32>} : memref<32x2x16xf32, #tpu.memory_space<vmem>>, vector<16xf32>,
    %max3A_249 = arith.maximumf %max3A_235, %get3A_248 : vector<16xf32>
    %get3A_250 = arith.constant 18 : i32
    %get3A_251 = arith.constant 0 : i32
    %get3A_252 = arith.index_cast %get3A_250 : i32 to index
    %get3A_253 = arith.index_cast %get3A_251 : i32 to index
    %get3A_254 = arith.constant 0 : index
    %get3A_255 = tpu.vector_load %arg11[%get3A_252, %get3A_253, %get3A_254] {strides = array<i32>} : memref<32x2x16xf32, #tpu.memory_space<vmem>>, vector<16xf32>,
    %min3A_256 = arith.minimumf %min3A_242, %get3A_255 : vector<16xf32>
    %get3A_257 = arith.constant 18 : i32
    %get3A_258 = arith.constant 1 : i32
    %get3A_259 = arith.index_cast %get3A_257 : i32 to index
    %get3A_260 = arith.index_cast %get3A_258 : i32 to index
    %get3A_261 = arith.constant 0 : index
    %get3A_262 = tpu.vector_load %arg11[%get3A_259, %get3A_260, %get3A_261] {strides = array<i32>} : memref<32x2x16xf32, #tpu.memory_space<vmem>>, vector<16xf32>,
    %max3A_263 = arith.maximumf %max3A_249, %get3A_262 : vector<16xf32>
    %get3A_264 = arith.constant 19 : i32
    %get3A_265 = arith.constant 0 : i32
    %get3A_266 = arith.index_cast %get3A_264 : i32 to index
    %get3A_267 = arith.index_cast %get3A_265 : i32 to index
    %get3A_268 = arith.constant 0 : index
    %get3A_269 = tpu.vector_load %arg11[%get3A_266, %get3A_267, %get3A_268] {strides = array<i32>} : memref<32x2x16xf32, #tpu.memory_space<vmem>>, vector<16xf32>,
    %min3A_270 = arith.minimumf %min3A_256, %get3A_269 : vector<16xf32>
    %get3A_271 = arith.constant 19 : i32
    %get3A_272 = arith.constant 1 : i32
    %get3A_273 = arith.index_cast %get3A_271 : i32 to index
    %get3A_274 = arith.index_cast %get3A_272 : i32 to index
    %get3A_275 = arith.constant 0 : index
    %get3A_276 = tpu.vector_load %arg11[%get3A_273, %get3A_274, %get3A_275] {strides = array<i32>} : memref<32x2x16xf32, #tpu.memory_space<vmem>>, vector<16xf32>,
    %max3A_277 = arith.maximumf %max3A_263, %get3A_276 : vector<16xf32>
    %get3A_278 = arith.constant 20 : i32
    %get3A_279 = arith.constant 0 : i32
    %get3A_280 = arith.index_cast %get3A_278 : i32 to index
    %get3A_281 = arith.index_cast %get3A_279 : i32 to index
    %get3A_282 = arith.constant 0 : index
    %get3A_283 = tpu.vector_load %arg11[%get3A_280, %get3A_281, %get3A_282] {strides = array<i32>} : memref<32x2x16xf32, #tpu.memory_space<vmem>>, vector<16xf32>,
    %min3A_284 = arith.minimumf %min3A_270, %get3A_283 : vector<16xf32>
    %get3A_285 = arith.constant 20 : i32
    %get3A_286 = arith.constant 1 : i32
    %get3A_287 = arith.index_cast %get3A_285 : i32 to index
    %get3A_288 = arith.index_cast %get3A_286 : i32 to index
    %get3A_289 = arith.constant 0 : index
    %get3A_290 = tpu.vector_load %arg11[%get3A_287, %get3A_288, %get3A_289] {strides = array<i32>} : memref<32x2x16xf32, #tpu.memory_space<vmem>>, vector<16xf32>,
    %max3A_291 = arith.maximumf %max3A_277, %get3A_290 : vector<16xf32>
    %get3A_292 = arith.constant 21 : i32
    %get3A_293 = arith.constant 0 : i32
    %get3A_294 = arith.index_cast %get3A_292 : i32 to index
    %get3A_295 = arith.index_cast %get3A_293 : i32 to index
    %get3A_296 = arith.constant 0 : index
    %get3A_297 = tpu.vector_load %arg11[%get3A_294, %get3A_295, %get3A_296] {strides = array<i32>} : memref<32x2x16xf32, #tpu.memory_space<vmem>>, vector<16xf32>,
    %min3A_298 = arith.minimumf %min3A_284, %get3A_297 : vector<16xf32>
    %get3A_299 = arith.constant 21 : i32
    %get3A_300 = arith.constant 1 : i32
    %get3A_301 = arith.index_cast %get3A_299 : i32 to index
    %get3A_302 = arith.index_cast %get3A_300 : i32 to index
    %get3A_303 = arith.constant 0 : index
    %get3A_304 = tpu.vector_load %arg11[%get3A_301, %get3A_302, %get3A_303] {strides = array<i32>} : memref<32x2x16xf32, #tpu.memory_space<vmem>>, vector<16xf32>,
    %max3A_305 = arith.maximumf %max3A_291, %get3A_304 : vector<16xf32>
    %get3A_306 = arith.constant 22 : i32
    %get3A_307 = arith.constant 0 : i32
    %get3A_308 = arith.index_cast %get3A_306 : i32 to index
    %get3A_309 = arith.index_cast %get3A_307 : i32 to index
    %get3A_310 = arith.constant 0 : index
    %get3A_311 = tpu.vector_load %arg11[%get3A_308, %get3A_309, %get3A_310] {strides = array<i32>} : memref<32x2x16xf32, #tpu.memory_space<vmem>>, vector<16xf32>,
    %min3A_312 = arith.minimumf %min3A_298, %get3A_311 : vector<16xf32>
    %get3A_313 = arith.constant 22 : i32
    %get3A_314 = arith.constant 1 : i32
    %get3A_315 = arith.index_cast %get3A_313 : i32 to index
    %get3A_316 = arith.index_cast %get3A_314 : i32 to index
    %get3A_317 = arith.constant 0 : index
    %get3A_318 = tpu.vector_load %arg11[%get3A_315, %get3A_316, %get3A_317] {strides = array<i32>} : memref<32x2x16xf32, #tpu.memory_space<vmem>>, vector<16xf32>,
    %max3A_319 = arith.maximumf %max3A_305, %get3A_318 : vector<16xf32>
    %get3A_320 = arith.constant 23 : i32
    %get3A_321 = arith.constant 0 : i32
    %get3A_322 = arith.index_cast %get3A_320 : i32 to index
    %get3A_323 = arith.index_cast %get3A_321 : i32 to index
    %get3A_324 = arith.constant 0 : index
    %get3A_325 = tpu.vector_load %arg11[%get3A_322, %get3A_323, %get3A_324] {strides = array<i32>} : memref<32x2x16xf32, #tpu.memory_space<vmem>>, vector<16xf32>,
    %min3A_326 = arith.minimumf %min3A_312, %get3A_325 : vector<16xf32>
    %get3A_327 = arith.constant 23 : i32
    %get3A_328 = arith.constant 1 : i32
    %get3A_329 = arith.index_cast %get3A_327 : i32 to index
    %get3A_330 = arith.index_cast %get3A_328 : i32 to index
    %get3A_331 = arith.constant 0 : index
    %get3A_332 = tpu.vector_load %arg11[%get3A_329, %get3A_330, %get3A_331] {strides = array<i32>} : memref<32x2x16xf32, #tpu.memory_space<vmem>>, vector<16xf32>,
    %max3A_333 = arith.maximumf %max3A_319, %get3A_332 : vector<16xf32>
    %get3A_334 = arith.constant 24 : i32
    %get3A_335 = arith.constant 0 : i32
    %get3A_336 = arith.index_cast %get3A_334 : i32 to index
    %get3A_337 = arith.index_cast %get3A_335 : i32 to index
    %get3A_338 = arith.constant 0 : index
    %get3A_339 = tpu.vector_load %arg11[%get3A_336, %get3A_337, %get3A_338] {strides = array<i32>} : memref<32x2x16xf32, #tpu.memory_space<vmem>>, vector<16xf32>,
    %min3A_340 = arith.minimumf %min3A_326, %get3A_339 : vector<16xf32>
    %get3A_341 = arith.constant 24 : i32
    %get3A_342 = arith.constant 1 : i32
    %get3A_343 = arith.index_cast %get3A_341 : i32 to index
    %get3A_344 = arith.index_cast %get3A_342 : i32 to index
    %get3A_345 = arith.constant 0 : index
    %get3A_346 = tpu.vector_load %arg11[%get3A_343, %get3A_344, %get3A_345] {strides = array<i32>} : memref<32x2x16xf32, #tpu.memory_space<vmem>>, vector<16xf32>,
    %max3A_347 = arith.maximumf %max3A_333, %get3A_346 : vector<16xf32>
    %get3A_348 = arith.constant 25 : i32
    %get3A_349 = arith.constant 0 : i32
    %get3A_350 = arith.index_cast %get3A_348 : i32 to index
    %get3A_351 = arith.index_cast %get3A_349 : i32 to index
    %get3A_352 = arith.constant 0 : index
    %get3A_353 = tpu.vector_load %arg11[%get3A_350, %get3A_351, %get3A_352] {strides = array<i32>} : memref<32x2x16xf32, #tpu.memory_space<vmem>>, vector<16xf32>,
    %min3A_354 = arith.minimumf %min3A_340, %get3A_353 : vector<16xf32>
    %get3A_355 = arith.constant 25 : i32
    %get3A_356 = arith.constant 1 : i32
    %get3A_357 = arith.index_cast %get3A_355 : i32 to index
    %get3A_358 = arith.index_cast %get3A_356 : i32 to index
    %get3A_359 = arith.constant 0 : index
    %get3A_360 = tpu.vector_load %arg11[%get3A_357, %get3A_358, %get3A_359] {strides = array<i32>} : memref<32x2x16xf32, #tpu.memory_space<vmem>>, vector<16xf32>,
    %max3A_361 = arith.maximumf %max3A_347, %get3A_360 : vector<16xf32>
    %get3A_362 = arith.constant 26 : i32
    %get3A_363 = arith.constant 0 : i32
    %get3A_364 = arith.index_cast %get3A_362 : i32 to index
    %get3A_365 = arith.index_cast %get3A_363 : i32 to index
    %get3A_366 = arith.constant 0 : index
    %get3A_367 = tpu.vector_load %arg11[%get3A_364, %get3A_365, %get3A_366] {strides = array<i32>} : memref<32x2x16xf32, #tpu.memory_space<vmem>>, vector<16xf32>,
    %min3A_368 = arith.minimumf %min3A_354, %get3A_367 : vector<16xf32>
    %get3A_369 = arith.constant 26 : i32
    %get3A_370 = arith.constant 1 : i32
    %get3A_371 = arith.index_cast %get3A_369 : i32 to index
    %get3A_372 = arith.index_cast %get3A_370 : i32 to index
    %get3A_373 = arith.constant 0 : index
    %get3A_374 = tpu.vector_load %arg11[%get3A_371, %get3A_372, %get3A_373] {strides = array<i32>} : memref<32x2x16xf32, #tpu.memory_space<vmem>>, vector<16xf32>,
    %max3A_375 = arith.maximumf %max3A_361, %get3A_374 : vector<16xf32>
    %get3A_376 = arith.constant 27 : i32
    %get3A_377 = arith.constant 0 : i32
    %get3A_378 = arith.index_cast %get3A_376 : i32 to index
    %get3A_379 = arith.index_cast %get3A_377 : i32 to index
    %get3A_380 = arith.constant 0 : index
    %get3A_381 = tpu.vector_load %arg11[%get3A_378, %get3A_379, %get3A_380] {strides = array<i32>} : memref<32x2x16xf32, #tpu.memory_space<vmem>>, vector<16xf32>,
    %min3A_382 = arith.minimumf %min3A_368, %get3A_381 : vector<16xf32>
    %get3A_383 = arith.constant 27 : i32
    %get3A_384 = arith.constant 1 : i32
    %get3A_385 = arith.index_cast %get3A_383 : i32 to index
    %get3A_386 = arith.index_cast %get3A_384 : i32 to index
    %get3A_387 = arith.constant 0 : index
    %get3A_388 = tpu.vector_load %arg11[%get3A_385, %get3A_386, %get3A_387] {strides = array<i32>} : memref<32x2x16xf32, #tpu.memory_space<vmem>>, vector<16xf32>,
    %max3A_389 = arith.maximumf %max3A_375, %get3A_388 : vector<16xf32>
    %get3A_390 = arith.constant 28 : i32
    %get3A_391 = arith.constant 0 : i32
    %get3A_392 = arith.index_cast %get3A_390 : i32 to index
    %get3A_393 = arith.index_cast %get3A_391 : i32 to index
    %get3A_394 = arith.constant 0 : index
    %get3A_395 = tpu.vector_load %arg11[%get3A_392, %get3A_393, %get3A_394] {strides = array<i32>} : memref<32x2x16xf32, #tpu.memory_space<vmem>>, vector<16xf32>,
    %min3A_396 = arith.minimumf %min3A_382, %get3A_395 : vector<16xf32>
    %get3A_397 = arith.constant 28 : i32
    %get3A_398 = arith.constant 1 : i32
    %get3A_399 = arith.index_cast %get3A_397 : i32 to index
    %get3A_400 = arith.index_cast %get3A_398 : i32 to index
    %get3A_401 = arith.constant 0 : index
    %get3A_402 = tpu.vector_load %arg11[%get3A_399, %get3A_400, %get3A_401] {strides = array<i32>} : memref<32x2x16xf32, #tpu.memory_space<vmem>>, vector<16xf32>,
    %max3A_403 = arith.maximumf %max3A_389, %get3A_402 : vector<16xf32>
    %get3A_404 = arith.constant 29 : i32
    %get3A_405 = arith.constant 0 : i32
    %get3A_406 = arith.index_cast %get3A_404 : i32 to index
    %get3A_407 = arith.index_cast %get3A_405 : i32 to index
    %get3A_408 = arith.constant 0 : index
    %get3A_409 = tpu.vector_load %arg11[%get3A_406, %get3A_407, %get3A_408] {strides = array<i32>} : memref<32x2x16xf32, #tpu.memory_space<vmem>>, vector<16xf32>,
    %min3A_410 = arith.minimumf %min3A_396, %get3A_409 : vector<16xf32>
    %get3A_411 = arith.constant 29 : i32
    %get3A_412 = arith.constant 1 : i32
    %get3A_413 = arith.index_cast %get3A_411 : i32 to index
    %get3A_414 = arith.index_cast %get3A_412 : i32 to index
    %get3A_415 = arith.constant 0 : index
    %get3A_416 = tpu.vector_load %arg11[%get3A_413, %get3A_414, %get3A_415] {strides = array<i32>} : memref<32x2x16xf32, #tpu.memory_space<vmem>>, vector<16xf32>,
    %max3A_417 = arith.maximumf %max3A_403, %get3A_416 : vector<16xf32>
    %get3A_418 = arith.constant 30 : i32
    %get3A_419 = arith.constant 0 : i32
    %get3A_420 = arith.index_cast %get3A_418 : i32 to index
    %get3A_421 = arith.index_cast %get3A_419 : i32 to index
    %get3A_422 = arith.constant 0 : index
    %get3A_423 = tpu.vector_load %arg11[%get3A_420, %get3A_421, %get3A_422] {strides = array<i32>} : memref<32x2x16xf32, #tpu.memory_space<vmem>>, vector<16xf32>,
    %min3A_424 = arith.minimumf %min3A_410, %get3A_423 : vector<16xf32>
    %get3A_425 = arith.constant 30 : i32
    %get3A_426 = arith.constant 1 : i32
    %get3A_427 = arith.index_cast %get3A_425 : i32 to index
    %get3A_428 = arith.index_cast %get3A_426 : i32 to index
    %get3A_429 = arith.constant 0 : index
    %get3A_430 = tpu.vector_load %arg11[%get3A_427, %get3A_428, %get3A_429] {strides = array<i32>} : memref<32x2x16xf32, #tpu.memory_space<vmem>>, vector<16xf32>,
    %max3A_431 = arith.maximumf %max3A_417, %get3A_430 : vector<16xf32>
    %get3A_432 = arith.constant 31 : i32
    %get3A_433 = arith.constant 0 : i32
    %get3A_434 = arith.index_cast %get3A_432 : i32 to index
    %get3A_435 = arith.index_cast %get3A_433 : i32 to index
    %get3A_436 = arith.constant 0 : index
    %get3A_437 = tpu.vector_load %arg11[%get3A_434, %get3A_435, %get3A_436] {strides = array<i32>} : memref<32x2x16xf32, #tpu.memory_space<vmem>>, vector<16xf32>,
    %min3A_438 = arith.minimumf %min3A_424, %get3A_437 : vector<16xf32>
    %get3A_439 = arith.constant 31 : i32
    %get3A_440 = arith.constant 1 : i32
    %get3A_441 = arith.index_cast %get3A_439 : i32 to index
    %get3A_442 = arith.index_cast %get3A_440 : i32 to index
    %get3A_443 = arith.constant 0 : index
    %get3A_444 = tpu.vector_load %arg11[%get3A_441, %get3A_442, %get3A_443] {strides = array<i32>} : memref<32x2x16xf32, #tpu.memory_space<vmem>>, vector<16xf32>,
    %max3A_445 = arith.maximumf %max3A_431, %get3A_444 : vector<16xf32>
    %reduce_min3A = arith.constant true
    %reduce_min3A_446 = vector.broadcast %reduce_min3A : i1 to vector<16xi1>
    %reduce_min3A_447 = tpu.scan <min>, %min3A_438 masked %reduce_min3A_446 : vector<16xf32>, vector<16xi1> -> vector<16xf32>
    %reduce_min3A_448 = vector.extract %reduce_min3A_447[15] : f32 from vector<16xf32>
    %reduce_max3A = arith.constant true
    %reduce_max3A_449 = vector.broadcast %reduce_max3A : i1 to vector<16xi1>
    %reduce_max3A_450 = tpu.scan <max>, %max3A_445 masked %reduce_max3A_449 : vector<16xf32>, vector<16xi1> -> vector<16xf32>
    %reduce_max3A_451 = vector.extract %reduce_max3A_450[15] : f32 from vector<16xf32>
    %broadcast_in_dim3A = vector.broadcast %reduce_min3A_448 : f32 to vector<16xf32>
    %broadcast_in_dim3A_452 = vector.broadcast %reduce_max3A_451 : f32 to vector<16xf32>
    %sub3A = arith.subf %broadcast_in_dim3A_452, %broadcast_in_dim3A : vector<16xf32>
    %eq3A = arith.constant 0.000000e+00 : f32
    %eq3A_453 = vector.broadcast %eq3A : f32 to vector<16xf32>
    %eq3A_454 = arith.cmpf oeq, %sub3A, %eq3A_453 : vector<16xf32>
    %jit3A = arith.constant 1.000000e+00 : f32
    %broadcast_in_dim3A_455 = vector.broadcast %jit3A : f32 to vector<16xf32>
    %select_n3A = arith.select %eq3A_454, %broadcast_in_dim3A_455, %sub3A : vector<16xi1>, vector<16xf32>
    %div3A = arith.constant 2.048000e+03 : f32
    %div3A_456 = vector.broadcast %div3A : f32 to vector<16xf32>
    %div3A_457 = arith.divf %div3A_456, %select_n3A : vector<16xf32>
    %iota3A = tpu.iota {dimensions = array<i32: 0>} : vector<16xi32>
    %mul3A_458 = arith.constant 2056 : i32
    %mul3A_459 = vector.broadcast %mul3A_458 : i32 to vector<16xi32>
    %mul3A_460 = arith.muli %iota3A, %mul3A_459 : vector<16xi32>
    %broadcast_in_dim3A_461 = arith.constant 1.000000e+00 : f32
    %broadcast_in_dim3A_462 = vector.broadcast %broadcast_in_dim3A_461 : f32 to vector<16xf32>
    %broadcast_in_dim3A_463 = arith.constant 0.000000e+00 : f32
    %broadcast_in_dim3A_464 = vector.broadcast %broadcast_in_dim3A_463 : f32 to vector<16xf32>
    %swap3A = arith.constant 0 : i32
    %swap3A_465 = arith.index_cast %swap3A : i32 to index
    %swap3A_466 = arith.constant 0 : index
    %swap3A_467 = tpu.vector_load %arg12[%swap3A_465, %swap3A_466] {strides = array<i32>} : memref<2x16xf32, #tpu.memory_space<vmem>>, vector<16xf32>,
    tpu.vector_store %arg12[%swap3A_465, %swap3A_466], %broadcast_in_dim3A {strides = array<i32>} : memref<2x16xf32, #tpu.memory_space<vmem>>, vector<16xf32>,
    %swap3A_468 = arith.constant 1 : i32
    %swap3A_469 = arith.index_cast %swap3A_468 : i32 to index
    %swap3A_470 = arith.constant 0 : index
    %swap3A_471 = tpu.vector_load %arg12[%swap3A_469, %swap3A_470] {strides = array<i32>} : memref<2x16xf32, #tpu.memory_space<vmem>>, vector<16xf32>,
    tpu.vector_store %arg12[%swap3A_469, %swap3A_470], %broadcast_in_dim3A_452 {strides = array<i32>} : memref<2x16xf32, #tpu.memory_space<vmem>>, vector<16xf32>,
    %eq3A_472 = arith.constant 0 : i32
    %eq3A_473 = arith.cmpi eq, %add3A, %eq3A_472 : i32
    %convert_element_type3A = arith.extui %eq3A_473 : i1 to i32
    %cond3A = arith.constant 0 : i32
    %cond3A_474 = arith.cmpi ne, %convert_element_type3A, %cond3A : i32
    scf.if %cond3A_474 {
      "tpu.region"() ({
        %run_scoped3A = tpu.sem_alloc : memref<!tpu.dma_semaphore, #tpu.memory_space<semaphore_mem>>
        tpu.enqueue_dma source(%arg12 : memref<2x16xf32, #tpu.memory_space<vmem>>) target(%arg5 : memref<2x16xf32, #tpu.memory_space<hbm>>) target_semaphore(%run_scoped3A : memref<!tpu.dma_semaphore, #tpu.memory_space<semaphore_mem>>)
        tpu.wait_dma2 semaphore(%run_scoped3A : memref<!tpu.dma_semaphore, #tpu.memory_space<semaphore_mem>>) src(%arg12 : memref<2x16xf32, #tpu.memory_space<vmem>>) dst(%arg5 : memref<2x16xf32, #tpu.memory_space<hbm>>)
        tpu.yield
      }) : () -> ()
    } else {
    }
    %parallel_loop3A = arith.constant 0 : i32
    %parallel_loop3A_475 = arith.constant 2056 : i32
    %parallel_loop3A_476 = arith.constant 1 : i32
    scf.for %parallel_loop3A_852 = %parallel_loop3A to %parallel_loop3A_475 step %parallel_loop3A_476  : i32 {
      %parallel_loop3A_853 = arith.constant 16 : i32
      %parallel_loop3A_854 = arith.muli %parallel_loop3A_852, %parallel_loop3A_853 : i32
      %parallel_loop3A_855 = arith.index_cast %parallel_loop3A_854 : i32 to index
      %parallel_loop3A_856 = tpu.vector_load %arg9[%parallel_loop3A_855] {strides = array<i32>} : memref<32896xf32, #tpu.memory_space<vmem>>, vector<16xf32>,
      tpu.vector_store %arg9[%parallel_loop3A_855], %broadcast_in_dim3A_464 {strides = array<i32>} : memref<32896xf32, #tpu.memory_space<vmem>>, vector<16xf32>,
    } {sc.loop_unroll_factor = 8 : i64, sc.parallel_access}
    %dma_start3A = arith.constant 0 : i32
    %dma_start3A_477 = tpu.memref_slice %arg2[%mul3A_2, %dma_start3A] : memref<1048576x16xf32, #tpu.memory_space<hbm>> -> memref<2048x16xf32, #tpu.memory_space<hbm>>
    %dma_start3A_478 = arith.constant 0 : i32
    %dma_start3A_479 = tpu.memref_slice %arg2[%mul3A_2, %dma_start3A_478] : memref<1048576x16xf32, #tpu.memory_space<hbm>> -> memref<2048x16xf32, #tpu.memory_space<hbm>>
    tpu.enqueue_dma source(%dma_start3A_479 : memref<2048x16xf32, #tpu.memory_space<hbm>>) target(%arg7 : memref<2048x16xf32, #tpu.memory_space<vmem>>) target_semaphore(%arg13 : memref<!tpu.dma_semaphore, #tpu.memory_space<semaphore_mem>>)
    %add3A_480 = arith.constant 2048 : i32
    %add3A_481 = arith.addi %mul3A_2, %add3A_480 : i32
    %dma_start3A_482 = arith.constant 0 : i32
    %dma_start3A_483 = tpu.memref_slice %arg2[%add3A_481, %dma_start3A_482] : memref<1048576x16xf32, #tpu.memory_space<hbm>> -> memref<2048x16xf32, #tpu.memory_space<hbm>>
    %dma_start3A_484 = arith.constant 0 : i32
    %dma_start3A_485 = tpu.memref_slice %arg2[%add3A_481, %dma_start3A_484] : memref<1048576x16xf32, #tpu.memory_space<hbm>> -> memref<2048x16xf32, #tpu.memory_space<hbm>>
    tpu.enqueue_dma source(%dma_start3A_485 : memref<2048x16xf32, #tpu.memory_space<hbm>>) target(%arg8 : memref<2048x16xf32, #tpu.memory_space<vmem>>) target_semaphore(%arg14 : memref<!tpu.dma_semaphore, #tpu.memory_space<semaphore_mem>>)
    %dma_wait3A = arith.constant 0 : i32
    %dma_wait3A_486 = tpu.memref_slice %arg2[%mul3A_2, %dma_wait3A] : memref<1048576x16xf32, #tpu.memory_space<hbm>> -> memref<2048x16xf32, #tpu.memory_space<hbm>>
    %dma_wait3A_487 = arith.constant 0 : i32
    %dma_wait3A_488 = tpu.memref_slice %arg2[%mul3A_2, %dma_wait3A_487] : memref<1048576x16xf32, #tpu.memory_space<hbm>> -> memref<2048x16xf32, #tpu.memory_space<hbm>>
    tpu.wait_dma2 semaphore(%arg13 : memref<!tpu.dma_semaphore, #tpu.memory_space<semaphore_mem>>) src(%dma_wait3A_488 : memref<2048x16xf32, #tpu.memory_space<hbm>>) dst(%arg7 : memref<2048x16xf32, #tpu.memory_space<vmem>>)
    %add3A_489 = arith.constant 0 : i32
    %add3A_490 = arith.addi %mul3A_2, %add3A_489 : i32
    %dma_start3A_491 = arith.constant 0 : i32
    %dma_start3A_492 = tpu.memref_slice %arg6[%add3A_490, %dma_start3A_491] : memref<1048576x16xf32, #tpu.memory_space<hbm>> -> memref<2048x16xf32, #tpu.memory_space<hbm>>
    %dma_start3A_493 = arith.constant 0 : i32
    %dma_start3A_494 = tpu.memref_slice %arg6[%add3A_490, %dma_start3A_493] : memref<1048576x16xf32, #tpu.memory_space<hbm>> -> memref<2048x16xf32, #tpu.memory_space<hbm>>
    tpu.enqueue_dma source(%arg7 : memref<2048x16xf32, #tpu.memory_space<vmem>>) target(%dma_start3A_494 : memref<2048x16xf32, #tpu.memory_space<hbm>>) target_semaphore(%arg15 : memref<!tpu.dma_semaphore, #tpu.memory_space<semaphore_mem>>)
    %parallel_loop3A_495 = arith.constant 0 : i32
    %parallel_loop3A_496 = arith.constant 2048 : i32
    %parallel_loop3A_497 = arith.constant 1 : i32
    scf.for %parallel_loop3A_852 = %parallel_loop3A_495 to %parallel_loop3A_496 step %parallel_loop3A_497  : i32 {
      %parallel_loop3A_853 = arith.index_cast %parallel_loop3A_852 : i32 to index
      %parallel_loop3A_854 = arith.constant 0 : index
      %parallel_loop3A_855 = tpu.vector_load %arg7[%parallel_loop3A_853, %parallel_loop3A_854] {strides = array<i32>} : memref<2048x16xf32, #tpu.memory_space<vmem>>, vector<16xf32>,
      %parallel_loop3A_856 = arith.subf %parallel_loop3A_855, %broadcast_in_dim3A : vector<16xf32>
      %parallel_loop3A_857 = arith.mulf %parallel_loop3A_856, %div3A_457 : vector<16xf32>
      %parallel_loop3A_858 = arith.fptosi %parallel_loop3A_857 : vector<16xf32> to vector<16xi32>
      %parallel_loop3A_859 = arith.addi %parallel_loop3A_858, %mul3A_460 : vector<16xi32>
      tpu.vector_store_idx %arg9[%parallel_loop3A_859], %broadcast_in_dim3A_462 {add = true} : memref<32896xf32, #tpu.memory_space<vmem>>[vector<16xi32>], vector<16xf32>,
    } {sc.loop_unroll_factor = 8 : i64, sc.parallel_access}
    %dma_wait3A_498 = arith.constant 0 : i32
    %dma_wait3A_499 = tpu.memref_slice %arg6[%add3A_490, %dma_wait3A_498] : memref<1048576x16xf32, #tpu.memory_space<hbm>> -> memref<2048x16xf32, #tpu.memory_space<hbm>>
    %dma_wait3A_500 = arith.constant 0 : i32
    %dma_wait3A_501 = tpu.memref_slice %arg6[%add3A_490, %dma_wait3A_500] : memref<1048576x16xf32, #tpu.memory_space<hbm>> -> memref<2048x16xf32, #tpu.memory_space<hbm>>
    tpu.wait_dma2 semaphore(%arg15 : memref<!tpu.dma_semaphore, #tpu.memory_space<semaphore_mem>>) src(%arg7 : memref<2048x16xf32, #tpu.memory_space<vmem>>) dst(%dma_wait3A_501 : memref<2048x16xf32, #tpu.memory_space<hbm>>)
    %add3A_502 = arith.constant 4096 : i32
    %add3A_503 = arith.addi %mul3A_2, %add3A_502 : i32
    %dma_start3A_504 = arith.constant 0 : i32
    %dma_start3A_505 = tpu.memref_slice %arg2[%add3A_503, %dma_start3A_504] : memref<1048576x16xf32, #tpu.memory_space<hbm>> -> memref<2048x16xf32, #tpu.memory_space<hbm>>
    %dma_start3A_506 = arith.constant 0 : i32
    %dma_start3A_507 = tpu.memref_slice %arg2[%add3A_503, %dma_start3A_506] : memref<1048576x16xf32, #tpu.memory_space<hbm>> -> memref<2048x16xf32, #tpu.memory_space<hbm>>
    tpu.enqueue_dma source(%dma_start3A_507 : memref<2048x16xf32, #tpu.memory_space<hbm>>) target(%arg7 : memref<2048x16xf32, #tpu.memory_space<vmem>>) target_semaphore(%arg13 : memref<!tpu.dma_semaphore, #tpu.memory_space<semaphore_mem>>)
    %dma_wait3A_508 = arith.constant 0 : i32
    %dma_wait3A_509 = tpu.memref_slice %arg2[%add3A_481, %dma_wait3A_508] : memref<1048576x16xf32, #tpu.memory_space<hbm>> -> memref<2048x16xf32, #tpu.memory_space<hbm>>
    %dma_wait3A_510 = arith.constant 0 : i32
    %dma_wait3A_511 = tpu.memref_slice %arg2[%add3A_481, %dma_wait3A_510] : memref<1048576x16xf32, #tpu.memory_space<hbm>> -> memref<2048x16xf32, #tpu.memory_space<hbm>>
    tpu.wait_dma2 semaphore(%arg14 : memref<!tpu.dma_semaphore, #tpu.memory_space<semaphore_mem>>) src(%dma_wait3A_511 : memref<2048x16xf32, #tpu.memory_space<hbm>>) dst(%arg8 : memref<2048x16xf32, #tpu.memory_space<vmem>>)
    %add3A_512 = arith.constant 2048 : i32
    %add3A_513 = arith.addi %mul3A_2, %add3A_512 : i32
    %dma_start3A_514 = arith.constant 0 : i32
    %dma_start3A_515 = tpu.memref_slice %arg6[%add3A_513, %dma_start3A_514] : memref<1048576x16xf32, #tpu.memory_space<hbm>> -> memref<2048x16xf32, #tpu.memory_space<hbm>>
    %dma_start3A_516 = arith.constant 0 : i32
    %dma_start3A_517 = tpu.memref_slice %arg6[%add3A_513, %dma_start3A_516] : memref<1048576x16xf32, #tpu.memory_space<hbm>> -> memref<2048x16xf32, #tpu.memory_space<hbm>>
    tpu.enqueue_dma source(%arg8 : memref<2048x16xf32, #tpu.memory_space<vmem>>) target(%dma_start3A_517 : memref<2048x16xf32, #tpu.memory_space<hbm>>) target_semaphore(%arg16 : memref<!tpu.dma_semaphore, #tpu.memory_space<semaphore_mem>>)
    %parallel_loop3A_518 = arith.constant 0 : i32
    %parallel_loop3A_519 = arith.constant 2048 : i32
    %parallel_loop3A_520 = arith.constant 1 : i32
    scf.for %parallel_loop3A_852 = %parallel_loop3A_518 to %parallel_loop3A_519 step %parallel_loop3A_520  : i32 {
      %parallel_loop3A_853 = arith.index_cast %parallel_loop3A_852 : i32 to index
      %parallel_loop3A_854 = arith.constant 0 : index
      %parallel_loop3A_855 = tpu.vector_load %arg8[%parallel_loop3A_853, %parallel_loop3A_854] {strides = array<i32>} : memref<2048x16xf32, #tpu.memory_space<vmem>>, vector<16xf32>,
      %parallel_loop3A_856 = arith.subf %parallel_loop3A_855, %broadcast_in_dim3A : vector<16xf32>
      %parallel_loop3A_857 = arith.mulf %parallel_loop3A_856, %div3A_457 : vector<16xf32>
      %parallel_loop3A_858 = arith.fptosi %parallel_loop3A_857 : vector<16xf32> to vector<16xi32>
      %parallel_loop3A_859 = arith.addi %parallel_loop3A_858, %mul3A_460 : vector<16xi32>
      tpu.vector_store_idx %arg9[%parallel_loop3A_859], %broadcast_in_dim3A_462 {add = true} : memref<32896xf32, #tpu.memory_space<vmem>>[vector<16xi32>], vector<16xf32>,
    } {sc.loop_unroll_factor = 8 : i64, sc.parallel_access}
    %dma_wait3A_521 = arith.constant 0 : i32
    %dma_wait3A_522 = tpu.memref_slice %arg6[%add3A_513, %dma_wait3A_521] : memref<1048576x16xf32, #tpu.memory_space<hbm>> -> memref<2048x16xf32, #tpu.memory_space<hbm>>
    %dma_wait3A_523 = arith.constant 0 : i32
    %dma_wait3A_524 = tpu.memref_slice %arg6[%add3A_513, %dma_wait3A_523] : memref<1048576x16xf32, #tpu.memory_space<hbm>> -> memref<2048x16xf32, #tpu.memory_space<hbm>>
    tpu.wait_dma2 semaphore(%arg16 : memref<!tpu.dma_semaphore, #tpu.memory_space<semaphore_mem>>) src(%arg8 : memref<2048x16xf32, #tpu.memory_space<vmem>>) dst(%dma_wait3A_524 : memref<2048x16xf32, #tpu.memory_space<hbm>>)
    %add3A_525 = arith.constant 6144 : i32
    %add3A_526 = arith.addi %mul3A_2, %add3A_525 : i32
    %dma_start3A_527 = arith.constant 0 : i32
    %dma_start3A_528 = tpu.memref_slice %arg2[%add3A_526, %dma_start3A_527] : memref<1048576x16xf32, #tpu.memory_space<hbm>> -> memref<2048x16xf32, #tpu.memory_space<hbm>>
    %dma_start3A_529 = arith.constant 0 : i32
    %dma_start3A_530 = tpu.memref_slice %arg2[%add3A_526, %dma_start3A_529] : memref<1048576x16xf32, #tpu.memory_space<hbm>> -> memref<2048x16xf32, #tpu.memory_space<hbm>>
    tpu.enqueue_dma source(%dma_start3A_530 : memref<2048x16xf32, #tpu.memory_space<hbm>>) target(%arg8 : memref<2048x16xf32, #tpu.memory_space<vmem>>) target_semaphore(%arg14 : memref<!tpu.dma_semaphore, #tpu.memory_space<semaphore_mem>>)
    %dma_wait3A_531 = arith.constant 0 : i32
    %dma_wait3A_532 = tpu.memref_slice %arg2[%add3A_503, %dma_wait3A_531] : memref<1048576x16xf32, #tpu.memory_space<hbm>> -> memref<2048x16xf32, #tpu.memory_space<hbm>>
    %dma_wait3A_533 = arith.constant 0 : i32
    %dma_wait3A_534 = tpu.memref_slice %arg2[%add3A_503, %dma_wait3A_533] : memref<1048576x16xf32, #tpu.memory_space<hbm>> -> memref<2048x16xf32, #tpu.memory_space<hbm>>
    tpu.wait_dma2 semaphore(%arg13 : memref<!tpu.dma_semaphore, #tpu.memory_space<semaphore_mem>>) src(%dma_wait3A_534 : memref<2048x16xf32, #tpu.memory_space<hbm>>) dst(%arg7 : memref<2048x16xf32, #tpu.memory_space<vmem>>)
    %add3A_535 = arith.constant 4096 : i32
    %add3A_536 = arith.addi %mul3A_2, %add3A_535 : i32
    %dma_start3A_537 = arith.constant 0 : i32
    %dma_start3A_538 = tpu.memref_slice %arg6[%add3A_536, %dma_start3A_537] : memref<1048576x16xf32, #tpu.memory_space<hbm>> -> memref<2048x16xf32, #tpu.memory_space<hbm>>
    %dma_start3A_539 = arith.constant 0 : i32
    %dma_start3A_540 = tpu.memref_slice %arg6[%add3A_536, %dma_start3A_539] : memref<1048576x16xf32, #tpu.memory_space<hbm>> -> memref<2048x16xf32, #tpu.memory_space<hbm>>
    tpu.enqueue_dma source(%arg7 : memref<2048x16xf32, #tpu.memory_space<vmem>>) target(%dma_start3A_540 : memref<2048x16xf32, #tpu.memory_space<hbm>>) target_semaphore(%arg15 : memref<!tpu.dma_semaphore, #tpu.memory_space<semaphore_mem>>)
    %parallel_loop3A_541 = arith.constant 0 : i32
    %parallel_loop3A_542 = arith.constant 2048 : i32
    %parallel_loop3A_543 = arith.constant 1 : i32
    scf.for %parallel_loop3A_852 = %parallel_loop3A_541 to %parallel_loop3A_542 step %parallel_loop3A_543  : i32 {
      %parallel_loop3A_853 = arith.index_cast %parallel_loop3A_852 : i32 to index
      %parallel_loop3A_854 = arith.constant 0 : index
      %parallel_loop3A_855 = tpu.vector_load %arg7[%parallel_loop3A_853, %parallel_loop3A_854] {strides = array<i32>} : memref<2048x16xf32, #tpu.memory_space<vmem>>, vector<16xf32>,
      %parallel_loop3A_856 = arith.subf %parallel_loop3A_855, %broadcast_in_dim3A : vector<16xf32>
      %parallel_loop3A_857 = arith.mulf %parallel_loop3A_856, %div3A_457 : vector<16xf32>
      %parallel_loop3A_858 = arith.fptosi %parallel_loop3A_857 : vector<16xf32> to vector<16xi32>
      %parallel_loop3A_859 = arith.addi %parallel_loop3A_858, %mul3A_460 : vector<16xi32>
      tpu.vector_store_idx %arg9[%parallel_loop3A_859], %broadcast_in_dim3A_462 {add = true} : memref<32896xf32, #tpu.memory_space<vmem>>[vector<16xi32>], vector<16xf32>,
    } {sc.loop_unroll_factor = 8 : i64, sc.parallel_access}
    %dma_wait3A_544 = arith.constant 0 : i32
    %dma_wait3A_545 = tpu.memref_slice %arg6[%add3A_536, %dma_wait3A_544] : memref<1048576x16xf32, #tpu.memory_space<hbm>> -> memref<2048x16xf32, #tpu.memory_space<hbm>>
    %dma_wait3A_546 = arith.constant 0 : i32
    %dma_wait3A_547 = tpu.memref_slice %arg6[%add3A_536, %dma_wait3A_546] : memref<1048576x16xf32, #tpu.memory_space<hbm>> -> memref<2048x16xf32, #tpu.memory_space<hbm>>
    tpu.wait_dma2 semaphore(%arg15 : memref<!tpu.dma_semaphore, #tpu.memory_space<semaphore_mem>>) src(%arg7 : memref<2048x16xf32, #tpu.memory_space<vmem>>) dst(%dma_wait3A_547 : memref<2048x16xf32, #tpu.memory_space<hbm>>)
    %add3A_548 = arith.constant 8192 : i32
    %add3A_549 = arith.addi %mul3A_2, %add3A_548 : i32
    %dma_start3A_550 = arith.constant 0 : i32
    %dma_start3A_551 = tpu.memref_slice %arg2[%add3A_549, %dma_start3A_550] : memref<1048576x16xf32, #tpu.memory_space<hbm>> -> memref<2048x16xf32, #tpu.memory_space<hbm>>
    %dma_start3A_552 = arith.constant 0 : i32
    %dma_start3A_553 = tpu.memref_slice %arg2[%add3A_549, %dma_start3A_552] : memref<1048576x16xf32, #tpu.memory_space<hbm>> -> memref<2048x16xf32, #tpu.memory_space<hbm>>
    tpu.enqueue_dma source(%dma_start3A_553 : memref<2048x16xf32, #tpu.memory_space<hbm>>) target(%arg7 : memref<2048x16xf32, #tpu.memory_space<vmem>>) target_semaphore(%arg13 : memref<!tpu.dma_semaphore, #tpu.memory_space<semaphore_mem>>)
    %dma_wait3A_554 = arith.constant 0 : i32
    %dma_wait3A_555 = tpu.memref_slice %arg2[%add3A_526, %dma_wait3A_554] : memref<1048576x16xf32, #tpu.memory_space<hbm>> -> memref<2048x16xf32, #tpu.memory_space<hbm>>
    %dma_wait3A_556 = arith.constant 0 : i32
    %dma_wait3A_557 = tpu.memref_slice %arg2[%add3A_526, %dma_wait3A_556] : memref<1048576x16xf32, #tpu.memory_space<hbm>> -> memref<2048x16xf32, #tpu.memory_space<hbm>>
    tpu.wait_dma2 semaphore(%arg14 : memref<!tpu.dma_semaphore, #tpu.memory_space<semaphore_mem>>) src(%dma_wait3A_557 : memref<2048x16xf32, #tpu.memory_space<hbm>>) dst(%arg8 : memref<2048x16xf32, #tpu.memory_space<vmem>>)
    %add3A_558 = arith.constant 6144 : i32
    %add3A_559 = arith.addi %mul3A_2, %add3A_558 : i32
    %dma_start3A_560 = arith.constant 0 : i32
    %dma_start3A_561 = tpu.memref_slice %arg6[%add3A_559, %dma_start3A_560] : memref<1048576x16xf32, #tpu.memory_space<hbm>> -> memref<2048x16xf32, #tpu.memory_space<hbm>>
    %dma_start3A_562 = arith.constant 0 : i32
    %dma_start3A_563 = tpu.memref_slice %arg6[%add3A_559, %dma_start3A_562] : memref<1048576x16xf32, #tpu.memory_space<hbm>> -> memref<2048x16xf32, #tpu.memory_space<hbm>>
    tpu.enqueue_dma source(%arg8 : memref<2048x16xf32, #tpu.memory_space<vmem>>) target(%dma_start3A_563 : memref<2048x16xf32, #tpu.memory_space<hbm>>) target_semaphore(%arg16 : memref<!tpu.dma_semaphore, #tpu.memory_space<semaphore_mem>>)
    %parallel_loop3A_564 = arith.constant 0 : i32
    %parallel_loop3A_565 = arith.constant 2048 : i32
    %parallel_loop3A_566 = arith.constant 1 : i32
    scf.for %parallel_loop3A_852 = %parallel_loop3A_564 to %parallel_loop3A_565 step %parallel_loop3A_566  : i32 {
      %parallel_loop3A_853 = arith.index_cast %parallel_loop3A_852 : i32 to index
      %parallel_loop3A_854 = arith.constant 0 : index
      %parallel_loop3A_855 = tpu.vector_load %arg8[%parallel_loop3A_853, %parallel_loop3A_854] {strides = array<i32>} : memref<2048x16xf32, #tpu.memory_space<vmem>>, vector<16xf32>,
      %parallel_loop3A_856 = arith.subf %parallel_loop3A_855, %broadcast_in_dim3A : vector<16xf32>
      %parallel_loop3A_857 = arith.mulf %parallel_loop3A_856, %div3A_457 : vector<16xf32>
      %parallel_loop3A_858 = arith.fptosi %parallel_loop3A_857 : vector<16xf32> to vector<16xi32>
      %parallel_loop3A_859 = arith.addi %parallel_loop3A_858, %mul3A_460 : vector<16xi32>
      tpu.vector_store_idx %arg9[%parallel_loop3A_859], %broadcast_in_dim3A_462 {add = true} : memref<32896xf32, #tpu.memory_space<vmem>>[vector<16xi32>], vector<16xf32>,
    } {sc.loop_unroll_factor = 8 : i64, sc.parallel_access}
    %dma_wait3A_567 = arith.constant 0 : i32
    %dma_wait3A_568 = tpu.memref_slice %arg6[%add3A_559, %dma_wait3A_567] : memref<1048576x16xf32, #tpu.memory_space<hbm>> -> memref<2048x16xf32, #tpu.memory_space<hbm>>
    %dma_wait3A_569 = arith.constant 0 : i32
    %dma_wait3A_570 = tpu.memref_slice %arg6[%add3A_559, %dma_wait3A_569] : memref<1048576x16xf32, #tpu.memory_space<hbm>> -> memref<2048x16xf32, #tpu.memory_space<hbm>>
    tpu.wait_dma2 semaphore(%arg16 : memref<!tpu.dma_semaphore, #tpu.memory_space<semaphore_mem>>) src(%arg8 : memref<2048x16xf32, #tpu.memory_space<vmem>>) dst(%dma_wait3A_570 : memref<2048x16xf32, #tpu.memory_space<hbm>>)
    %add3A_571 = arith.constant 10240 : i32
    %add3A_572 = arith.addi %mul3A_2, %add3A_571 : i32
    %dma_start3A_573 = arith.constant 0 : i32
    %dma_start3A_574 = tpu.memref_slice %arg2[%add3A_572, %dma_start3A_573] : memref<1048576x16xf32, #tpu.memory_space<hbm>> -> memref<2048x16xf32, #tpu.memory_space<hbm>>
    %dma_start3A_575 = arith.constant 0 : i32
    %dma_start3A_576 = tpu.memref_slice %arg2[%add3A_572, %dma_start3A_575] : memref<1048576x16xf32, #tpu.memory_space<hbm>> -> memref<2048x16xf32, #tpu.memory_space<hbm>>
    tpu.enqueue_dma source(%dma_start3A_576 : memref<2048x16xf32, #tpu.memory_space<hbm>>) target(%arg8 : memref<2048x16xf32, #tpu.memory_space<vmem>>) target_semaphore(%arg14 : memref<!tpu.dma_semaphore, #tpu.memory_space<semaphore_mem>>)
    %dma_wait3A_577 = arith.constant 0 : i32
    %dma_wait3A_578 = tpu.memref_slice %arg2[%add3A_549, %dma_wait3A_577] : memref<1048576x16xf32, #tpu.memory_space<hbm>> -> memref<2048x16xf32, #tpu.memory_space<hbm>>
    %dma_wait3A_579 = arith.constant 0 : i32
    %dma_wait3A_580 = tpu.memref_slice %arg2[%add3A_549, %dma_wait3A_579] : memref<1048576x16xf32, #tpu.memory_space<hbm>> -> memref<2048x16xf32, #tpu.memory_space<hbm>>
    tpu.wait_dma2 semaphore(%arg13 : memref<!tpu.dma_semaphore, #tpu.memory_space<semaphore_mem>>) src(%dma_wait3A_580 : memref<2048x16xf32, #tpu.memory_space<hbm>>) dst(%arg7 : memref<2048x16xf32, #tpu.memory_space<vmem>>)
    %add3A_581 = arith.constant 8192 : i32
    %add3A_582 = arith.addi %mul3A_2, %add3A_581 : i32
    %dma_start3A_583 = arith.constant 0 : i32
    %dma_start3A_584 = tpu.memref_slice %arg6[%add3A_582, %dma_start3A_583] : memref<1048576x16xf32, #tpu.memory_space<hbm>> -> memref<2048x16xf32, #tpu.memory_space<hbm>>
    %dma_start3A_585 = arith.constant 0 : i32
    %dma_start3A_586 = tpu.memref_slice %arg6[%add3A_582, %dma_start3A_585] : memref<1048576x16xf32, #tpu.memory_space<hbm>> -> memref<2048x16xf32, #tpu.memory_space<hbm>>
    tpu.enqueue_dma source(%arg7 : memref<2048x16xf32, #tpu.memory_space<vmem>>) target(%dma_start3A_586 : memref<2048x16xf32, #tpu.memory_space<hbm>>) target_semaphore(%arg15 : memref<!tpu.dma_semaphore, #tpu.memory_space<semaphore_mem>>)
    %parallel_loop3A_587 = arith.constant 0 : i32
    %parallel_loop3A_588 = arith.constant 2048 : i32
    %parallel_loop3A_589 = arith.constant 1 : i32
    scf.for %parallel_loop3A_852 = %parallel_loop3A_587 to %parallel_loop3A_588 step %parallel_loop3A_589  : i32 {
      %parallel_loop3A_853 = arith.index_cast %parallel_loop3A_852 : i32 to index
      %parallel_loop3A_854 = arith.constant 0 : index
      %parallel_loop3A_855 = tpu.vector_load %arg7[%parallel_loop3A_853, %parallel_loop3A_854] {strides = array<i32>} : memref<2048x16xf32, #tpu.memory_space<vmem>>, vector<16xf32>,
      %parallel_loop3A_856 = arith.subf %parallel_loop3A_855, %broadcast_in_dim3A : vector<16xf32>
      %parallel_loop3A_857 = arith.mulf %parallel_loop3A_856, %div3A_457 : vector<16xf32>
      %parallel_loop3A_858 = arith.fptosi %parallel_loop3A_857 : vector<16xf32> to vector<16xi32>
      %parallel_loop3A_859 = arith.addi %parallel_loop3A_858, %mul3A_460 : vector<16xi32>
      tpu.vector_store_idx %arg9[%parallel_loop3A_859], %broadcast_in_dim3A_462 {add = true} : memref<32896xf32, #tpu.memory_space<vmem>>[vector<16xi32>], vector<16xf32>,
    } {sc.loop_unroll_factor = 8 : i64, sc.parallel_access}
    %dma_wait3A_590 = arith.constant 0 : i32
    %dma_wait3A_591 = tpu.memref_slice %arg6[%add3A_582, %dma_wait3A_590] : memref<1048576x16xf32, #tpu.memory_space<hbm>> -> memref<2048x16xf32, #tpu.memory_space<hbm>>
    %dma_wait3A_592 = arith.constant 0 : i32
    %dma_wait3A_593 = tpu.memref_slice %arg6[%add3A_582, %dma_wait3A_592] : memref<1048576x16xf32, #tpu.memory_space<hbm>> -> memref<2048x16xf32, #tpu.memory_space<hbm>>
    tpu.wait_dma2 semaphore(%arg15 : memref<!tpu.dma_semaphore, #tpu.memory_space<semaphore_mem>>) src(%arg7 : memref<2048x16xf32, #tpu.memory_space<vmem>>) dst(%dma_wait3A_593 : memref<2048x16xf32, #tpu.memory_space<hbm>>)
    %add3A_594 = arith.constant 12288 : i32
    %add3A_595 = arith.addi %mul3A_2, %add3A_594 : i32
    %dma_start3A_596 = arith.constant 0 : i32
    %dma_start3A_597 = tpu.memref_slice %arg2[%add3A_595, %dma_start3A_596] : memref<1048576x16xf32, #tpu.memory_space<hbm>> -> memref<2048x16xf32, #tpu.memory_space<hbm>>
    %dma_start3A_598 = arith.constant 0 : i32
    %dma_start3A_599 = tpu.memref_slice %arg2[%add3A_595, %dma_start3A_598] : memref<1048576x16xf32, #tpu.memory_space<hbm>> -> memref<2048x16xf32, #tpu.memory_space<hbm>>
    tpu.enqueue_dma source(%dma_start3A_599 : memref<2048x16xf32, #tpu.memory_space<hbm>>) target(%arg7 : memref<2048x16xf32, #tpu.memory_space<vmem>>) target_semaphore(%arg13 : memref<!tpu.dma_semaphore, #tpu.memory_space<semaphore_mem>>)
    %dma_wait3A_600 = arith.constant 0 : i32
    %dma_wait3A_601 = tpu.memref_slice %arg2[%add3A_572, %dma_wait3A_600] : memref<1048576x16xf32, #tpu.memory_space<hbm>> -> memref<2048x16xf32, #tpu.memory_space<hbm>>
    %dma_wait3A_602 = arith.constant 0 : i32
    %dma_wait3A_603 = tpu.memref_slice %arg2[%add3A_572, %dma_wait3A_602] : memref<1048576x16xf32, #tpu.memory_space<hbm>> -> memref<2048x16xf32, #tpu.memory_space<hbm>>
    tpu.wait_dma2 semaphore(%arg14 : memref<!tpu.dma_semaphore, #tpu.memory_space<semaphore_mem>>) src(%dma_wait3A_603 : memref<2048x16xf32, #tpu.memory_space<hbm>>) dst(%arg8 : memref<2048x16xf32, #tpu.memory_space<vmem>>)
    %add3A_604 = arith.constant 10240 : i32
    %add3A_605 = arith.addi %mul3A_2, %add3A_604 : i32
    %dma_start3A_606 = arith.constant 0 : i32
    %dma_start3A_607 = tpu.memref_slice %arg6[%add3A_605, %dma_start3A_606] : memref<1048576x16xf32, #tpu.memory_space<hbm>> -> memref<2048x16xf32, #tpu.memory_space<hbm>>
    %dma_start3A_608 = arith.constant 0 : i32
    %dma_start3A_609 = tpu.memref_slice %arg6[%add3A_605, %dma_start3A_608] : memref<1048576x16xf32, #tpu.memory_space<hbm>> -> memref<2048x16xf32, #tpu.memory_space<hbm>>
    tpu.enqueue_dma source(%arg8 : memref<2048x16xf32, #tpu.memory_space<vmem>>) target(%dma_start3A_609 : memref<2048x16xf32, #tpu.memory_space<hbm>>) target_semaphore(%arg16 : memref<!tpu.dma_semaphore, #tpu.memory_space<semaphore_mem>>)
    %parallel_loop3A_610 = arith.constant 0 : i32
    %parallel_loop3A_611 = arith.constant 2048 : i32
    %parallel_loop3A_612 = arith.constant 1 : i32
    scf.for %parallel_loop3A_852 = %parallel_loop3A_610 to %parallel_loop3A_611 step %parallel_loop3A_612  : i32 {
      %parallel_loop3A_853 = arith.index_cast %parallel_loop3A_852 : i32 to index
      %parallel_loop3A_854 = arith.constant 0 : index
      %parallel_loop3A_855 = tpu.vector_load %arg8[%parallel_loop3A_853, %parallel_loop3A_854] {strides = array<i32>} : memref<2048x16xf32, #tpu.memory_space<vmem>>, vector<16xf32>,
      %parallel_loop3A_856 = arith.subf %parallel_loop3A_855, %broadcast_in_dim3A : vector<16xf32>
      %parallel_loop3A_857 = arith.mulf %parallel_loop3A_856, %div3A_457 : vector<16xf32>
      %parallel_loop3A_858 = arith.fptosi %parallel_loop3A_857 : vector<16xf32> to vector<16xi32>
      %parallel_loop3A_859 = arith.addi %parallel_loop3A_858, %mul3A_460 : vector<16xi32>
      tpu.vector_store_idx %arg9[%parallel_loop3A_859], %broadcast_in_dim3A_462 {add = true} : memref<32896xf32, #tpu.memory_space<vmem>>[vector<16xi32>], vector<16xf32>,
    } {sc.loop_unroll_factor = 8 : i64, sc.parallel_access}
    %dma_wait3A_613 = arith.constant 0 : i32
    %dma_wait3A_614 = tpu.memref_slice %arg6[%add3A_605, %dma_wait3A_613] : memref<1048576x16xf32, #tpu.memory_space<hbm>> -> memref<2048x16xf32, #tpu.memory_space<hbm>>
    %dma_wait3A_615 = arith.constant 0 : i32
    %dma_wait3A_616 = tpu.memref_slice %arg6[%add3A_605, %dma_wait3A_615] : memref<1048576x16xf32, #tpu.memory_space<hbm>> -> memref<2048x16xf32, #tpu.memory_space<hbm>>
    tpu.wait_dma2 semaphore(%arg16 : memref<!tpu.dma_semaphore, #tpu.memory_space<semaphore_mem>>) src(%arg8 : memref<2048x16xf32, #tpu.memory_space<vmem>>) dst(%dma_wait3A_616 : memref<2048x16xf32, #tpu.memory_space<hbm>>)
    %add3A_617 = arith.constant 14336 : i32
    %add3A_618 = arith.addi %mul3A_2, %add3A_617 : i32
    %dma_start3A_619 = arith.constant 0 : i32
    %dma_start3A_620 = tpu.memref_slice %arg2[%add3A_618, %dma_start3A_619] : memref<1048576x16xf32, #tpu.memory_space<hbm>> -> memref<2048x16xf32, #tpu.memory_space<hbm>>
    %dma_start3A_621 = arith.constant 0 : i32
    %dma_start3A_622 = tpu.memref_slice %arg2[%add3A_618, %dma_start3A_621] : memref<1048576x16xf32, #tpu.memory_space<hbm>> -> memref<2048x16xf32, #tpu.memory_space<hbm>>
    tpu.enqueue_dma source(%dma_start3A_622 : memref<2048x16xf32, #tpu.memory_space<hbm>>) target(%arg8 : memref<2048x16xf32, #tpu.memory_space<vmem>>) target_semaphore(%arg14 : memref<!tpu.dma_semaphore, #tpu.memory_space<semaphore_mem>>)
    %dma_wait3A_623 = arith.constant 0 : i32
    %dma_wait3A_624 = tpu.memref_slice %arg2[%add3A_595, %dma_wait3A_623] : memref<1048576x16xf32, #tpu.memory_space<hbm>> -> memref<2048x16xf32, #tpu.memory_space<hbm>>
    %dma_wait3A_625 = arith.constant 0 : i32
    %dma_wait3A_626 = tpu.memref_slice %arg2[%add3A_595, %dma_wait3A_625] : memref<1048576x16xf32, #tpu.memory_space<hbm>> -> memref<2048x16xf32, #tpu.memory_space<hbm>>
    tpu.wait_dma2 semaphore(%arg13 : memref<!tpu.dma_semaphore, #tpu.memory_space<semaphore_mem>>) src(%dma_wait3A_626 : memref<2048x16xf32, #tpu.memory_space<hbm>>) dst(%arg7 : memref<2048x16xf32, #tpu.memory_space<vmem>>)
    %add3A_627 = arith.constant 12288 : i32
    %add3A_628 = arith.addi %mul3A_2, %add3A_627 : i32
    %dma_start3A_629 = arith.constant 0 : i32
    %dma_start3A_630 = tpu.memref_slice %arg6[%add3A_628, %dma_start3A_629] : memref<1048576x16xf32, #tpu.memory_space<hbm>> -> memref<2048x16xf32, #tpu.memory_space<hbm>>
    %dma_start3A_631 = arith.constant 0 : i32
    %dma_start3A_632 = tpu.memref_slice %arg6[%add3A_628, %dma_start3A_631] : memref<1048576x16xf32, #tpu.memory_space<hbm>> -> memref<2048x16xf32, #tpu.memory_space<hbm>>
    tpu.enqueue_dma source(%arg7 : memref<2048x16xf32, #tpu.memory_space<vmem>>) target(%dma_start3A_632 : memref<2048x16xf32, #tpu.memory_space<hbm>>) target_semaphore(%arg15 : memref<!tpu.dma_semaphore, #tpu.memory_space<semaphore_mem>>)
    %parallel_loop3A_633 = arith.constant 0 : i32
    %parallel_loop3A_634 = arith.constant 2048 : i32
    %parallel_loop3A_635 = arith.constant 1 : i32
    scf.for %parallel_loop3A_852 = %parallel_loop3A_633 to %parallel_loop3A_634 step %parallel_loop3A_635  : i32 {
      %parallel_loop3A_853 = arith.index_cast %parallel_loop3A_852 : i32 to index
      %parallel_loop3A_854 = arith.constant 0 : index
      %parallel_loop3A_855 = tpu.vector_load %arg7[%parallel_loop3A_853, %parallel_loop3A_854] {strides = array<i32>} : memref<2048x16xf32, #tpu.memory_space<vmem>>, vector<16xf32>,
      %parallel_loop3A_856 = arith.subf %parallel_loop3A_855, %broadcast_in_dim3A : vector<16xf32>
      %parallel_loop3A_857 = arith.mulf %parallel_loop3A_856, %div3A_457 : vector<16xf32>
      %parallel_loop3A_858 = arith.fptosi %parallel_loop3A_857 : vector<16xf32> to vector<16xi32>
      %parallel_loop3A_859 = arith.addi %parallel_loop3A_858, %mul3A_460 : vector<16xi32>
      tpu.vector_store_idx %arg9[%parallel_loop3A_859], %broadcast_in_dim3A_462 {add = true} : memref<32896xf32, #tpu.memory_space<vmem>>[vector<16xi32>], vector<16xf32>,
    } {sc.loop_unroll_factor = 8 : i64, sc.parallel_access}
    %dma_wait3A_636 = arith.constant 0 : i32
    %dma_wait3A_637 = tpu.memref_slice %arg6[%add3A_628, %dma_wait3A_636] : memref<1048576x16xf32, #tpu.memory_space<hbm>> -> memref<2048x16xf32, #tpu.memory_space<hbm>>
    %dma_wait3A_638 = arith.constant 0 : i32
    %dma_wait3A_639 = tpu.memref_slice %arg6[%add3A_628, %dma_wait3A_638] : memref<1048576x16xf32, #tpu.memory_space<hbm>> -> memref<2048x16xf32, #tpu.memory_space<hbm>>
    tpu.wait_dma2 semaphore(%arg15 : memref<!tpu.dma_semaphore, #tpu.memory_space<semaphore_mem>>) src(%arg7 : memref<2048x16xf32, #tpu.memory_space<vmem>>) dst(%dma_wait3A_639 : memref<2048x16xf32, #tpu.memory_space<hbm>>)
    %add3A_640 = arith.constant 16384 : i32
    %add3A_641 = arith.addi %mul3A_2, %add3A_640 : i32
    %dma_start3A_642 = arith.constant 0 : i32
    %dma_start3A_643 = tpu.memref_slice %arg2[%add3A_641, %dma_start3A_642] : memref<1048576x16xf32, #tpu.memory_space<hbm>> -> memref<2048x16xf32, #tpu.memory_space<hbm>>
    %dma_start3A_644 = arith.constant 0 : i32
    %dma_start3A_645 = tpu.memref_slice %arg2[%add3A_641, %dma_start3A_644] : memref<1048576x16xf32, #tpu.memory_space<hbm>> -> memref<2048x16xf32, #tpu.memory_space<hbm>>
    tpu.enqueue_dma source(%dma_start3A_645 : memref<2048x16xf32, #tpu.memory_space<hbm>>) target(%arg7 : memref<2048x16xf32, #tpu.memory_space<vmem>>) target_semaphore(%arg13 : memref<!tpu.dma_semaphore, #tpu.memory_space<semaphore_mem>>)
    %dma_wait3A_646 = arith.constant 0 : i32
    %dma_wait3A_647 = tpu.memref_slice %arg2[%add3A_618, %dma_wait3A_646] : memref<1048576x16xf32, #tpu.memory_space<hbm>> -> memref<2048x16xf32, #tpu.memory_space<hbm>>
    %dma_wait3A_648 = arith.constant 0 : i32
    %dma_wait3A_649 = tpu.memref_slice %arg2[%add3A_618, %dma_wait3A_648] : memref<1048576x16xf32, #tpu.memory_space<hbm>> -> memref<2048x16xf32, #tpu.memory_space<hbm>>
    tpu.wait_dma2 semaphore(%arg14 : memref<!tpu.dma_semaphore, #tpu.memory_space<semaphore_mem>>) src(%dma_wait3A_649 : memref<2048x16xf32, #tpu.memory_space<hbm>>) dst(%arg8 : memref<2048x16xf32, #tpu.memory_space<vmem>>)
    %add3A_650 = arith.constant 14336 : i32
    %add3A_651 = arith.addi %mul3A_2, %add3A_650 : i32
    %dma_start3A_652 = arith.constant 0 : i32
    %dma_start3A_653 = tpu.memref_slice %arg6[%add3A_651, %dma_start3A_652] : memref<1048576x16xf32, #tpu.memory_space<hbm>> -> memref<2048x16xf32, #tpu.memory_space<hbm>>
    %dma_start3A_654 = arith.constant 0 : i32
    %dma_start3A_655 = tpu.memref_slice %arg6[%add3A_651, %dma_start3A_654] : memref<1048576x16xf32, #tpu.memory_space<hbm>> -> memref<2048x16xf32, #tpu.memory_space<hbm>>
    tpu.enqueue_dma source(%arg8 : memref<2048x16xf32, #tpu.memory_space<vmem>>) target(%dma_start3A_655 : memref<2048x16xf32, #tpu.memory_space<hbm>>) target_semaphore(%arg16 : memref<!tpu.dma_semaphore, #tpu.memory_space<semaphore_mem>>)
    %parallel_loop3A_656 = arith.constant 0 : i32
    %parallel_loop3A_657 = arith.constant 2048 : i32
    %parallel_loop3A_658 = arith.constant 1 : i32
    scf.for %parallel_loop3A_852 = %parallel_loop3A_656 to %parallel_loop3A_657 step %parallel_loop3A_658  : i32 {
      %parallel_loop3A_853 = arith.index_cast %parallel_loop3A_852 : i32 to index
      %parallel_loop3A_854 = arith.constant 0 : index
      %parallel_loop3A_855 = tpu.vector_load %arg8[%parallel_loop3A_853, %parallel_loop3A_854] {strides = array<i32>} : memref<2048x16xf32, #tpu.memory_space<vmem>>, vector<16xf32>,
      %parallel_loop3A_856 = arith.subf %parallel_loop3A_855, %broadcast_in_dim3A : vector<16xf32>
      %parallel_loop3A_857 = arith.mulf %parallel_loop3A_856, %div3A_457 : vector<16xf32>
      %parallel_loop3A_858 = arith.fptosi %parallel_loop3A_857 : vector<16xf32> to vector<16xi32>
      %parallel_loop3A_859 = arith.addi %parallel_loop3A_858, %mul3A_460 : vector<16xi32>
      tpu.vector_store_idx %arg9[%parallel_loop3A_859], %broadcast_in_dim3A_462 {add = true} : memref<32896xf32, #tpu.memory_space<vmem>>[vector<16xi32>], vector<16xf32>,
    } {sc.loop_unroll_factor = 8 : i64, sc.parallel_access}
    %dma_wait3A_659 = arith.constant 0 : i32
    %dma_wait3A_660 = tpu.memref_slice %arg6[%add3A_651, %dma_wait3A_659] : memref<1048576x16xf32, #tpu.memory_space<hbm>> -> memref<2048x16xf32, #tpu.memory_space<hbm>>
    %dma_wait3A_661 = arith.constant 0 : i32
    %dma_wait3A_662 = tpu.memref_slice %arg6[%add3A_651, %dma_wait3A_661] : memref<1048576x16xf32, #tpu.memory_space<hbm>> -> memref<2048x16xf32, #tpu.memory_space<hbm>>
    tpu.wait_dma2 semaphore(%arg16 : memref<!tpu.dma_semaphore, #tpu.memory_space<semaphore_mem>>) src(%arg8 : memref<2048x16xf32, #tpu.memory_space<vmem>>) dst(%dma_wait3A_662 : memref<2048x16xf32, #tpu.memory_space<hbm>>)
    %add3A_663 = arith.constant 18432 : i32
    %add3A_664 = arith.addi %mul3A_2, %add3A_663 : i32
    %dma_start3A_665 = arith.constant 0 : i32
    %dma_start3A_666 = tpu.memref_slice %arg2[%add3A_664, %dma_start3A_665] : memref<1048576x16xf32, #tpu.memory_space<hbm>> -> memref<2048x16xf32, #tpu.memory_space<hbm>>
    %dma_start3A_667 = arith.constant 0 : i32
    %dma_start3A_668 = tpu.memref_slice %arg2[%add3A_664, %dma_start3A_667] : memref<1048576x16xf32, #tpu.memory_space<hbm>> -> memref<2048x16xf32, #tpu.memory_space<hbm>>
    tpu.enqueue_dma source(%dma_start3A_668 : memref<2048x16xf32, #tpu.memory_space<hbm>>) target(%arg8 : memref<2048x16xf32, #tpu.memory_space<vmem>>) target_semaphore(%arg14 : memref<!tpu.dma_semaphore, #tpu.memory_space<semaphore_mem>>)
    %dma_wait3A_669 = arith.constant 0 : i32
    %dma_wait3A_670 = tpu.memref_slice %arg2[%add3A_641, %dma_wait3A_669] : memref<1048576x16xf32, #tpu.memory_space<hbm>> -> memref<2048x16xf32, #tpu.memory_space<hbm>>
    %dma_wait3A_671 = arith.constant 0 : i32
    %dma_wait3A_672 = tpu.memref_slice %arg2[%add3A_641, %dma_wait3A_671] : memref<1048576x16xf32, #tpu.memory_space<hbm>> -> memref<2048x16xf32, #tpu.memory_space<hbm>>
    tpu.wait_dma2 semaphore(%arg13 : memref<!tpu.dma_semaphore, #tpu.memory_space<semaphore_mem>>) src(%dma_wait3A_672 : memref<2048x16xf32, #tpu.memory_space<hbm>>) dst(%arg7 : memref<2048x16xf32, #tpu.memory_space<vmem>>)
    %add3A_673 = arith.constant 16384 : i32
    %add3A_674 = arith.addi %mul3A_2, %add3A_673 : i32
    %dma_start3A_675 = arith.constant 0 : i32
    %dma_start3A_676 = tpu.memref_slice %arg6[%add3A_674, %dma_start3A_675] : memref<1048576x16xf32, #tpu.memory_space<hbm>> -> memref<2048x16xf32, #tpu.memory_space<hbm>>
    %dma_start3A_677 = arith.constant 0 : i32
    %dma_start3A_678 = tpu.memref_slice %arg6[%add3A_674, %dma_start3A_677] : memref<1048576x16xf32, #tpu.memory_space<hbm>> -> memref<2048x16xf32, #tpu.memory_space<hbm>>
    tpu.enqueue_dma source(%arg7 : memref<2048x16xf32, #tpu.memory_space<vmem>>) target(%dma_start3A_678 : memref<2048x16xf32, #tpu.memory_space<hbm>>) target_semaphore(%arg15 : memref<!tpu.dma_semaphore, #tpu.memory_space<semaphore_mem>>)
    %parallel_loop3A_679 = arith.constant 0 : i32
    %parallel_loop3A_680 = arith.constant 2048 : i32
    %parallel_loop3A_681 = arith.constant 1 : i32
    scf.for %parallel_loop3A_852 = %parallel_loop3A_679 to %parallel_loop3A_680 step %parallel_loop3A_681  : i32 {
      %parallel_loop3A_853 = arith.index_cast %parallel_loop3A_852 : i32 to index
      %parallel_loop3A_854 = arith.constant 0 : index
      %parallel_loop3A_855 = tpu.vector_load %arg7[%parallel_loop3A_853, %parallel_loop3A_854] {strides = array<i32>} : memref<2048x16xf32, #tpu.memory_space<vmem>>, vector<16xf32>,
      %parallel_loop3A_856 = arith.subf %parallel_loop3A_855, %broadcast_in_dim3A : vector<16xf32>
      %parallel_loop3A_857 = arith.mulf %parallel_loop3A_856, %div3A_457 : vector<16xf32>
      %parallel_loop3A_858 = arith.fptosi %parallel_loop3A_857 : vector<16xf32> to vector<16xi32>
      %parallel_loop3A_859 = arith.addi %parallel_loop3A_858, %mul3A_460 : vector<16xi32>
      tpu.vector_store_idx %arg9[%parallel_loop3A_859], %broadcast_in_dim3A_462 {add = true} : memref<32896xf32, #tpu.memory_space<vmem>>[vector<16xi32>], vector<16xf32>,
    } {sc.loop_unroll_factor = 8 : i64, sc.parallel_access}
    %dma_wait3A_682 = arith.constant 0 : i32
    %dma_wait3A_683 = tpu.memref_slice %arg6[%add3A_674, %dma_wait3A_682] : memref<1048576x16xf32, #tpu.memory_space<hbm>> -> memref<2048x16xf32, #tpu.memory_space<hbm>>
    %dma_wait3A_684 = arith.constant 0 : i32
    %dma_wait3A_685 = tpu.memref_slice %arg6[%add3A_674, %dma_wait3A_684] : memref<1048576x16xf32, #tpu.memory_space<hbm>> -> memref<2048x16xf32, #tpu.memory_space<hbm>>
    tpu.wait_dma2 semaphore(%arg15 : memref<!tpu.dma_semaphore, #tpu.memory_space<semaphore_mem>>) src(%arg7 : memref<2048x16xf32, #tpu.memory_space<vmem>>) dst(%dma_wait3A_685 : memref<2048x16xf32, #tpu.memory_space<hbm>>)
    %add3A_686 = arith.constant 20480 : i32
    %add3A_687 = arith.addi %mul3A_2, %add3A_686 : i32
    %dma_start3A_688 = arith.constant 0 : i32
    %dma_start3A_689 = tpu.memref_slice %arg2[%add3A_687, %dma_start3A_688] : memref<1048576x16xf32, #tpu.memory_space<hbm>> -> memref<2048x16xf32, #tpu.memory_space<hbm>>
    %dma_start3A_690 = arith.constant 0 : i32
    %dma_start3A_691 = tpu.memref_slice %arg2[%add3A_687, %dma_start3A_690] : memref<1048576x16xf32, #tpu.memory_space<hbm>> -> memref<2048x16xf32, #tpu.memory_space<hbm>>
    tpu.enqueue_dma source(%dma_start3A_691 : memref<2048x16xf32, #tpu.memory_space<hbm>>) target(%arg7 : memref<2048x16xf32, #tpu.memory_space<vmem>>) target_semaphore(%arg13 : memref<!tpu.dma_semaphore, #tpu.memory_space<semaphore_mem>>)
    %dma_wait3A_692 = arith.constant 0 : i32
    %dma_wait3A_693 = tpu.memref_slice %arg2[%add3A_664, %dma_wait3A_692] : memref<1048576x16xf32, #tpu.memory_space<hbm>> -> memref<2048x16xf32, #tpu.memory_space<hbm>>
    %dma_wait3A_694 = arith.constant 0 : i32
    %dma_wait3A_695 = tpu.memref_slice %arg2[%add3A_664, %dma_wait3A_694] : memref<1048576x16xf32, #tpu.memory_space<hbm>> -> memref<2048x16xf32, #tpu.memory_space<hbm>>
    tpu.wait_dma2 semaphore(%arg14 : memref<!tpu.dma_semaphore, #tpu.memory_space<semaphore_mem>>) src(%dma_wait3A_695 : memref<2048x16xf32, #tpu.memory_space<hbm>>) dst(%arg8 : memref<2048x16xf32, #tpu.memory_space<vmem>>)
    %add3A_696 = arith.constant 18432 : i32
    %add3A_697 = arith.addi %mul3A_2, %add3A_696 : i32
    %dma_start3A_698 = arith.constant 0 : i32
    %dma_start3A_699 = tpu.memref_slice %arg6[%add3A_697, %dma_start3A_698] : memref<1048576x16xf32, #tpu.memory_space<hbm>> -> memref<2048x16xf32, #tpu.memory_space<hbm>>
    %dma_start3A_700 = arith.constant 0 : i32
    %dma_start3A_701 = tpu.memref_slice %arg6[%add3A_697, %dma_start3A_700] : memref<1048576x16xf32, #tpu.memory_space<hbm>> -> memref<2048x16xf32, #tpu.memory_space<hbm>>
    tpu.enqueue_dma source(%arg8 : memref<2048x16xf32, #tpu.memory_space<vmem>>) target(%dma_start3A_701 : memref<2048x16xf32, #tpu.memory_space<hbm>>) target_semaphore(%arg16 : memref<!tpu.dma_semaphore, #tpu.memory_space<semaphore_mem>>)
    %parallel_loop3A_702 = arith.constant 0 : i32
    %parallel_loop3A_703 = arith.constant 2048 : i32
    %parallel_loop3A_704 = arith.constant 1 : i32
    scf.for %parallel_loop3A_852 = %parallel_loop3A_702 to %parallel_loop3A_703 step %parallel_loop3A_704  : i32 {
      %parallel_loop3A_853 = arith.index_cast %parallel_loop3A_852 : i32 to index
      %parallel_loop3A_854 = arith.constant 0 : index
      %parallel_loop3A_855 = tpu.vector_load %arg8[%parallel_loop3A_853, %parallel_loop3A_854] {strides = array<i32>} : memref<2048x16xf32, #tpu.memory_space<vmem>>, vector<16xf32>,
      %parallel_loop3A_856 = arith.subf %parallel_loop3A_855, %broadcast_in_dim3A : vector<16xf32>
      %parallel_loop3A_857 = arith.mulf %parallel_loop3A_856, %div3A_457 : vector<16xf32>
      %parallel_loop3A_858 = arith.fptosi %parallel_loop3A_857 : vector<16xf32> to vector<16xi32>
      %parallel_loop3A_859 = arith.addi %parallel_loop3A_858, %mul3A_460 : vector<16xi32>
      tpu.vector_store_idx %arg9[%parallel_loop3A_859], %broadcast_in_dim3A_462 {add = true} : memref<32896xf32, #tpu.memory_space<vmem>>[vector<16xi32>], vector<16xf32>,
    } {sc.loop_unroll_factor = 8 : i64, sc.parallel_access}
    %dma_wait3A_705 = arith.constant 0 : i32
    %dma_wait3A_706 = tpu.memref_slice %arg6[%add3A_697, %dma_wait3A_705] : memref<1048576x16xf32, #tpu.memory_space<hbm>> -> memref<2048x16xf32, #tpu.memory_space<hbm>>
    %dma_wait3A_707 = arith.constant 0 : i32
    %dma_wait3A_708 = tpu.memref_slice %arg6[%add3A_697, %dma_wait3A_707] : memref<1048576x16xf32, #tpu.memory_space<hbm>> -> memref<2048x16xf32, #tpu.memory_space<hbm>>
    tpu.wait_dma2 semaphore(%arg16 : memref<!tpu.dma_semaphore, #tpu.memory_space<semaphore_mem>>) src(%arg8 : memref<2048x16xf32, #tpu.memory_space<vmem>>) dst(%dma_wait3A_708 : memref<2048x16xf32, #tpu.memory_space<hbm>>)
    %add3A_709 = arith.constant 22528 : i32
    %add3A_710 = arith.addi %mul3A_2, %add3A_709 : i32
    %dma_start3A_711 = arith.constant 0 : i32
    %dma_start3A_712 = tpu.memref_slice %arg2[%add3A_710, %dma_start3A_711] : memref<1048576x16xf32, #tpu.memory_space<hbm>> -> memref<2048x16xf32, #tpu.memory_space<hbm>>
    %dma_start3A_713 = arith.constant 0 : i32
    %dma_start3A_714 = tpu.memref_slice %arg2[%add3A_710, %dma_start3A_713] : memref<1048576x16xf32, #tpu.memory_space<hbm>> -> memref<2048x16xf32, #tpu.memory_space<hbm>>
    tpu.enqueue_dma source(%dma_start3A_714 : memref<2048x16xf32, #tpu.memory_space<hbm>>) target(%arg8 : memref<2048x16xf32, #tpu.memory_space<vmem>>) target_semaphore(%arg14 : memref<!tpu.dma_semaphore, #tpu.memory_space<semaphore_mem>>)
    %dma_wait3A_715 = arith.constant 0 : i32
    %dma_wait3A_716 = tpu.memref_slice %arg2[%add3A_687, %dma_wait3A_715] : memref<1048576x16xf32, #tpu.memory_space<hbm>> -> memref<2048x16xf32, #tpu.memory_space<hbm>>
    %dma_wait3A_717 = arith.constant 0 : i32
    %dma_wait3A_718 = tpu.memref_slice %arg2[%add3A_687, %dma_wait3A_717] : memref<1048576x16xf32, #tpu.memory_space<hbm>> -> memref<2048x16xf32, #tpu.memory_space<hbm>>
    tpu.wait_dma2 semaphore(%arg13 : memref<!tpu.dma_semaphore, #tpu.memory_space<semaphore_mem>>) src(%dma_wait3A_718 : memref<2048x16xf32, #tpu.memory_space<hbm>>) dst(%arg7 : memref<2048x16xf32, #tpu.memory_space<vmem>>)
    %add3A_719 = arith.constant 20480 : i32
    %add3A_720 = arith.addi %mul3A_2, %add3A_719 : i32
    %dma_start3A_721 = arith.constant 0 : i32
    %dma_start3A_722 = tpu.memref_slice %arg6[%add3A_720, %dma_start3A_721] : memref<1048576x16xf32, #tpu.memory_space<hbm>> -> memref<2048x16xf32, #tpu.memory_space<hbm>>
    %dma_start3A_723 = arith.constant 0 : i32
    %dma_start3A_724 = tpu.memref_slice %arg6[%add3A_720, %dma_start3A_723] : memref<1048576x16xf32, #tpu.memory_space<hbm>> -> memref<2048x16xf32, #tpu.memory_space<hbm>>
    tpu.enqueue_dma source(%arg7 : memref<2048x16xf32, #tpu.memory_space<vmem>>) target(%dma_start3A_724 : memref<2048x16xf32, #tpu.memory_space<hbm>>) target_semaphore(%arg15 : memref<!tpu.dma_semaphore, #tpu.memory_space<semaphore_mem>>)
    %parallel_loop3A_725 = arith.constant 0 : i32
    %parallel_loop3A_726 = arith.constant 2048 : i32
    %parallel_loop3A_727 = arith.constant 1 : i32
    scf.for %parallel_loop3A_852 = %parallel_loop3A_725 to %parallel_loop3A_726 step %parallel_loop3A_727  : i32 {
      %parallel_loop3A_853 = arith.index_cast %parallel_loop3A_852 : i32 to index
      %parallel_loop3A_854 = arith.constant 0 : index
      %parallel_loop3A_855 = tpu.vector_load %arg7[%parallel_loop3A_853, %parallel_loop3A_854] {strides = array<i32>} : memref<2048x16xf32, #tpu.memory_space<vmem>>, vector<16xf32>,
      %parallel_loop3A_856 = arith.subf %parallel_loop3A_855, %broadcast_in_dim3A : vector<16xf32>
      %parallel_loop3A_857 = arith.mulf %parallel_loop3A_856, %div3A_457 : vector<16xf32>
      %parallel_loop3A_858 = arith.fptosi %parallel_loop3A_857 : vector<16xf32> to vector<16xi32>
      %parallel_loop3A_859 = arith.addi %parallel_loop3A_858, %mul3A_460 : vector<16xi32>
      tpu.vector_store_idx %arg9[%parallel_loop3A_859], %broadcast_in_dim3A_462 {add = true} : memref<32896xf32, #tpu.memory_space<vmem>>[vector<16xi32>], vector<16xf32>,
    } {sc.loop_unroll_factor = 8 : i64, sc.parallel_access}
    %dma_wait3A_728 = arith.constant 0 : i32
    %dma_wait3A_729 = tpu.memref_slice %arg6[%add3A_720, %dma_wait3A_728] : memref<1048576x16xf32, #tpu.memory_space<hbm>> -> memref<2048x16xf32, #tpu.memory_space<hbm>>
    %dma_wait3A_730 = arith.constant 0 : i32
    %dma_wait3A_731 = tpu.memref_slice %arg6[%add3A_720, %dma_wait3A_730] : memref<1048576x16xf32, #tpu.memory_space<hbm>> -> memref<2048x16xf32, #tpu.memory_space<hbm>>
    tpu.wait_dma2 semaphore(%arg15 : memref<!tpu.dma_semaphore, #tpu.memory_space<semaphore_mem>>) src(%arg7 : memref<2048x16xf32, #tpu.memory_space<vmem>>) dst(%dma_wait3A_731 : memref<2048x16xf32, #tpu.memory_space<hbm>>)
    %add3A_732 = arith.constant 24576 : i32
    %add3A_733 = arith.addi %mul3A_2, %add3A_732 : i32
    %dma_start3A_734 = arith.constant 0 : i32
    %dma_start3A_735 = tpu.memref_slice %arg2[%add3A_733, %dma_start3A_734] : memref<1048576x16xf32, #tpu.memory_space<hbm>> -> memref<2048x16xf32, #tpu.memory_space<hbm>>
    %dma_start3A_736 = arith.constant 0 : i32
    %dma_start3A_737 = tpu.memref_slice %arg2[%add3A_733, %dma_start3A_736] : memref<1048576x16xf32, #tpu.memory_space<hbm>> -> memref<2048x16xf32, #tpu.memory_space<hbm>>
    tpu.enqueue_dma source(%dma_start3A_737 : memref<2048x16xf32, #tpu.memory_space<hbm>>) target(%arg7 : memref<2048x16xf32, #tpu.memory_space<vmem>>) target_semaphore(%arg13 : memref<!tpu.dma_semaphore, #tpu.memory_space<semaphore_mem>>)
    %dma_wait3A_738 = arith.constant 0 : i32
    %dma_wait3A_739 = tpu.memref_slice %arg2[%add3A_710, %dma_wait3A_738] : memref<1048576x16xf32, #tpu.memory_space<hbm>> -> memref<2048x16xf32, #tpu.memory_space<hbm>>
    %dma_wait3A_740 = arith.constant 0 : i32
    %dma_wait3A_741 = tpu.memref_slice %arg2[%add3A_710, %dma_wait3A_740] : memref<1048576x16xf32, #tpu.memory_space<hbm>> -> memref<2048x16xf32, #tpu.memory_space<hbm>>
    tpu.wait_dma2 semaphore(%arg14 : memref<!tpu.dma_semaphore, #tpu.memory_space<semaphore_mem>>) src(%dma_wait3A_741 : memref<2048x16xf32, #tpu.memory_space<hbm>>) dst(%arg8 : memref<2048x16xf32, #tpu.memory_space<vmem>>)
    %add3A_742 = arith.constant 22528 : i32
    %add3A_743 = arith.addi %mul3A_2, %add3A_742 : i32
    %dma_start3A_744 = arith.constant 0 : i32
    %dma_start3A_745 = tpu.memref_slice %arg6[%add3A_743, %dma_start3A_744] : memref<1048576x16xf32, #tpu.memory_space<hbm>> -> memref<2048x16xf32, #tpu.memory_space<hbm>>
    %dma_start3A_746 = arith.constant 0 : i32
    %dma_start3A_747 = tpu.memref_slice %arg6[%add3A_743, %dma_start3A_746] : memref<1048576x16xf32, #tpu.memory_space<hbm>> -> memref<2048x16xf32, #tpu.memory_space<hbm>>
    tpu.enqueue_dma source(%arg8 : memref<2048x16xf32, #tpu.memory_space<vmem>>) target(%dma_start3A_747 : memref<2048x16xf32, #tpu.memory_space<hbm>>) target_semaphore(%arg16 : memref<!tpu.dma_semaphore, #tpu.memory_space<semaphore_mem>>)
    %parallel_loop3A_748 = arith.constant 0 : i32
    %parallel_loop3A_749 = arith.constant 2048 : i32
    %parallel_loop3A_750 = arith.constant 1 : i32
    scf.for %parallel_loop3A_852 = %parallel_loop3A_748 to %parallel_loop3A_749 step %parallel_loop3A_750  : i32 {
      %parallel_loop3A_853 = arith.index_cast %parallel_loop3A_852 : i32 to index
      %parallel_loop3A_854 = arith.constant 0 : index
      %parallel_loop3A_855 = tpu.vector_load %arg8[%parallel_loop3A_853, %parallel_loop3A_854] {strides = array<i32>} : memref<2048x16xf32, #tpu.memory_space<vmem>>, vector<16xf32>,
      %parallel_loop3A_856 = arith.subf %parallel_loop3A_855, %broadcast_in_dim3A : vector<16xf32>
      %parallel_loop3A_857 = arith.mulf %parallel_loop3A_856, %div3A_457 : vector<16xf32>
      %parallel_loop3A_858 = arith.fptosi %parallel_loop3A_857 : vector<16xf32> to vector<16xi32>
      %parallel_loop3A_859 = arith.addi %parallel_loop3A_858, %mul3A_460 : vector<16xi32>
      tpu.vector_store_idx %arg9[%parallel_loop3A_859], %broadcast_in_dim3A_462 {add = true} : memref<32896xf32, #tpu.memory_space<vmem>>[vector<16xi32>], vector<16xf32>,
    } {sc.loop_unroll_factor = 8 : i64, sc.parallel_access}
    %dma_wait3A_751 = arith.constant 0 : i32
    %dma_wait3A_752 = tpu.memref_slice %arg6[%add3A_743, %dma_wait3A_751] : memref<1048576x16xf32, #tpu.memory_space<hbm>> -> memref<2048x16xf32, #tpu.memory_space<hbm>>
    %dma_wait3A_753 = arith.constant 0 : i32
    %dma_wait3A_754 = tpu.memref_slice %arg6[%add3A_743, %dma_wait3A_753] : memref<1048576x16xf32, #tpu.memory_space<hbm>> -> memref<2048x16xf32, #tpu.memory_space<hbm>>
    tpu.wait_dma2 semaphore(%arg16 : memref<!tpu.dma_semaphore, #tpu.memory_space<semaphore_mem>>) src(%arg8 : memref<2048x16xf32, #tpu.memory_space<vmem>>) dst(%dma_wait3A_754 : memref<2048x16xf32, #tpu.memory_space<hbm>>)
    %add3A_755 = arith.constant 26624 : i32
    %add3A_756 = arith.addi %mul3A_2, %add3A_755 : i32
    %dma_start3A_757 = arith.constant 0 : i32
    %dma_start3A_758 = tpu.memref_slice %arg2[%add3A_756, %dma_start3A_757] : memref<1048576x16xf32, #tpu.memory_space<hbm>> -> memref<2048x16xf32, #tpu.memory_space<hbm>>
    %dma_start3A_759 = arith.constant 0 : i32
    %dma_start3A_760 = tpu.memref_slice %arg2[%add3A_756, %dma_start3A_759] : memref<1048576x16xf32, #tpu.memory_space<hbm>> -> memref<2048x16xf32, #tpu.memory_space<hbm>>
    tpu.enqueue_dma source(%dma_start3A_760 : memref<2048x16xf32, #tpu.memory_space<hbm>>) target(%arg8 : memref<2048x16xf32, #tpu.memory_space<vmem>>) target_semaphore(%arg14 : memref<!tpu.dma_semaphore, #tpu.memory_space<semaphore_mem>>)
    %dma_wait3A_761 = arith.constant 0 : i32
    %dma_wait3A_762 = tpu.memref_slice %arg2[%add3A_733, %dma_wait3A_761] : memref<1048576x16xf32, #tpu.memory_space<hbm>> -> memref<2048x16xf32, #tpu.memory_space<hbm>>
    %dma_wait3A_763 = arith.constant 0 : i32
    %dma_wait3A_764 = tpu.memref_slice %arg2[%add3A_733, %dma_wait3A_763] : memref<1048576x16xf32, #tpu.memory_space<hbm>> -> memref<2048x16xf32, #tpu.memory_space<hbm>>
    tpu.wait_dma2 semaphore(%arg13 : memref<!tpu.dma_semaphore, #tpu.memory_space<semaphore_mem>>) src(%dma_wait3A_764 : memref<2048x16xf32, #tpu.memory_space<hbm>>) dst(%arg7 : memref<2048x16xf32, #tpu.memory_space<vmem>>)
    %add3A_765 = arith.constant 24576 : i32
    %add3A_766 = arith.addi %mul3A_2, %add3A_765 : i32
    %dma_start3A_767 = arith.constant 0 : i32
    %dma_start3A_768 = tpu.memref_slice %arg6[%add3A_766, %dma_start3A_767] : memref<1048576x16xf32, #tpu.memory_space<hbm>> -> memref<2048x16xf32, #tpu.memory_space<hbm>>
    %dma_start3A_769 = arith.constant 0 : i32
    %dma_start3A_770 = tpu.memref_slice %arg6[%add3A_766, %dma_start3A_769] : memref<1048576x16xf32, #tpu.memory_space<hbm>> -> memref<2048x16xf32, #tpu.memory_space<hbm>>
    tpu.enqueue_dma source(%arg7 : memref<2048x16xf32, #tpu.memory_space<vmem>>) target(%dma_start3A_770 : memref<2048x16xf32, #tpu.memory_space<hbm>>) target_semaphore(%arg15 : memref<!tpu.dma_semaphore, #tpu.memory_space<semaphore_mem>>)
    %parallel_loop3A_771 = arith.constant 0 : i32
    %parallel_loop3A_772 = arith.constant 2048 : i32
    %parallel_loop3A_773 = arith.constant 1 : i32
    scf.for %parallel_loop3A_852 = %parallel_loop3A_771 to %parallel_loop3A_772 step %parallel_loop3A_773  : i32 {
      %parallel_loop3A_853 = arith.index_cast %parallel_loop3A_852 : i32 to index
      %parallel_loop3A_854 = arith.constant 0 : index
      %parallel_loop3A_855 = tpu.vector_load %arg7[%parallel_loop3A_853, %parallel_loop3A_854] {strides = array<i32>} : memref<2048x16xf32, #tpu.memory_space<vmem>>, vector<16xf32>,
      %parallel_loop3A_856 = arith.subf %parallel_loop3A_855, %broadcast_in_dim3A : vector<16xf32>
      %parallel_loop3A_857 = arith.mulf %parallel_loop3A_856, %div3A_457 : vector<16xf32>
      %parallel_loop3A_858 = arith.fptosi %parallel_loop3A_857 : vector<16xf32> to vector<16xi32>
      %parallel_loop3A_859 = arith.addi %parallel_loop3A_858, %mul3A_460 : vector<16xi32>
      tpu.vector_store_idx %arg9[%parallel_loop3A_859], %broadcast_in_dim3A_462 {add = true} : memref<32896xf32, #tpu.memory_space<vmem>>[vector<16xi32>], vector<16xf32>,
    } {sc.loop_unroll_factor = 8 : i64, sc.parallel_access}
    %dma_wait3A_774 = arith.constant 0 : i32
    %dma_wait3A_775 = tpu.memref_slice %arg6[%add3A_766, %dma_wait3A_774] : memref<1048576x16xf32, #tpu.memory_space<hbm>> -> memref<2048x16xf32, #tpu.memory_space<hbm>>
    %dma_wait3A_776 = arith.constant 0 : i32
    %dma_wait3A_777 = tpu.memref_slice %arg6[%add3A_766, %dma_wait3A_776] : memref<1048576x16xf32, #tpu.memory_space<hbm>> -> memref<2048x16xf32, #tpu.memory_space<hbm>>
    tpu.wait_dma2 semaphore(%arg15 : memref<!tpu.dma_semaphore, #tpu.memory_space<semaphore_mem>>) src(%arg7 : memref<2048x16xf32, #tpu.memory_space<vmem>>) dst(%dma_wait3A_777 : memref<2048x16xf32, #tpu.memory_space<hbm>>)
    %add3A_778 = arith.constant 28672 : i32
    %add3A_779 = arith.addi %mul3A_2, %add3A_778 : i32
    %dma_start3A_780 = arith.constant 0 : i32
    %dma_start3A_781 = tpu.memref_slice %arg2[%add3A_779, %dma_start3A_780] : memref<1048576x16xf32, #tpu.memory_space<hbm>> -> memref<2048x16xf32, #tpu.memory_space<hbm>>
    %dma_start3A_782 = arith.constant 0 : i32
    %dma_start3A_783 = tpu.memref_slice %arg2[%add3A_779, %dma_start3A_782] : memref<1048576x16xf32, #tpu.memory_space<hbm>> -> memref<2048x16xf32, #tpu.memory_space<hbm>>
    tpu.enqueue_dma source(%dma_start3A_783 : memref<2048x16xf32, #tpu.memory_space<hbm>>) target(%arg7 : memref<2048x16xf32, #tpu.memory_space<vmem>>) target_semaphore(%arg13 : memref<!tpu.dma_semaphore, #tpu.memory_space<semaphore_mem>>)
    %dma_wait3A_784 = arith.constant 0 : i32
    %dma_wait3A_785 = tpu.memref_slice %arg2[%add3A_756, %dma_wait3A_784] : memref<1048576x16xf32, #tpu.memory_space<hbm>> -> memref<2048x16xf32, #tpu.memory_space<hbm>>
    %dma_wait3A_786 = arith.constant 0 : i32
    %dma_wait3A_787 = tpu.memref_slice %arg2[%add3A_756, %dma_wait3A_786] : memref<1048576x16xf32, #tpu.memory_space<hbm>> -> memref<2048x16xf32, #tpu.memory_space<hbm>>
    tpu.wait_dma2 semaphore(%arg14 : memref<!tpu.dma_semaphore, #tpu.memory_space<semaphore_mem>>) src(%dma_wait3A_787 : memref<2048x16xf32, #tpu.memory_space<hbm>>) dst(%arg8 : memref<2048x16xf32, #tpu.memory_space<vmem>>)
    %add3A_788 = arith.constant 26624 : i32
    %add3A_789 = arith.addi %mul3A_2, %add3A_788 : i32
    %dma_start3A_790 = arith.constant 0 : i32
    %dma_start3A_791 = tpu.memref_slice %arg6[%add3A_789, %dma_start3A_790] : memref<1048576x16xf32, #tpu.memory_space<hbm>> -> memref<2048x16xf32, #tpu.memory_space<hbm>>
    %dma_start3A_792 = arith.constant 0 : i32
    %dma_start3A_793 = tpu.memref_slice %arg6[%add3A_789, %dma_start3A_792] : memref<1048576x16xf32, #tpu.memory_space<hbm>> -> memref<2048x16xf32, #tpu.memory_space<hbm>>
    tpu.enqueue_dma source(%arg8 : memref<2048x16xf32, #tpu.memory_space<vmem>>) target(%dma_start3A_793 : memref<2048x16xf32, #tpu.memory_space<hbm>>) target_semaphore(%arg16 : memref<!tpu.dma_semaphore, #tpu.memory_space<semaphore_mem>>)
    %parallel_loop3A_794 = arith.constant 0 : i32
    %parallel_loop3A_795 = arith.constant 2048 : i32
    %parallel_loop3A_796 = arith.constant 1 : i32
    scf.for %parallel_loop3A_852 = %parallel_loop3A_794 to %parallel_loop3A_795 step %parallel_loop3A_796  : i32 {
      %parallel_loop3A_853 = arith.index_cast %parallel_loop3A_852 : i32 to index
      %parallel_loop3A_854 = arith.constant 0 : index
      %parallel_loop3A_855 = tpu.vector_load %arg8[%parallel_loop3A_853, %parallel_loop3A_854] {strides = array<i32>} : memref<2048x16xf32, #tpu.memory_space<vmem>>, vector<16xf32>,
      %parallel_loop3A_856 = arith.subf %parallel_loop3A_855, %broadcast_in_dim3A : vector<16xf32>
      %parallel_loop3A_857 = arith.mulf %parallel_loop3A_856, %div3A_457 : vector<16xf32>
      %parallel_loop3A_858 = arith.fptosi %parallel_loop3A_857 : vector<16xf32> to vector<16xi32>
      %parallel_loop3A_859 = arith.addi %parallel_loop3A_858, %mul3A_460 : vector<16xi32>
      tpu.vector_store_idx %arg9[%parallel_loop3A_859], %broadcast_in_dim3A_462 {add = true} : memref<32896xf32, #tpu.memory_space<vmem>>[vector<16xi32>], vector<16xf32>,
    } {sc.loop_unroll_factor = 8 : i64, sc.parallel_access}
    %dma_wait3A_797 = arith.constant 0 : i32
    %dma_wait3A_798 = tpu.memref_slice %arg6[%add3A_789, %dma_wait3A_797] : memref<1048576x16xf32, #tpu.memory_space<hbm>> -> memref<2048x16xf32, #tpu.memory_space<hbm>>
    %dma_wait3A_799 = arith.constant 0 : i32
    %dma_wait3A_800 = tpu.memref_slice %arg6[%add3A_789, %dma_wait3A_799] : memref<1048576x16xf32, #tpu.memory_space<hbm>> -> memref<2048x16xf32, #tpu.memory_space<hbm>>
    tpu.wait_dma2 semaphore(%arg16 : memref<!tpu.dma_semaphore, #tpu.memory_space<semaphore_mem>>) src(%arg8 : memref<2048x16xf32, #tpu.memory_space<vmem>>) dst(%dma_wait3A_800 : memref<2048x16xf32, #tpu.memory_space<hbm>>)
    %add3A_801 = arith.constant 30720 : i32
    %add3A_802 = arith.addi %mul3A_2, %add3A_801 : i32
    %dma_start3A_803 = arith.constant 0 : i32
    %dma_start3A_804 = tpu.memref_slice %arg2[%add3A_802, %dma_start3A_803] : memref<1048576x16xf32, #tpu.memory_space<hbm>> -> memref<2048x16xf32, #tpu.memory_space<hbm>>
    %dma_start3A_805 = arith.constant 0 : i32
    %dma_start3A_806 = tpu.memref_slice %arg2[%add3A_802, %dma_start3A_805] : memref<1048576x16xf32, #tpu.memory_space<hbm>> -> memref<2048x16xf32, #tpu.memory_space<hbm>>
    tpu.enqueue_dma source(%dma_start3A_806 : memref<2048x16xf32, #tpu.memory_space<hbm>>) target(%arg8 : memref<2048x16xf32, #tpu.memory_space<vmem>>) target_semaphore(%arg14 : memref<!tpu.dma_semaphore, #tpu.memory_space<semaphore_mem>>)
    %dma_wait3A_807 = arith.constant 0 : i32
    %dma_wait3A_808 = tpu.memref_slice %arg2[%add3A_779, %dma_wait3A_807] : memref<1048576x16xf32, #tpu.memory_space<hbm>> -> memref<2048x16xf32, #tpu.memory_space<hbm>>
    %dma_wait3A_809 = arith.constant 0 : i32
    %dma_wait3A_810 = tpu.memref_slice %arg2[%add3A_779, %dma_wait3A_809] : memref<1048576x16xf32, #tpu.memory_space<hbm>> -> memref<2048x16xf32, #tpu.memory_space<hbm>>
    tpu.wait_dma2 semaphore(%arg13 : memref<!tpu.dma_semaphore, #tpu.memory_space<semaphore_mem>>) src(%dma_wait3A_810 : memref<2048x16xf32, #tpu.memory_space<hbm>>) dst(%arg7 : memref<2048x16xf32, #tpu.memory_space<vmem>>)
    %add3A_811 = arith.constant 28672 : i32
    %add3A_812 = arith.addi %mul3A_2, %add3A_811 : i32
    %dma_start3A_813 = arith.constant 0 : i32
    %dma_start3A_814 = tpu.memref_slice %arg6[%add3A_812, %dma_start3A_813] : memref<1048576x16xf32, #tpu.memory_space<hbm>> -> memref<2048x16xf32, #tpu.memory_space<hbm>>
    %dma_start3A_815 = arith.constant 0 : i32
    %dma_start3A_816 = tpu.memref_slice %arg6[%add3A_812, %dma_start3A_815] : memref<1048576x16xf32, #tpu.memory_space<hbm>> -> memref<2048x16xf32, #tpu.memory_space<hbm>>
    tpu.enqueue_dma source(%arg7 : memref<2048x16xf32, #tpu.memory_space<vmem>>) target(%dma_start3A_816 : memref<2048x16xf32, #tpu.memory_space<hbm>>) target_semaphore(%arg15 : memref<!tpu.dma_semaphore, #tpu.memory_space<semaphore_mem>>)
    %parallel_loop3A_817 = arith.constant 0 : i32
    %parallel_loop3A_818 = arith.constant 2048 : i32
    %parallel_loop3A_819 = arith.constant 1 : i32
    scf.for %parallel_loop3A_852 = %parallel_loop3A_817 to %parallel_loop3A_818 step %parallel_loop3A_819  : i32 {
      %parallel_loop3A_853 = arith.index_cast %parallel_loop3A_852 : i32 to index
      %parallel_loop3A_854 = arith.constant 0 : index
      %parallel_loop3A_855 = tpu.vector_load %arg7[%parallel_loop3A_853, %parallel_loop3A_854] {strides = array<i32>} : memref<2048x16xf32, #tpu.memory_space<vmem>>, vector<16xf32>,
      %parallel_loop3A_856 = arith.subf %parallel_loop3A_855, %broadcast_in_dim3A : vector<16xf32>
      %parallel_loop3A_857 = arith.mulf %parallel_loop3A_856, %div3A_457 : vector<16xf32>
      %parallel_loop3A_858 = arith.fptosi %parallel_loop3A_857 : vector<16xf32> to vector<16xi32>
      %parallel_loop3A_859 = arith.addi %parallel_loop3A_858, %mul3A_460 : vector<16xi32>
      tpu.vector_store_idx %arg9[%parallel_loop3A_859], %broadcast_in_dim3A_462 {add = true} : memref<32896xf32, #tpu.memory_space<vmem>>[vector<16xi32>], vector<16xf32>,
    } {sc.loop_unroll_factor = 8 : i64, sc.parallel_access}
    %dma_wait3A_820 = arith.constant 0 : i32
    %dma_wait3A_821 = tpu.memref_slice %arg2[%add3A_802, %dma_wait3A_820] : memref<1048576x16xf32, #tpu.memory_space<hbm>> -> memref<2048x16xf32, #tpu.memory_space<hbm>>
    %dma_wait3A_822 = arith.constant 0 : i32
    %dma_wait3A_823 = tpu.memref_slice %arg2[%add3A_802, %dma_wait3A_822] : memref<1048576x16xf32, #tpu.memory_space<hbm>> -> memref<2048x16xf32, #tpu.memory_space<hbm>>
    tpu.wait_dma2 semaphore(%arg14 : memref<!tpu.dma_semaphore, #tpu.memory_space<semaphore_mem>>) src(%dma_wait3A_823 : memref<2048x16xf32, #tpu.memory_space<hbm>>) dst(%arg8 : memref<2048x16xf32, #tpu.memory_space<vmem>>)
    %add3A_824 = arith.constant 30720 : i32
    %add3A_825 = arith.addi %mul3A_2, %add3A_824 : i32
    %dma_start3A_826 = arith.constant 0 : i32
    %dma_start3A_827 = tpu.memref_slice %arg6[%add3A_825, %dma_start3A_826] : memref<1048576x16xf32, #tpu.memory_space<hbm>> -> memref<2048x16xf32, #tpu.memory_space<hbm>>
    %dma_start3A_828 = arith.constant 0 : i32
    %dma_start3A_829 = tpu.memref_slice %arg6[%add3A_825, %dma_start3A_828] : memref<1048576x16xf32, #tpu.memory_space<hbm>> -> memref<2048x16xf32, #tpu.memory_space<hbm>>
    tpu.enqueue_dma source(%arg8 : memref<2048x16xf32, #tpu.memory_space<vmem>>) target(%dma_start3A_829 : memref<2048x16xf32, #tpu.memory_space<hbm>>) target_semaphore(%arg16 : memref<!tpu.dma_semaphore, #tpu.memory_space<semaphore_mem>>)
    %parallel_loop3A_830 = arith.constant 0 : i32
    %parallel_loop3A_831 = arith.constant 2048 : i32
    %parallel_loop3A_832 = arith.constant 1 : i32
    scf.for %parallel_loop3A_852 = %parallel_loop3A_830 to %parallel_loop3A_831 step %parallel_loop3A_832  : i32 {
      %parallel_loop3A_853 = arith.index_cast %parallel_loop3A_852 : i32 to index
      %parallel_loop3A_854 = arith.constant 0 : index
      %parallel_loop3A_855 = tpu.vector_load %arg8[%parallel_loop3A_853, %parallel_loop3A_854] {strides = array<i32>} : memref<2048x16xf32, #tpu.memory_space<vmem>>, vector<16xf32>,
      %parallel_loop3A_856 = arith.subf %parallel_loop3A_855, %broadcast_in_dim3A : vector<16xf32>
      %parallel_loop3A_857 = arith.mulf %parallel_loop3A_856, %div3A_457 : vector<16xf32>
      %parallel_loop3A_858 = arith.fptosi %parallel_loop3A_857 : vector<16xf32> to vector<16xi32>
      %parallel_loop3A_859 = arith.addi %parallel_loop3A_858, %mul3A_460 : vector<16xi32>
      tpu.vector_store_idx %arg9[%parallel_loop3A_859], %broadcast_in_dim3A_462 {add = true} : memref<32896xf32, #tpu.memory_space<vmem>>[vector<16xi32>], vector<16xf32>,
    } {sc.loop_unroll_factor = 8 : i64, sc.parallel_access}
    %dma_wait3A_833 = arith.constant 0 : i32
    %dma_wait3A_834 = tpu.memref_slice %arg6[%add3A_825, %dma_wait3A_833] : memref<1048576x16xf32, #tpu.memory_space<hbm>> -> memref<2048x16xf32, #tpu.memory_space<hbm>>
    %dma_wait3A_835 = arith.constant 0 : i32
    %dma_wait3A_836 = tpu.memref_slice %arg6[%add3A_825, %dma_wait3A_835] : memref<1048576x16xf32, #tpu.memory_space<hbm>> -> memref<2048x16xf32, #tpu.memory_space<hbm>>
    tpu.wait_dma2 semaphore(%arg16 : memref<!tpu.dma_semaphore, #tpu.memory_space<semaphore_mem>>) src(%arg8 : memref<2048x16xf32, #tpu.memory_space<vmem>>) dst(%dma_wait3A_836 : memref<2048x16xf32, #tpu.memory_space<hbm>>)
    %dma_wait3A_837 = arith.constant 0 : i32
    %dma_wait3A_838 = tpu.memref_slice %arg6[%add3A_812, %dma_wait3A_837] : memref<1048576x16xf32, #tpu.memory_space<hbm>> -> memref<2048x16xf32, #tpu.memory_space<hbm>>
    %dma_wait3A_839 = arith.constant 0 : i32
    %dma_wait3A_840 = tpu.memref_slice %arg6[%add3A_812, %dma_wait3A_839] : memref<1048576x16xf32, #tpu.memory_space<hbm>> -> memref<2048x16xf32, #tpu.memory_space<hbm>>
    tpu.wait_dma2 semaphore(%arg15 : memref<!tpu.dma_semaphore, #tpu.memory_space<semaphore_mem>>) src(%arg7 : memref<2048x16xf32, #tpu.memory_space<vmem>>) dst(%dma_wait3A_840 : memref<2048x16xf32, #tpu.memory_space<hbm>>)
    %add3A_841 = arith.constant 2047 : i32
    %add3A_842 = vector.broadcast %add3A_841 : i32 to vector<16xi32>
    %add3A_843 = arith.addi %mul3A_460, %add3A_842 : vector<16xi32>
    %gather3A = tpu.vector_load_idx %arg9[%add3A_843] : memref<32896xf32, #tpu.memory_space<vmem>>[vector<16xi32>], vector<16xf32>,
    %add3A_844 = arith.constant 2048 : i32
    %add3A_845 = vector.broadcast %add3A_844 : i32 to vector<16xi32>
    %add3A_846 = arith.addi %mul3A_460, %add3A_845 : vector<16xi32>
    %gather3A_847 = tpu.vector_load_idx %arg9[%add3A_846] : memref<32896xf32, #tpu.memory_space<vmem>>[vector<16xi32>], vector<16xf32>,
    %add3A_848 = arith.addf %gather3A, %gather3A_847 : vector<16xf32>
    tpu.vector_store_idx %arg9[%add3A_843], %add3A_848 : memref<32896xf32, #tpu.memory_space<vmem>>[vector<16xi32>], vector<16xf32>,
    %parallel_loop3A_849 = arith.constant 0 : i32
    %parallel_loop3A_850 = arith.constant 128 : i32
    %parallel_loop3A_851 = arith.constant 1 : i32
    scf.for %parallel_loop3A_852 = %parallel_loop3A_849 to %parallel_loop3A_850 step %parallel_loop3A_851  : i32 {
      %parallel_loop3A_853 = arith.constant 16 : i32
      %parallel_loop3A_854 = arith.muli %parallel_loop3A_852, %parallel_loop3A_853 : i32
      %parallel_loop3A_855 = arith.index_cast %parallel_loop3A_854 : i32 to index
      %parallel_loop3A_856 = tpu.vector_load %arg9[%parallel_loop3A_855] {strides = array<i32>} : memref<32896xf32, #tpu.memory_space<vmem>>, vector<16xf32>,
      %parallel_loop3A_857 = arith.constant 2056 : i32
      %parallel_loop3A_858 = arith.addi %parallel_loop3A_857, %parallel_loop3A_854 : i32
      %parallel_loop3A_859 = arith.index_cast %parallel_loop3A_858 : i32 to index
      %parallel_loop3A_860 = tpu.vector_load %arg9[%parallel_loop3A_859] {strides = array<i32>} : memref<32896xf32, #tpu.memory_space<vmem>>, vector<16xf32>,
      %parallel_loop3A_861 = arith.addf %parallel_loop3A_856, %parallel_loop3A_860 : vector<16xf32>
      %parallel_loop3A_862 = arith.constant 4112 : i32
      %parallel_loop3A_863 = arith.addi %parallel_loop3A_862, %parallel_loop3A_854 : i32
      %parallel_loop3A_864 = arith.index_cast %parallel_loop3A_863 : i32 to index
      %parallel_loop3A_865 = tpu.vector_load %arg9[%parallel_loop3A_864] {strides = array<i32>} : memref<32896xf32, #tpu.memory_space<vmem>>, vector<16xf32>,
      %parallel_loop3A_866 = arith.addf %parallel_loop3A_861, %parallel_loop3A_865 : vector<16xf32>
      %parallel_loop3A_867 = arith.constant 6168 : i32
      %parallel_loop3A_868 = arith.addi %parallel_loop3A_867, %parallel_loop3A_854 : i32
      %parallel_loop3A_869 = arith.index_cast %parallel_loop3A_868 : i32 to index
      %parallel_loop3A_870 = tpu.vector_load %arg9[%parallel_loop3A_869] {strides = array<i32>} : memref<32896xf32, #tpu.memory_space<vmem>>, vector<16xf32>,
      %parallel_loop3A_871 = arith.addf %parallel_loop3A_866, %parallel_loop3A_870 : vector<16xf32>
      %parallel_loop3A_872 = arith.constant 8224 : i32
      %parallel_loop3A_873 = arith.addi %parallel_loop3A_872, %parallel_loop3A_854 : i32
      %parallel_loop3A_874 = arith.index_cast %parallel_loop3A_873 : i32 to index
      %parallel_loop3A_875 = tpu.vector_load %arg9[%parallel_loop3A_874] {strides = array<i32>} : memref<32896xf32, #tpu.memory_space<vmem>>, vector<16xf32>,
      %parallel_loop3A_876 = arith.addf %parallel_loop3A_871, %parallel_loop3A_875 : vector<16xf32>
      %parallel_loop3A_877 = arith.constant 10280 : i32
      %parallel_loop3A_878 = arith.addi %parallel_loop3A_877, %parallel_loop3A_854 : i32
      %parallel_loop3A_879 = arith.index_cast %parallel_loop3A_878 : i32 to index
      %parallel_loop3A_880 = tpu.vector_load %arg9[%parallel_loop3A_879] {strides = array<i32>} : memref<32896xf32, #tpu.memory_space<vmem>>, vector<16xf32>,
      %parallel_loop3A_881 = arith.addf %parallel_loop3A_876, %parallel_loop3A_880 : vector<16xf32>
      %parallel_loop3A_882 = arith.constant 12336 : i32
      %parallel_loop3A_883 = arith.addi %parallel_loop3A_882, %parallel_loop3A_854 : i32
      %parallel_loop3A_884 = arith.index_cast %parallel_loop3A_883 : i32 to index
      %parallel_loop3A_885 = tpu.vector_load %arg9[%parallel_loop3A_884] {strides = array<i32>} : memref<32896xf32, #tpu.memory_space<vmem>>, vector<16xf32>,
      %parallel_loop3A_886 = arith.addf %parallel_loop3A_881, %parallel_loop3A_885 : vector<16xf32>
      %parallel_loop3A_887 = arith.constant 14392 : i32
      %parallel_loop3A_888 = arith.addi %parallel_loop3A_887, %parallel_loop3A_854 : i32
      %parallel_loop3A_889 = arith.index_cast %parallel_loop3A_888 : i32 to index
      %parallel_loop3A_890 = tpu.vector_load %arg9[%parallel_loop3A_889] {strides = array<i32>} : memref<32896xf32, #tpu.memory_space<vmem>>, vector<16xf32>,
      %parallel_loop3A_891 = arith.addf %parallel_loop3A_886, %parallel_loop3A_890 : vector<16xf32>
      %parallel_loop3A_892 = arith.constant 16448 : i32
      %parallel_loop3A_893 = arith.addi %parallel_loop3A_892, %parallel_loop3A_854 : i32
      %parallel_loop3A_894 = arith.index_cast %parallel_loop3A_893 : i32 to index
      %parallel_loop3A_895 = tpu.vector_load %arg9[%parallel_loop3A_894] {strides = array<i32>} : memref<32896xf32, #tpu.memory_space<vmem>>, vector<16xf32>,
      %parallel_loop3A_896 = arith.addf %parallel_loop3A_891, %parallel_loop3A_895 : vector<16xf32>
      %parallel_loop3A_897 = arith.constant 18504 : i32
      %parallel_loop3A_898 = arith.addi %parallel_loop3A_897, %parallel_loop3A_854 : i32
      %parallel_loop3A_899 = arith.index_cast %parallel_loop3A_898 : i32 to index
      %parallel_loop3A_900 = tpu.vector_load %arg9[%parallel_loop3A_899] {strides = array<i32>} : memref<32896xf32, #tpu.memory_space<vmem>>, vector<16xf32>,
      %parallel_loop3A_901 = arith.addf %parallel_loop3A_896, %parallel_loop3A_900 : vector<16xf32>
      %parallel_loop3A_902 = arith.constant 20560 : i32
      %parallel_loop3A_903 = arith.addi %parallel_loop3A_902, %parallel_loop3A_854 : i32
      %parallel_loop3A_904 = arith.index_cast %parallel_loop3A_903 : i32 to index
      %parallel_loop3A_905 = tpu.vector_load %arg9[%parallel_loop3A_904] {strides = array<i32>} : memref<32896xf32, #tpu.memory_space<vmem>>, vector<16xf32>,
      %parallel_loop3A_906 = arith.addf %parallel_loop3A_901, %parallel_loop3A_905 : vector<16xf32>
      %parallel_loop3A_907 = arith.constant 22616 : i32
      %parallel_loop3A_908 = arith.addi %parallel_loop3A_907, %parallel_loop3A_854 : i32
      %parallel_loop3A_909 = arith.index_cast %parallel_loop3A_908 : i32 to index
      %parallel_loop3A_910 = tpu.vector_load %arg9[%parallel_loop3A_909] {strides = array<i32>} : memref<32896xf32, #tpu.memory_space<vmem>>, vector<16xf32>,
      %parallel_loop3A_911 = arith.addf %parallel_loop3A_906, %parallel_loop3A_910 : vector<16xf32>
      %parallel_loop3A_912 = arith.constant 24672 : i32
      %parallel_loop3A_913 = arith.addi %parallel_loop3A_912, %parallel_loop3A_854 : i32
      %parallel_loop3A_914 = arith.index_cast %parallel_loop3A_913 : i32 to index
      %parallel_loop3A_915 = tpu.vector_load %arg9[%parallel_loop3A_914] {strides = array<i32>} : memref<32896xf32, #tpu.memory_space<vmem>>, vector<16xf32>,
      %parallel_loop3A_916 = arith.addf %parallel_loop3A_911, %parallel_loop3A_915 : vector<16xf32>
      %parallel_loop3A_917 = arith.constant 26728 : i32
      %parallel_loop3A_918 = arith.addi %parallel_loop3A_917, %parallel_loop3A_854 : i32
      %parallel_loop3A_919 = arith.index_cast %parallel_loop3A_918 : i32 to index
      %parallel_loop3A_920 = tpu.vector_load %arg9[%parallel_loop3A_919] {strides = array<i32>} : memref<32896xf32, #tpu.memory_space<vmem>>, vector<16xf32>,
      %parallel_loop3A_921 = arith.addf %parallel_loop3A_916, %parallel_loop3A_920 : vector<16xf32>
      %parallel_loop3A_922 = arith.constant 28784 : i32
      %parallel_loop3A_923 = arith.addi %parallel_loop3A_922, %parallel_loop3A_854 : i32
      %parallel_loop3A_924 = arith.index_cast %parallel_loop3A_923 : i32 to index
      %parallel_loop3A_925 = tpu.vector_load %arg9[%parallel_loop3A_924] {strides = array<i32>} : memref<32896xf32, #tpu.memory_space<vmem>>, vector<16xf32>,
      %parallel_loop3A_926 = arith.addf %parallel_loop3A_921, %parallel_loop3A_925 : vector<16xf32>
      %parallel_loop3A_927 = arith.constant 30840 : i32
      %parallel_loop3A_928 = arith.addi %parallel_loop3A_927, %parallel_loop3A_854 : i32
      %parallel_loop3A_929 = arith.index_cast %parallel_loop3A_928 : i32 to index
      %parallel_loop3A_930 = tpu.vector_load %arg9[%parallel_loop3A_929] {strides = array<i32>} : memref<32896xf32, #tpu.memory_space<vmem>>, vector<16xf32>,
      %parallel_loop3A_931 = arith.addf %parallel_loop3A_926, %parallel_loop3A_930 : vector<16xf32>
      %parallel_loop3A_932 = arith.index_cast %parallel_loop3A_854 : i32 to index
      %parallel_loop3A_933 = tpu.vector_load %arg10[%parallel_loop3A_932] {strides = array<i32>} : memref<2048xf32, #tpu.memory_space<vmem>>, vector<16xf32>,
      tpu.vector_store %arg10[%parallel_loop3A_932], %parallel_loop3A_931 {strides = array<i32>} : memref<2048xf32, #tpu.memory_space<vmem>>, vector<16xf32>,
    } {sc.loop_unroll_factor = 2 : i64, sc.parallel_access}
    "tpu.region"() ({
      %run_scoped3A = tpu.sem_alloc : memref<!tpu.dma_semaphore, #tpu.memory_space<semaphore_mem>>
      %dma_start3A_852 = arith.constant 0 : i32
      %dma_start3A_853 = tpu.memref_slice %arg4[%add3A, %dma_start3A_852] : memref<32x2048xf32, #tpu.memory_space<hbm>> -> memref<1x2048xf32, #tpu.memory_space<hbm>>
      %dma_start3A_854 = tpu.memref_squeeze %dma_start3A_853 : memref<1x2048xf32, #tpu.memory_space<hbm>> -> memref<2048xf32, #tpu.memory_space<hbm>>
      %dma_start3A_855 = arith.constant 0 : i32
      %dma_start3A_856 = tpu.memref_slice %arg4[%add3A, %dma_start3A_855] : memref<32x2048xf32, #tpu.memory_space<hbm>> -> memref<1x2048xf32, #tpu.memory_space<hbm>>
      %dma_start3A_857 = tpu.memref_squeeze %dma_start3A_856 : memref<1x2048xf32, #tpu.memory_space<hbm>> -> memref<2048xf32, #tpu.memory_space<hbm>>
      tpu.enqueue_dma source(%arg10 : memref<2048xf32, #tpu.memory_space<vmem>>) target(%dma_start3A_857 : memref<2048xf32, #tpu.memory_space<hbm>>) target_semaphore(%run_scoped3A : memref<!tpu.dma_semaphore, #tpu.memory_space<semaphore_mem>>)
      %dma_wait3A_858 = arith.constant 0 : i32
      %dma_wait3A_859 = tpu.memref_slice %arg4[%add3A, %dma_wait3A_858] : memref<32x2048xf32, #tpu.memory_space<hbm>> -> memref<1x2048xf32, #tpu.memory_space<hbm>>
      %dma_wait3A_860 = tpu.memref_squeeze %dma_wait3A_859 : memref<1x2048xf32, #tpu.memory_space<hbm>> -> memref<2048xf32, #tpu.memory_space<hbm>>
      %dma_wait3A_861 = arith.constant 0 : i32
      %dma_wait3A_862 = tpu.memref_slice %arg4[%add3A, %dma_wait3A_861] : memref<32x2048xf32, #tpu.memory_space<hbm>> -> memref<1x2048xf32, #tpu.memory_space<hbm>>
      %dma_wait3A_863 = tpu.memref_squeeze %dma_wait3A_862 : memref<1x2048xf32, #tpu.memory_space<hbm>> -> memref<2048xf32, #tpu.memory_space<hbm>>
      tpu.wait_dma2 semaphore(%run_scoped3A : memref<!tpu.dma_semaphore, #tpu.memory_space<semaphore_mem>>) src(%arg10 : memref<2048xf32, #tpu.memory_space<vmem>>) dst(%dma_wait3A_863 : memref<2048xf32, #tpu.memory_space<hbm>>)
      tpu.yield
    }) : () -> ()
    return
  }
}

module attributes {stable_mosaic.version = 14 : i64} {
  func.func @_reduce_body(%arg0: memref<32x2048xf32, #tpu.memory_space<vmem>>, %arg1: memref<1x2048xf32, #tpu.memory_space<vmem>>) attributes {dimension_semantics = [], scalar_prefetch = 0 : i64, scratch_operands = 0 : i64, tpu.core_type = #tpu.core_type<tc>} {
    %get3A = arith.constant 0 : index
    %get3A_0 = arith.constant 0 : index
    %get3A_1 = vector.load %arg0[%get3A, %get3A_0] : memref<32x2048xf32, #tpu.memory_space<vmem>>, vector<32x2048xf32>
    %reduce_sum3A = arith.constant dense<0.000000e+00> : vector<2048xf32>
    %reduce_sum3A_2 = vector.multi_reduction <add>, %get3A_1, %reduce_sum3A [0] : vector<32x2048xf32> to vector<2048xf32>
    %broadcast_in_dim3A = vector.shape_cast %reduce_sum3A_2 : vector<2048xf32> to vector<1x2048xf32>
    %swap3A = arith.constant 0 : index
    %swap3A_3 = arith.constant 0 : index
    %swap3A_4 = vector.load %arg1[%swap3A, %swap3A_3] : memref<1x2048xf32, #tpu.memory_space<vmem>>, vector<1x2048xf32>
    tpu.vector_store %arg1[%swap3A, %swap3A_3], %broadcast_in_dim3A {strides = array<i32>} : memref<1x2048xf32, #tpu.memory_space<vmem>>, vector<1x2048xf32>,
    return
  }
}

</mosaic_0001>

<sc_bundles>
// kernel: kernel.5.cloned.1.call-start
scs
__scs_entry_jumppad:
0x0: {  	(pc) =	sbr.rel $0x88, $3  }
0x1: {  	(tag) =	ssettag $0x0;
	lr =	simm.s32 $0x1  }
0x2: {  	[smem:$0x3FA0] =	sst lr;
	_ =	strace $0xD0000000  }
0x3: {  	_ = 	snop  }
0x4: {  	_ = 	snop  }
0x5: {  	_ = 	snop  }
0x6: {  	_ = 	snop  }
0x7: {  	_ = 	snop  }
__scs_overlays_trampoline_lowered:
0x8: {  	[smem:$0x3FAF] =	sst s0  }
0x9: {  	[smem:$0x3FB0] =	sst s1  }
0xa: {  	[smem:$0x3FB1] =	sst s2  }
0xb: {  	[smem:$0x3FB2] =	sst s3  }
0xc: {  	[smem:$0x3FB3] =	sst s4  }
0xd: {  	[smem:$0x3FB4] =	sst s5  }
0xe: {  	[smem:$0x3FB5] =	sst s6  }
0xf: {  	[smem:$0x3FB6] =	sst s7  }
0x10: {  	[smem:$0x3FB7] =	sst s8  }
0x11: {  	[smem:$0x3FB8] =	sst s9;
	s0 =	simm.s32 @!p0 $0x0  }
0x12: {  	s1 =	sld [smem:$0x3F9E];
	s0 =	simm.s32 @p0 $0x1  }
0x13: {  	[smem:$0x3FB9] =	sst s0;
	s0 =	simm.s32 @!p1 $0x0  }
0x14: {  	s2 =	sld [smem:$0x3F9D];
	s0 =	simm.s32 @p1 $0x1  }
0x15: {  	[smem:$0x3FBA] =	sst s0;
	s0 =	simm.s32 @!p2 $0x0  }
0x16: {  	s3 =	sld [smem:$0x3FDB];
	s0 =	simm.s32 @p2 $0x1  }
0x17: {  	s4 =	simm.s32 $0x1BF5;
	[smem:$0x3FBC] =	sst s0  }
0x18: {  	s0 =	sld [smem:$0x3F9F];
	_ =	swait.ge [sflag:s4], $0x0  }
0x19: {  	s7 =	sld [smem:$0x3FA0]  }
0x1a: {  	s8 =	sadd.s32 $0xFFFFE003, lr  }
0x1b: {  	s9 =	sadd.s32 $0xFFFFFEF7, lr;
	s5 =	simm.s32 $0xFFFFFFFF;
	p2 =	slt.u32 s8, $0xFFFFF086  }
0x1c: {  	p1 =	slt.u32 s9, $0xF7A;
	s5 =	simm.s32 @!p2 $0x0  }
0x1d: {  	s5 =	simm.s32 @p1 $0x1;
	p0 =	seq.s32 s7, s2  }
0x1e: {  	s7 =	smul.u32 @!p0 $0xF7A, s2;
	p2 =	seq.s32 @!p0 s5, $0x0  }
0x1f: {  	s9 =	smul.u32 $0xF7A, s1;
	s8 =	simm.s32 @!p0 $0x1BF5;
	p2 =	por !p2, p0  }
0x20: {  	[sflag:s8] =	ssyncset.s32 @!p0 $0xFFFFF086;
	s6 =	sadd.s32 @!p0 s3, s7;
	s7 =	simm.s32 @!p0 $0x108  }
0x21: {  	s3 =	sadd.s32 s3, s9;
	s6 =	sadd.s32 @!p0 $0x88, s6;
	s7 =	simm.s32 @p2 $0x1082  }
0x22: {  	[simem:s7], [sflag:s8] =	dma.local @!p0 [hbm:s6], $0xF7A  }
0x23: {  	s9 =	sor.u32 $0xD0000000, s2;
	s6 =	simm.s32 $0x108;
	_ =	swait.ge @!p0 [sflag:s8], $0x0  }
0x24: {  	s3 =	sadd.s32 $0x88, s3;
	s6 =	simm.s32 @!p1 $0x1082;
	[sflag:s4] =	ssyncset.s32 $0xFFFFF086  }
0x25: {  	[simem:s6], [sflag:s4] =	dma.local [hbm:s3], $0xF7A  }
0x26: {  	[smem:$0x3FA0] =	sst s1;
	(tag) =	ssettag s2;
	_ =	strace s9  }
0x27: {  	s1 =	sld [smem:$0x3FB0]  }
0x28: {  	s2 =	sld [smem:$0x3FB1]  }
0x29: {  	s4 =	sld [smem:$0x3FB3]  }
0x2a: {  	p0 =	seq.s32 s5, $0x0;
	s5 =	sld [smem:$0x3FB4]  }
0x2b: {  	s6 =	sld [smem:$0x3FB5]  }
0x2c: {  	s7 =	sld [smem:$0x3FB6]  }
0x2d: {  	s3 =	simm.s32 $0x108;
	s8 =	sld [smem:$0x3FB7]  }
0x2e: {  	s3 =	simm.s32 @!p0 $0x1082;
	s9 =	sld [smem:$0x3FB8]  }
0x2f: {  	lr =	sadd.s32 s0, s3;
	s0 =	sld [smem:$0x3FAF]  }
0x30: {  	s3 =	sld [smem:$0x3FB2]  }
0x31: {  	[smem:$0x3FBB] =	sst s10  }
0x32: {  	s10 =	sld [smem:$0x3FB9];
	_ =	sdelay $0x3  }
0x33: {  	p0 =	seq.s32 s10, $0x1;
	s10 =	sld [smem:$0x3FBB];
	_ =	sdelay $0x3  }
0x34: {  	[smem:$0x3FBB] =	sst s10  }
0x35: {  	s10 =	sld [smem:$0x3FBA];
	_ =	sdelay $0x3  }
0x36: {  	p1 =	seq.s32 s10, $0x1;
	s10 =	sld [smem:$0x3FBB];
	_ =	sdelay $0x3  }
0x37: {  	[smem:$0x3FBB] =	sst s10  }
0x38: {  	s10 =	sld [smem:$0x3FBC]  }
0x39: {  	_ = 	snop;
	(pc) =	sbr.ind lr, $3  }
0x3a: {  	_ = 	snop  }
0x3b: {  	_ = 	snop  }
0x3c: {  	p2 =	seq.s32 s10, $0x1;
	s10 =	sld [smem:$0x3FBB]  }
0x3d: {  	_ =	shalt  }
0x3e: {  	_ =	shalt  }
0x3f: {  	_ =	shalt  }
0x40: {  	_ =	shalt  }
0x41: {  	_ =	shalt  }
0x42: {  	_ =	shalt  }
0x43: {  	_ =	shalt  }
0x44: {  	_ =	shalt  }
0x45: {  	_ =	shalt  }
0x46: {  	_ =	shalt  }
0x47: {  	_ =	shalt  }
0x48: {  	_ =	shalt  }
0x49: {  	_ =	shalt  }
0x4a: {  	_ =	shalt  }
0x4b: {  	_ =	shalt  }
0x4c: {  	_ =	shalt  }
0x4d: {  	_ =	shalt  }
0x4e: {  	_ =	shalt  }
0x4f: {  	_ =	shalt  }
0x50: {  	_ =	shalt  }
0x51: {  	_ =	shalt  }
0x52: {  	_ =	shalt  }
0x53: {  	_ =	shalt  }
0x54: {  	_ =	shalt  }
0x55: {  	_ =	shalt  }
0x56: {  	_ =	shalt  }
0x57: {  	_ =	shalt  }
0x58: {  	_ =	shalt  }
0x59: {  	_ =	shalt  }
0x5a: {  	_ =	shalt  }
0x5b: {  	_ =	shalt  }
0x5c: {  	_ =	shalt  }
0x5d: {  	_ =	shalt  }
0x5e: {  	_ =	shalt  }
0x5f: {  	_ =	shalt  }
0x60: {  	_ =	shalt  }
0x61: {  	_ =	shalt  }
0x62: {  	_ =	shalt  }
0x63: {  	_ =	shalt  }
0x64: {  	_ =	shalt  }
0x65: {  	_ =	shalt  }
0x66: {  	_ =	shalt  }
0x67: {  	_ =	shalt  }
0x68: {  	_ =	shalt  }
0x69: {  	_ =	shalt  }
0x6a: {  	_ =	shalt  }
0x6b: {  	_ =	shalt  }
0x6c: {  	_ =	shalt  }
0x6d: {  	_ =	shalt  }
0x6e: {  	_ =	shalt  }
0x6f: {  	_ =	shalt  }
0x70: {  	_ =	shalt  }
0x71: {  	_ =	shalt  }
0x72: {  	_ =	shalt  }
0x73: {  	_ =	shalt  }
0x74: {  	_ =	shalt  }
0x75: {  	_ =	shalt  }
0x76: {  	_ =	shalt  }
0x77: {  	_ =	shalt  }
0x78: {  	_ =	shalt  }
0x79: {  	_ =	shalt  }
0x7a: {  	_ =	shalt  }
0x7b: {  	_ =	shalt  }
0x7c: {  	_ =	shalt  }
0x7d: {  	_ =	shalt  }
0x7e: {  	_ =	shalt  }
0x7f: {  	_ =	shalt  }
0x80: {  	_ =	shalt  }
0x81: {  	_ =	shalt  }
0x82: {  	_ =	shalt  }
0x83: {  	_ =	shalt  }
0x84: {  	_ =	shalt  }
0x85: {  	_ =	shalt  }
0x86: {  	_ =	shalt  }
0x87: {  	_ =	shalt  }
.Lfunc_end0:
.L_simem_size_0:
called_computation_lowered:
.L_overlay_start_0:
0x88: {  	s2 =	sld [smem:$0x3FD9]  }
0x89: {  	s3 =	sld [smem:$0x3FFE];
	_ =	sdelay $0x1  }
0x8a: {  	s1 =	srdreg.scid  }
0x8b: {  	s0 =	sand.u32 $0x1, s1  }
0x8c: {  	s15 =	sshll.u32 s0, $0xA;
	s2 =	sadd.s32 s3, s2  }
0x8d: {  	s2 =	sadd.s32 s2, s15  }
0x8e: {  	[smem:$0x3FC7] =	sst s2  }
0x8f: {  	_ = 	snop  }
0x90: {  	s2 =	sld [smem:$0x3FD0];
	_ =	sdelay $0x2  }
0x91: {  	s4 =	simm.s32 $0xA;
	s5 =	simm.s32 $0x10;
	s16 =	sld [smem:$0x3FC9]  }
0x92: {  	[smem:s5], [sflag:s4] =	dma.local [hbm:s2], $0x1  }
0x93: {  	_ =	swait.eq [sflag:s4], $0x1  }
0x94: {  	[sflag:s4] =	ssyncset.done $0x0  }
0x95: {  	[sflag:s4] =	ssyncadd.s32 $0xFFFFFFFF  }
0x96: {  	s17 =	sld [smem:$0x11];
	(tm) =	ssettm $0x1  }
0x97: {  	s18 =	sld [smem:$0x3FFB];
	_ =	sdelay $0x3  }
0x98: {  	_ =	strace s18  }
0x99: {  	s4 =	sld [smem:$0x3FFC];
	_ =	sdelay $0x3  }
0x9a: {  	_ =	strace s4  }
0x9b: {  	s4 =	sld [smem:$0x3FFD];
	_ =	sdelay $0x3  }
0x9c: {  	_ =	strace s4  }
0x9d: {  	_ =	strace $0x8FFFFFFF  }
0x9e: {  	s19 =	sld [smem:$0x3FDB];
	_ =	sdelay $0x1  }
0x9f: {  	s20 =	simm.s32 $_scs_section_size  }
0xa0: {  	s6 =	simm.s32 $_size__tile_overlayer_lowered;
	s7 =	simm.s32 $_tile_overlayer_lowered  }
0xa1: {  	s23 =	simm.s32 $0x1BFF;
	s22 =	sshll.u32 s7, $0x1;
	s4 =	sadd.s32 s20, s19  }
0xa2: {  	s8 =	simm.s32 $0x0;
	s21 =	sshll.u32 s6, $0x1;
	s6 =	sadd.s32 s22, s4  }
0xa3: {  	[timem:s8], [sflag:s23] =	dma.local [hbm:s6], s21  }
0xa4: {  	_ =	swait.ge [sflag:s23], s21  }
0xa5: {  	s5 =	ssub.s32 $0x0, s21;
	[sflag:s23] =	ssyncset.done $0x0  }
0xa6: {  	[sflag:s23] =	ssyncadd.s32 s5;
	_ =	sdelay $0x1  }
0xa7: {  	s24 =	simm.s32 $0x1B8B  }
0xa8: {  	_ =	swait.ge [sflag:s24], $0x1  }
0xa9: {  	[sflag:s24] =	ssyncset.done $0x0  }
0xaa: {  	s25 =	simm.s32 $0x1B8E;
	[sflag:s24] =	ssyncadd.s32 $0xFFFFFFFF  }
0xab: {  	s26 =	simm.s32 $execute0_lowered;
	[smem:$0x3FD2] =	sst s25  }
0xac: {  	s5 =	sshll.u32 s26, $0x1;
	_ =	strace $0x80000046;
	[dreg:$0x1] =	wrdreg $0xFFFFFFFF  }
0xad: {  	s28 =	simm.s32 $_size_execute0_lowered;
	s4 =	sadd.s32 s4, s5;
	[dreg:$0x0] =	wrdreg $0x0  }
0xae: {  	s5 =	sshll.u32 s28, $0x1;
	[dreg:$0x2] =	wrdreg s4  }
0xaf: {  	[dreg:$0x3] =	wrdreg s5  }
0xb0: {  	[dreg:$0x4] =	wrdreg $0xC0  }
0xb1: {  	_ =	task [dreg:s8], $0x5FFFF  }
0xb2: {  	[dreg:$0x1] =	wrdreg $0xFFFFFFFF  }
0xb3: {  	[dreg:$0x0] =	wrdreg $0x60  }
0xb4: {  	[dreg:$0x2] =	wrdreg s16  }
0xb5: {  	[dreg:$0x3] =	wrdreg s17  }
0xb6: {  	[dreg:$0x4] =	wrdreg $0x9  }
0xb7: {  	_ =	task.clear_ibuf [dreg:s8], $0x5FFFF;
	_ =	strace $0x90000046  }
0xb8: {  	s29 =	simm.s32 $0x9;
	_ =	strace $0x80000048  }
0xb9: {  	_ =	swait.ge [sflag:s29], $0x1  }
0xba: {  	[sflag:s29] =	ssyncadd.s32 $0xFFFFFFFF  }
0xbb: {  	_ =	strace $0x90000048  }
0xbc: {  	_ =	sfence  }
0xbd: {  	s30 =	sld [smem:$0x0];
	_ =	sdelay $0x2  }
0xbe: {  	s31 =	sshll.u32 s1, $0xD;
	s1 =	sshrl.u32 s1, $0x2  }
0xbf: {  	s3 =	sand.u32 $0x4000, s31;
	s1 =	sadd.s32 s1, s30  }
0xc0: {  	s0 =	sor.u32 s3, s0;
	s1 =	sshll.u32 s1, $0x11  }
0xc1: {  	s0 =	sor.u32 s1, s0  }
0xc2: {  	s0 =	sadd.s32 $0x8F2B, s0  }
0xc3: {  	[sflag:s0] =	ssyncadd.remote.s32 $0x1  }
0xc4: {  	_ =	sfence.sel $0xFFFF  }
0xc5: {  	[dreg:$0x0] =	wrdreg $0xFFFFFFFF;
	(pc) =	sbr.abs _section_cstart, $3  }
0xc6: {  	[dreg:$0x1] =	wrdreg $0xFFFFFFFF  }
0xc7: {  	_ =	task.clear_ibuf [dreg:s8], $0x2FFFF;
	_ =	strace $0x9FFFFFFF  }
0xc8: {  	(tm) =	ssettm $0x7FFFFFFF  }
0xc9: {  	_ =	shalt  }
tec
execute0_lowered:
.L_overlay_start_1:
0x0: {  	(tag) =	ssettag $0x1  }
0x1: {  	s3 =	rddreg [dreg:$0x0]  }
0x2: {  	s19 =	rddreg [dreg:$0x1]  }
0x3: {  	s2 =	srdreg.scid;
	s1 =	stileid.u32  }
0x4: {  	s0 =	rddreg [dreg:$0x2];
	s22 =	simm.s32 $0x1;
	s23 =	simm.s32 $0x2  }
0x5: {  	s24 =	simm.s32 $0x10000;
	s25 =	simm.s32 $0x3;
	s26 =	simm.s32 $0x0  }
0x6: {  	s4 =	sand.u32 $0x1, s2;
	s5 =	sshll.u32 s1, $0x1;
	s2 =	simm.s32 $0x0  }
0x7: {  	s6 =	ssub.s32 $0x2, s4;
	s18 =	sor.u32 s4, s5;
	[smem:$0x7FF] =	sst s2  }
0x8: {  	s31 =	sshrl.u32 s6, $0x1;
	s5 =	sshll.u32 s18, $0x10;
	_ =	strace $0x80000047  }
0x9: {  	s21 =	sshll.u32 s18, $0x2;
	s20 =	ssub.s32 s6, s31;
	s3 =	sadd.s32 s3, s5  }
0xa: {  	s19 =	sadd.s32 s19, s21;
	s21 =	simm.s32 $0x8000;
	s4 =	sadd.s32 $0x1000, s3  }
0xb: {  	s5 =	sadd.s32 $0x2000, s3;
	s6 =	sadd.s32 $0x3000, s3;
	s7 =	sadd.s32 $0x4000, s3  }
0xc: {  	s8 =	sadd.s32 $0x5000, s3;
	s9 =	sadd.s32 $0x6000, s3;
	s10 =	sadd.s32 $0x7000, s3  }
0xd: {  	s11 =	sadd.s32 $0x8000, s3;
	s12 =	sadd.s32 $0x9000, s3;
	s13 =	sadd.s32 $0xA000, s3  }
0xe: {  	s14 =	sadd.s32 $0xB000, s3;
	s15 =	sadd.s32 $0xC000, s3;
	s16 =	sadd.s32 $0xD000, s3  }
0xf: {  	s17 =	sadd.s32 $0xE000, s3;
	s18 =	sadd.s32 $0xF000, s3;
	s20 =	smax.u32 s20, $0x1  }
.LBB2_1:
0x10: {  	[tilespmem:s2], [sflag:$0x1] =	stream.linear.gather [hbm4b:s3+s2], $0x8000, $0x38;
	[tilespmem:$0x10020] =	vst v63  }
0x11: {  	_ = 	snop  }
0x12: {  	[tilespmem:s21], [sflag:$0x2] =	stream.linear.gather [hbm4b:s4+s2], $0x8000, $0x38;
	[tilespmem:$0x10020] =	vst v63  }
0x13: {  	_ =	swait.ge [sflag:s22], $0x8000  }
0x14: {  	[sflag:s22] =	ssyncset.done $0x0  }
0x15: {  	s30 =	simm.s32 $0x0;
	[sflag:s22] =	ssyncadd.s32 $0xFFFF8000  }
0x16: {  	v0 =	vld [tilespmem:s30+$0x70]  }
0x17: {  	v1 =	vld [tilespmem:s30+$0x0]  }
0x18: {  	v6 =	vimm.f32 $+Inf;
	v5 =	vld [tilespmem:s30+$0x10]  }
0x19: {  	v7 =	vimm.f32 $-Inf;
	v8 =	vimm.f32 $+Inf;
	v9 =	vimm.f32 $-Inf;
	v15 =	vld [tilespmem:s30+$0x20]  }
0x1a: {  	v12 =	vimm.f32 $+Inf;
	v10 =	vimm.f32 $-Inf;
	v11 =	vimm.f32 $+Inf;
	v16 =	vld [tilespmem:s30+$0x30]  }
0x1b: {  	v17 =	vimm.f32 $-Inf;
	v13 =	vimm.f32 $+Inf;
	v14 =	vimm.f32 $-Inf;
	v18 =	vld [tilespmem:s30+$0x40]  }
0x1c: {  	v19 =	vld [tilespmem:s30+$0x50];
	v2 =	vmin.f32 v6, v0;
	v0 =	vmax.f32 v7, v0;
	v3 =	vmin.f32 v6, v1  }
0x1d: {  	s28 =	simm.s32 $0x80;
	s29 =	simm.s32 $0x400;
	v20 =	vld [tilespmem:s30+$0x60];
	v4 =	vmax.f32 v7, v1;
	v1 =	vmin.f32 v6, v5;
	v5 =	vmax.f32 v7, v5  }
.LBB2_2:
0x1e: {  	p0 =	sne.s32 s29, $0x1FE00;
	v21 =	vld [tilespmem:s28+$0x70];
	v6 =	vmin.f32 v6, v15;
	v7 =	vmax.f32 v7, v15  }
0x1f: {  	v22 =	vld [tilespmem:s28+$0x0];
	v8 =	vmin.f32 v8, v16;
	v9 =	vmax.f32 v9, v16  }
0x20: {  	v23 =	vld [tilespmem:s28+$0x10];
	v12 =	vmin.f32 v12, v18;
	v10 =	vmax.f32 v10, v18  }
.Ltmp0:
0x21: {  	v15 =	vld [tilespmem:s28+$0x20];
	v11 =	vmin.f32 v11, v19;
	v17 =	vmax.f32 v17, v19;
	(pc) =	sbr.rel @p0 .LBB2_2-.Ltmp0, $4  }
0x22: {  	v16 =	vld [tilespmem:s28+$0x30];
	v13 =	vmin.f32 v13, v20;
	v14 =	vmax.f32 v14, v20  }
0x23: {  	v18 =	vld [tilespmem:s28+$0x40];
	v2 =	vmin.f32 v2, v21;
	v0 =	vmax.f32 v0, v21  }
0x24: {  	v3 =	vmin.f32 v3, v22;
	v4 =	vmax.f32 v4, v22;
	v19 =	vld [tilespmem:s28+$0x50]  }
0x25: {  	v1 =	vmin.f32 v1, v23;
	v5 =	vmax.f32 v5, v23;
	v20 =	vld [tilespmem:s28+$0x60];
	s28 =	sshra.s32 s29, $0x2;
	s29 =	sadd.s32 $0x200, s29  }
0x26: {  	v21 =	vld [tilespmem:s28+$0x70]  }
0x27: {  	v22 =	vld [tilespmem:s28+$0x0]  }
0x28: {  	v23 =	vld [tilespmem:s28+$0x10]  }
0x29: {  	v24 =	vld [tilespmem:s28+$0x20]  }
0x2a: {  	v25 =	vld [tilespmem:s28+$0x30]  }
0x2b: {  	v26 =	vld [tilespmem:s28+$0x40]  }
0x2c: {  	v27 =	vld [tilespmem:s28+$0x50]  }
0x2d: {  	v28 =	vld [tilespmem:s28+$0x60];
	s28 =	simm.s32 $0x0  }
0x2e: {  	[tilespmem:s28], [sflag:$0x1] =	stream.linear.gather [hbm4b:s5+s28], $0x8000, $0x38;
	[tilespmem:$0x10020] =	vst v63  }
0x2f: {  	v6 =	vmin.f32 v6, v15;
	v7 =	vmax.f32 v7, v15;
	_ =	swait.ge [sflag:s23], $0x8000  }
0x30: {  	v8 =	vmin.f32 v8, v16;
	v9 =	vmax.f32 v9, v16;
	v12 =	vmin.f32 v12, v18;
	[sflag:s23] =	ssyncset.done $0x0  }
0x31: {  	s30 =	simm.s32 $0x0;
	v10 =	vmax.f32 v10, v18;
	v15 =	vmin.f32 v11, v19;
	v18 =	vmax.f32 v17, v19;
	[sflag:s23] =	ssyncadd.s32 $0xFFFF8000  }
0x32: {  	v19 =	vmin.f32 v13, v20;
	v14 =	vmax.f32 v14, v20;
	v2 =	vmin.f32 v2, v21;
	v20 =	vld [tilespmem:s30+$0x8070]  }
0x33: {  	v21 =	vmax.f32 v0, v21;
	v3 =	vmin.f32 v3, v22;
	v22 =	vmax.f32 v4, v22;
	v29 =	vld [tilespmem:s30+$0x8000]  }
0x34: {  	v30 =	vmin.f32 v1, v23;
	v23 =	vmax.f32 v5, v23;
	v4 =	vmin.f32 v6, v24;
	v31 =	vld [tilespmem:s30+$0x8010]  }
0x35: {  	v11 =	vmax.f32 v7, v24;
	v5 =	vmin.f32 v8, v25;
	v6 =	vmax.f32 v9, v25;
	v16 =	vld [tilespmem:s30+$0x8020]  }
0x36: {  	v12 =	vmin.f32 v12, v26;
	v7 =	vmax.f32 v10, v26;
	v8 =	vmin.f32 v15, v27;
	v17 =	vld [tilespmem:s30+$0x8030]  }
0x37: {  	v13 =	vmax.f32 v18, v27;
	v0 =	vmin.f32 v19, v28;
	v1 =	vmax.f32 v14, v28;
	v18 =	vld [tilespmem:s30+$0x8040]  }
0x38: {  	v19 =	vld [tilespmem:s30+$0x8050];
	v9 =	vmin.f32 v2, v20;
	v2 =	vmax.f32 v21, v20;
	v3 =	vmin.f32 v3, v29  }
0x39: {  	s29 =	simm.s32 $0x400;
	s28 =	simm.s32 $0x80;
	v10 =	vmax.f32 v22, v29;
	v14 =	vmin.f32 v30, v31;
	v15 =	vmax.f32 v23, v31;
	v20 =	vld [tilespmem:s30+$0x8060]  }
.LBB2_4:
0x3a: {  	p0 =	sne.s32 s29, $0x1FE00;
	v21 =	vld [tilespmem:s28+$0x8070];
	v4 =	vmin.f32 v4, v16;
	v11 =	vmax.f32 v11, v16  }
0x3b: {  	v22 =	vld [tilespmem:s28+$0x8000];
	v5 =	vmin.f32 v5, v17;
	v6 =	vmax.f32 v6, v17  }
0x3c: {  	v23 =	vld [tilespmem:s28+$0x8010];
	v12 =	vmin.f32 v12, v18;
	v7 =	vmax.f32 v7, v18  }
.Ltmp1:
0x3d: {  	v16 =	vld [tilespmem:s28+$0x8020];
	v8 =	vmin.f32 v8, v19;
	v13 =	vmax.f32 v13, v19;
	(pc) =	sbr.rel @p0 .LBB2_4-.Ltmp1, $4  }
0x3e: {  	v17 =	vld [tilespmem:s28+$0x8030];
	v0 =	vmin.f32 v0, v20;
	v1 =	vmax.f32 v1, v20  }
0x3f: {  	v18 =	vld [tilespmem:s28+$0x8040];
	v9 =	vmin.f32 v9, v21;
	v2 =	vmax.f32 v2, v21  }
0x40: {  	v3 =	vmin.f32 v3, v22;
	v10 =	vmax.f32 v10, v22;
	v19 =	vld [tilespmem:s28+$0x8050]  }
0x41: {  	v14 =	vmin.f32 v14, v23;
	v15 =	vmax.f32 v15, v23;
	v20 =	vld [tilespmem:s28+$0x8060];
	s28 =	sshra.s32 s29, $0x2;
	s29 =	sadd.s32 $0x200, s29  }
0x42: {  	v21 =	vld [tilespmem:s28+$0x8070]  }
0x43: {  	v22 =	vld [tilespmem:s28+$0x8000]  }
0x44: {  	v23 =	vld [tilespmem:s28+$0x8010]  }
0x45: {  	v24 =	vld [tilespmem:s28+$0x8020]  }
0x46: {  	v25 =	vld [tilespmem:s28+$0x8030]  }
0x47: {  	v26 =	vld [tilespmem:s28+$0x8040]  }
0x48: {  	v27 =	vld [tilespmem:s28+$0x8050]  }
0x49: {  	v28 =	vld [tilespmem:s28+$0x8060];
	s28 =	simm.s32 $0x0  }
0x4a: {  	[tilespmem:s21], [sflag:$0x2] =	stream.linear.gather [hbm4b:s6+s28], $0x8000, $0x38;
	[tilespmem:$0x10020] =	vst v63  }
0x4b: {  	v4 =	vmin.f32 v4, v16;
	v11 =	vmax.f32 v11, v16;
	_ =	swait.ge [sflag:s22], $0x8000  }
0x4c: {  	v5 =	vmin.f32 v5, v17;
	v6 =	vmax.f32 v6, v17;
	v12 =	vmin.f32 v12, v18;
	[sflag:s22] =	ssyncset.done $0x0  }
0x4d: {  	s30 =	simm.s32 $0x0;
	v7 =	vmax.f32 v7, v18;
	v8 =	vmin.f32 v8, v19;
	v13 =	vmax.f32 v13, v19;
	[sflag:s22] =	ssyncadd.s32 $0xFFFF8000  }
0x4e: {  	v0 =	vmin.f32 v0, v20;
	v1 =	vmax.f32 v1, v20;
	v9 =	vmin.f32 v9, v21;
	v19 =	vld [tilespmem:s30+$0x70]  }
0x4f: {  	v2 =	vmax.f32 v2, v21;
	v3 =	vmin.f32 v3, v22;
	v10 =	vmax.f32 v10, v22;
	v20 =	vld [tilespmem:s30+$0x0]  }
0x50: {  	v14 =	vmin.f32 v14, v23;
	v15 =	vmax.f32 v15, v23;
	v4 =	vmin.f32 v4, v24;
	v21 =	vld [tilespmem:s30+$0x10]  }
0x51: {  	v11 =	vmax.f32 v11, v24;
	v5 =	vmin.f32 v5, v25;
	v6 =	vmax.f32 v6, v25;
	v16 =	vld [tilespmem:s30+$0x20]  }
0x52: {  	v12 =	vmin.f32 v12, v26;
	v7 =	vmax.f32 v7, v26;
	v8 =	vmin.f32 v8, v27;
	v17 =	vld [tilespmem:s30+$0x30]  }
0x53: {  	v13 =	vmax.f32 v13, v27;
	v0 =	vmin.f32 v0, v28;
	v1 =	vmax.f32 v1, v28;
	v18 =	vld [tilespmem:s30+$0x40]  }
0x54: {  	v9 =	vmin.f32 v9, v19;
	v2 =	vmax.f32 v2, v19;
	v3 =	vmin.f32 v3, v20;
	v19 =	vld [tilespmem:s30+$0x50]  }
0x55: {  	s29 =	simm.s32 $0x400;
	s28 =	simm.s32 $0x80;
	v10 =	vmax.f32 v10, v20;
	v14 =	vmin.f32 v14, v21;
	v15 =	vmax.f32 v15, v21;
	v20 =	vld [tilespmem:s30+$0x60]  }
.LBB2_6:
0x56: {  	p0 =	sne.s32 s29, $0x1FE00;
	v21 =	vld [tilespmem:s28+$0x70];
	v4 =	vmin.f32 v4, v16;
	v11 =	vmax.f32 v11, v16  }
0x57: {  	v22 =	vld [tilespmem:s28+$0x0];
	v5 =	vmin.f32 v5, v17;
	v6 =	vmax.f32 v6, v17  }
0x58: {  	v23 =	vld [tilespmem:s28+$0x10];
	v12 =	vmin.f32 v12, v18;
	v7 =	vmax.f32 v7, v18  }
.Ltmp2:
0x59: {  	v16 =	vld [tilespmem:s28+$0x20];
	v8 =	vmin.f32 v8, v19;
	v13 =	vmax.f32 v13, v19;
	(pc) =	sbr.rel @p0 .LBB2_6-.Ltmp2, $4  }
0x5a: {  	v17 =	vld [tilespmem:s28+$0x30];
	v0 =	vmin.f32 v0, v20;
	v1 =	vmax.f32 v1, v20  }
0x5b: {  	v18 =	vld [tilespmem:s28+$0x40];
	v9 =	vmin.f32 v9, v21;
	v2 =	vmax.f32 v2, v21  }
0x5c: {  	v3 =	vmin.f32 v3, v22;
	v10 =	vmax.f32 v10, v22;
	v19 =	vld [tilespmem:s28+$0x50]  }
0x5d: {  	v14 =	vmin.f32 v14, v23;
	v15 =	vmax.f32 v15, v23;
	v20 =	vld [tilespmem:s28+$0x60];
	s28 =	sshra.s32 s29, $0x2;
	s29 =	sadd.s32 $0x200, s29  }
0x5e: {  	v21 =	vld [tilespmem:s28+$0x70]  }
0x5f: {  	v22 =	vld [tilespmem:s28+$0x0]  }
0x60: {  	v23 =	vld [tilespmem:s28+$0x10]  }
0x61: {  	v24 =	vld [tilespmem:s28+$0x20]  }
0x62: {  	v25 =	vld [tilespmem:s28+$0x30]  }
0x63: {  	v26 =	vld [tilespmem:s28+$0x40]  }
0x64: {  	v27 =	vld [tilespmem:s28+$0x50]  }
0x65: {  	v28 =	vld [tilespmem:s28+$0x60];
	s28 =	simm.s32 $0x0  }
0x66: {  	[tilespmem:s28], [sflag:$0x1] =	stream.linear.gather [hbm4b:s7+s28], $0x8000, $0x38;
	[tilespmem:$0x10020] =	vst v63  }
0x67: {  	v4 =	vmin.f32 v4, v16;
	v11 =	vmax.f32 v11, v16;
	_ =	swait.ge [sflag:s23], $0x8000  }
0x68: {  	v5 =	vmin.f32 v5, v17;
	v6 =	vmax.f32 v6, v17;
	v12 =	vmin.f32 v12, v18;
	[sflag:s23] =	ssyncset.done $0x0  }
0x69: {  	s30 =	simm.s32 $0x0;
	v7 =	vmax.f32 v7, v18;
	v8 =	vmin.f32 v8, v19;
	v13 =	vmax.f32 v13, v19;
	[sflag:s23] =	ssyncadd.s32 $0xFFFF8000  }
0x6a: {  	v0 =	vmin.f32 v0, v20;
	v1 =	vmax.f32 v1, v20;
	v9 =	vmin.f32 v9, v21;
	v19 =	vld [tilespmem:s30+$0x8070]  }
0x6b: {  	v2 =	vmax.f32 v2, v21;
	v3 =	vmin.f32 v3, v22;
	v10 =	vmax.f32 v10, v22;
	v20 =	vld [tilespmem:s30+$0x8000]  }
0x6c: {  	v14 =	vmin.f32 v14, v23;
	v15 =	vmax.f32 v15, v23;
	v4 =	vmin.f32 v4, v24;
	v21 =	vld [tilespmem:s30+$0x8010]  }
0x6d: {  	v11 =	vmax.f32 v11, v24;
	v5 =	vmin.f32 v5, v25;
	v6 =	vmax.f32 v6, v25;
	v16 =	vld [tilespmem:s30+$0x8020]  }
0x6e: {  	v12 =	vmin.f32 v12, v26;
	v7 =	vmax.f32 v7, v26;
	v8 =	vmin.f32 v8, v27;
	v17 =	vld [tilespmem:s30+$0x8030]  }
0x6f: {  	v13 =	vmax.f32 v13, v27;
	v0 =	vmin.f32 v0, v28;
	v1 =	vmax.f32 v1, v28;
	v18 =	vld [tilespmem:s30+$0x8040]  }
0x70: {  	v9 =	vmin.f32 v9, v19;
	v2 =	vmax.f32 v2, v19;
	v3 =	vmin.f32 v3, v20;
	v19 =	vld [tilespmem:s30+$0x8050]  }
0x71: {  	s29 =	simm.s32 $0x400;
	s28 =	simm.s32 $0x80;
	v10 =	vmax.f32 v10, v20;
	v14 =	vmin.f32 v14, v21;
	v15 =	vmax.f32 v15, v21;
	v20 =	vld [tilespmem:s30+$0x8060]  }
.LBB2_8:
0x72: {  	p0 =	sne.s32 s29, $0x1FE00;
	v21 =	vld [tilespmem:s28+$0x8070];
	v4 =	vmin.f32 v4, v16;
	v11 =	vmax.f32 v11, v16  }
0x73: {  	v22 =	vld [tilespmem:s28+$0x8000];
	v5 =	vmin.f32 v5, v17;
	v6 =	vmax.f32 v6, v17  }
0x74: {  	v23 =	vld [tilespmem:s28+$0x8010];
	v12 =	vmin.f32 v12, v18;
	v7 =	vmax.f32 v7, v18  }
.Ltmp3:
0x75: {  	v16 =	vld [tilespmem:s28+$0x8020];
	v8 =	vmin.f32 v8, v19;
	v13 =	vmax.f32 v13, v19;
	(pc) =	sbr.rel @p0 .LBB2_8-.Ltmp3, $4  }
0x76: {  	v17 =	vld [tilespmem:s28+$0x8030];
	v0 =	vmin.f32 v0, v20;
	v1 =	vmax.f32 v1, v20  }
0x77: {  	v18 =	vld [tilespmem:s28+$0x8040];
	v9 =	vmin.f32 v9, v21;
	v2 =	vmax.f32 v2, v21  }
0x78: {  	v3 =	vmin.f32 v3, v22;
	v10 =	vmax.f32 v10, v22;
	v19 =	vld [tilespmem:s28+$0x8050]  }
0x79: {  	v14 =	vmin.f32 v14, v23;
	v15 =	vmax.f32 v15, v23;
	v20 =	vld [tilespmem:s28+$0x8060];
	s28 =	sshra.s32 s29, $0x2;
	s29 =	sadd.s32 $0x200, s29  }
0x7a: {  	v21 =	vld [tilespmem:s28+$0x8070]  }
0x7b: {  	v22 =	vld [tilespmem:s28+$0x8000]  }
0x7c: {  	v23 =	vld [tilespmem:s28+$0x8010]  }
0x7d: {  	v24 =	vld [tilespmem:s28+$0x8020]  }
0x7e: {  	v25 =	vld [tilespmem:s28+$0x8030]  }
0x7f: {  	v26 =	vld [tilespmem:s28+$0x8040]  }
0x80: {  	v27 =	vld [tilespmem:s28+$0x8050]  }
0x81: {  	v28 =	vld [tilespmem:s28+$0x8060];
	s28 =	simm.s32 $0x0  }
0x82: {  	[tilespmem:s21], [sflag:$0x2] =	stream.linear.gather [hbm4b:s8+s28], $0x8000, $0x38;
	[tilespmem:$0x10020] =	vst v63  }
0x83: {  	v4 =	vmin.f32 v4, v16;
	v11 =	vmax.f32 v11, v16;
	_ =	swait.ge [sflag:s22], $0x8000  }
0x84: {  	v5 =	vmin.f32 v5, v17;
	v6 =	vmax.f32 v6, v17;
	v12 =	vmin.f32 v12, v18;
	[sflag:s22] =	ssyncset.done $0x0  }
0x85: {  	s30 =	simm.s32 $0x0;
	v7 =	vmax.f32 v7, v18;
	v8 =	vmin.f32 v8, v19;
	v13 =	vmax.f32 v13, v19;
	[sflag:s22] =	ssyncadd.s32 $0xFFFF8000  }
0x86: {  	v0 =	vmin.f32 v0, v20;
	v1 =	vmax.f32 v1, v20;
	v9 =	vmin.f32 v9, v21;
	v19 =	vld [tilespmem:s30+$0x70]  }
0x87: {  	v2 =	vmax.f32 v2, v21;
	v3 =	vmin.f32 v3, v22;
	v10 =	vmax.f32 v10, v22;
	v20 =	vld [tilespmem:s30+$0x0]  }
0x88: {  	v14 =	vmin.f32 v14, v23;
	v15 =	vmax.f32 v15, v23;
	v4 =	vmin.f32 v4, v24;
	v21 =	vld [tilespmem:s30+$0x10]  }
0x89: {  	v11 =	vmax.f32 v11, v24;
	v5 =	vmin.f32 v5, v25;
	v6 =	vmax.f32 v6, v25;
	v16 =	vld [tilespmem:s30+$0x20]  }
0x8a: {  	v12 =	vmin.f32 v12, v26;
	v7 =	vmax.f32 v7, v26;
	v8 =	vmin.f32 v8, v27;
	v17 =	vld [tilespmem:s30+$0x30]  }
0x8b: {  	v13 =	vmax.f32 v13, v27;
	v0 =	vmin.f32 v0, v28;
	v1 =	vmax.f32 v1, v28;
	v18 =	vld [tilespmem:s30+$0x40]  }
0x8c: {  	v9 =	vmin.f32 v9, v19;
	v2 =	vmax.f32 v2, v19;
	v3 =	vmin.f32 v3, v20;
	v19 =	vld [tilespmem:s30+$0x50]  }
0x8d: {  	s29 =	simm.s32 $0x400;
	s28 =	simm.s32 $0x80;
	v10 =	vmax.f32 v10, v20;
	v14 =	vmin.f32 v14, v21;
	v15 =	vmax.f32 v15, v21;
	v20 =	vld [tilespmem:s30+$0x60]  }
.LBB2_10:
0x8e: {  	p0 =	sne.s32 s29, $0x1FE00;
	v21 =	vld [tilespmem:s28+$0x70];
	v4 =	vmin.f32 v4, v16;
	v11 =	vmax.f32 v11, v16  }
0x8f: {  	v22 =	vld [tilespmem:s28+$0x0];
	v5 =	vmin.f32 v5, v17;
	v6 =	vmax.f32 v6, v17  }
0x90: {  	v23 =	vld [tilespmem:s28+$0x10];
	v12 =	vmin.f32 v12, v18;
	v7 =	vmax.f32 v7, v18  }
.Ltmp4:
0x91: {  	v16 =	vld [tilespmem:s28+$0x20];
	v8 =	vmin.f32 v8, v19;
	v13 =	vmax.f32 v13, v19;
	(pc) =	sbr.rel @p0 .LBB2_10-.Ltmp4, $4  }
0x92: {  	v17 =	vld [tilespmem:s28+$0x30];
	v0 =	vmin.f32 v0, v20;
	v1 =	vmax.f32 v1, v20  }
0x93: {  	v18 =	vld [tilespmem:s28+$0x40];
	v9 =	vmin.f32 v9, v21;
	v2 =	vmax.f32 v2, v21  }
0x94: {  	v3 =	vmin.f32 v3, v22;
	v10 =	vmax.f32 v10, v22;
	v19 =	vld [tilespmem:s28+$0x50]  }
0x95: {  	v14 =	vmin.f32 v14, v23;
	v15 =	vmax.f32 v15, v23;
	v20 =	vld [tilespmem:s28+$0x60];
	s28 =	sshra.s32 s29, $0x2;
	s29 =	sadd.s32 $0x200, s29  }
0x96: {  	v21 =	vld [tilespmem:s28+$0x70]  }
0x97: {  	v22 =	vld [tilespmem:s28+$0x0]  }
0x98: {  	v23 =	vld [tilespmem:s28+$0x10]  }
0x99: {  	v24 =	vld [tilespmem:s28+$0x20]  }
0x9a: {  	v25 =	vld [tilespmem:s28+$0x30]  }
0x9b: {  	v26 =	vld [tilespmem:s28+$0x40]  }
0x9c: {  	v27 =	vld [tilespmem:s28+$0x50]  }
0x9d: {  	v28 =	vld [tilespmem:s28+$0x60];
	s28 =	simm.s32 $0x0  }
0x9e: {  	[tilespmem:s28], [sflag:$0x1] =	stream.linear.gather [hbm4b:s9+s28], $0x8000, $0x38;
	[tilespmem:$0x10020] =	vst v63  }
0x9f: {  	v4 =	vmin.f32 v4, v16;
	v11 =	vmax.f32 v11, v16;
	_ =	swait.ge [sflag:s23], $0x8000  }
0xa0: {  	v5 =	vmin.f32 v5, v17;
	v6 =	vmax.f32 v6, v17;
	v12 =	vmin.f32 v12, v18;
	[sflag:s23] =	ssyncset.done $0x0  }
0xa1: {  	s30 =	simm.s32 $0x0;
	v7 =	vmax.f32 v7, v18;
	v8 =	vmin.f32 v8, v19;
	v13 =	vmax.f32 v13, v19;
	[sflag:s23] =	ssyncadd.s32 $0xFFFF8000  }
0xa2: {  	v0 =	vmin.f32 v0, v20;
	v1 =	vmax.f32 v1, v20;
	v9 =	vmin.f32 v9, v21;
	v19 =	vld [tilespmem:s30+$0x8070]  }
0xa3: {  	v2 =	vmax.f32 v2, v21;
	v3 =	vmin.f32 v3, v22;
	v10 =	vmax.f32 v10, v22;
	v20 =	vld [tilespmem:s30+$0x8000]  }
0xa4: {  	v14 =	vmin.f32 v14, v23;
	v15 =	vmax.f32 v15, v23;
	v4 =	vmin.f32 v4, v24;
	v21 =	vld [tilespmem:s30+$0x8010]  }
0xa5: {  	v11 =	vmax.f32 v11, v24;
	v5 =	vmin.f32 v5, v25;
	v6 =	vmax.f32 v6, v25;
	v16 =	vld [tilespmem:s30+$0x8020]  }
0xa6: {  	v12 =	vmin.f32 v12, v26;
	v7 =	vmax.f32 v7, v26;
	v8 =	vmin.f32 v8, v27;
	v17 =	vld [tilespmem:s30+$0x8030]  }
0xa7: {  	v13 =	vmax.f32 v13, v27;
	v0 =	vmin.f32 v0, v28;
	v1 =	vmax.f32 v1, v28;
	v18 =	vld [tilespmem:s30+$0x8040]  }
0xa8: {  	v9 =	vmin.f32 v9, v19;
	v2 =	vmax.f32 v2, v19;
	v3 =	vmin.f32 v3, v20;
	v19 =	vld [tilespmem:s30+$0x8050]  }
0xa9: {  	s29 =	simm.s32 $0x400;
	s28 =	simm.s32 $0x80;
	v10 =	vmax.f32 v10, v20;
	v14 =	vmin.f32 v14, v21;
	v15 =	vmax.f32 v15, v21;
	v20 =	vld [tilespmem:s30+$0x8060]  }
.LBB2_12:
0xaa: {  	p0 =	sne.s32 s29, $0x1FE00;
	v21 =	vld [tilespmem:s28+$0x8070];
	v4 =	vmin.f32 v4, v16;
	v11 =	vmax.f32 v11, v16  }
0xab: {  	v22 =	vld [tilespmem:s28+$0x8000];
	v5 =	vmin.f32 v5, v17;
	v6 =	vmax.f32 v6, v17  }
0xac: {  	v23 =	vld [tilespmem:s28+$0x8010];
	v12 =	vmin.f32 v12, v18;
	v7 =	vmax.f32 v7, v18  }
.Ltmp5:
0xad: {  	v16 =	vld [tilespmem:s28+$0x8020];
	v8 =	vmin.f32 v8, v19;
	v13 =	vmax.f32 v13, v19;
	(pc) =	sbr.rel @p0 .LBB2_12-.Ltmp5, $4  }
0xae: {  	v17 =	vld [tilespmem:s28+$0x8030];
	v0 =	vmin.f32 v0, v20;
	v1 =	vmax.f32 v1, v20  }
0xaf: {  	v18 =	vld [tilespmem:s28+$0x8040];
	v9 =	vmin.f32 v9, v21;
	v2 =	vmax.f32 v2, v21  }
0xb0: {  	v3 =	vmin.f32 v3, v22;
	v10 =	vmax.f32 v10, v22;
	v19 =	vld [tilespmem:s28+$0x8050]  }
0xb1: {  	v14 =	vmin.f32 v14, v23;
	v15 =	vmax.f32 v15, v23;
	v20 =	vld [tilespmem:s28+$0x8060];
	s28 =	sshra.s32 s29, $0x2;
	s29 =	sadd.s32 $0x200, s29  }
0xb2: {  	v21 =	vld [tilespmem:s28+$0x8070]  }
0xb3: {  	v22 =	vld [tilespmem:s28+$0x8000]  }
0xb4: {  	v23 =	vld [tilespmem:s28+$0x8010]  }
0xb5: {  	v24 =	vld [tilespmem:s28+$0x8020]  }
0xb6: {  	v25 =	vld [tilespmem:s28+$0x8030]  }
0xb7: {  	v26 =	vld [tilespmem:s28+$0x8040]  }
0xb8: {  	v27 =	vld [tilespmem:s28+$0x8050]  }
0xb9: {  	v28 =	vld [tilespmem:s28+$0x8060];
	s28 =	simm.s32 $0x0  }
0xba: {  	[tilespmem:s21], [sflag:$0x2] =	stream.linear.gather [hbm4b:s10+s28], $0x8000, $0x38;
	[tilespmem:$0x10020] =	vst v63  }
0xbb: {  	v4 =	vmin.f32 v4, v16;
	v11 =	vmax.f32 v11, v16;
	_ =	swait.ge [sflag:s22], $0x8000  }
0xbc: {  	v5 =	vmin.f32 v5, v17;
	v6 =	vmax.f32 v6, v17;
	v12 =	vmin.f32 v12, v18;
	[sflag:s22] =	ssyncset.done $0x0  }
0xbd: {  	s30 =	simm.s32 $0x0;
	v7 =	vmax.f32 v7, v18;
	v8 =	vmin.f32 v8, v19;
	v13 =	vmax.f32 v13, v19;
	[sflag:s22] =	ssyncadd.s32 $0xFFFF8000  }
0xbe: {  	v0 =	vmin.f32 v0, v20;
	v1 =	vmax.f32 v1, v20;
	v9 =	vmin.f32 v9, v21;
	v19 =	vld [tilespmem:s30+$0x70]  }
0xbf: {  	v2 =	vmax.f32 v2, v21;
	v3 =	vmin.f32 v3, v22;
	v10 =	vmax.f32 v10, v22;
	v20 =	vld [tilespmem:s30+$0x0]  }
0xc0: {  	v14 =	vmin.f32 v14, v23;
	v15 =	vmax.f32 v15, v23;
	v4 =	vmin.f32 v4, v24;
	v21 =	vld [tilespmem:s30+$0x10]  }
0xc1: {  	v11 =	vmax.f32 v11, v24;
	v5 =	vmin.f32 v5, v25;
	v6 =	vmax.f32 v6, v25;
	v16 =	vld [tilespmem:s30+$0x20]  }
0xc2: {  	v12 =	vmin.f32 v12, v26;
	v7 =	vmax.f32 v7, v26;
	v8 =	vmin.f32 v8, v27;
	v17 =	vld [tilespmem:s30+$0x30]  }
0xc3: {  	v13 =	vmax.f32 v13, v27;
	v0 =	vmin.f32 v0, v28;
	v1 =	vmax.f32 v1, v28;
	v18 =	vld [tilespmem:s30+$0x40]  }
0xc4: {  	v9 =	vmin.f32 v9, v19;
	v2 =	vmax.f32 v2, v19;
	v3 =	vmin.f32 v3, v20;
	v19 =	vld [tilespmem:s30+$0x50]  }
0xc5: {  	s29 =	simm.s32 $0x400;
	s28 =	simm.s32 $0x80;
	v10 =	vmax.f32 v10, v20;
	v14 =	vmin.f32 v14, v21;
	v15 =	vmax.f32 v15, v21;
	v20 =	vld [tilespmem:s30+$0x60]  }
.LBB2_14:
0xc6: {  	p0 =	sne.s32 s29, $0x1FE00;
	v21 =	vld [tilespmem:s28+$0x70];
	v4 =	vmin.f32 v4, v16;
	v11 =	vmax.f32 v11, v16  }
0xc7: {  	v22 =	vld [tilespmem:s28+$0x0];
	v5 =	vmin.f32 v5, v17;
	v6 =	vmax.f32 v6, v17  }
0xc8: {  	v23 =	vld [tilespmem:s28+$0x10];
	v12 =	vmin.f32 v12, v18;
	v7 =	vmax.f32 v7, v18  }
.Ltmp6:
0xc9: {  	v16 =	vld [tilespmem:s28+$0x20];
	v8 =	vmin.f32 v8, v19;
	v13 =	vmax.f32 v13, v19;
	(pc) =	sbr.rel @p0 .LBB2_14-.Ltmp6, $4  }
0xca: {  	v17 =	vld [tilespmem:s28+$0x30];
	v0 =	vmin.f32 v0, v20;
	v1 =	vmax.f32 v1, v20  }
0xcb: {  	v18 =	vld [tilespmem:s28+$0x40];
	v9 =	vmin.f32 v9, v21;
	v2 =	vmax.f32 v2, v21  }
0xcc: {  	v3 =	vmin.f32 v3, v22;
	v10 =	vmax.f32 v10, v22;
	v19 =	vld [tilespmem:s28+$0x50]  }
0xcd: {  	v14 =	vmin.f32 v14, v23;
	v15 =	vmax.f32 v15, v23;
	v20 =	vld [tilespmem:s28+$0x60];
	s28 =	sshra.s32 s29, $0x2;
	s29 =	sadd.s32 $0x200, s29  }
0xce: {  	v21 =	vld [tilespmem:s28+$0x70]  }
0xcf: {  	v22 =	vld [tilespmem:s28+$0x0]  }
0xd0: {  	v23 =	vld [tilespmem:s28+$0x10]  }
0xd1: {  	v24 =	vld [tilespmem:s28+$0x20]  }
0xd2: {  	v25 =	vld [tilespmem:s28+$0x30]  }
0xd3: {  	v26 =	vld [tilespmem:s28+$0x40]  }
0xd4: {  	v27 =	vld [tilespmem:s28+$0x50]  }
0xd5: {  	v28 =	vld [tilespmem:s28+$0x60];
	s28 =	simm.s32 $0x0  }
0xd6: {  	[tilespmem:s28], [sflag:$0x1] =	stream.linear.gather [hbm4b:s11+s28], $0x8000, $0x38;
	[tilespmem:$0x10020] =	vst v63  }
0xd7: {  	v4 =	vmin.f32 v4, v16;
	v11 =	vmax.f32 v11, v16;
	_ =	swait.ge [sflag:s23], $0x8000  }
0xd8: {  	v5 =	vmin.f32 v5, v17;
	v6 =	vmax.f32 v6, v17;
	v12 =	vmin.f32 v12, v18;
	[sflag:s23] =	ssyncset.done $0x0  }
0xd9: {  	s30 =	simm.s32 $0x0;
	v7 =	vmax.f32 v7, v18;
	v8 =	vmin.f32 v8, v19;
	v13 =	vmax.f32 v13, v19;
	[sflag:s23] =	ssyncadd.s32 $0xFFFF8000  }
0xda: {  	v0 =	vmin.f32 v0, v20;
	v1 =	vmax.f32 v1, v20;
	v9 =	vmin.f32 v9, v21;
	v19 =	vld [tilespmem:s30+$0x8070]  }
0xdb: {  	v2 =	vmax.f32 v2, v21;
	v3 =	vmin.f32 v3, v22;
	v10 =	vmax.f32 v10, v22;
	v20 =	vld [tilespmem:s30+$0x8000]  }
0xdc: {  	v14 =	vmin.f32 v14, v23;
	v15 =	vmax.f32 v15, v23;
	v4 =	vmin.f32 v4, v24;
	v21 =	vld [tilespmem:s30+$0x8010]  }
0xdd: {  	v11 =	vmax.f32 v11, v24;
	v5 =	vmin.f32 v5, v25;
	v6 =	vmax.f32 v6, v25;
	v16 =	vld [tilespmem:s30+$0x8020]  }
0xde: {  	v12 =	vmin.f32 v12, v26;
	v7 =	vmax.f32 v7, v26;
	v8 =	vmin.f32 v8, v27;
	v17 =	vld [tilespmem:s30+$0x8030]  }
0xdf: {  	v13 =	vmax.f32 v13, v27;
	v0 =	vmin.f32 v0, v28;
	v1 =	vmax.f32 v1, v28;
	v18 =	vld [tilespmem:s30+$0x8040]  }
0xe0: {  	v9 =	vmin.f32 v9, v19;
	v2 =	vmax.f32 v2, v19;
	v3 =	vmin.f32 v3, v20;
	v19 =	vld [tilespmem:s30+$0x8050]  }
0xe1: {  	s29 =	simm.s32 $0x400;
	s28 =	simm.s32 $0x80;
	v10 =	vmax.f32 v10, v20;
	v14 =	vmin.f32 v14, v21;
	v15 =	vmax.f32 v15, v21;
	v20 =	vld [tilespmem:s30+$0x8060]  }
.LBB2_16:
0xe2: {  	p0 =	sne.s32 s29, $0x1FE00;
	v21 =	vld [tilespmem:s28+$0x8070];
	v4 =	vmin.f32 v4, v16;
	v11 =	vmax.f32 v11, v16  }
0xe3: {  	v22 =	vld [tilespmem:s28+$0x8000];
	v5 =	vmin.f32 v5, v17;
	v6 =	vmax.f32 v6, v17  }
0xe4: {  	v23 =	vld [tilespmem:s28+$0x8010];
	v12 =	vmin.f32 v12, v18;
	v7 =	vmax.f32 v7, v18  }
.Ltmp7:
0xe5: {  	v16 =	vld [tilespmem:s28+$0x8020];
	v8 =	vmin.f32 v8, v19;
	v13 =	vmax.f32 v13, v19;
	(pc) =	sbr.rel @p0 .LBB2_16-.Ltmp7, $4  }
0xe6: {  	v17 =	vld [tilespmem:s28+$0x8030];
	v0 =	vmin.f32 v0, v20;
	v1 =	vmax.f32 v1, v20  }
0xe7: {  	v18 =	vld [tilespmem:s28+$0x8040];
	v9 =	vmin.f32 v9, v21;
	v2 =	vmax.f32 v2, v21  }
0xe8: {  	v3 =	vmin.f32 v3, v22;
	v10 =	vmax.f32 v10, v22;
	v19 =	vld [tilespmem:s28+$0x8050]  }
0xe9: {  	v14 =	vmin.f32 v14, v23;
	v15 =	vmax.f32 v15, v23;
	v20 =	vld [tilespmem:s28+$0x8060];
	s28 =	sshra.s32 s29, $0x2;
	s29 =	sadd.s32 $0x200, s29  }
0xea: {  	v21 =	vld [tilespmem:s28+$0x8070]  }
0xeb: {  	v22 =	vld [tilespmem:s28+$0x8000]  }
0xec: {  	v23 =	vld [tilespmem:s28+$0x8010]  }
0xed: {  	v24 =	vld [tilespmem:s28+$0x8020]  }
0xee: {  	v25 =	vld [tilespmem:s28+$0x8030]  }
0xef: {  	v26 =	vld [tilespmem:s28+$0x8040]  }
0xf0: {  	v27 =	vld [tilespmem:s28+$0x8050]  }
0xf1: {  	v28 =	vld [tilespmem:s28+$0x8060];
	s28 =	simm.s32 $0x0  }
0xf2: {  	[tilespmem:s21], [sflag:$0x2] =	stream.linear.gather [hbm4b:s12+s28], $0x8000, $0x38;
	[tilespmem:$0x10020] =	vst v63  }
0xf3: {  	v4 =	vmin.f32 v4, v16;
	v11 =	vmax.f32 v11, v16;
	_ =	swait.ge [sflag:s22], $0x8000  }
0xf4: {  	v5 =	vmin.f32 v5, v17;
	v6 =	vmax.f32 v6, v17;
	v12 =	vmin.f32 v12, v18;
	[sflag:s22] =	ssyncset.done $0x0  }
0xf5: {  	s30 =	simm.s32 $0x0;
	v7 =	vmax.f32 v7, v18;
	v8 =	vmin.f32 v8, v19;
	v13 =	vmax.f32 v13, v19;
	[sflag:s22] =	ssyncadd.s32 $0xFFFF8000  }
0xf6: {  	v0 =	vmin.f32 v0, v20;
	v1 =	vmax.f32 v1, v20;
	v9 =	vmin.f32 v9, v21;
	v19 =	vld [tilespmem:s30+$0x70]  }
0xf7: {  	v2 =	vmax.f32 v2, v21;
	v3 =	vmin.f32 v3, v22;
	v10 =	vmax.f32 v10, v22;
	v20 =	vld [tilespmem:s30+$0x0]  }
0xf8: {  	v14 =	vmin.f32 v14, v23;
	v15 =	vmax.f32 v15, v23;
	v4 =	vmin.f32 v4, v24;
	v21 =	vld [tilespmem:s30+$0x10]  }
0xf9: {  	v11 =	vmax.f32 v11, v24;
	v5 =	vmin.f32 v5, v25;
	v6 =	vmax.f32 v6, v25;
	v16 =	vld [tilespmem:s30+$0x20]  }
0xfa: {  	v12 =	vmin.f32 v12, v26;
	v7 =	vmax.f32 v7, v26;
	v8 =	vmin.f32 v8, v27;
	v17 =	vld [tilespmem:s30+$0x30]  }
0xfb: {  	v13 =	vmax.f32 v13, v27;
	v0 =	vmin.f32 v0, v28;
	v1 =	vmax.f32 v1, v28;
	v18 =	vld [tilespmem:s30+$0x40]  }
0xfc: {  	v9 =	vmin.f32 v9, v19;
	v2 =	vmax.f32 v2, v19;
	v3 =	vmin.f32 v3, v20;
	v19 =	vld [tilespmem:s30+$0x50]  }
0xfd: {  	s29 =	simm.s32 $0x400;
	s28 =	simm.s32 $0x80;
	v10 =	vmax.f32 v10, v20;
	v14 =	vmin.f32 v14, v21;
	v15 =	vmax.f32 v15, v21;
	v20 =	vld [tilespmem:s30+$0x60]  }
.LBB2_18:
0xfe: {  	p0 =	sne.s32 s29, $0x1FE00;
	v21 =	vld [tilespmem:s28+$0x70];
	v4 =	vmin.f32 v4, v16;
	v11 =	vmax.f32 v11, v16  }
0xff: {  	v22 =	vld [tilespmem:s28+$0x0];
	v5 =	vmin.f32 v5, v17;
	v6 =	vmax.f32 v6, v17  }
0x100: {  	v23 =	vld [tilespmem:s28+$0x10];
	v12 =	vmin.f32 v12, v18;
	v7 =	vmax.f32 v7, v18  }
.Ltmp8:
0x101: {  	v16 =	vld [tilespmem:s28+$0x20];
	v8 =	vmin.f32 v8, v19;
	v13 =	vmax.f32 v13, v19;
	(pc) =	sbr.rel @p0 .LBB2_18-.Ltmp8, $4  }
0x102: {  	v17 =	vld [tilespmem:s28+$0x30];
	v0 =	vmin.f32 v0, v20;
	v1 =	vmax.f32 v1, v20  }
0x103: {  	v18 =	vld [tilespmem:s28+$0x40];
	v9 =	vmin.f32 v9, v21;
	v2 =	vmax.f32 v2, v21  }
0x104: {  	v3 =	vmin.f32 v3, v22;
	v10 =	vmax.f32 v10, v22;
	v19 =	vld [tilespmem:s28+$0x50]  }
0x105: {  	v14 =	vmin.f32 v14, v23;
	v15 =	vmax.f32 v15, v23;
	v20 =	vld [tilespmem:s28+$0x60];
	s28 =	sshra.s32 s29, $0x2;
	s29 =	sadd.s32 $0x200, s29  }
0x106: {  	v21 =	vld [tilespmem:s28+$0x70]  }
0x107: {  	v22 =	vld [tilespmem:s28+$0x0]  }
0x108: {  	v23 =	vld [tilespmem:s28+$0x10]  }
0x109: {  	v24 =	vld [tilespmem:s28+$0x20]  }
0x10a: {  	v25 =	vld [tilespmem:s28+$0x30]  }
0x10b: {  	v26 =	vld [tilespmem:s28+$0x40]  }
0x10c: {  	v27 =	vld [tilespmem:s28+$0x50]  }
0x10d: {  	v28 =	vld [tilespmem:s28+$0x60];
	s28 =	simm.s32 $0x0  }
0x10e: {  	[tilespmem:s28], [sflag:$0x1] =	stream.linear.gather [hbm4b:s13+s28], $0x8000, $0x38;
	[tilespmem:$0x10020] =	vst v63  }
0x10f: {  	v4 =	vmin.f32 v4, v16;
	v11 =	vmax.f32 v11, v16;
	_ =	swait.ge [sflag:s23], $0x8000  }
0x110: {  	v5 =	vmin.f32 v5, v17;
	v6 =	vmax.f32 v6, v17;
	v12 =	vmin.f32 v12, v18;
	[sflag:s23] =	ssyncset.done $0x0  }
0x111: {  	s30 =	simm.s32 $0x0;
	v7 =	vmax.f32 v7, v18;
	v8 =	vmin.f32 v8, v19;
	v13 =	vmax.f32 v13, v19;
	[sflag:s23] =	ssyncadd.s32 $0xFFFF8000  }
0x112: {  	v0 =	vmin.f32 v0, v20;
	v1 =	vmax.f32 v1, v20;
	v9 =	vmin.f32 v9, v21;
	v19 =	vld [tilespmem:s30+$0x8070]  }
0x113: {  	v2 =	vmax.f32 v2, v21;
	v3 =	vmin.f32 v3, v22;
	v10 =	vmax.f32 v10, v22;
	v20 =	vld [tilespmem:s30+$0x8000]  }
0x114: {  	v14 =	vmin.f32 v14, v23;
	v15 =	vmax.f32 v15, v23;
	v4 =	vmin.f32 v4, v24;
	v21 =	vld [tilespmem:s30+$0x8010]  }
0x115: {  	v11 =	vmax.f32 v11, v24;
	v5 =	vmin.f32 v5, v25;
	v6 =	vmax.f32 v6, v25;
	v16 =	vld [tilespmem:s30+$0x8020]  }
0x116: {  	v12 =	vmin.f32 v12, v26;
	v7 =	vmax.f32 v7, v26;
	v8 =	vmin.f32 v8, v27;
	v17 =	vld [tilespmem:s30+$0x8030]  }
0x117: {  	v13 =	vmax.f32 v13, v27;
	v0 =	vmin.f32 v0, v28;
	v1 =	vmax.f32 v1, v28;
	v18 =	vld [tilespmem:s30+$0x8040]  }
0x118: {  	v9 =	vmin.f32 v9, v19;
	v2 =	vmax.f32 v2, v19;
	v3 =	vmin.f32 v3, v20;
	v19 =	vld [tilespmem:s30+$0x8050]  }
0x119: {  	s29 =	simm.s32 $0x400;
	s28 =	simm.s32 $0x80;
	v10 =	vmax.f32 v10, v20;
	v14 =	vmin.f32 v14, v21;
	v15 =	vmax.f32 v15, v21;
	v20 =	vld [tilespmem:s30+$0x8060]  }
.LBB2_20:
0x11a: {  	p0 =	sne.s32 s29, $0x1FE00;
	v21 =	vld [tilespmem:s28+$0x8070];
	v4 =	vmin.f32 v4, v16;
	v11 =	vmax.f32 v11, v16  }
0x11b: {  	v22 =	vld [tilespmem:s28+$0x8000];
	v5 =	vmin.f32 v5, v17;
	v6 =	vmax.f32 v6, v17  }
0x11c: {  	v23 =	vld [tilespmem:s28+$0x8010];
	v12 =	vmin.f32 v12, v18;
	v7 =	vmax.f32 v7, v18  }
.Ltmp9:
0x11d: {  	v16 =	vld [tilespmem:s28+$0x8020];
	v8 =	vmin.f32 v8, v19;
	v13 =	vmax.f32 v13, v19;
	(pc) =	sbr.rel @p0 .LBB2_20-.Ltmp9, $4  }
0x11e: {  	v17 =	vld [tilespmem:s28+$0x8030];
	v0 =	vmin.f32 v0, v20;
	v1 =	vmax.f32 v1, v20  }
0x11f: {  	v18 =	vld [tilespmem:s28+$0x8040];
	v9 =	vmin.f32 v9, v21;
	v2 =	vmax.f32 v2, v21  }
0x120: {  	v3 =	vmin.f32 v3, v22;
	v10 =	vmax.f32 v10, v22;
	v19 =	vld [tilespmem:s28+$0x8050]  }
0x121: {  	v14 =	vmin.f32 v14, v23;
	v15 =	vmax.f32 v15, v23;
	v20 =	vld [tilespmem:s28+$0x8060];
	s28 =	sshra.s32 s29, $0x2;
	s29 =	sadd.s32 $0x200, s29  }
0x122: {  	v21 =	vld [tilespmem:s28+$0x8070]  }
0x123: {  	v22 =	vld [tilespmem:s28+$0x8000]  }
0x124: {  	v23 =	vld [tilespmem:s28+$0x8010]  }
0x125: {  	v24 =	vld [tilespmem:s28+$0x8020]  }
0x126: {  	v25 =	vld [tilespmem:s28+$0x8030]  }
0x127: {  	v26 =	vld [tilespmem:s28+$0x8040]  }
0x128: {  	v27 =	vld [tilespmem:s28+$0x8050]  }
0x129: {  	v28 =	vld [tilespmem:s28+$0x8060];
	s28 =	simm.s32 $0x0  }
0x12a: {  	[tilespmem:s21], [sflag:$0x2] =	stream.linear.gather [hbm4b:s14+s28], $0x8000, $0x38;
	[tilespmem:$0x10020] =	vst v63  }
0x12b: {  	v4 =	vmin.f32 v4, v16;
	v11 =	vmax.f32 v11, v16;
	_ =	swait.ge [sflag:s22], $0x8000  }
0x12c: {  	v5 =	vmin.f32 v5, v17;
	v6 =	vmax.f32 v6, v17;
	v12 =	vmin.f32 v12, v18;
	[sflag:s22] =	ssyncset.done $0x0  }
0x12d: {  	s30 =	simm.s32 $0x0;
	v7 =	vmax.f32 v7, v18;
	v8 =	vmin.f32 v8, v19;
	v13 =	vmax.f32 v13, v19;
	[sflag:s22] =	ssyncadd.s32 $0xFFFF8000  }
0x12e: {  	v0 =	vmin.f32 v0, v20;
	v1 =	vmax.f32 v1, v20;
	v9 =	vmin.f32 v9, v21;
	v19 =	vld [tilespmem:s30+$0x70]  }
0x12f: {  	v2 =	vmax.f32 v2, v21;
	v3 =	vmin.f32 v3, v22;
	v10 =	vmax.f32 v10, v22;
	v20 =	vld [tilespmem:s30+$0x0]  }
0x130: {  	v14 =	vmin.f32 v14, v23;
	v15 =	vmax.f32 v15, v23;
	v4 =	vmin.f32 v4, v24;
	v21 =	vld [tilespmem:s30+$0x10]  }
0x131: {  	v11 =	vmax.f32 v11, v24;
	v5 =	vmin.f32 v5, v25;
	v6 =	vmax.f32 v6, v25;
	v16 =	vld [tilespmem:s30+$0x20]  }
0x132: {  	v12 =	vmin.f32 v12, v26;
	v7 =	vmax.f32 v7, v26;
	v8 =	vmin.f32 v8, v27;
	v17 =	vld [tilespmem:s30+$0x30]  }
0x133: {  	v13 =	vmax.f32 v13, v27;
	v0 =	vmin.f32 v0, v28;
	v1 =	vmax.f32 v1, v28;
	v18 =	vld [tilespmem:s30+$0x40]  }
0x134: {  	v9 =	vmin.f32 v9, v19;
	v2 =	vmax.f32 v2, v19;
	v3 =	vmin.f32 v3, v20;
	v19 =	vld [tilespmem:s30+$0x50]  }
0x135: {  	s29 =	simm.s32 $0x400;
	s28 =	simm.s32 $0x80;
	v10 =	vmax.f32 v10, v20;
	v14 =	vmin.f32 v14, v21;
	v15 =	vmax.f32 v15, v21;
	v20 =	vld [tilespmem:s30+$0x60]  }
.LBB2_22:
0x136: {  	p0 =	sne.s32 s29, $0x1FE00;
	v21 =	vld [tilespmem:s28+$0x70];
	v4 =	vmin.f32 v4, v16;
	v11 =	vmax.f32 v11, v16  }
0x137: {  	v22 =	vld [tilespmem:s28+$0x0];
	v5 =	vmin.f32 v5, v17;
	v6 =	vmax.f32 v6, v17  }
0x138: {  	v23 =	vld [tilespmem:s28+$0x10];
	v12 =	vmin.f32 v12, v18;
	v7 =	vmax.f32 v7, v18  }
.Ltmp10:
0x139: {  	v16 =	vld [tilespmem:s28+$0x20];
	v8 =	vmin.f32 v8, v19;
	v13 =	vmax.f32 v13, v19;
	(pc) =	sbr.rel @p0 .LBB2_22-.Ltmp10, $4  }
0x13a: {  	v17 =	vld [tilespmem:s28+$0x30];
	v0 =	vmin.f32 v0, v20;
	v1 =	vmax.f32 v1, v20  }
0x13b: {  	v18 =	vld [tilespmem:s28+$0x40];
	v9 =	vmin.f32 v9, v21;
	v2 =	vmax.f32 v2, v21  }
0x13c: {  	v3 =	vmin.f32 v3, v22;
	v10 =	vmax.f32 v10, v22;
	v19 =	vld [tilespmem:s28+$0x50]  }
0x13d: {  	v14 =	vmin.f32 v14, v23;
	v15 =	vmax.f32 v15, v23;
	v20 =	vld [tilespmem:s28+$0x60];
	s28 =	sshra.s32 s29, $0x2;
	s29 =	sadd.s32 $0x200, s29  }
0x13e: {  	v21 =	vld [tilespmem:s28+$0x70]  }
0x13f: {  	v22 =	vld [tilespmem:s28+$0x0]  }
0x140: {  	v23 =	vld [tilespmem:s28+$0x10]  }
0x141: {  	v24 =	vld [tilespmem:s28+$0x20]  }
0x142: {  	v25 =	vld [tilespmem:s28+$0x30]  }
0x143: {  	v26 =	vld [tilespmem:s28+$0x40]  }
0x144: {  	v27 =	vld [tilespmem:s28+$0x50]  }
0x145: {  	v28 =	vld [tilespmem:s28+$0x60];
	s28 =	simm.s32 $0x0  }
0x146: {  	[tilespmem:s28], [sflag:$0x1] =	stream.linear.gather [hbm4b:s15+s28], $0x8000, $0x38;
	[tilespmem:$0x10020] =	vst v63  }
0x147: {  	v4 =	vmin.f32 v4, v16;
	v11 =	vmax.f32 v11, v16;
	_ =	swait.ge [sflag:s23], $0x8000  }
0x148: {  	v5 =	vmin.f32 v5, v17;
	v6 =	vmax.f32 v6, v17;
	v12 =	vmin.f32 v12, v18;
	[sflag:s23] =	ssyncset.done $0x0  }
0x149: {  	s30 =	simm.s32 $0x0;
	v7 =	vmax.f32 v7, v18;
	v8 =	vmin.f32 v8, v19;
	v13 =	vmax.f32 v13, v19;
	[sflag:s23] =	ssyncadd.s32 $0xFFFF8000  }
0x14a: {  	v0 =	vmin.f32 v0, v20;
	v1 =	vmax.f32 v1, v20;
	v9 =	vmin.f32 v9, v21;
	v19 =	vld [tilespmem:s30+$0x8070]  }
0x14b: {  	v2 =	vmax.f32 v2, v21;
	v3 =	vmin.f32 v3, v22;
	v10 =	vmax.f32 v10, v22;
	v20 =	vld [tilespmem:s30+$0x8000]  }
0x14c: {  	v14 =	vmin.f32 v14, v23;
	v15 =	vmax.f32 v15, v23;
	v4 =	vmin.f32 v4, v24;
	v21 =	vld [tilespmem:s30+$0x8010]  }
0x14d: {  	v11 =	vmax.f32 v11, v24;
	v5 =	vmin.f32 v5, v25;
	v6 =	vmax.f32 v6, v25;
	v16 =	vld [tilespmem:s30+$0x8020]  }
0x14e: {  	v12 =	vmin.f32 v12, v26;
	v7 =	vmax.f32 v7, v26;
	v8 =	vmin.f32 v8, v27;
	v17 =	vld [tilespmem:s30+$0x8030]  }
0x14f: {  	v13 =	vmax.f32 v13, v27;
	v0 =	vmin.f32 v0, v28;
	v1 =	vmax.f32 v1, v28;
	v18 =	vld [tilespmem:s30+$0x8040]  }
0x150: {  	v9 =	vmin.f32 v9, v19;
	v2 =	vmax.f32 v2, v19;
	v3 =	vmin.f32 v3, v20;
	v19 =	vld [tilespmem:s30+$0x8050]  }
0x151: {  	s29 =	simm.s32 $0x400;
	s28 =	simm.s32 $0x80;
	v10 =	vmax.f32 v10, v20;
	v14 =	vmin.f32 v14, v21;
	v15 =	vmax.f32 v15, v21;
	v20 =	vld [tilespmem:s30+$0x8060]  }
.LBB2_24:
0x152: {  	p0 =	sne.s32 s29, $0x1FE00;
	v21 =	vld [tilespmem:s28+$0x8070];
	v4 =	vmin.f32 v4, v16;
	v11 =	vmax.f32 v11, v16  }
0x153: {  	v22 =	vld [tilespmem:s28+$0x8000];
	v5 =	vmin.f32 v5, v17;
	v6 =	vmax.f32 v6, v17  }
0x154: {  	v23 =	vld [tilespmem:s28+$0x8010];
	v12 =	vmin.f32 v12, v18;
	v7 =	vmax.f32 v7, v18  }
.Ltmp11:
0x155: {  	v16 =	vld [tilespmem:s28+$0x8020];
	v8 =	vmin.f32 v8, v19;
	v13 =	vmax.f32 v13, v19;
	(pc) =	sbr.rel @p0 .LBB2_24-.Ltmp11, $4  }
0x156: {  	v17 =	vld [tilespmem:s28+$0x8030];
	v0 =	vmin.f32 v0, v20;
	v1 =	vmax.f32 v1, v20  }
0x157: {  	v18 =	vld [tilespmem:s28+$0x8040];
	v9 =	vmin.f32 v9, v21;
	v2 =	vmax.f32 v2, v21  }
0x158: {  	v3 =	vmin.f32 v3, v22;
	v10 =	vmax.f32 v10, v22;
	v19 =	vld [tilespmem:s28+$0x8050]  }
0x159: {  	v14 =	vmin.f32 v14, v23;
	v15 =	vmax.f32 v15, v23;
	v20 =	vld [tilespmem:s28+$0x8060];
	s28 =	sshra.s32 s29, $0x2;
	s29 =	sadd.s32 $0x200, s29  }
0x15a: {  	v21 =	vld [tilespmem:s28+$0x8070]  }
0x15b: {  	v22 =	vld [tilespmem:s28+$0x8000]  }
0x15c: {  	v23 =	vld [tilespmem:s28+$0x8010]  }
0x15d: {  	v24 =	vld [tilespmem:s28+$0x8020]  }
0x15e: {  	v25 =	vld [tilespmem:s28+$0x8030]  }
0x15f: {  	v26 =	vld [tilespmem:s28+$0x8040]  }
0x160: {  	v27 =	vld [tilespmem:s28+$0x8050]  }
0x161: {  	v28 =	vld [tilespmem:s28+$0x8060];
	s28 =	simm.s32 $0x0  }
0x162: {  	[tilespmem:s21], [sflag:$0x2] =	stream.linear.gather [hbm4b:s16+s28], $0x8000, $0x38;
	[tilespmem:$0x10020] =	vst v63  }
0x163: {  	v4 =	vmin.f32 v4, v16;
	v11 =	vmax.f32 v11, v16;
	_ =	swait.ge [sflag:s22], $0x8000  }
0x164: {  	v5 =	vmin.f32 v5, v17;
	v6 =	vmax.f32 v6, v17;
	v12 =	vmin.f32 v12, v18;
	[sflag:s22] =	ssyncset.done $0x0  }
0x165: {  	s30 =	simm.s32 $0x0;
	v7 =	vmax.f32 v7, v18;
	v8 =	vmin.f32 v8, v19;
	v13 =	vmax.f32 v13, v19;
	[sflag:s22] =	ssyncadd.s32 $0xFFFF8000  }
0x166: {  	v0 =	vmin.f32 v0, v20;
	v1 =	vmax.f32 v1, v20;
	v9 =	vmin.f32 v9, v21;
	v19 =	vld [tilespmem:s30+$0x70]  }
0x167: {  	v2 =	vmax.f32 v2, v21;
	v3 =	vmin.f32 v3, v22;
	v10 =	vmax.f32 v10, v22;
	v20 =	vld [tilespmem:s30+$0x0]  }
0x168: {  	v14 =	vmin.f32 v14, v23;
	v15 =	vmax.f32 v15, v23;
	v4 =	vmin.f32 v4, v24;
	v21 =	vld [tilespmem:s30+$0x10]  }
0x169: {  	v11 =	vmax.f32 v11, v24;
	v5 =	vmin.f32 v5, v25;
	v6 =	vmax.f32 v6, v25;
	v16 =	vld [tilespmem:s30+$0x20]  }
0x16a: {  	v12 =	vmin.f32 v12, v26;
	v7 =	vmax.f32 v7, v26;
	v8 =	vmin.f32 v8, v27;
	v17 =	vld [tilespmem:s30+$0x30]  }
0x16b: {  	v13 =	vmax.f32 v13, v27;
	v0 =	vmin.f32 v0, v28;
	v1 =	vmax.f32 v1, v28;
	v18 =	vld [tilespmem:s30+$0x40]  }
0x16c: {  	v9 =	vmin.f32 v9, v19;
	v2 =	vmax.f32 v2, v19;
	v3 =	vmin.f32 v3, v20;
	v19 =	vld [tilespmem:s30+$0x50]  }
0x16d: {  	s29 =	simm.s32 $0x400;
	s28 =	simm.s32 $0x80;
	v10 =	vmax.f32 v10, v20;
	v14 =	vmin.f32 v14, v21;
	v15 =	vmax.f32 v15, v21;
	v20 =	vld [tilespmem:s30+$0x60]  }
.LBB2_26:
0x16e: {  	p0 =	sne.s32 s29, $0x1FE00;
	v21 =	vld [tilespmem:s28+$0x70];
	v4 =	vmin.f32 v4, v16;
	v11 =	vmax.f32 v11, v16  }
0x16f: {  	v22 =	vld [tilespmem:s28+$0x0];
	v5 =	vmin.f32 v5, v17;
	v6 =	vmax.f32 v6, v17  }
0x170: {  	v23 =	vld [tilespmem:s28+$0x10];
	v12 =	vmin.f32 v12, v18;
	v7 =	vmax.f32 v7, v18  }
.Ltmp12:
0x171: {  	v16 =	vld [tilespmem:s28+$0x20];
	v8 =	vmin.f32 v8, v19;
	v13 =	vmax.f32 v13, v19;
	(pc) =	sbr.rel @p0 .LBB2_26-.Ltmp12, $4  }
0x172: {  	v17 =	vld [tilespmem:s28+$0x30];
	v0 =	vmin.f32 v0, v20;
	v1 =	vmax.f32 v1, v20  }
0x173: {  	v18 =	vld [tilespmem:s28+$0x40];
	v9 =	vmin.f32 v9, v21;
	v2 =	vmax.f32 v2, v21  }
0x174: {  	v3 =	vmin.f32 v3, v22;
	v10 =	vmax.f32 v10, v22;
	v19 =	vld [tilespmem:s28+$0x50]  }
0x175: {  	v14 =	vmin.f32 v14, v23;
	v15 =	vmax.f32 v15, v23;
	v20 =	vld [tilespmem:s28+$0x60];
	s28 =	sshra.s32 s29, $0x2;
	s29 =	sadd.s32 $0x200, s29  }
0x176: {  	v21 =	vld [tilespmem:s28+$0x70]  }
0x177: {  	v22 =	vld [tilespmem:s28+$0x0]  }
0x178: {  	v23 =	vld [tilespmem:s28+$0x10]  }
0x179: {  	v24 =	vld [tilespmem:s28+$0x20]  }
0x17a: {  	v25 =	vld [tilespmem:s28+$0x30]  }
0x17b: {  	v26 =	vld [tilespmem:s28+$0x40]  }
0x17c: {  	v27 =	vld [tilespmem:s28+$0x50]  }
0x17d: {  	v28 =	vld [tilespmem:s28+$0x60];
	s28 =	simm.s32 $0x0  }
0x17e: {  	[tilespmem:s28], [sflag:$0x1] =	stream.linear.gather [hbm4b:s17+s28], $0x8000, $0x38;
	[tilespmem:$0x10020] =	vst v63  }
0x17f: {  	v4 =	vmin.f32 v4, v16;
	v11 =	vmax.f32 v11, v16;
	_ =	swait.ge [sflag:s23], $0x8000  }
0x180: {  	v5 =	vmin.f32 v5, v17;
	v6 =	vmax.f32 v6, v17;
	v12 =	vmin.f32 v12, v18;
	[sflag:s23] =	ssyncset.done $0x0  }
0x181: {  	s30 =	simm.s32 $0x0;
	v7 =	vmax.f32 v7, v18;
	v8 =	vmin.f32 v8, v19;
	v13 =	vmax.f32 v13, v19;
	[sflag:s23] =	ssyncadd.s32 $0xFFFF8000  }
0x182: {  	v0 =	vmin.f32 v0, v20;
	v1 =	vmax.f32 v1, v20;
	v9 =	vmin.f32 v9, v21;
	v19 =	vld [tilespmem:s30+$0x8070]  }
0x183: {  	v2 =	vmax.f32 v2, v21;
	v3 =	vmin.f32 v3, v22;
	v10 =	vmax.f32 v10, v22;
	v20 =	vld [tilespmem:s30+$0x8000]  }
0x184: {  	v14 =	vmin.f32 v14, v23;
	v15 =	vmax.f32 v15, v23;
	v4 =	vmin.f32 v4, v24;
	v21 =	vld [tilespmem:s30+$0x8010]  }
0x185: {  	v11 =	vmax.f32 v11, v24;
	v5 =	vmin.f32 v5, v25;
	v6 =	vmax.f32 v6, v25;
	v16 =	vld [tilespmem:s30+$0x8020]  }
0x186: {  	v12 =	vmin.f32 v12, v26;
	v7 =	vmax.f32 v7, v26;
	v8 =	vmin.f32 v8, v27;
	v17 =	vld [tilespmem:s30+$0x8030]  }
0x187: {  	v13 =	vmax.f32 v13, v27;
	v0 =	vmin.f32 v0, v28;
	v1 =	vmax.f32 v1, v28;
	v18 =	vld [tilespmem:s30+$0x8040]  }
0x188: {  	v9 =	vmin.f32 v9, v19;
	v2 =	vmax.f32 v2, v19;
	v3 =	vmin.f32 v3, v20;
	v19 =	vld [tilespmem:s30+$0x8050]  }
0x189: {  	s29 =	simm.s32 $0x400;
	s28 =	simm.s32 $0x80;
	v10 =	vmax.f32 v10, v20;
	v14 =	vmin.f32 v14, v21;
	v15 =	vmax.f32 v15, v21;
	v20 =	vld [tilespmem:s30+$0x8060]  }
.LBB2_28:
0x18a: {  	p0 =	sne.s32 s29, $0x1FE00;
	v21 =	vld [tilespmem:s28+$0x8070];
	v4 =	vmin.f32 v4, v16;
	v11 =	vmax.f32 v11, v16  }
0x18b: {  	v22 =	vld [tilespmem:s28+$0x8000];
	v5 =	vmin.f32 v5, v17;
	v6 =	vmax.f32 v6, v17  }
0x18c: {  	v23 =	vld [tilespmem:s28+$0x8010];
	v12 =	vmin.f32 v12, v18;
	v7 =	vmax.f32 v7, v18  }
.Ltmp13:
0x18d: {  	v16 =	vld [tilespmem:s28+$0x8020];
	v8 =	vmin.f32 v8, v19;
	v13 =	vmax.f32 v13, v19;
	(pc) =	sbr.rel @p0 .LBB2_28-.Ltmp13, $4  }
0x18e: {  	v17 =	vld [tilespmem:s28+$0x8030];
	v0 =	vmin.f32 v0, v20;
	v1 =	vmax.f32 v1, v20  }
0x18f: {  	v18 =	vld [tilespmem:s28+$0x8040];
	v9 =	vmin.f32 v9, v21;
	v2 =	vmax.f32 v2, v21  }
0x190: {  	v3 =	vmin.f32 v3, v22;
	v10 =	vmax.f32 v10, v22;
	v19 =	vld [tilespmem:s28+$0x8050]  }
0x191: {  	v14 =	vmin.f32 v14, v23;
	v15 =	vmax.f32 v15, v23;
	v20 =	vld [tilespmem:s28+$0x8060];
	s28 =	sshra.s32 s29, $0x2;
	s29 =	sadd.s32 $0x200, s29  }
0x192: {  	v21 =	vld [tilespmem:s28+$0x8070]  }
0x193: {  	v22 =	vld [tilespmem:s28+$0x8000]  }
0x194: {  	v23 =	vld [tilespmem:s28+$0x8010]  }
0x195: {  	v24 =	vld [tilespmem:s28+$0x8020]  }
0x196: {  	v25 =	vld [tilespmem:s28+$0x8030]  }
0x197: {  	v26 =	vld [tilespmem:s28+$0x8040]  }
0x198: {  	v27 =	vld [tilespmem:s28+$0x8050]  }
0x199: {  	v28 =	vld [tilespmem:s28+$0x8060];
	s28 =	simm.s32 $0x0  }
0x19a: {  	[tilespmem:s21], [sflag:$0x2] =	stream.linear.gather [hbm4b:s18+s28], $0x8000, $0x38;
	[tilespmem:$0x10020] =	vst v63  }
0x19b: {  	v4 =	vmin.f32 v4, v16;
	v11 =	vmax.f32 v11, v16;
	_ =	swait.ge [sflag:s22], $0x8000  }
0x19c: {  	v5 =	vmin.f32 v5, v17;
	v6 =	vmax.f32 v6, v17;
	v12 =	vmin.f32 v12, v18;
	[sflag:s22] =	ssyncset.done $0x0  }
0x19d: {  	s30 =	simm.s32 $0x0;
	v7 =	vmax.f32 v7, v18;
	v8 =	vmin.f32 v8, v19;
	v13 =	vmax.f32 v13, v19;
	[sflag:s22] =	ssyncadd.s32 $0xFFFF8000  }
0x19e: {  	v0 =	vmin.f32 v0, v20;
	v1 =	vmax.f32 v1, v20;
	v9 =	vmin.f32 v9, v21;
	v19 =	vld [tilespmem:s30+$0x70]  }
0x19f: {  	v2 =	vmax.f32 v2, v21;
	v3 =	vmin.f32 v3, v22;
	v10 =	vmax.f32 v10, v22;
	v20 =	vld [tilespmem:s30+$0x0]  }
0x1a0: {  	v14 =	vmin.f32 v14, v23;
	v15 =	vmax.f32 v15, v23;
	v4 =	vmin.f32 v4, v24;
	v21 =	vld [tilespmem:s30+$0x10]  }
0x1a1: {  	v11 =	vmax.f32 v11, v24;
	v5 =	vmin.f32 v5, v25;
	v6 =	vmax.f32 v6, v25;
	v16 =	vld [tilespmem:s30+$0x20]  }
0x1a2: {  	v12 =	vmin.f32 v12, v26;
	v7 =	vmax.f32 v7, v26;
	v8 =	vmin.f32 v8, v27;
	v17 =	vld [tilespmem:s30+$0x30]  }
0x1a3: {  	v13 =	vmax.f32 v13, v27;
	v0 =	vmin.f32 v0, v28;
	v1 =	vmax.f32 v1, v28;
	v18 =	vld [tilespmem:s30+$0x40]  }
0x1a4: {  	v9 =	vmin.f32 v9, v19;
	v2 =	vmax.f32 v2, v19;
	v3 =	vmin.f32 v3, v20;
	v19 =	vld [tilespmem:s30+$0x50]  }
0x1a5: {  	s29 =	simm.s32 $0x400;
	s28 =	simm.s32 $0x80;
	v10 =	vmax.f32 v10, v20;
	v14 =	vmin.f32 v14, v21;
	v15 =	vmax.f32 v15, v21;
	v20 =	vld [tilespmem:s30+$0x60]  }
.LBB2_30:
0x1a6: {  	p0 =	sne.s32 s29, $0x1FE00;
	v21 =	vld [tilespmem:s28+$0x70];
	v4 =	vmin.f32 v4, v16;
	v11 =	vmax.f32 v11, v16  }
0x1a7: {  	v22 =	vld [tilespmem:s28+$0x0];
	v5 =	vmin.f32 v5, v17;
	v6 =	vmax.f32 v6, v17  }
0x1a8: {  	v23 =	vld [tilespmem:s28+$0x10];
	v12 =	vmin.f32 v12, v18;
	v7 =	vmax.f32 v7, v18  }
.Ltmp14:
0x1a9: {  	v16 =	vld [tilespmem:s28+$0x20];
	v8 =	vmin.f32 v8, v19;
	v13 =	vmax.f32 v13, v19;
	(pc) =	sbr.rel @p0 .LBB2_30-.Ltmp14, $4  }
0x1aa: {  	v17 =	vld [tilespmem:s28+$0x30];
	v0 =	vmin.f32 v0, v20;
	v1 =	vmax.f32 v1, v20  }
0x1ab: {  	v18 =	vld [tilespmem:s28+$0x40];
	v9 =	vmin.f32 v9, v21;
	v2 =	vmax.f32 v2, v21  }
0x1ac: {  	v3 =	vmin.f32 v3, v22;
	v10 =	vmax.f32 v10, v22;
	v19 =	vld [tilespmem:s28+$0x50]  }
0x1ad: {  	v14 =	vmin.f32 v14, v23;
	v15 =	vmax.f32 v15, v23;
	v20 =	vld [tilespmem:s28+$0x60];
	s28 =	sshra.s32 s29, $0x2;
	s29 =	sadd.s32 $0x200, s29  }
0x1ae: {  	v21 =	vld [tilespmem:s28+$0x70]  }
0x1af: {  	v22 =	vld [tilespmem:s28+$0x0]  }
0x1b0: {  	v23 =	vld [tilespmem:s28+$0x10]  }
0x1b1: {  	v24 =	vld [tilespmem:s28+$0x20]  }
0x1b2: {  	v25 =	vld [tilespmem:s28+$0x30]  }
0x1b3: {  	v26 =	vld [tilespmem:s28+$0x40]  }
0x1b4: {  	v27 =	vld [tilespmem:s28+$0x50]  }
0x1b5: {  	v28 =	vld [tilespmem:s28+$0x60];
	v4 =	vmin.f32 v4, v16;
	v11 =	vmax.f32 v11, v16;
	_ =	swait.ge [sflag:s23], $0x8000  }
0x1b6: {  	v16 =	vmin.f32 v5, v17;
	v17 =	vmax.f32 v6, v17;
	[sflag:s23] =	ssyncset.done $0x0;
	v12 =	vmin.f32 v12, v18  }
0x1b7: {  	s30 =	simm.s32 $0x0;
	v18 =	vmax.f32 v7, v18;
	[sflag:s23] =	ssyncadd.s32 $0xFFFF8000;
	v29 =	vmin.f32 v8, v19;
	v13 =	vmax.f32 v13, v19  }
0x1b8: {  	v31 =	vld [tilespmem:s30+$0x8000];
	v0 =	vmin.f32 v0, v20;
	v1 =	vmax.f32 v1, v20;
	v19 =	vmin.f32 v9, v21  }
0x1b9: {  	v20 =	vld [tilespmem:s30+$0x8070];
	v21 =	vmax.f32 v2, v21;
	v30 =	vmin.f32 v3, v22;
	v22 =	vmax.f32 v10, v22  }
0x1ba: {  	v14 =	vmin.f32 v14, v23;
	v15 =	vmax.f32 v15, v23;
	v2 =	vmin.f32 v4, v24;
	v23 =	vld [tilespmem:s30+$0x8010]  }
0x1bb: {  	v5 =	vmax.f32 v11, v24;
	v6 =	vmin.f32 v16, v25;
	v3 =	vmax.f32 v17, v25;
	v16 =	vld [tilespmem:s30+$0x8020]  }
0x1bc: {  	v7 =	vmin.f32 v12, v26;
	v8 =	vmax.f32 v18, v26;
	v4 =	vmin.f32 v29, v27;
	v17 =	vld [tilespmem:s30+$0x8030]  }
0x1bd: {  	v9 =	vmax.f32 v13, v27;
	v10 =	vmin.f32 v0, v28;
	v11 =	vmax.f32 v1, v28;
	v18 =	vld [tilespmem:s30+$0x8040]  }
0x1be: {  	v12 =	vmin.f32 v30, v31;
	v13 =	vmax.f32 v22, v31;
	v1 =	vmin.f32 v19, v20;
	v19 =	vld [tilespmem:s30+$0x8050]  }
0x1bf: {  	s28 =	simm.s32 $0x80;
	s29 =	simm.s32 $0x400;
	v0 =	vmax.f32 v21, v20;
	v20 =	vld [tilespmem:s30+$0x8060];
	v14 =	vmin.f32 v14, v23;
	v15 =	vmax.f32 v15, v23  }
.LBB2_32:
0x1c0: {  	p0 =	sne.s32 s29, $0x1FE00;
	v21 =	vld [tilespmem:s28+$0x8070];
	v2 =	vmin.f32 v2, v16;
	v5 =	vmax.f32 v5, v16  }
0x1c1: {  	v22 =	vld [tilespmem:s28+$0x8000];
	v6 =	vmin.f32 v6, v17;
	v3 =	vmax.f32 v3, v17  }
0x1c2: {  	v23 =	vld [tilespmem:s28+$0x8010];
	v7 =	vmin.f32 v7, v18;
	v8 =	vmax.f32 v8, v18  }
.Ltmp15:
0x1c3: {  	v16 =	vld [tilespmem:s28+$0x8020];
	v4 =	vmin.f32 v4, v19;
	v9 =	vmax.f32 v9, v19;
	(pc) =	sbr.rel @p0 .LBB2_32-.Ltmp15, $4  }
0x1c4: {  	v17 =	vld [tilespmem:s28+$0x8030];
	v10 =	vmin.f32 v10, v20;
	v11 =	vmax.f32 v11, v20  }
0x1c5: {  	v18 =	vld [tilespmem:s28+$0x8040];
	v1 =	vmin.f32 v1, v21;
	v0 =	vmax.f32 v0, v21  }
0x1c6: {  	v12 =	vmin.f32 v12, v22;
	v13 =	vmax.f32 v13, v22;
	v19 =	vld [tilespmem:s28+$0x8050]  }
0x1c7: {  	v14 =	vmin.f32 v14, v23;
	v15 =	vmax.f32 v15, v23;
	v20 =	vld [tilespmem:s28+$0x8060];
	s28 =	sshra.s32 s29, $0x2;
	s29 =	sadd.s32 $0x200, s29  }
0x1c8: {  	v21 =	vld [tilespmem:s28+$0x8070]  }
0x1c9: {  	v22 =	vld [tilespmem:s28+$0x8000]  }
0x1ca: {  	v23 =	vld [tilespmem:s28+$0x8010]  }
0x1cb: {  	v24 =	vld [tilespmem:s28+$0x8020]  }
0x1cc: {  	v2 =	vmin.f32 v2, v16;
	v5 =	vmax.f32 v5, v16;
	v57 =	vld [tilespmem:s28+$0x8030];
	v6 =	vmin.f32 v6, v17  }
0x1cd: {  	v58 =	vld [tilespmem:s28+$0x8040];
	v3 =	vmax.f32 v3, v17;
	v7 =	vmin.f32 v7, v18;
	v8 =	vmax.f32 v8, v18  }
0x1ce: {  	v4 =	vmin.f32 v4, v19;
	v9 =	vmax.f32 v9, v19;
	v10 =	vmin.f32 v10, v20  }
0x1cf: {  	v59 =	vld [tilespmem:s28+$0x8050];
	v11 =	vmax.f32 v11, v20;
	v12 =	vmin.f32 v12, v22;
	v13 =	vmax.f32 v13, v22  }
0x1d0: {  	v1 =	vmin.f32 v1, v21;
	v14 =	vmin.f32 v14, v23;
	v15 =	vmax.f32 v15, v23  }
0x1d1: {  	v60 =	vld [tilespmem:s28+$0x8060];
	v2 =	vmin.f32 v2, v24;
	v5 =	vmax.f32 v5, v24;
	v6 =	vmin.f32 v6, v57  }
0x1d2: {  	v3 =	vmax.f32 v3, v57;
	v7 =	vmin.f32 v7, v58;
	v12 =	vmin.f32 v12, v14  }
0x1d3: {  	v8 =	vmax.f32 v8, v58;
	v13 =	vmax.f32 v13, v15;
	v2 =	vmin.f32 v12, v2  }
0x1d4: {  	v4 =	vmin.f32 v4, v59;
	v5 =	vmax.f32 v13, v5;
	v2 =	vmin.f32 v2, v6  }
0x1d5: {  	v61 =	vmax.f32 v9, v59;
	v3 =	vmax.f32 v5, v3;
	v2 =	vmin.f32 v2, v7  }
0x1d6: {  	v62 =	vmin.f32 v10, v60;
	v3 =	vmax.f32 v3, v8;
	v2 =	vmin.f32 v2, v4  }
0x1d7: {  	v63 =	vmax.f32 v11, v60;
	v3 =	vmax.f32 v3, v61;
	v2 =	vmin.f32 v2, v62  }
0x1d8: {  	s26 =	sadd.s32 $0x1, s26;
	v0 =	vmax.f32 v0, v21;
	v3 =	vmax.f32 v3, v63;
	v1 =	vmin.f32 v2, v1  }
0x1d9: {  	p0 =	sne.s32 s26, s20;
	v0 =	vmax.f32 v3, v0;
	[tilespmem:$0x10000] =	vst v1  }
.Ltmp16:
0x1da: {  	[tilespmem:$0x10010] =	vst v0;
	(pc) =	sbr.rel @p0 .LBB2_1-.Ltmp16, $4  }
0x1db: {  	[hbm4b:s19+s2] =	stream.linear.scatter [tilespmem:s24], [sflag:$0x3], $0x20, $0x38;
	[tilespmem:$0x10020] =	vst v63  }
0x1dc: {  	_ =	swait.ge [sflag:s25], $0x20  }
0x1dd: {  	[sflag:s25] =	ssyncset.done $0x0  }
0x1de: {  	[sflag:s25] =	ssyncadd.s32 $0xFFFFFFE0  }
0x1df: {  	_ =	sfence.sel $0x180000  }
0x1e0: {  	[bflag:$0x0] =	sbarrier.arrive $0xFFFF  }
0x1e1: {  	p0 =	sne.s32 s1, $0x0;
	_ =	strace $0x90000047  }
0x1e2: {  	s0 =	sadd.s32 @!p0 $0x100000, s0;
	[bflag:$0x2] =	sbarrier.arrive $0xFFFF  }
0x1e3: {  	[sflag:s0] =	ssyncadd.tile.s32 @!p0 $0x1;
	_ =	shalt  }
.Lfunc_end2:
_tile_overlayer_lowered:
.L_overlay_start_2:
0x1e4: {  	(tag) =	ssettag $0x2  }
0x1e5: {  	s0 =	rddreg [dreg:$0x0];
	s2 =	stileid.u32  }
0x1e6: {  	s1 =	rddreg [dreg:$0x1];
	p0 =	sne.s32 s2, $0x0  }
0x1e7: {  	s3 =	rddreg [dreg:$0x2];
	[bflag:$0x3] =	sbarrier.arrive $0xFFFF;
	s2 =	simm.s32 @!p0 $0x1C03  }
0x1e8: {  	[timem:s3], [sflag:s2] =	dma.local @!p0 [hbm:s0], s1  }
0x1e9: {  	s0 =	simm.s32 @!p0 $0x3  }
0x1ea: {  	_ =	swait.ge @!p0 [sflag:s0], s1  }
0x1eb: {  	s1 =	ssub.s32 @!p0 $0x0, s1;
	[sflag:s0] =	ssyncset.done @!p0 $0x0  }
0x1ec: {  	[sflag:s0] =	ssyncadd.s32 @!p0 s1  }
0x1ed: {  	[bflag:$0x3] =	sbarrier.arrive $0xFFFF  }
0x1ee: {  	_ =	shalt  }

// kernel: kernel.8.cloned.1.call-start
scs
__scs_entry_jumppad:
0x0: {  	(pc) =	sbr.rel $0x88, $3  }
0x1: {  	(tag) =	ssettag $0x0;
	lr =	simm.s32 $0x1  }
0x2: {  	[smem:$0x3FA0] =	sst lr;
	_ =	strace $0xD0000000  }
0x3: {  	_ = 	snop  }
0x4: {  	_ = 	snop  }
0x5: {  	_ = 	snop  }
0x6: {  	_ = 	snop  }
0x7: {  	_ = 	snop  }
__scs_overlays_trampoline_lowered:
0x8: {  	[smem:$0x3FAF] =	sst s0  }
0x9: {  	[smem:$0x3FB0] =	sst s1  }
0xa: {  	[smem:$0x3FB1] =	sst s2  }
0xb: {  	[smem:$0x3FB2] =	sst s3  }
0xc: {  	[smem:$0x3FB3] =	sst s4  }
0xd: {  	[smem:$0x3FB4] =	sst s5  }
0xe: {  	[smem:$0x3FB5] =	sst s6  }
0xf: {  	[smem:$0x3FB6] =	sst s7  }
0x10: {  	[smem:$0x3FB7] =	sst s8  }
0x11: {  	[smem:$0x3FB8] =	sst s9;
	s0 =	simm.s32 @!p0 $0x0  }
0x12: {  	s1 =	sld [smem:$0x3F9E];
	s0 =	simm.s32 @p0 $0x1  }
0x13: {  	[smem:$0x3FB9] =	sst s0;
	s0 =	simm.s32 @!p1 $0x0  }
0x14: {  	s2 =	sld [smem:$0x3F9D];
	s0 =	simm.s32 @p1 $0x1  }
0x15: {  	[smem:$0x3FBA] =	sst s0;
	s0 =	simm.s32 @!p2 $0x0  }
0x16: {  	s3 =	sld [smem:$0x3FDB];
	s0 =	simm.s32 @p2 $0x1  }
0x17: {  	s4 =	simm.s32 $0x1BF5;
	[smem:$0x3FBC] =	sst s0  }
0x18: {  	s0 =	sld [smem:$0x3F9F];
	_ =	swait.ge [sflag:s4], $0x0  }
0x19: {  	s7 =	sld [smem:$0x3FA0]  }
0x1a: {  	s8 =	sadd.s32 $0xFFFFE003, lr  }
0x1b: {  	s9 =	sadd.s32 $0xFFFFFEF7, lr;
	s5 =	simm.s32 $0xFFFFFFFF;
	p2 =	slt.u32 s8, $0xFFFFF086  }
0x1c: {  	p1 =	slt.u32 s9, $0xF7A;
	s5 =	simm.s32 @!p2 $0x0  }
0x1d: {  	s5 =	simm.s32 @p1 $0x1;
	p0 =	seq.s32 s7, s2  }
0x1e: {  	s7 =	smul.u32 @!p0 $0xF7A, s2;
	p2 =	seq.s32 @!p0 s5, $0x0  }
0x1f: {  	s9 =	smul.u32 $0xF7A, s1;
	s8 =	simm.s32 @!p0 $0x1BF5;
	p2 =	por !p2, p0  }
0x20: {  	[sflag:s8] =	ssyncset.s32 @!p0 $0xFFFFF086;
	s6 =	sadd.s32 @!p0 s3, s7;
	s7 =	simm.s32 @!p0 $0x108  }
0x21: {  	s3 =	sadd.s32 s3, s9;
	s6 =	sadd.s32 @!p0 $0x88, s6;
	s7 =	simm.s32 @p2 $0x1082  }
0x22: {  	[simem:s7], [sflag:s8] =	dma.local @!p0 [hbm:s6], $0xF7A  }
0x23: {  	s9 =	sor.u32 $0xD0000000, s2;
	s6 =	simm.s32 $0x108;
	_ =	swait.ge @!p0 [sflag:s8], $0x0  }
0x24: {  	s3 =	sadd.s32 $0x88, s3;
	s6 =	simm.s32 @!p1 $0x1082;
	[sflag:s4] =	ssyncset.s32 $0xFFFFF086  }
0x25: {  	[simem:s6], [sflag:s4] =	dma.local [hbm:s3], $0xF7A  }
0x26: {  	[smem:$0x3FA0] =	sst s1;
	(tag) =	ssettag s2;
	_ =	strace s9  }
0x27: {  	s1 =	sld [smem:$0x3FB0]  }
0x28: {  	s2 =	sld [smem:$0x3FB1]  }
0x29: {  	s4 =	sld [smem:$0x3FB3]  }
0x2a: {  	p0 =	seq.s32 s5, $0x0;
	s5 =	sld [smem:$0x3FB4]  }
0x2b: {  	s6 =	sld [smem:$0x3FB5]  }
0x2c: {  	s7 =	sld [smem:$0x3FB6]  }
0x2d: {  	s3 =	simm.s32 $0x108;
	s8 =	sld [smem:$0x3FB7]  }
0x2e: {  	s3 =	simm.s32 @!p0 $0x1082;
	s9 =	sld [smem:$0x3FB8]  }
0x2f: {  	lr =	sadd.s32 s0, s3;
	s0 =	sld [smem:$0x3FAF]  }
0x30: {  	s3 =	sld [smem:$0x3FB2]  }
0x31: {  	[smem:$0x3FBB] =	sst s10  }
0x32: {  	s10 =	sld [smem:$0x3FB9];
	_ =	sdelay $0x3  }
0x33: {  	p0 =	seq.s32 s10, $0x1;
	s10 =	sld [smem:$0x3FBB];
	_ =	sdelay $0x3  }
0x34: {  	[smem:$0x3FBB] =	sst s10  }
0x35: {  	s10 =	sld [smem:$0x3FBA];
	_ =	sdelay $0x3  }
0x36: {  	p1 =	seq.s32 s10, $0x1;
	s10 =	sld [smem:$0x3FBB];
	_ =	sdelay $0x3  }
0x37: {  	[smem:$0x3FBB] =	sst s10  }
0x38: {  	s10 =	sld [smem:$0x3FBC]  }
0x39: {  	_ = 	snop;
	(pc) =	sbr.ind lr, $3  }
0x3a: {  	_ = 	snop  }
0x3b: {  	_ = 	snop  }
0x3c: {  	p2 =	seq.s32 s10, $0x1;
	s10 =	sld [smem:$0x3FBB]  }
0x3d: {  	_ =	shalt  }
0x3e: {  	_ =	shalt  }
0x3f: {  	_ =	shalt  }
0x40: {  	_ =	shalt  }
0x41: {  	_ =	shalt  }
0x42: {  	_ =	shalt  }
0x43: {  	_ =	shalt  }
0x44: {  	_ =	shalt  }
0x45: {  	_ =	shalt  }
0x46: {  	_ =	shalt  }
0x47: {  	_ =	shalt  }
0x48: {  	_ =	shalt  }
0x49: {  	_ =	shalt  }
0x4a: {  	_ =	shalt  }
0x4b: {  	_ =	shalt  }
0x4c: {  	_ =	shalt  }
0x4d: {  	_ =	shalt  }
0x4e: {  	_ =	shalt  }
0x4f: {  	_ =	shalt  }
0x50: {  	_ =	shalt  }
0x51: {  	_ =	shalt  }
0x52: {  	_ =	shalt  }
0x53: {  	_ =	shalt  }
0x54: {  	_ =	shalt  }
0x55: {  	_ =	shalt  }
0x56: {  	_ =	shalt  }
0x57: {  	_ =	shalt  }
0x58: {  	_ =	shalt  }
0x59: {  	_ =	shalt  }
0x5a: {  	_ =	shalt  }
0x5b: {  	_ =	shalt  }
0x5c: {  	_ =	shalt  }
0x5d: {  	_ =	shalt  }
0x5e: {  	_ =	shalt  }
0x5f: {  	_ =	shalt  }
0x60: {  	_ =	shalt  }
0x61: {  	_ =	shalt  }
0x62: {  	_ =	shalt  }
0x63: {  	_ =	shalt  }
0x64: {  	_ =	shalt  }
0x65: {  	_ =	shalt  }
0x66: {  	_ =	shalt  }
0x67: {  	_ =	shalt  }
0x68: {  	_ =	shalt  }
0x69: {  	_ =	shalt  }
0x6a: {  	_ =	shalt  }
0x6b: {  	_ =	shalt  }
0x6c: {  	_ =	shalt  }
0x6d: {  	_ =	shalt  }
0x6e: {  	_ =	shalt  }
0x6f: {  	_ =	shalt  }
0x70: {  	_ =	shalt  }
0x71: {  	_ =	shalt  }
0x72: {  	_ =	shalt  }
0x73: {  	_ =	shalt  }
0x74: {  	_ =	shalt  }
0x75: {  	_ =	shalt  }
0x76: {  	_ =	shalt  }
0x77: {  	_ =	shalt  }
0x78: {  	_ =	shalt  }
0x79: {  	_ =	shalt  }
0x7a: {  	_ =	shalt  }
0x7b: {  	_ =	shalt  }
0x7c: {  	_ =	shalt  }
0x7d: {  	_ =	shalt  }
0x7e: {  	_ =	shalt  }
0x7f: {  	_ =	shalt  }
0x80: {  	_ =	shalt  }
0x81: {  	_ =	shalt  }
0x82: {  	_ =	shalt  }
0x83: {  	_ =	shalt  }
0x84: {  	_ =	shalt  }
0x85: {  	_ =	shalt  }
0x86: {  	_ =	shalt  }
0x87: {  	_ =	shalt  }
.Lfunc_end0:
.L_simem_size_0:
called_computation.1_lowered:
.L_overlay_start_0:
0x88: {  	s2 =	sld [smem:$0x3FD9]  }
0x89: {  	s3 =	sld [smem:$0x3FFE];
	_ =	sdelay $0x1  }
0x8a: {  	s1 =	srdreg.scid  }
0x8b: {  	s0 =	sand.u32 $0x1, s1  }
0x8c: {  	s14 =	sshll.u32 s0, $0xA;
	s2 =	sadd.s32 s3, s2  }
0x8d: {  	s2 =	sadd.s32 s2, s14  }
0x8e: {  	[smem:$0x3FC7] =	sst s2  }
0x8f: {  	_ = 	snop  }
0x90: {  	s2 =	sld [smem:$0x3FD0];
	_ =	sdelay $0x2  }
0x91: {  	s4 =	simm.s32 $0xA;
	s5 =	simm.s32 $0x10;
	s15 =	sld [smem:$0x3FC9]  }
0x92: {  	[smem:s5], [sflag:s4] =	dma.local [hbm:s2], $0x1  }
0x93: {  	_ =	swait.eq [sflag:s4], $0x1  }
0x94: {  	s16 =	sld [smem:$0x10];
	[sflag:s4] =	ssyncset.done $0x0  }
0x95: {  	s17 =	sld [smem:$0x11];
	[sflag:s4] =	ssyncadd.s32 $0xFFFFFFFF  }
0x96: {  	s18 =	sld [smem:$0x12];
	(tm) =	ssettm $0x1  }
0x97: {  	s6 =	sld [smem:$0x3FFB];
	_ =	sdelay $0x3  }
0x98: {  	_ =	strace s6  }
0x99: {  	s6 =	sld [smem:$0x3FFC];
	_ =	sdelay $0x3  }
0x9a: {  	_ =	strace s6  }
0x9b: {  	s6 =	sld [smem:$0x3FFD];
	_ =	sdelay $0x3  }
0x9c: {  	_ =	strace s6  }
0x9d: {  	_ =	strace $0x8FFFFFFF  }
0x9e: {  	s19 =	sld [smem:$0x3FDB];
	_ =	sdelay $0x1  }
0x9f: {  	s7 =	simm.s32 $_scs_section_size  }
0xa0: {  	s8 =	simm.s32 $_size__tile_overlayer_lowered;
	s9 =	simm.s32 $_tile_overlayer_lowered  }
0xa1: {  	s22 =	simm.s32 $0x1BFF;
	s21 =	sshll.u32 s9, $0x1;
	s6 =	sadd.s32 s7, s19  }
0xa2: {  	s10 =	simm.s32 $0x0;
	s20 =	sshll.u32 s8, $0x1;
	s8 =	sadd.s32 s21, s6  }
0xa3: {  	[timem:s10], [sflag:s22] =	dma.local [hbm:s8], s20  }
0xa4: {  	_ =	swait.ge [sflag:s22], s20  }
0xa5: {  	s7 =	ssub.s32 $0x0, s20;
	[sflag:s22] =	ssyncset.done $0x0  }
0xa6: {  	[sflag:s22] =	ssyncadd.s32 s7;
	_ =	sdelay $0x1  }
0xa7: {  	s23 =	simm.s32 $0x1B8B  }
0xa8: {  	_ =	swait.ge [sflag:s23], $0x1  }
0xa9: {  	[sflag:s23] =	ssyncset.done $0x0  }
0xaa: {  	s25 =	simm.s32 $0x1B8E;
	s24 =	sld [smem:$0x3FFE];
	[sflag:s23] =	ssyncadd.s32 $0xFFFFFFFF  }
0xab: {  	s26 =	simm.s32 $execute0_lowered;
	[smem:$0x3FD2] =	sst s25  }
0xac: {  	s8 =	sshll.u32 s26, $0x1;
	_ =	strace $0x80000049;
	[dreg:$0x1] =	wrdreg $0xFFFFFFFF  }
0xad: {  	s28 =	simm.s32 $_size_execute0_lowered;
	s6 =	sadd.s32 s6, s8;
	[dreg:$0x0] =	wrdreg $0x0  }
0xae: {  	s8 =	sshll.u32 s28, $0x1;
	[dreg:$0x2] =	wrdreg s6  }
0xaf: {  	[dreg:$0x3] =	wrdreg s8  }
0xb0: {  	[dreg:$0x4] =	wrdreg $0xC0  }
0xb1: {  	_ =	task [dreg:s10], $0x5FFFF  }
0xb2: {  	[dreg:$0x1] =	wrdreg $0xFFFFFFFF  }
0xb3: {  	[dreg:$0x0] =	wrdreg $0x60  }
0xb4: {  	[dreg:$0x2] =	wrdreg s15  }
0xb5: {  	[dreg:$0x3] =	wrdreg s17  }
0xb6: {  	[dreg:$0x4] =	wrdreg s24  }
0xb7: {  	[dreg:$0x5] =	wrdreg s18  }
0xb8: {  	[dreg:$0x6] =	wrdreg s16  }
0xb9: {  	[dreg:$0x7] =	wrdreg $0x9  }
0xba: {  	_ =	task.clear_ibuf [dreg:s10], $0x8FFFF;
	_ =	strace $0x90000049  }
0xbb: {  	s29 =	simm.s32 $0x9;
	_ =	strace $0x8000004B  }
0xbc: {  	_ =	swait.ge [sflag:s29], $0x1  }
0xbd: {  	[sflag:s29] =	ssyncadd.s32 $0xFFFFFFFF  }
0xbe: {  	_ =	strace $0x9000004B  }
0xbf: {  	_ =	sfence  }
0xc0: {  	s30 =	sld [smem:$0x0];
	_ =	sdelay $0x2  }
0xc1: {  	s31 =	sshll.u32 s1, $0xD;
	s1 =	sshrl.u32 s1, $0x2  }
0xc2: {  	s3 =	sand.u32 $0x4000, s31;
	s1 =	sadd.s32 s1, s30  }
0xc3: {  	s0 =	sor.u32 s3, s0;
	s1 =	sshll.u32 s1, $0x11  }
0xc4: {  	s0 =	sor.u32 s1, s0  }
0xc5: {  	s0 =	sadd.s32 $0x8F2B, s0  }
0xc6: {  	[sflag:s0] =	ssyncadd.remote.s32 $0x1  }
0xc7: {  	_ =	sfence.sel $0xFFFF  }
0xc8: {  	[dreg:$0x0] =	wrdreg $0xFFFFFFFF;
	(pc) =	sbr.abs _section_cstart, $3  }
0xc9: {  	[dreg:$0x1] =	wrdreg $0xFFFFFFFF  }
0xca: {  	_ =	task.clear_ibuf [dreg:s10], $0x2FFFF;
	_ =	strace $0x9FFFFFFF  }
0xcb: {  	(tm) =	ssettm $0x7FFFFFFF  }
tec
execute0_lowered:
.L_overlay_start_1:
0x0: {  	(tag) =	ssettag $0x1  }
0x1: {  	s0 =	rddreg [dreg:$0x0]  }
0x2: {  	s2 =	rddreg [dreg:$0x2]  }
0x3: {  	s4 =	srdreg.scid;
	s5 =	stileid.u32  }
0x4: {  	s3 =	rddreg [dreg:$0x4];
	s4 =	sand.u32 $0x1, s4;
	s5 =	sshll.u32 s5, $0x1  }
0x5: {  	s1 =	simm.s32 $0x0;
	s5 =	sor.u32 s4, s5;
	s4 =	ssub.s32 $0x2, s4  }
0x6: {  	[smem:$0x7FF] =	sst s1;
	s6 =	sshll.u32 s5, $0x8;
	s7 =	sshrl.u32 s4, $0x1  }
0x7: {  	s8 =	sshll.u32 s5, $0x10;
	p0 =	sne.s32 s5, $0x0;
	s6 =	sadd.s32 s6, s2  }
0x8: {  	s7 =	ssub.s32 s4, s7;
	s11 =	sor.u32 $0x1000, s8;
	s13 =	sor.u32 $0x2000, s8  }
0x9: {  	s9 =	sor.u32 $0x3000, s8;
	s16 =	sor.u32 $0x4000, s8;
	s12 =	sadd.s32 s0, s11  }
0xa: {  	s17 =	sor.u32 $0x5000, s8;
	s10 =	sadd.s32 s0, s13;
	[dreg:$0x6] =	wrdreg s12  }
0xb: {  	s20 =	sor.u32 $0x6000, s8;
	s2 =	sadd.s32 s3, s11;
	[dreg:$0x7] =	wrdreg s10  }
0xc: {  	s21 =	sor.u32 $0x7000, s8;
	s14 =	sadd.s32 s0, s9;
	[dreg:$0x8] =	wrdreg s2  }
0xd: {  	s24 =	sor.u32 $0x8000, s8;
	s15 =	sadd.s32 s3, s13;
	[dreg:$0x9] =	wrdreg s14  }
0xe: {  	s25 =	sor.u32 $0x9000, s8;
	s18 =	sadd.s32 s0, s16;
	[dreg:$0xa] =	wrdreg s15  }
0xf: {  	s30 =	sadd.s32 s0, s8;
	s9 =	sadd.s32 s3, s9;
	[dreg:$0xb] =	wrdreg s18  }
0x10: {  	s31 =	sadd.s32 s3, s8;
	s19 =	sadd.s32 s0, s17;
	[dreg:$0xc] =	wrdreg s9  }
0x11: {  	s22 =	sadd.s32 s0, s20;
	s4 =	sadd.s32 s3, s17;
	[dreg:$0xd] =	wrdreg s19  }
0x12: {  	s23 =	sadd.s32 s0, s21;
	s26 =	sadd.s32 s0, s24;
	[dreg:$0xf] =	wrdreg s22  }
0x13: {  	s11 =	sadd.s32 s0, s25;
	s13 =	sor.u32 $0xB000, s8;
	[dreg:$0x10] =	wrdreg s4  }
0x14: {  	s17 =	sor.u32 $0xF000, s8;
	s5 =	smax.u32 s7, $0x1;
	[dreg:$0x11] =	wrdreg s23  }
0x15: {  	s7 =	simm.s32 $0x8000;
	s2 =	sadd.s32 s3, s16;
	[dreg:$0x13] =	wrdreg s26  }
0x16: {  	s9 =	sadd.s32 s3, s21;
	[dreg:$0x15] =	wrdreg s11;
	s18 =	sadd.s32 s3, s24  }
0x17: {  	s19 =	sadd.s32 s3, s25;
	s12 =	sor.u32 $0xA000, s8;
	s22 =	sadd.s32 s0, s13  }
0x18: {  	s23 =	sadd.s32 s3, s13;
	s14 =	sor.u32 $0xC000, s8;
	s15 =	sor.u32 $0xD000, s8  }
0x19: {  	s16 =	sor.u32 $0xE000, s8;
	s4 =	sadd.s32 $0xE00, s6;
	s6 =	simm.s32 $0x5  }
0x1a: {  	s8 =	simm.s32 $0x1;
	s10 =	simm.s32 $0x3;
	s11 =	simm.s32 $0x2  }
0x1b: {  	s13 =	simm.s32 $0x0;
	[dreg:$0xe] =	wrdreg s2;
	s2 =	sadd.s32 s3, s20  }
0x1c: {  	[dreg:$0x14] =	wrdreg s9;
	s20 =	sadd.s32 s0, s12;
	s21 =	sadd.s32 s3, s12  }
0x1d: {  	v0 =	vlaneseq.u32;
	s24 =	sadd.s32 s0, s14;
	s25 =	sadd.s32 s3, s14;
	s26 =	sadd.s32 s0, s15  }
0x1e: {  	v0 =	vmul.u32 $0x808, v0;
	s28 =	sadd.s32 s3, s15;
	s29 =	sadd.s32 s0, s16;
	s0 =	sadd.s32 s0, s17  }
0x1f: {  	v1 =	vimm.f32 $0.0e+00;
	s9 =	simm.s32 $0x10000;
	s12 =	simm.s32 $0x4;
	[dreg:$0x12] =	wrdreg s2  }
0x20: {  	v2 =	vimm.f32 $1.000000000e+00;
	v3 =	vadd.s32 $0x7FF, v0;
	v4 =	vadd.s32 $0x800, v0;
	s2 =	sadd.s32 s3, s16;
	s3 =	sadd.s32 s3, s17;
	_ =	strace $0x8000004A  }
.LBB2_1:
0x21: {  	s14 =	rddreg [dreg:$0x1];
	s15 =	simm.s32 $0x18880  }
0x22: {  	[tilespmem:s15], [sflag:$0x5] =	stream.linear.gather [hbm4b:s14+s1], $0x400, $0x38;
	[tilespmem:$0x18CA0] =	vst v63  }
0x23: {  	_ =	swait.ge [sflag:s6], $0x400  }
0x24: {  	[sflag:s6] =	ssyncset.done $0x0  }
0x25: {  	[sflag:s6] =	ssyncadd.s32 $0xFFFFFC00  }
0x26: {  	v5 =	vld [tilespmem:$0x18880]  }
0x27: {  	v6 =	vld [tilespmem:$0x18890]  }
0x28: {  	v7 =	vld [tilespmem:$0x188A0]  }
0x29: {  	v8 =	vld [tilespmem:$0x188B0]  }
0x2a: {  	v9 =	vld [tilespmem:$0x188C0]  }
0x2b: {  	v10 =	vld [tilespmem:$0x188D0]  }
0x2c: {  	v11 =	vld [tilespmem:$0x188E0]  }
0x2d: {  	v12 =	vld [tilespmem:$0x188F0]  }
0x2e: {  	v13 =	vld [tilespmem:$0x18900]  }
0x2f: {  	v14 =	vld [tilespmem:$0x18910]  }
0x30: {  	v15 =	vld [tilespmem:$0x18920]  }
0x31: {  	v16 =	vld [tilespmem:$0x18930]  }
0x32: {  	v17 =	vld [tilespmem:$0x18940]  }
0x33: {  	v18 =	vld [tilespmem:$0x18950]  }
0x34: {  	v19 =	vld [tilespmem:$0x18960]  }
0x35: {  	v20 =	vld [tilespmem:$0x18970]  }
0x36: {  	v21 =	vld [tilespmem:$0x18980]  }
0x37: {  	v22 =	vld [tilespmem:$0x18990]  }
0x38: {  	v23 =	vld [tilespmem:$0x189A0]  }
0x39: {  	v24 =	vld [tilespmem:$0x189B0]  }
0x3a: {  	v25 =	vld [tilespmem:$0x189C0]  }
0x3b: {  	v26 =	vld [tilespmem:$0x189D0]  }
0x3c: {  	v27 =	vld [tilespmem:$0x189E0]  }
0x3d: {  	v28 =	vld [tilespmem:$0x189F0]  }
0x3e: {  	v29 =	vld [tilespmem:$0x18A00]  }
0x3f: {  	v30 =	vld [tilespmem:$0x18A10]  }
0x40: {  	v31 =	vld [tilespmem:$0x18A20]  }
0x41: {  	v32 =	vld [tilespmem:$0x18A30]  }
0x42: {  	v33 =	vld [tilespmem:$0x18A40]  }
0x43: {  	v34 =	vld [tilespmem:$0x18A50]  }
0x44: {  	v35 =	vld [tilespmem:$0x18A60]  }
0x45: {  	v36 =	vld [tilespmem:$0x18A70]  }
0x46: {  	v37 =	vld [tilespmem:$0x18A80]  }
0x47: {  	v38 =	vld [tilespmem:$0x18A90]  }
0x48: {  	v39 =	vld [tilespmem:$0x18AA0]  }
0x49: {  	v40 =	vld [tilespmem:$0x18AB0]  }
0x4a: {  	v41 =	vld [tilespmem:$0x18AC0]  }
0x4b: {  	v63 =	vld [tilespmem:$0x18AF0];
	v5 =	vmin.f32 v5, v7  }
0x4c: {  	v42 =	vld [tilespmem:$0x18B00];
	v6 =	vmax.f32 v6, v8;
	v5 =	vmin.f32 v5, v9  }
0x4d: {  	v43 =	vld [tilespmem:$0x18B10];
	v6 =	vmax.f32 v6, v10;
	v5 =	vmin.f32 v5, v11  }
0x4e: {  	v44 =	vld [tilespmem:$0x18B20];
	v6 =	vmax.f32 v6, v12;
	v5 =	vmin.f32 v5, v13  }
0x4f: {  	v45 =	vld [tilespmem:$0x18B30];
	v6 =	vmax.f32 v6, v14;
	v5 =	vmin.f32 v5, v15  }
0x50: {  	v46 =	vld [tilespmem:$0x18B40];
	v6 =	vmax.f32 v6, v16;
	v5 =	vmin.f32 v5, v17  }
0x51: {  	v47 =	vld [tilespmem:$0x18B50];
	v6 =	vmax.f32 v6, v18;
	v5 =	vmin.f32 v5, v19  }
0x52: {  	v48 =	vld [tilespmem:$0x18B60];
	v6 =	vmax.f32 v6, v20;
	v5 =	vmin.f32 v5, v21  }
0x53: {  	v49 =	vld [tilespmem:$0x18B70];
	v6 =	vmax.f32 v6, v22;
	v5 =	vmin.f32 v5, v23  }
0x54: {  	v50 =	vld [tilespmem:$0x18B80];
	v6 =	vmax.f32 v6, v24;
	v5 =	vmin.f32 v5, v25  }
0x55: {  	v51 =	vld [tilespmem:$0x18B90];
	v6 =	vmax.f32 v6, v26;
	v5 =	vmin.f32 v5, v27  }
0x56: {  	v52 =	vld [tilespmem:$0x18BA0];
	v6 =	vmax.f32 v6, v28;
	v5 =	vmin.f32 v5, v29  }
0x57: {  	v7 =	vld [tilespmem:$0x18AD0];
	v6 =	vmax.f32 v6, v30;
	v5 =	vmin.f32 v5, v31  }
0x58: {  	v8 =	vld [tilespmem:$0x18AE0];
	v6 =	vmax.f32 v6, v32;
	v5 =	vmin.f32 v5, v33  }
0x59: {  	v53 =	vld [tilespmem:$0x18BB0];
	v6 =	vmax.f32 v6, v34;
	v5 =	vmin.f32 v5, v35  }
0x5a: {  	v54 =	vld [tilespmem:$0x18BC0];
	v6 =	vmax.f32 v6, v36;
	v5 =	vmin.f32 v5, v37  }
0x5b: {  	v55 =	vld [tilespmem:$0x18BD0];
	v6 =	vmax.f32 v6, v38;
	v5 =	vmin.f32 v5, v39  }
0x5c: {  	v56 =	vld [tilespmem:$0x18BE0];
	v6 =	vmax.f32 v6, v40;
	v5 =	vmin.f32 v5, v41  }
0x5d: {  	v57 =	vld [tilespmem:$0x18C10];
	v6 =	vmax.f32 v6, v7;
	v5 =	vmin.f32 v5, v8  }
0x5e: {  	v58 =	vld [tilespmem:$0x18C20];
	v6 =	vmax.f32 v6, v63;
	v5 =	vmin.f32 v5, v42  }
0x5f: {  	v59 =	vld [tilespmem:$0x18C30];
	v6 =	vmax.f32 v6, v43;
	v5 =	vmin.f32 v5, v44  }
0x60: {  	v7 =	vld [tilespmem:$0x18BF0];
	v6 =	vmax.f32 v6, v45;
	v5 =	vmin.f32 v5, v46  }
0x61: {  	v8 =	vld [tilespmem:$0x18C00];
	v6 =	vmax.f32 v6, v47;
	v5 =	vmin.f32 v5, v48  }
0x62: {  	v60 =	vld [tilespmem:$0x18C40];
	v6 =	vmax.f32 v6, v49;
	v5 =	vmin.f32 v5, v50  }
0x63: {  	v61 =	vld [tilespmem:$0x18C50];
	v6 =	vmax.f32 v6, v51;
	v5 =	vmin.f32 v5, v52  }
0x64: {  	v62 =	vld [tilespmem:$0x18C60];
	v6 =	vmax.f32 v6, v53;
	v5 =	vmin.f32 v5, v54  }
0x65: {  	v63 =	vld [tilespmem:$0x18C70];
	v6 =	vmax.f32 v6, v55;
	v5 =	vmin.f32 v5, v56  }
0x66: {  	v6 =	vmax.f32 v6, v7;
	v5 =	vmin.f32 v5, v8  }
0x67: {  	v6 =	vmax.f32 v6, v57;
	v5 =	vmin.f32 v5, v58  }
0x68: {  	v6 =	vmax.f32 v6, v59;
	v5 =	vmin.f32 v5, v60  }
0x69: {  	v6 =	vmax.f32 v6, v61;
	v5 =	vmin.f32 v5, v62  }
0x6a: {  	v6 =	vmax.f32 v6, v63;
	(xrf0) =	vmin.scan.msk.f32 $0xffff, v5  }
0x6b: {  	(xrf0) =	vmax.scan.msk.f32 $0xffff, v6;
	_ =	sdelay $0x4  }
0x6c: {  	v5, _, _ =	vpop (xrf0)  }
0x6d: {  	v6, _, _ =	vpop (xrf0)  }
0x6e: {  	v5 =	vbroadcast v5, $0xF;
	v6 =	vbroadcast v6, $0xF;
	_ =	sdelay $0x1  }
0x6f: {  	v7 =	vsub.f32 v6, v5;
	_ =	sdelay $0x1  }
0x70: {  	vm0 =	veq.f32 v7, $0.0e+00  }
0x71: {  	v7 =	vsel vm0, $0x3F800000, v7  }
0x72: {  	(erf) = vrcp.f32 v7;
	_ =	sdelay $0x5  }
0x73: {  	[tilespmem:$0x18C80] =	vst v5  }
0x74: {  	s14 =	simm.s32 @!p0 $0x0;
	s15 =	simm.s32 @!p0 $0x18C80;
	s16 =	rddreg [dreg:$0x3];
	[tilespmem:$0x18C90] =	vst v6  }
0x75: {  	[hbm4b:s16+s14] =	stream.linear.scatter @!p0 [tilespmem:s15], [sflag:$0x5], $0x20, $0x38;
	[tilespmem:$0x18CA0] =	vst v63  }
0x76: {  	s14 =	simm.s32 @!p0 $0x5;
	v6 =	vpop (erf)  }
0x77: {  	_ =	swait.ge @!p0 [sflag:s14], $0x20  }
0x78: {  	[sflag:s14] =	ssyncset.done @!p0 $0x0  }
0x79: {  	[sflag:s14] =	ssyncadd.s32 @!p0 $0xFFFFFFE0;
	s14 =	simm.s32 $0x10040  }
0x7a: {  	[tilespmem:s14+$0xFFFFFFC0] =	vst v1  }
0x7b: {  	[tilespmem:s14+$0x30] =	vst v1  }
0x7c: {  	[tilespmem:s14+$0x20] =	vst v1  }
0x7d: {  	[tilespmem:s14+$0x10] =	vst v1  }
0x7e: {  	[tilespmem:s14+$0x0] =	vst v1  }
0x7f: {  	[tilespmem:s14+$0xFFFFFFF0] =	vst v1  }
0x80: {  	s15 =	simm.s32 $0x0;
	v6 =	vmul.f32 $2.048000000e+03, v6;
	[tilespmem:s14+$0xFFFFFFE0] =	vst v1  }
.LBB2_2:
0x81: {  	s15 =	sadd.s32 $0x8, s15;
	[tilespmem:s14+$0xFFFFFFD0] =	vst v1;
	s14 =	sadd.s32 $0x80, s14  }
0x82: {  	[tilespmem:s14+$0xFFFFFFC0] =	vst v1;
	p1 =	slt.u32 s15, $0x800  }
0x83: {  	[tilespmem:s14+$0x30] =	vst v1  }
.Ltmp0:
0x84: {  	[tilespmem:s14+$0x20] =	vst v1;
	(pc) =	sbr.rel @p1 .LBB2_2-.Ltmp0, $4  }
0x85: {  	[tilespmem:s14+$0x10] =	vst v1  }
0x86: {  	[tilespmem:s14+$0x0] =	vst v1  }
0x87: {  	[tilespmem:s14+$0xFFFFFFF0] =	vst v1  }
0x88: {  	[tilespmem:s14+$0xFFFFFFE0] =	vst v1  }
0x89: {  	[tilespmem:s14+$0xFFFFFFD0] =	vst v1  }
0x8a: {  	[tilespmem:s1], [sflag:$0x1] =	stream.linear.gather [hbm4b:s30+s1], $0x8000, $0x38;
	[tilespmem:$0x18CA0] =	vst v63  }
0x8b: {  	s14 =	rddreg [dreg:$0x6]  }
0x8c: {  	[tilespmem:s7], [sflag:$0x2] =	stream.linear.gather [hbm4b:s14+s1], $0x8000, $0x38;
	[tilespmem:$0x18CA0] =	vst v63  }
0x8d: {  	_ =	swait.ge [sflag:s8], $0x8000  }
0x8e: {  	[sflag:s8] =	ssyncset.done $0x0  }
0x8f: {  	s17 =	simm.s32 $0x40;
	[sflag:s8] =	ssyncadd.s32 $0xFFFF8000  }
0x90: {  	[hbm4b:s31+s1] =	stream.linear.scatter [tilespmem:s1], [sflag:$0x3], $0x8000, $0x38;
	[tilespmem:$0x18CA0] =	vst v63  }
0x91: {  	v7 =	vld [tilespmem:s17+$0x30]  }
0x92: {  	v8 =	vld [tilespmem:s17+$0x20]  }
0x93: {  	v9 =	vld [tilespmem:s17+$0xFFFFFFF0];
	_ =	sdelay $0x1  }
0x94: {  	v10 =	vld [tilespmem:s17+$0xFFFFFFC0]  }
0x95: {  	v11 =	vld [tilespmem:s17+$0x10];
	v7 =	vsub.f32 v7, v5  }
0x96: {  	v12 =	vld [tilespmem:s17+$0x0];
	v8 =	vsub.f32 v8, v5  }
0x97: {  	v9 =	vsub.f32 v9, v5;
	v7 =	vmul.f32 v7, v6  }
0x98: {  	v13 =	vld [tilespmem:s17+$0xFFFFFFD0];
	v8 =	vmul.f32 v8, v6  }
0x99: {  	v10 =	vsub.f32 v10, v5;
	v9 =	vmul.f32 v9, v6;
	v7 =	vtrunc.f32 v7  }
0x9a: {  	v15 =	vld [tilespmem:s17+$0xFFFFFFE0];
	v11 =	vsub.f32 v11, v5;
	v8 =	vtrunc.f32 v8;
	v14 =	vcvt.f32.s32 v7  }
0x9b: {  	s14 =	simm.s32 $0xC0;
	v12 =	vsub.f32 v12, v5;
	v9 =	vtrunc.f32 v9;
	v8 =	vcvt.f32.s32 v8  }
0x9c: {  	v16 =	vld [tilespmem:s14+$0x20];
	v10 =	vmul.f32 v10, v6;
	v9 =	vcvt.f32.s32 v9;
	v14 =	vadd.s32 v0, v14  }
0x9d: {  	v17 =	vld [tilespmem:s14+$0xFFFFFFF0];
	v13 =	vsub.f32 v13, v5;
	v11 =	vmul.f32 v11, v6;
	v8 =	vadd.s32 v0, v8  }
0x9e: {  	v19 =	vld [tilespmem:s14+$0x30];
	v12 =	vmul.f32 v12, v6;
	v10 =	vtrunc.f32 v10;
	v9 =	vadd.s32 v0, v9  }
0x9f: {  	v18 =	vld [tilespmem:s14+$0xFFFFFFC0];
	v15 =	vsub.f32 v15, v5;
	v11 =	vtrunc.f32 v11;
	v10 =	vcvt.f32.s32 v10  }
0xa0: {  	v13 =	vmul.f32 v13, v6;
	v7 =	vld [tilespmem:s14+$0xFFFFFFD0];
	v11 =	vcvt.f32.s32 v11  }
0xa1: {  	v12 =	vtrunc.f32 v12;
	v10 =	vadd.s32 v0, v10;
	[tilespmem:v14+s9+$0x0] =	vst.idx.add.f32.msk $0xffff, v2;
	v14 =	vmul.f32 v15, v6  }
0xa2: {  	v12 =	vcvt.f32.s32 v12;
	[tilespmem:v8+s9+$0x0] =	vst.idx.add.f32.msk $0xffff, v2;
	v15 =	vadd.s32 v0, v11;
	v11 =	vtrunc.f32 v13  }
0xa3: {  	v19 =	vsub.f32 v19, v5;
	[tilespmem:v9+s9+$0x0] =	vst.idx.add.f32.msk $0xffff, v2;
	v11 =	vcvt.f32.s32 v11;
	v14 =	vtrunc.f32 v14  }
0xa4: {  	v9 =	vsub.f32 v18, v5;
	v18 =	vadd.s32 v0, v12;
	v13 =	vld [tilespmem:s14+$0x10];
	v20 =	vcvt.f32.s32 v14  }
0xa5: {  	v16 =	vsub.f32 v16, v5;
	v12 =	vld [tilespmem:s14+$0x0];
	v11 =	vadd.s32 v0, v11  }
0xa6: {  	v19 =	vmul.f32 v19, v6;
	[tilespmem:v10+s9+$0x0] =	vst.idx.add.f32.msk $0xffff, v2;
	v10 =	vadd.s32 v0, v20  }
0xa7: {  	v17 =	vsub.f32 v17, v5;
	v8 =	vld [tilespmem:s14+$0xFFFFFFE0];
	v9 =	vmul.f32 v9, v6  }
0xa8: {  	v14 =	vmul.f32 v16, v6;
	v16 =	vtrunc.f32 v19;
	[tilespmem:v15+s9+$0x0] =	vst.idx.add.f32.msk $0xffff, v2  }
0xa9: {  	s15 =	simm.s32 $0x8;
	v9 =	vtrunc.f32 v9;
	v15 =	vmul.f32 v17, v6;
	[tilespmem:v18+s9+$0x0] =	vst.idx.add.f32.msk $0xffff, v2  }
.LBB2_4:
0xaa: {  	s15 =	sadd.s32 $0x8, s15;
	v13 =	vsub.f32 v13, v5;
	v14 =	vtrunc.f32 v14;
	v16 =	vcvt.f32.s32 v16;
	[tilespmem:v11+s9+$0x0] =	vst.idx.add.f32.msk $0xffff, v2  }
0xab: {  	s14 =	sadd.s32 $0x80, s14;
	p1 =	slt.u32 s15, $0x7F8;
	v11 =	vtrunc.f32 v15;
	v12 =	vsub.f32 v12, v5;
	v14 =	vcvt.f32.s32 v14;
	[tilespmem:v10+s9+$0x0] =	vst.idx.add.f32.msk $0xffff, v2  }
0xac: {  	v10 =	vld [tilespmem:s14+$0xFFFFFFD0];
	v11 =	vcvt.f32.s32 v11;
	v13 =	vmul.f32 v13, v6;
	v15 =	vadd.s32 v0, v16  }
0xad: {  	v8 =	vsub.f32 v8, v5;
	v16 =	vld [tilespmem:s14+$0x20];
	v12 =	vmul.f32 v12, v6;
	v14 =	vadd.s32 v0, v14  }
0xae: {  	v21 =	vsub.f32 v7, v5;
	v17 =	vld [tilespmem:s14+$0xFFFFFFF0];
	v11 =	vadd.s32 v0, v11;
	v13 =	vtrunc.f32 v13  }
0xaf: {  	v9 =	vcvt.f32.s32 v9;
	v18 =	vld [tilespmem:s14+$0xFFFFFFC0];
	v12 =	vtrunc.f32 v12  }
0xb0: {  	v20 =	vmul.f32 v21, v6;
	v8 =	vmul.f32 v8, v6;
	v19 =	vld [tilespmem:s14+$0x30]  }
0xb1: {  	v13 =	vcvt.f32.s32 v13;
	v12 =	vcvt.f32.s32 v12;
	[tilespmem:v15+s9+$0x0] =	vst.idx.add.f32.msk $0xffff, v2;
	v7 =	vmov v10  }
0xb2: {  	v9 =	vadd.s32 v0, v9;
	v8 =	vtrunc.f32 v8;
	v10 =	vtrunc.f32 v20;
	[tilespmem:v14+s9+$0x0] =	vst.idx.add.f32.msk $0xffff, v2  }
0xb3: {  	v15 =	vadd.s32 v0, v13;
	v10 =	vcvt.f32.s32 v10;
	v14 =	vcvt.f32.s32 v8;
	[tilespmem:v11+s9+$0x0] =	vst.idx.add.f32.msk $0xffff, v2  }
0xb4: {  	v20 =	vadd.s32 v0, v12;
	v18 =	vsub.f32 v18, v5;
	v8 =	vld [tilespmem:s14+$0xFFFFFFE0]  }
.Ltmp1:
0xb5: {  	v11 =	vadd.s32 v0, v10;
	v10 =	vadd.s32 v0, v14;
	v13 =	vld [tilespmem:s14+$0x10];
	v19 =	vsub.f32 v19, v5;
	(pc) =	sbr.rel @p1 .LBB2_4-.Ltmp1, $4  }
0xb6: {  	v16 =	vsub.f32 v16, v5;
	v14 =	vmul.f32 v18, v6;
	v12 =	vld [tilespmem:s14+$0x0]  }
0xb7: {  	v17 =	vsub.f32 v17, v5;
	v18 =	vmul.f32 v19, v6;
	[tilespmem:v9+s9+$0x0] =	vst.idx.add.f32.msk $0xffff, v2  }
0xb8: {  	v9 =	vtrunc.f32 v14;
	v14 =	vmul.f32 v16, v6;
	[tilespmem:v15+s9+$0x0] =	vst.idx.add.f32.msk $0xffff, v2  }
0xb9: {  	v15 =	vmul.f32 v17, v6;
	v16 =	vtrunc.f32 v18;
	[tilespmem:v20+s9+$0x0] =	vst.idx.add.f32.msk $0xffff, v2  }
0xba: {  	v13 =	vsub.f32 v13, v5;
	v14 =	vtrunc.f32 v14  }
0xbb: {  	v16 =	vcvt.f32.s32 v16;
	v7 =	vsub.f32 v7, v5;
	v9 =	vcvt.f32.s32 v9  }
0xbc: {  	v8 =	vsub.f32 v8, v5;
	v15 =	vtrunc.f32 v15;
	v14 =	vcvt.f32.s32 v14  }
0xbd: {  	v12 =	vsub.f32 v12, v5;
	v15 =	vcvt.f32.s32 v15;
	v13 =	vmul.f32 v13, v6  }
0xbe: {  	v16 =	vadd.s32 v0, v16;
	v7 =	vmul.f32 v7, v6;
	v8 =	vmul.f32 v8, v6  }
0xbf: {  	v9 =	vadd.s32 v0, v9;
	v12 =	vmul.f32 v12, v6;
	v13 =	vtrunc.f32 v13  }
0xc0: {  	v14 =	vadd.s32 v0, v14;
	v7 =	vtrunc.f32 v7;
	v13 =	vcvt.f32.s32 v13  }
0xc1: {  	[tilespmem:v11+s9+$0x0] =	vst.idx.add.f32.msk $0xffff, v2;
	v15 =	vadd.s32 v0, v15;
	v8 =	vtrunc.f32 v8;
	v7 =	vcvt.f32.s32 v7  }
0xc2: {  	[tilespmem:v10+s9+$0x0] =	vst.idx.add.f32.msk $0xffff, v2;
	v12 =	vtrunc.f32 v12;
	v8 =	vcvt.f32.s32 v8;
	v10 =	vadd.s32 v0, v13  }
0xc3: {  	v11 =	vcvt.f32.s32 v12;
	[tilespmem:v16+s9+$0x0] =	vst.idx.add.f32.msk $0xffff, v2;
	v7 =	vadd.s32 v0, v7  }
0xc4: {  	v8 =	vadd.s32 v0, v8;
	[tilespmem:v9+s9+$0x0] =	vst.idx.add.f32.msk $0xffff, v2  }
0xc5: {  	v11 =	vadd.s32 v0, v11;
	[tilespmem:v14+s9+$0x0] =	vst.idx.add.f32.msk $0xffff, v2  }
0xc6: {  	[tilespmem:v15+s9+$0x0] =	vst.idx.add.f32.msk $0xffff, v2  }
0xc7: {  	[tilespmem:v10+s9+$0x0] =	vst.idx.add.f32.msk $0xffff, v2  }
0xc8: {  	[tilespmem:v7+s9+$0x0] =	vst.idx.add.f32.msk $0xffff, v2  }
0xc9: {  	[tilespmem:v8+s9+$0x0] =	vst.idx.add.f32.msk $0xffff, v2  }
0xca: {  	[tilespmem:v11+s9+$0x0] =	vst.idx.add.f32.msk $0xffff, v2  }
0xcb: {  	_ =	swait.ge [sflag:s10], $0x8000  }
0xcc: {  	[sflag:s10] =	ssyncset.done $0x0  }
0xcd: {  	s14 =	rddreg [dreg:$0x7];
	[sflag:s10] =	ssyncadd.s32 $0xFFFF8000  }
0xce: {  	[tilespmem:s1], [sflag:$0x1] =	stream.linear.gather [hbm4b:s14+s1], $0x8000, $0x38;
	[tilespmem:$0x18CA0] =	vst v63  }
0xcf: {  	_ =	swait.ge [sflag:s11], $0x8000  }
0xd0: {  	[sflag:s11] =	ssyncset.done $0x0  }
0xd1: {  	s17 =	simm.s32 $0x8040;
	s16 =	rddreg [dreg:$0x8];
	[sflag:s11] =	ssyncadd.s32 $0xFFFF8000  }
0xd2: {  	[hbm4b:s16+s1] =	stream.linear.scatter [tilespmem:s7], [sflag:$0x4], $0x8000, $0x38;
	[tilespmem:$0x18CA0] =	vst v63  }
0xd3: {  	v7 =	vld [tilespmem:s17+$0x30]  }
0xd4: {  	v8 =	vld [tilespmem:s17+$0x20]  }
0xd5: {  	v9 =	vld [tilespmem:s17+$0xFFFFFFF0];
	_ =	sdelay $0x1  }
0xd6: {  	v10 =	vld [tilespmem:s17+$0xFFFFFFC0]  }
0xd7: {  	v11 =	vld [tilespmem:s17+$0x10];
	v7 =	vsub.f32 v7, v5  }
0xd8: {  	v12 =	vld [tilespmem:s17+$0x0];
	v8 =	vsub.f32 v8, v5  }
0xd9: {  	v9 =	vsub.f32 v9, v5;
	v7 =	vmul.f32 v7, v6  }
0xda: {  	v13 =	vld [tilespmem:s17+$0xFFFFFFD0];
	v8 =	vmul.f32 v8, v6  }
0xdb: {  	v10 =	vsub.f32 v10, v5;
	v9 =	vmul.f32 v9, v6;
	v7 =	vtrunc.f32 v7  }
0xdc: {  	v15 =	vld [tilespmem:s17+$0xFFFFFFE0];
	v11 =	vsub.f32 v11, v5;
	v8 =	vtrunc.f32 v8;
	v14 =	vcvt.f32.s32 v7  }
0xdd: {  	s14 =	simm.s32 $0x80C0;
	v12 =	vsub.f32 v12, v5;
	v9 =	vtrunc.f32 v9;
	v8 =	vcvt.f32.s32 v8  }
0xde: {  	v16 =	vld [tilespmem:s14+$0x20];
	v10 =	vmul.f32 v10, v6;
	v9 =	vcvt.f32.s32 v9;
	v14 =	vadd.s32 v0, v14  }
0xdf: {  	v17 =	vld [tilespmem:s14+$0xFFFFFFF0];
	v13 =	vsub.f32 v13, v5;
	v11 =	vmul.f32 v11, v6;
	v8 =	vadd.s32 v0, v8  }
0xe0: {  	v19 =	vld [tilespmem:s14+$0x30];
	v12 =	vmul.f32 v12, v6;
	v10 =	vtrunc.f32 v10;
	v9 =	vadd.s32 v0, v9  }
0xe1: {  	v18 =	vld [tilespmem:s14+$0xFFFFFFC0];
	v15 =	vsub.f32 v15, v5;
	v11 =	vtrunc.f32 v11;
	v10 =	vcvt.f32.s32 v10  }
0xe2: {  	v13 =	vmul.f32 v13, v6;
	v7 =	vld [tilespmem:s14+$0xFFFFFFD0];
	v11 =	vcvt.f32.s32 v11  }
0xe3: {  	v12 =	vtrunc.f32 v12;
	v10 =	vadd.s32 v0, v10;
	[tilespmem:v14+s9+$0x0] =	vst.idx.add.f32.msk $0xffff, v2;
	v14 =	vmul.f32 v15, v6  }
0xe4: {  	v12 =	vcvt.f32.s32 v12;
	[tilespmem:v8+s9+$0x0] =	vst.idx.add.f32.msk $0xffff, v2;
	v15 =	vadd.s32 v0, v11;
	v11 =	vtrunc.f32 v13  }
0xe5: {  	v19 =	vsub.f32 v19, v5;
	[tilespmem:v9+s9+$0x0] =	vst.idx.add.f32.msk $0xffff, v2;
	v11 =	vcvt.f32.s32 v11;
	v14 =	vtrunc.f32 v14  }
0xe6: {  	v9 =	vsub.f32 v18, v5;
	v18 =	vadd.s32 v0, v12;
	v13 =	vld [tilespmem:s14+$0x10];
	v20 =	vcvt.f32.s32 v14  }
0xe7: {  	v16 =	vsub.f32 v16, v5;
	v12 =	vld [tilespmem:s14+$0x0];
	v11 =	vadd.s32 v0, v11  }
0xe8: {  	v19 =	vmul.f32 v19, v6;
	[tilespmem:v10+s9+$0x0] =	vst.idx.add.f32.msk $0xffff, v2;
	v10 =	vadd.s32 v0, v20  }
0xe9: {  	v17 =	vsub.f32 v17, v5;
	v8 =	vld [tilespmem:s14+$0xFFFFFFE0];
	v9 =	vmul.f32 v9, v6  }
0xea: {  	v14 =	vmul.f32 v16, v6;
	v16 =	vtrunc.f32 v19;
	[tilespmem:v15+s9+$0x0] =	vst.idx.add.f32.msk $0xffff, v2  }
0xeb: {  	s15 =	simm.s32 $0x8;
	v9 =	vtrunc.f32 v9;
	v15 =	vmul.f32 v17, v6;
	[tilespmem:v18+s9+$0x0] =	vst.idx.add.f32.msk $0xffff, v2  }
.LBB2_6:
0xec: {  	s15 =	sadd.s32 $0x8, s15;
	v13 =	vsub.f32 v13, v5;
	v14 =	vtrunc.f32 v14;
	v16 =	vcvt.f32.s32 v16;
	[tilespmem:v11+s9+$0x0] =	vst.idx.add.f32.msk $0xffff, v2  }
0xed: {  	s14 =	sadd.s32 $0x80, s14;
	p1 =	slt.u32 s15, $0x7F8;
	v11 =	vtrunc.f32 v15;
	v12 =	vsub.f32 v12, v5;
	v14 =	vcvt.f32.s32 v14;
	[tilespmem:v10+s9+$0x0] =	vst.idx.add.f32.msk $0xffff, v2  }
0xee: {  	v10 =	vld [tilespmem:s14+$0xFFFFFFD0];
	v11 =	vcvt.f32.s32 v11;
	v13 =	vmul.f32 v13, v6;
	v15 =	vadd.s32 v0, v16  }
0xef: {  	v8 =	vsub.f32 v8, v5;
	v16 =	vld [tilespmem:s14+$0x20];
	v12 =	vmul.f32 v12, v6;
	v14 =	vadd.s32 v0, v14  }
0xf0: {  	v21 =	vsub.f32 v7, v5;
	v17 =	vld [tilespmem:s14+$0xFFFFFFF0];
	v11 =	vadd.s32 v0, v11;
	v13 =	vtrunc.f32 v13  }
0xf1: {  	v9 =	vcvt.f32.s32 v9;
	v18 =	vld [tilespmem:s14+$0xFFFFFFC0];
	v12 =	vtrunc.f32 v12  }
0xf2: {  	v20 =	vmul.f32 v21, v6;
	v8 =	vmul.f32 v8, v6;
	v19 =	vld [tilespmem:s14+$0x30]  }
0xf3: {  	v13 =	vcvt.f32.s32 v13;
	v12 =	vcvt.f32.s32 v12;
	[tilespmem:v15+s9+$0x0] =	vst.idx.add.f32.msk $0xffff, v2;
	v7 =	vmov v10  }
0xf4: {  	v9 =	vadd.s32 v0, v9;
	v8 =	vtrunc.f32 v8;
	v10 =	vtrunc.f32 v20;
	[tilespmem:v14+s9+$0x0] =	vst.idx.add.f32.msk $0xffff, v2  }
0xf5: {  	v15 =	vadd.s32 v0, v13;
	v10 =	vcvt.f32.s32 v10;
	v14 =	vcvt.f32.s32 v8;
	[tilespmem:v11+s9+$0x0] =	vst.idx.add.f32.msk $0xffff, v2  }
0xf6: {  	v20 =	vadd.s32 v0, v12;
	v18 =	vsub.f32 v18, v5;
	v8 =	vld [tilespmem:s14+$0xFFFFFFE0]  }
.Ltmp2:
0xf7: {  	v11 =	vadd.s32 v0, v10;
	v10 =	vadd.s32 v0, v14;
	v13 =	vld [tilespmem:s14+$0x10];
	v19 =	vsub.f32 v19, v5;
	(pc) =	sbr.rel @p1 .LBB2_6-.Ltmp2, $4  }
0xf8: {  	v16 =	vsub.f32 v16, v5;
	v14 =	vmul.f32 v18, v6;
	v12 =	vld [tilespmem:s14+$0x0]  }
0xf9: {  	v17 =	vsub.f32 v17, v5;
	v18 =	vmul.f32 v19, v6;
	[tilespmem:v9+s9+$0x0] =	vst.idx.add.f32.msk $0xffff, v2  }
0xfa: {  	v9 =	vtrunc.f32 v14;
	v14 =	vmul.f32 v16, v6;
	[tilespmem:v15+s9+$0x0] =	vst.idx.add.f32.msk $0xffff, v2  }
0xfb: {  	v15 =	vmul.f32 v17, v6;
	v16 =	vtrunc.f32 v18;
	[tilespmem:v20+s9+$0x0] =	vst.idx.add.f32.msk $0xffff, v2  }
0xfc: {  	v13 =	vsub.f32 v13, v5;
	v14 =	vtrunc.f32 v14  }
0xfd: {  	v16 =	vcvt.f32.s32 v16;
	v7 =	vsub.f32 v7, v5;
	v9 =	vcvt.f32.s32 v9  }
0xfe: {  	v8 =	vsub.f32 v8, v5;
	v15 =	vtrunc.f32 v15;
	v14 =	vcvt.f32.s32 v14  }
0xff: {  	v12 =	vsub.f32 v12, v5;
	v15 =	vcvt.f32.s32 v15;
	v13 =	vmul.f32 v13, v6  }
0x100: {  	v16 =	vadd.s32 v0, v16;
	v7 =	vmul.f32 v7, v6;
	v8 =	vmul.f32 v8, v6  }
0x101: {  	v9 =	vadd.s32 v0, v9;
	v12 =	vmul.f32 v12, v6;
	v13 =	vtrunc.f32 v13  }
0x102: {  	v14 =	vadd.s32 v0, v14;
	v7 =	vtrunc.f32 v7;
	v13 =	vcvt.f32.s32 v13  }
0x103: {  	[tilespmem:v11+s9+$0x0] =	vst.idx.add.f32.msk $0xffff, v2;
	v15 =	vadd.s32 v0, v15;
	v8 =	vtrunc.f32 v8;
	v7 =	vcvt.f32.s32 v7  }
0x104: {  	[tilespmem:v10+s9+$0x0] =	vst.idx.add.f32.msk $0xffff, v2;
	v12 =	vtrunc.f32 v12;
	v8 =	vcvt.f32.s32 v8;
	v10 =	vadd.s32 v0, v13  }
0x105: {  	v11 =	vcvt.f32.s32 v12;
	[tilespmem:v16+s9+$0x0] =	vst.idx.add.f32.msk $0xffff, v2;
	v7 =	vadd.s32 v0, v7  }
0x106: {  	v8 =	vadd.s32 v0, v8;
	[tilespmem:v9+s9+$0x0] =	vst.idx.add.f32.msk $0xffff, v2  }
0x107: {  	v11 =	vadd.s32 v0, v11;
	[tilespmem:v14+s9+$0x0] =	vst.idx.add.f32.msk $0xffff, v2  }
0x108: {  	[tilespmem:v15+s9+$0x0] =	vst.idx.add.f32.msk $0xffff, v2  }
0x109: {  	[tilespmem:v10+s9+$0x0] =	vst.idx.add.f32.msk $0xffff, v2  }
0x10a: {  	[tilespmem:v7+s9+$0x0] =	vst.idx.add.f32.msk $0xffff, v2  }
0x10b: {  	[tilespmem:v8+s9+$0x0] =	vst.idx.add.f32.msk $0xffff, v2  }
0x10c: {  	[tilespmem:v11+s9+$0x0] =	vst.idx.add.f32.msk $0xffff, v2  }
0x10d: {  	_ =	swait.ge [sflag:s12], $0x8000  }
0x10e: {  	[sflag:s12] =	ssyncset.done $0x0  }
0x10f: {  	s14 =	rddreg [dreg:$0x9];
	[sflag:s12] =	ssyncadd.s32 $0xFFFF8000  }
0x110: {  	[tilespmem:s7], [sflag:$0x2] =	stream.linear.gather [hbm4b:s14+s1], $0x8000, $0x38;
	[tilespmem:$0x18CA0] =	vst v63  }
0x111: {  	_ =	swait.ge [sflag:s8], $0x8000  }
0x112: {  	[sflag:s8] =	ssyncset.done $0x0  }
0x113: {  	s17 =	simm.s32 $0x40;
	s16 =	rddreg [dreg:$0xa];
	[sflag:s8] =	ssyncadd.s32 $0xFFFF8000  }
0x114: {  	[hbm4b:s16+s1] =	stream.linear.scatter [tilespmem:s1], [sflag:$0x3], $0x8000, $0x38;
	[tilespmem:$0x18CA0] =	vst v63  }
0x115: {  	v7 =	vld [tilespmem:s17+$0x30]  }
0x116: {  	v8 =	vld [tilespmem:s17+$0x20]  }
0x117: {  	v9 =	vld [tilespmem:s17+$0xFFFFFFF0];
	_ =	sdelay $0x1  }
0x118: {  	v10 =	vld [tilespmem:s17+$0xFFFFFFC0]  }
0x119: {  	v11 =	vld [tilespmem:s17+$0x10];
	v7 =	vsub.f32 v7, v5  }
0x11a: {  	v12 =	vld [tilespmem:s17+$0x0];
	v8 =	vsub.f32 v8, v5  }
0x11b: {  	v9 =	vsub.f32 v9, v5;
	v7 =	vmul.f32 v7, v6  }
0x11c: {  	v13 =	vld [tilespmem:s17+$0xFFFFFFD0];
	v8 =	vmul.f32 v8, v6  }
0x11d: {  	v10 =	vsub.f32 v10, v5;
	v9 =	vmul.f32 v9, v6;
	v7 =	vtrunc.f32 v7  }
0x11e: {  	v15 =	vld [tilespmem:s17+$0xFFFFFFE0];
	v11 =	vsub.f32 v11, v5;
	v8 =	vtrunc.f32 v8;
	v14 =	vcvt.f32.s32 v7  }
0x11f: {  	s14 =	simm.s32 $0xC0;
	v12 =	vsub.f32 v12, v5;
	v9 =	vtrunc.f32 v9;
	v8 =	vcvt.f32.s32 v8  }
0x120: {  	v16 =	vld [tilespmem:s14+$0x20];
	v10 =	vmul.f32 v10, v6;
	v9 =	vcvt.f32.s32 v9;
	v14 =	vadd.s32 v0, v14  }
0x121: {  	v17 =	vld [tilespmem:s14+$0xFFFFFFF0];
	v13 =	vsub.f32 v13, v5;
	v11 =	vmul.f32 v11, v6;
	v8 =	vadd.s32 v0, v8  }
0x122: {  	v19 =	vld [tilespmem:s14+$0x30];
	v12 =	vmul.f32 v12, v6;
	v10 =	vtrunc.f32 v10;
	v9 =	vadd.s32 v0, v9  }
0x123: {  	v18 =	vld [tilespmem:s14+$0xFFFFFFC0];
	v15 =	vsub.f32 v15, v5;
	v11 =	vtrunc.f32 v11;
	v10 =	vcvt.f32.s32 v10  }
0x124: {  	v13 =	vmul.f32 v13, v6;
	v7 =	vld [tilespmem:s14+$0xFFFFFFD0];
	v11 =	vcvt.f32.s32 v11  }
0x125: {  	v12 =	vtrunc.f32 v12;
	v10 =	vadd.s32 v0, v10;
	[tilespmem:v14+s9+$0x0] =	vst.idx.add.f32.msk $0xffff, v2;
	v14 =	vmul.f32 v15, v6  }
0x126: {  	v12 =	vcvt.f32.s32 v12;
	[tilespmem:v8+s9+$0x0] =	vst.idx.add.f32.msk $0xffff, v2;
	v15 =	vadd.s32 v0, v11;
	v11 =	vtrunc.f32 v13  }
0x127: {  	v19 =	vsub.f32 v19, v5;
	[tilespmem:v9+s9+$0x0] =	vst.idx.add.f32.msk $0xffff, v2;
	v11 =	vcvt.f32.s32 v11;
	v14 =	vtrunc.f32 v14  }
0x128: {  	v9 =	vsub.f32 v18, v5;
	v18 =	vadd.s32 v0, v12;
	v13 =	vld [tilespmem:s14+$0x10];
	v20 =	vcvt.f32.s32 v14  }
0x129: {  	v16 =	vsub.f32 v16, v5;
	v12 =	vld [tilespmem:s14+$0x0];
	v11 =	vadd.s32 v0, v11  }
0x12a: {  	v19 =	vmul.f32 v19, v6;
	[tilespmem:v10+s9+$0x0] =	vst.idx.add.f32.msk $0xffff, v2;
	v10 =	vadd.s32 v0, v20  }
0x12b: {  	v17 =	vsub.f32 v17, v5;
	v8 =	vld [tilespmem:s14+$0xFFFFFFE0];
	v9 =	vmul.f32 v9, v6  }
0x12c: {  	v14 =	vmul.f32 v16, v6;
	v16 =	vtrunc.f32 v19;
	[tilespmem:v15+s9+$0x0] =	vst.idx.add.f32.msk $0xffff, v2  }
0x12d: {  	s15 =	simm.s32 $0x8;
	v9 =	vtrunc.f32 v9;
	v15 =	vmul.f32 v17, v6;
	[tilespmem:v18+s9+$0x0] =	vst.idx.add.f32.msk $0xffff, v2  }
.LBB2_8:
0x12e: {  	s15 =	sadd.s32 $0x8, s15;
	v13 =	vsub.f32 v13, v5;
	v14 =	vtrunc.f32 v14;
	v16 =	vcvt.f32.s32 v16;
	[tilespmem:v11+s9+$0x0] =	vst.idx.add.f32.msk $0xffff, v2  }
0x12f: {  	s14 =	sadd.s32 $0x80, s14;
	p1 =	slt.u32 s15, $0x7F8;
	v11 =	vtrunc.f32 v15;
	v12 =	vsub.f32 v12, v5;
	v14 =	vcvt.f32.s32 v14;
	[tilespmem:v10+s9+$0x0] =	vst.idx.add.f32.msk $0xffff, v2  }
0x130: {  	v10 =	vld [tilespmem:s14+$0xFFFFFFD0];
	v11 =	vcvt.f32.s32 v11;
	v13 =	vmul.f32 v13, v6;
	v15 =	vadd.s32 v0, v16  }
0x131: {  	v8 =	vsub.f32 v8, v5;
	v16 =	vld [tilespmem:s14+$0x20];
	v12 =	vmul.f32 v12, v6;
	v14 =	vadd.s32 v0, v14  }
0x132: {  	v21 =	vsub.f32 v7, v5;
	v17 =	vld [tilespmem:s14+$0xFFFFFFF0];
	v11 =	vadd.s32 v0, v11;
	v13 =	vtrunc.f32 v13  }
0x133: {  	v9 =	vcvt.f32.s32 v9;
	v18 =	vld [tilespmem:s14+$0xFFFFFFC0];
	v12 =	vtrunc.f32 v12  }
0x134: {  	v20 =	vmul.f32 v21, v6;
	v8 =	vmul.f32 v8, v6;
	v19 =	vld [tilespmem:s14+$0x30]  }
0x135: {  	v13 =	vcvt.f32.s32 v13;
	v12 =	vcvt.f32.s32 v12;
	[tilespmem:v15+s9+$0x0] =	vst.idx.add.f32.msk $0xffff, v2;
	v7 =	vmov v10  }
0x136: {  	v9 =	vadd.s32 v0, v9;
	v8 =	vtrunc.f32 v8;
	v10 =	vtrunc.f32 v20;
	[tilespmem:v14+s9+$0x0] =	vst.idx.add.f32.msk $0xffff, v2  }
0x137: {  	v15 =	vadd.s32 v0, v13;
	v10 =	vcvt.f32.s32 v10;
	v14 =	vcvt.f32.s32 v8;
	[tilespmem:v11+s9+$0x0] =	vst.idx.add.f32.msk $0xffff, v2  }
0x138: {  	v20 =	vadd.s32 v0, v12;
	v18 =	vsub.f32 v18, v5;
	v8 =	vld [tilespmem:s14+$0xFFFFFFE0]  }
.Ltmp3:
0x139: {  	v11 =	vadd.s32 v0, v10;
	v10 =	vadd.s32 v0, v14;
	v13 =	vld [tilespmem:s14+$0x10];
	v19 =	vsub.f32 v19, v5;
	(pc) =	sbr.rel @p1 .LBB2_8-.Ltmp3, $4  }
0x13a: {  	v16 =	vsub.f32 v16, v5;
	v14 =	vmul.f32 v18, v6;
	v12 =	vld [tilespmem:s14+$0x0]  }
0x13b: {  	v17 =	vsub.f32 v17, v5;
	v18 =	vmul.f32 v19, v6;
	[tilespmem:v9+s9+$0x0] =	vst.idx.add.f32.msk $0xffff, v2  }
0x13c: {  	v9 =	vtrunc.f32 v14;
	v14 =	vmul.f32 v16, v6;
	[tilespmem:v15+s9+$0x0] =	vst.idx.add.f32.msk $0xffff, v2  }
0x13d: {  	v15 =	vmul.f32 v17, v6;
	v16 =	vtrunc.f32 v18;
	[tilespmem:v20+s9+$0x0] =	vst.idx.add.f32.msk $0xffff, v2  }
0x13e: {  	v13 =	vsub.f32 v13, v5;
	v14 =	vtrunc.f32 v14  }
0x13f: {  	v16 =	vcvt.f32.s32 v16;
	v7 =	vsub.f32 v7, v5;
	v9 =	vcvt.f32.s32 v9  }
0x140: {  	v8 =	vsub.f32 v8, v5;
	v15 =	vtrunc.f32 v15;
	v14 =	vcvt.f32.s32 v14  }
0x141: {  	v12 =	vsub.f32 v12, v5;
	v15 =	vcvt.f32.s32 v15;
	v13 =	vmul.f32 v13, v6  }
0x142: {  	v16 =	vadd.s32 v0, v16;
	v7 =	vmul.f32 v7, v6;
	v8 =	vmul.f32 v8, v6  }
0x143: {  	v9 =	vadd.s32 v0, v9;
	v12 =	vmul.f32 v12, v6;
	v13 =	vtrunc.f32 v13  }
0x144: {  	v14 =	vadd.s32 v0, v14;
	v7 =	vtrunc.f32 v7;
	v13 =	vcvt.f32.s32 v13  }
0x145: {  	[tilespmem:v11+s9+$0x0] =	vst.idx.add.f32.msk $0xffff, v2;
	v15 =	vadd.s32 v0, v15;
	v8 =	vtrunc.f32 v8;
	v7 =	vcvt.f32.s32 v7  }
0x146: {  	[tilespmem:v10+s9+$0x0] =	vst.idx.add.f32.msk $0xffff, v2;
	v12 =	vtrunc.f32 v12;
	v8 =	vcvt.f32.s32 v8;
	v10 =	vadd.s32 v0, v13  }
0x147: {  	v11 =	vcvt.f32.s32 v12;
	[tilespmem:v16+s9+$0x0] =	vst.idx.add.f32.msk $0xffff, v2;
	v7 =	vadd.s32 v0, v7  }
0x148: {  	v8 =	vadd.s32 v0, v8;
	[tilespmem:v9+s9+$0x0] =	vst.idx.add.f32.msk $0xffff, v2  }
0x149: {  	v11 =	vadd.s32 v0, v11;
	[tilespmem:v14+s9+$0x0] =	vst.idx.add.f32.msk $0xffff, v2  }
0x14a: {  	[tilespmem:v15+s9+$0x0] =	vst.idx.add.f32.msk $0xffff, v2  }
0x14b: {  	[tilespmem:v10+s9+$0x0] =	vst.idx.add.f32.msk $0xffff, v2  }
0x14c: {  	[tilespmem:v7+s9+$0x0] =	vst.idx.add.f32.msk $0xffff, v2  }
0x14d: {  	[tilespmem:v8+s9+$0x0] =	vst.idx.add.f32.msk $0xffff, v2  }
0x14e: {  	[tilespmem:v11+s9+$0x0] =	vst.idx.add.f32.msk $0xffff, v2  }
0x14f: {  	_ =	swait.ge [sflag:s10], $0x8000  }
0x150: {  	[sflag:s10] =	ssyncset.done $0x0  }
0x151: {  	s14 =	rddreg [dreg:$0xb];
	[sflag:s10] =	ssyncadd.s32 $0xFFFF8000  }
0x152: {  	[tilespmem:s1], [sflag:$0x1] =	stream.linear.gather [hbm4b:s14+s1], $0x8000, $0x38;
	[tilespmem:$0x18CA0] =	vst v63  }
0x153: {  	_ =	swait.ge [sflag:s11], $0x8000  }
0x154: {  	[sflag:s11] =	ssyncset.done $0x0  }
0x155: {  	s17 =	simm.s32 $0x8040;
	s16 =	rddreg [dreg:$0xc];
	[sflag:s11] =	ssyncadd.s32 $0xFFFF8000  }
0x156: {  	[hbm4b:s16+s1] =	stream.linear.scatter [tilespmem:s7], [sflag:$0x4], $0x8000, $0x38;
	[tilespmem:$0x18CA0] =	vst v63  }
0x157: {  	v7 =	vld [tilespmem:s17+$0x30]  }
0x158: {  	v8 =	vld [tilespmem:s17+$0x20]  }
0x159: {  	v9 =	vld [tilespmem:s17+$0xFFFFFFF0];
	_ =	sdelay $0x1  }
0x15a: {  	v10 =	vld [tilespmem:s17+$0xFFFFFFC0]  }
0x15b: {  	v11 =	vld [tilespmem:s17+$0x10];
	v7 =	vsub.f32 v7, v5  }
0x15c: {  	v12 =	vld [tilespmem:s17+$0x0];
	v8 =	vsub.f32 v8, v5  }
0x15d: {  	v9 =	vsub.f32 v9, v5;
	v7 =	vmul.f32 v7, v6  }
0x15e: {  	v13 =	vld [tilespmem:s17+$0xFFFFFFD0];
	v8 =	vmul.f32 v8, v6  }
0x15f: {  	v10 =	vsub.f32 v10, v5;
	v9 =	vmul.f32 v9, v6;
	v7 =	vtrunc.f32 v7  }
0x160: {  	v15 =	vld [tilespmem:s17+$0xFFFFFFE0];
	v11 =	vsub.f32 v11, v5;
	v8 =	vtrunc.f32 v8;
	v14 =	vcvt.f32.s32 v7  }
0x161: {  	s14 =	simm.s32 $0x80C0;
	v12 =	vsub.f32 v12, v5;
	v9 =	vtrunc.f32 v9;
	v8 =	vcvt.f32.s32 v8  }
0x162: {  	v16 =	vld [tilespmem:s14+$0x20];
	v10 =	vmul.f32 v10, v6;
	v9 =	vcvt.f32.s32 v9;
	v14 =	vadd.s32 v0, v14  }
0x163: {  	v17 =	vld [tilespmem:s14+$0xFFFFFFF0];
	v13 =	vsub.f32 v13, v5;
	v11 =	vmul.f32 v11, v6;
	v8 =	vadd.s32 v0, v8  }
0x164: {  	v19 =	vld [tilespmem:s14+$0x30];
	v12 =	vmul.f32 v12, v6;
	v10 =	vtrunc.f32 v10;
	v9 =	vadd.s32 v0, v9  }
0x165: {  	v18 =	vld [tilespmem:s14+$0xFFFFFFC0];
	v15 =	vsub.f32 v15, v5;
	v11 =	vtrunc.f32 v11;
	v10 =	vcvt.f32.s32 v10  }
0x166: {  	v13 =	vmul.f32 v13, v6;
	v7 =	vld [tilespmem:s14+$0xFFFFFFD0];
	v11 =	vcvt.f32.s32 v11  }
0x167: {  	v12 =	vtrunc.f32 v12;
	v10 =	vadd.s32 v0, v10;
	[tilespmem:v14+s9+$0x0] =	vst.idx.add.f32.msk $0xffff, v2;
	v14 =	vmul.f32 v15, v6  }
0x168: {  	v12 =	vcvt.f32.s32 v12;
	[tilespmem:v8+s9+$0x0] =	vst.idx.add.f32.msk $0xffff, v2;
	v15 =	vadd.s32 v0, v11;
	v11 =	vtrunc.f32 v13  }
0x169: {  	v19 =	vsub.f32 v19, v5;
	[tilespmem:v9+s9+$0x0] =	vst.idx.add.f32.msk $0xffff, v2;
	v11 =	vcvt.f32.s32 v11;
	v14 =	vtrunc.f32 v14  }
0x16a: {  	v9 =	vsub.f32 v18, v5;
	v18 =	vadd.s32 v0, v12;
	v13 =	vld [tilespmem:s14+$0x10];
	v20 =	vcvt.f32.s32 v14  }
0x16b: {  	v16 =	vsub.f32 v16, v5;
	v12 =	vld [tilespmem:s14+$0x0];
	v11 =	vadd.s32 v0, v11  }
0x16c: {  	v19 =	vmul.f32 v19, v6;
	[tilespmem:v10+s9+$0x0] =	vst.idx.add.f32.msk $0xffff, v2;
	v10 =	vadd.s32 v0, v20  }
0x16d: {  	v17 =	vsub.f32 v17, v5;
	v8 =	vld [tilespmem:s14+$0xFFFFFFE0];
	v9 =	vmul.f32 v9, v6  }
0x16e: {  	v14 =	vmul.f32 v16, v6;
	v16 =	vtrunc.f32 v19;
	[tilespmem:v15+s9+$0x0] =	vst.idx.add.f32.msk $0xffff, v2  }
0x16f: {  	s15 =	simm.s32 $0x8;
	v9 =	vtrunc.f32 v9;
	v15 =	vmul.f32 v17, v6;
	[tilespmem:v18+s9+$0x0] =	vst.idx.add.f32.msk $0xffff, v2  }
.LBB2_10:
0x170: {  	s15 =	sadd.s32 $0x8, s15;
	v13 =	vsub.f32 v13, v5;
	v14 =	vtrunc.f32 v14;
	v16 =	vcvt.f32.s32 v16;
	[tilespmem:v11+s9+$0x0] =	vst.idx.add.f32.msk $0xffff, v2  }
0x171: {  	s14 =	sadd.s32 $0x80, s14;
	p1 =	slt.u32 s15, $0x7F8;
	v11 =	vtrunc.f32 v15;
	v12 =	vsub.f32 v12, v5;
	v14 =	vcvt.f32.s32 v14;
	[tilespmem:v10+s9+$0x0] =	vst.idx.add.f32.msk $0xffff, v2  }
0x172: {  	v10 =	vld [tilespmem:s14+$0xFFFFFFD0];
	v11 =	vcvt.f32.s32 v11;
	v13 =	vmul.f32 v13, v6;
	v15 =	vadd.s32 v0, v16  }
0x173: {  	v8 =	vsub.f32 v8, v5;
	v16 =	vld [tilespmem:s14+$0x20];
	v12 =	vmul.f32 v12, v6;
	v14 =	vadd.s32 v0, v14  }
0x174: {  	v21 =	vsub.f32 v7, v5;
	v17 =	vld [tilespmem:s14+$0xFFFFFFF0];
	v11 =	vadd.s32 v0, v11;
	v13 =	vtrunc.f32 v13  }
0x175: {  	v9 =	vcvt.f32.s32 v9;
	v18 =	vld [tilespmem:s14+$0xFFFFFFC0];
	v12 =	vtrunc.f32 v12  }
0x176: {  	v20 =	vmul.f32 v21, v6;
	v8 =	vmul.f32 v8, v6;
	v19 =	vld [tilespmem:s14+$0x30]  }
0x177: {  	v13 =	vcvt.f32.s32 v13;
	v12 =	vcvt.f32.s32 v12;
	[tilespmem:v15+s9+$0x0] =	vst.idx.add.f32.msk $0xffff, v2;
	v7 =	vmov v10  }
0x178: {  	v9 =	vadd.s32 v0, v9;
	v8 =	vtrunc.f32 v8;
	v10 =	vtrunc.f32 v20;
	[tilespmem:v14+s9+$0x0] =	vst.idx.add.f32.msk $0xffff, v2  }
0x179: {  	v15 =	vadd.s32 v0, v13;
	v10 =	vcvt.f32.s32 v10;
	v14 =	vcvt.f32.s32 v8;
	[tilespmem:v11+s9+$0x0] =	vst.idx.add.f32.msk $0xffff, v2  }
0x17a: {  	v20 =	vadd.s32 v0, v12;
	v18 =	vsub.f32 v18, v5;
	v8 =	vld [tilespmem:s14+$0xFFFFFFE0]  }
.Ltmp4:
0x17b: {  	v11 =	vadd.s32 v0, v10;
	v10 =	vadd.s32 v0, v14;
	v13 =	vld [tilespmem:s14+$0x10];
	v19 =	vsub.f32 v19, v5;
	(pc) =	sbr.rel @p1 .LBB2_10-.Ltmp4, $4  }
0x17c: {  	v16 =	vsub.f32 v16, v5;
	v14 =	vmul.f32 v18, v6;
	v12 =	vld [tilespmem:s14+$0x0]  }
0x17d: {  	v17 =	vsub.f32 v17, v5;
	v18 =	vmul.f32 v19, v6;
	[tilespmem:v9+s9+$0x0] =	vst.idx.add.f32.msk $0xffff, v2  }
0x17e: {  	v9 =	vtrunc.f32 v14;
	v14 =	vmul.f32 v16, v6;
	[tilespmem:v15+s9+$0x0] =	vst.idx.add.f32.msk $0xffff, v2  }
0x17f: {  	v15 =	vmul.f32 v17, v6;
	v16 =	vtrunc.f32 v18;
	[tilespmem:v20+s9+$0x0] =	vst.idx.add.f32.msk $0xffff, v2  }
0x180: {  	v13 =	vsub.f32 v13, v5;
	v14 =	vtrunc.f32 v14  }
0x181: {  	v16 =	vcvt.f32.s32 v16;
	v7 =	vsub.f32 v7, v5;
	v9 =	vcvt.f32.s32 v9  }
0x182: {  	v8 =	vsub.f32 v8, v5;
	v15 =	vtrunc.f32 v15;
	v14 =	vcvt.f32.s32 v14  }
0x183: {  	v12 =	vsub.f32 v12, v5;
	v15 =	vcvt.f32.s32 v15;
	v13 =	vmul.f32 v13, v6  }
0x184: {  	v16 =	vadd.s32 v0, v16;
	v7 =	vmul.f32 v7, v6;
	v8 =	vmul.f32 v8, v6  }
0x185: {  	v9 =	vadd.s32 v0, v9;
	v12 =	vmul.f32 v12, v6;
	v13 =	vtrunc.f32 v13  }
0x186: {  	v14 =	vadd.s32 v0, v14;
	v7 =	vtrunc.f32 v7;
	v13 =	vcvt.f32.s32 v13  }
0x187: {  	[tilespmem:v11+s9+$0x0] =	vst.idx.add.f32.msk $0xffff, v2;
	v15 =	vadd.s32 v0, v15;
	v8 =	vtrunc.f32 v8;
	v7 =	vcvt.f32.s32 v7  }
0x188: {  	[tilespmem:v10+s9+$0x0] =	vst.idx.add.f32.msk $0xffff, v2;
	v12 =	vtrunc.f32 v12;
	v8 =	vcvt.f32.s32 v8;
	v10 =	vadd.s32 v0, v13  }
0x189: {  	v11 =	vcvt.f32.s32 v12;
	[tilespmem:v16+s9+$0x0] =	vst.idx.add.f32.msk $0xffff, v2;
	v7 =	vadd.s32 v0, v7  }
0x18a: {  	v8 =	vadd.s32 v0, v8;
	[tilespmem:v9+s9+$0x0] =	vst.idx.add.f32.msk $0xffff, v2  }
0x18b: {  	v11 =	vadd.s32 v0, v11;
	[tilespmem:v14+s9+$0x0] =	vst.idx.add.f32.msk $0xffff, v2  }
0x18c: {  	[tilespmem:v15+s9+$0x0] =	vst.idx.add.f32.msk $0xffff, v2  }
0x18d: {  	[tilespmem:v10+s9+$0x0] =	vst.idx.add.f32.msk $0xffff, v2  }
0x18e: {  	[tilespmem:v7+s9+$0x0] =	vst.idx.add.f32.msk $0xffff, v2  }
0x18f: {  	[tilespmem:v8+s9+$0x0] =	vst.idx.add.f32.msk $0xffff, v2  }
0x190: {  	[tilespmem:v11+s9+$0x0] =	vst.idx.add.f32.msk $0xffff, v2  }
0x191: {  	_ =	swait.ge [sflag:s12], $0x8000  }
0x192: {  	[sflag:s12] =	ssyncset.done $0x0  }
0x193: {  	s14 =	rddreg [dreg:$0xd];
	[sflag:s12] =	ssyncadd.s32 $0xFFFF8000  }
0x194: {  	[tilespmem:s7], [sflag:$0x2] =	stream.linear.gather [hbm4b:s14+s1], $0x8000, $0x38;
	[tilespmem:$0x18CA0] =	vst v63  }
0x195: {  	_ =	swait.ge [sflag:s8], $0x8000  }
0x196: {  	[sflag:s8] =	ssyncset.done $0x0  }
0x197: {  	s17 =	simm.s32 $0x40;
	s16 =	rddreg [dreg:$0xe];
	[sflag:s8] =	ssyncadd.s32 $0xFFFF8000  }
0x198: {  	[hbm4b:s16+s1] =	stream.linear.scatter [tilespmem:s1], [sflag:$0x3], $0x8000, $0x38;
	[tilespmem:$0x18CA0] =	vst v63  }
0x199: {  	v7 =	vld [tilespmem:s17+$0x30]  }
0x19a: {  	v8 =	vld [tilespmem:s17+$0x20]  }
0x19b: {  	v9 =	vld [tilespmem:s17+$0xFFFFFFF0];
	_ =	sdelay $0x1  }
0x19c: {  	v10 =	vld [tilespmem:s17+$0xFFFFFFC0]  }
0x19d: {  	v11 =	vld [tilespmem:s17+$0x10];
	v7 =	vsub.f32 v7, v5  }
0x19e: {  	v12 =	vld [tilespmem:s17+$0x0];
	v8 =	vsub.f32 v8, v5  }
0x19f: {  	v9 =	vsub.f32 v9, v5;
	v7 =	vmul.f32 v7, v6  }
0x1a0: {  	v13 =	vld [tilespmem:s17+$0xFFFFFFD0];
	v8 =	vmul.f32 v8, v6  }
0x1a1: {  	v10 =	vsub.f32 v10, v5;
	v9 =	vmul.f32 v9, v6;
	v7 =	vtrunc.f32 v7  }
0x1a2: {  	v15 =	vld [tilespmem:s17+$0xFFFFFFE0];
	v11 =	vsub.f32 v11, v5;
	v8 =	vtrunc.f32 v8;
	v14 =	vcvt.f32.s32 v7  }
0x1a3: {  	s14 =	simm.s32 $0xC0;
	v12 =	vsub.f32 v12, v5;
	v9 =	vtrunc.f32 v9;
	v8 =	vcvt.f32.s32 v8  }
0x1a4: {  	v16 =	vld [tilespmem:s14+$0x20];
	v10 =	vmul.f32 v10, v6;
	v9 =	vcvt.f32.s32 v9;
	v14 =	vadd.s32 v0, v14  }
0x1a5: {  	v17 =	vld [tilespmem:s14+$0xFFFFFFF0];
	v13 =	vsub.f32 v13, v5;
	v11 =	vmul.f32 v11, v6;
	v8 =	vadd.s32 v0, v8  }
0x1a6: {  	v19 =	vld [tilespmem:s14+$0x30];
	v12 =	vmul.f32 v12, v6;
	v10 =	vtrunc.f32 v10;
	v9 =	vadd.s32 v0, v9  }
0x1a7: {  	v18 =	vld [tilespmem:s14+$0xFFFFFFC0];
	v15 =	vsub.f32 v15, v5;
	v11 =	vtrunc.f32 v11;
	v10 =	vcvt.f32.s32 v10  }
0x1a8: {  	v13 =	vmul.f32 v13, v6;
	v7 =	vld [tilespmem:s14+$0xFFFFFFD0];
	v11 =	vcvt.f32.s32 v11  }
0x1a9: {  	v12 =	vtrunc.f32 v12;
	v10 =	vadd.s32 v0, v10;
	[tilespmem:v14+s9+$0x0] =	vst.idx.add.f32.msk $0xffff, v2;
	v14 =	vmul.f32 v15, v6  }
0x1aa: {  	v12 =	vcvt.f32.s32 v12;
	[tilespmem:v8+s9+$0x0] =	vst.idx.add.f32.msk $0xffff, v2;
	v15 =	vadd.s32 v0, v11;
	v11 =	vtrunc.f32 v13  }
0x1ab: {  	v19 =	vsub.f32 v19, v5;
	[tilespmem:v9+s9+$0x0] =	vst.idx.add.f32.msk $0xffff, v2;
	v11 =	vcvt.f32.s32 v11;
	v14 =	vtrunc.f32 v14  }
0x1ac: {  	v9 =	vsub.f32 v18, v5;
	v18 =	vadd.s32 v0, v12;
	v13 =	vld [tilespmem:s14+$0x10];
	v20 =	vcvt.f32.s32 v14  }
0x1ad: {  	v16 =	vsub.f32 v16, v5;
	v12 =	vld [tilespmem:s14+$0x0];
	v11 =	vadd.s32 v0, v11  }
0x1ae: {  	v19 =	vmul.f32 v19, v6;
	[tilespmem:v10+s9+$0x0] =	vst.idx.add.f32.msk $0xffff, v2;
	v10 =	vadd.s32 v0, v20  }
0x1af: {  	v17 =	vsub.f32 v17, v5;
	v8 =	vld [tilespmem:s14+$0xFFFFFFE0];
	v9 =	vmul.f32 v9, v6  }
0x1b0: {  	v14 =	vmul.f32 v16, v6;
	v16 =	vtrunc.f32 v19;
	[tilespmem:v15+s9+$0x0] =	vst.idx.add.f32.msk $0xffff, v2  }
0x1b1: {  	s15 =	simm.s32 $0x8;
	v9 =	vtrunc.f32 v9;
	v15 =	vmul.f32 v17, v6;
	[tilespmem:v18+s9+$0x0] =	vst.idx.add.f32.msk $0xffff, v2  }
.LBB2_12:
0x1b2: {  	s15 =	sadd.s32 $0x8, s15;
	v13 =	vsub.f32 v13, v5;
	v14 =	vtrunc.f32 v14;
	v16 =	vcvt.f32.s32 v16;
	[tilespmem:v11+s9+$0x0] =	vst.idx.add.f32.msk $0xffff, v2  }
0x1b3: {  	s14 =	sadd.s32 $0x80, s14;
	p1 =	slt.u32 s15, $0x7F8;
	v11 =	vtrunc.f32 v15;
	v12 =	vsub.f32 v12, v5;
	v14 =	vcvt.f32.s32 v14;
	[tilespmem:v10+s9+$0x0] =	vst.idx.add.f32.msk $0xffff, v2  }
0x1b4: {  	v10 =	vld [tilespmem:s14+$0xFFFFFFD0];
	v11 =	vcvt.f32.s32 v11;
	v13 =	vmul.f32 v13, v6;
	v15 =	vadd.s32 v0, v16  }
0x1b5: {  	v8 =	vsub.f32 v8, v5;
	v16 =	vld [tilespmem:s14+$0x20];
	v12 =	vmul.f32 v12, v6;
	v14 =	vadd.s32 v0, v14  }
0x1b6: {  	v21 =	vsub.f32 v7, v5;
	v17 =	vld [tilespmem:s14+$0xFFFFFFF0];
	v11 =	vadd.s32 v0, v11;
	v13 =	vtrunc.f32 v13  }
0x1b7: {  	v9 =	vcvt.f32.s32 v9;
	v18 =	vld [tilespmem:s14+$0xFFFFFFC0];
	v12 =	vtrunc.f32 v12  }
0x1b8: {  	v20 =	vmul.f32 v21, v6;
	v8 =	vmul.f32 v8, v6;
	v19 =	vld [tilespmem:s14+$0x30]  }
0x1b9: {  	v13 =	vcvt.f32.s32 v13;
	v12 =	vcvt.f32.s32 v12;
	[tilespmem:v15+s9+$0x0] =	vst.idx.add.f32.msk $0xffff, v2;
	v7 =	vmov v10  }
0x1ba: {  	v9 =	vadd.s32 v0, v9;
	v8 =	vtrunc.f32 v8;
	v10 =	vtrunc.f32 v20;
	[tilespmem:v14+s9+$0x0] =	vst.idx.add.f32.msk $0xffff, v2  }
0x1bb: {  	v15 =	vadd.s32 v0, v13;
	v10 =	vcvt.f32.s32 v10;
	v14 =	vcvt.f32.s32 v8;
	[tilespmem:v11+s9+$0x0] =	vst.idx.add.f32.msk $0xffff, v2  }
0x1bc: {  	v20 =	vadd.s32 v0, v12;
	v18 =	vsub.f32 v18, v5;
	v8 =	vld [tilespmem:s14+$0xFFFFFFE0]  }
.Ltmp5:
0x1bd: {  	v11 =	vadd.s32 v0, v10;
	v10 =	vadd.s32 v0, v14;
	v13 =	vld [tilespmem:s14+$0x10];
	v19 =	vsub.f32 v19, v5;
	(pc) =	sbr.rel @p1 .LBB2_12-.Ltmp5, $4  }
0x1be: {  	v16 =	vsub.f32 v16, v5;
	v14 =	vmul.f32 v18, v6;
	v12 =	vld [tilespmem:s14+$0x0]  }
0x1bf: {  	v17 =	vsub.f32 v17, v5;
	v18 =	vmul.f32 v19, v6;
	[tilespmem:v9+s9+$0x0] =	vst.idx.add.f32.msk $0xffff, v2  }
0x1c0: {  	v9 =	vtrunc.f32 v14;
	v14 =	vmul.f32 v16, v6;
	[tilespmem:v15+s9+$0x0] =	vst.idx.add.f32.msk $0xffff, v2  }
0x1c1: {  	v15 =	vmul.f32 v17, v6;
	v16 =	vtrunc.f32 v18;
	[tilespmem:v20+s9+$0x0] =	vst.idx.add.f32.msk $0xffff, v2  }
0x1c2: {  	v13 =	vsub.f32 v13, v5;
	v14 =	vtrunc.f32 v14  }
0x1c3: {  	v16 =	vcvt.f32.s32 v16;
	v7 =	vsub.f32 v7, v5;
	v9 =	vcvt.f32.s32 v9  }
0x1c4: {  	v8 =	vsub.f32 v8, v5;
	v15 =	vtrunc.f32 v15;
	v14 =	vcvt.f32.s32 v14  }
0x1c5: {  	v12 =	vsub.f32 v12, v5;
	v15 =	vcvt.f32.s32 v15;
	v13 =	vmul.f32 v13, v6  }
0x1c6: {  	v16 =	vadd.s32 v0, v16;
	v7 =	vmul.f32 v7, v6;
	v8 =	vmul.f32 v8, v6  }
0x1c7: {  	v9 =	vadd.s32 v0, v9;
	v12 =	vmul.f32 v12, v6;
	v13 =	vtrunc.f32 v13  }
0x1c8: {  	v14 =	vadd.s32 v0, v14;
	v7 =	vtrunc.f32 v7;
	v13 =	vcvt.f32.s32 v13  }
0x1c9: {  	[tilespmem:v11+s9+$0x0] =	vst.idx.add.f32.msk $0xffff, v2;
	v15 =	vadd.s32 v0, v15;
	v8 =	vtrunc.f32 v8;
	v7 =	vcvt.f32.s32 v7  }
0x1ca: {  	[tilespmem:v10+s9+$0x0] =	vst.idx.add.f32.msk $0xffff, v2;
	v12 =	vtrunc.f32 v12;
	v8 =	vcvt.f32.s32 v8;
	v10 =	vadd.s32 v0, v13  }
0x1cb: {  	v11 =	vcvt.f32.s32 v12;
	[tilespmem:v16+s9+$0x0] =	vst.idx.add.f32.msk $0xffff, v2;
	v7 =	vadd.s32 v0, v7  }
0x1cc: {  	v8 =	vadd.s32 v0, v8;
	[tilespmem:v9+s9+$0x0] =	vst.idx.add.f32.msk $0xffff, v2  }
0x1cd: {  	v11 =	vadd.s32 v0, v11;
	[tilespmem:v14+s9+$0x0] =	vst.idx.add.f32.msk $0xffff, v2  }
0x1ce: {  	[tilespmem:v15+s9+$0x0] =	vst.idx.add.f32.msk $0xffff, v2  }
0x1cf: {  	[tilespmem:v10+s9+$0x0] =	vst.idx.add.f32.msk $0xffff, v2  }
0x1d0: {  	[tilespmem:v7+s9+$0x0] =	vst.idx.add.f32.msk $0xffff, v2  }
0x1d1: {  	[tilespmem:v8+s9+$0x0] =	vst.idx.add.f32.msk $0xffff, v2  }
0x1d2: {  	[tilespmem:v11+s9+$0x0] =	vst.idx.add.f32.msk $0xffff, v2  }
0x1d3: {  	_ =	swait.ge [sflag:s10], $0x8000  }
0x1d4: {  	[sflag:s10] =	ssyncset.done $0x0  }
0x1d5: {  	s14 =	rddreg [dreg:$0xf];
	[sflag:s10] =	ssyncadd.s32 $0xFFFF8000  }
0x1d6: {  	[tilespmem:s1], [sflag:$0x1] =	stream.linear.gather [hbm4b:s14+s1], $0x8000, $0x38;
	[tilespmem:$0x18CA0] =	vst v63  }
0x1d7: {  	_ =	swait.ge [sflag:s11], $0x8000  }
0x1d8: {  	[sflag:s11] =	ssyncset.done $0x0  }
0x1d9: {  	s17 =	simm.s32 $0x8040;
	s16 =	rddreg [dreg:$0x10];
	[sflag:s11] =	ssyncadd.s32 $0xFFFF8000  }
0x1da: {  	[hbm4b:s16+s1] =	stream.linear.scatter [tilespmem:s7], [sflag:$0x4], $0x8000, $0x38;
	[tilespmem:$0x18CA0] =	vst v63  }
0x1db: {  	v7 =	vld [tilespmem:s17+$0x30]  }
0x1dc: {  	v8 =	vld [tilespmem:s17+$0x20]  }
0x1dd: {  	v9 =	vld [tilespmem:s17+$0xFFFFFFF0];
	_ =	sdelay $0x1  }
0x1de: {  	v10 =	vld [tilespmem:s17+$0xFFFFFFC0]  }
0x1df: {  	v11 =	vld [tilespmem:s17+$0x10];
	v7 =	vsub.f32 v7, v5  }
0x1e0: {  	v12 =	vld [tilespmem:s17+$0x0];
	v8 =	vsub.f32 v8, v5  }
0x1e1: {  	v9 =	vsub.f32 v9, v5;
	v7 =	vmul.f32 v7, v6  }
0x1e2: {  	v13 =	vld [tilespmem:s17+$0xFFFFFFD0];
	v8 =	vmul.f32 v8, v6  }
0x1e3: {  	v10 =	vsub.f32 v10, v5;
	v9 =	vmul.f32 v9, v6;
	v7 =	vtrunc.f32 v7  }
0x1e4: {  	v15 =	vld [tilespmem:s17+$0xFFFFFFE0];
	v11 =	vsub.f32 v11, v5;
	v8 =	vtrunc.f32 v8;
	v14 =	vcvt.f32.s32 v7  }
0x1e5: {  	s14 =	simm.s32 $0x80C0;
	v12 =	vsub.f32 v12, v5;
	v9 =	vtrunc.f32 v9;
	v8 =	vcvt.f32.s32 v8  }
0x1e6: {  	v16 =	vld [tilespmem:s14+$0x20];
	v10 =	vmul.f32 v10, v6;
	v9 =	vcvt.f32.s32 v9;
	v14 =	vadd.s32 v0, v14  }
0x1e7: {  	v17 =	vld [tilespmem:s14+$0xFFFFFFF0];
	v13 =	vsub.f32 v13, v5;
	v11 =	vmul.f32 v11, v6;
	v8 =	vadd.s32 v0, v8  }
0x1e8: {  	v19 =	vld [tilespmem:s14+$0x30];
	v12 =	vmul.f32 v12, v6;
	v10 =	vtrunc.f32 v10;
	v9 =	vadd.s32 v0, v9  }
0x1e9: {  	v18 =	vld [tilespmem:s14+$0xFFFFFFC0];
	v15 =	vsub.f32 v15, v5;
	v11 =	vtrunc.f32 v11;
	v10 =	vcvt.f32.s32 v10  }
0x1ea: {  	v13 =	vmul.f32 v13, v6;
	v7 =	vld [tilespmem:s14+$0xFFFFFFD0];
	v11 =	vcvt.f32.s32 v11  }
0x1eb: {  	v12 =	vtrunc.f32 v12;
	v10 =	vadd.s32 v0, v10;
	[tilespmem:v14+s9+$0x0] =	vst.idx.add.f32.msk $0xffff, v2;
	v14 =	vmul.f32 v15, v6  }
0x1ec: {  	v12 =	vcvt.f32.s32 v12;
	[tilespmem:v8+s9+$0x0] =	vst.idx.add.f32.msk $0xffff, v2;
	v15 =	vadd.s32 v0, v11;
	v11 =	vtrunc.f32 v13  }
0x1ed: {  	v19 =	vsub.f32 v19, v5;
	[tilespmem:v9+s9+$0x0] =	vst.idx.add.f32.msk $0xffff, v2;
	v11 =	vcvt.f32.s32 v11;
	v14 =	vtrunc.f32 v14  }
0x1ee: {  	v9 =	vsub.f32 v18, v5;
	v18 =	vadd.s32 v0, v12;
	v13 =	vld [tilespmem:s14+$0x10];
	v20 =	vcvt.f32.s32 v14  }
0x1ef: {  	v16 =	vsub.f32 v16, v5;
	v12 =	vld [tilespmem:s14+$0x0];
	v11 =	vadd.s32 v0, v11  }
0x1f0: {  	v19 =	vmul.f32 v19, v6;
	[tilespmem:v10+s9+$0x0] =	vst.idx.add.f32.msk $0xffff, v2;
	v10 =	vadd.s32 v0, v20  }
0x1f1: {  	v17 =	vsub.f32 v17, v5;
	v8 =	vld [tilespmem:s14+$0xFFFFFFE0];
	v9 =	vmul.f32 v9, v6  }
0x1f2: {  	v14 =	vmul.f32 v16, v6;
	v16 =	vtrunc.f32 v19;
	[tilespmem:v15+s9+$0x0] =	vst.idx.add.f32.msk $0xffff, v2  }
0x1f3: {  	s15 =	simm.s32 $0x8;
	v9 =	vtrunc.f32 v9;
	v15 =	vmul.f32 v17, v6;
	[tilespmem:v18+s9+$0x0] =	vst.idx.add.f32.msk $0xffff, v2  }
.LBB2_14:
0x1f4: {  	s15 =	sadd.s32 $0x8, s15;
	v13 =	vsub.f32 v13, v5;
	v14 =	vtrunc.f32 v14;
	v16 =	vcvt.f32.s32 v16;
	[tilespmem:v11+s9+$0x0] =	vst.idx.add.f32.msk $0xffff, v2  }
0x1f5: {  	s14 =	sadd.s32 $0x80, s14;
	p1 =	slt.u32 s15, $0x7F8;
	v11 =	vtrunc.f32 v15;
	v12 =	vsub.f32 v12, v5;
	v14 =	vcvt.f32.s32 v14;
	[tilespmem:v10+s9+$0x0] =	vst.idx.add.f32.msk $0xffff, v2  }
0x1f6: {  	v10 =	vld [tilespmem:s14+$0xFFFFFFD0];
	v11 =	vcvt.f32.s32 v11;
	v13 =	vmul.f32 v13, v6;
	v15 =	vadd.s32 v0, v16  }
0x1f7: {  	v8 =	vsub.f32 v8, v5;
	v16 =	vld [tilespmem:s14+$0x20];
	v12 =	vmul.f32 v12, v6;
	v14 =	vadd.s32 v0, v14  }
0x1f8: {  	v21 =	vsub.f32 v7, v5;
	v17 =	vld [tilespmem:s14+$0xFFFFFFF0];
	v11 =	vadd.s32 v0, v11;
	v13 =	vtrunc.f32 v13  }
0x1f9: {  	v9 =	vcvt.f32.s32 v9;
	v18 =	vld [tilespmem:s14+$0xFFFFFFC0];
	v12 =	vtrunc.f32 v12  }
0x1fa: {  	v20 =	vmul.f32 v21, v6;
	v8 =	vmul.f32 v8, v6;
	v19 =	vld [tilespmem:s14+$0x30]  }
0x1fb: {  	v13 =	vcvt.f32.s32 v13;
	v12 =	vcvt.f32.s32 v12;
	[tilespmem:v15+s9+$0x0] =	vst.idx.add.f32.msk $0xffff, v2;
	v7 =	vmov v10  }
0x1fc: {  	v9 =	vadd.s32 v0, v9;
	v8 =	vtrunc.f32 v8;
	v10 =	vtrunc.f32 v20;
	[tilespmem:v14+s9+$0x0] =	vst.idx.add.f32.msk $0xffff, v2  }
0x1fd: {  	v15 =	vadd.s32 v0, v13;
	v10 =	vcvt.f32.s32 v10;
	v14 =	vcvt.f32.s32 v8;
	[tilespmem:v11+s9+$0x0] =	vst.idx.add.f32.msk $0xffff, v2  }
0x1fe: {  	v20 =	vadd.s32 v0, v12;
	v18 =	vsub.f32 v18, v5;
	v8 =	vld [tilespmem:s14+$0xFFFFFFE0]  }
.Ltmp6:
0x1ff: {  	v11 =	vadd.s32 v0, v10;
	v10 =	vadd.s32 v0, v14;
	v13 =	vld [tilespmem:s14+$0x10];
	v19 =	vsub.f32 v19, v5;
	(pc) =	sbr.rel @p1 .LBB2_14-.Ltmp6, $4  }
0x200: {  	v16 =	vsub.f32 v16, v5;
	v14 =	vmul.f32 v18, v6;
	v12 =	vld [tilespmem:s14+$0x0]  }
0x201: {  	v17 =	vsub.f32 v17, v5;
	v18 =	vmul.f32 v19, v6;
	[tilespmem:v9+s9+$0x0] =	vst.idx.add.f32.msk $0xffff, v2  }
0x202: {  	v9 =	vtrunc.f32 v14;
	v14 =	vmul.f32 v16, v6;
	[tilespmem:v15+s9+$0x0] =	vst.idx.add.f32.msk $0xffff, v2  }
0x203: {  	v15 =	vmul.f32 v17, v6;
	v16 =	vtrunc.f32 v18;
	[tilespmem:v20+s9+$0x0] =	vst.idx.add.f32.msk $0xffff, v2  }
0x204: {  	v13 =	vsub.f32 v13, v5;
	v14 =	vtrunc.f32 v14  }
0x205: {  	v16 =	vcvt.f32.s32 v16;
	v7 =	vsub.f32 v7, v5;
	v9 =	vcvt.f32.s32 v9  }
0x206: {  	v8 =	vsub.f32 v8, v5;
	v15 =	vtrunc.f32 v15;
	v14 =	vcvt.f32.s32 v14  }
0x207: {  	v12 =	vsub.f32 v12, v5;
	v15 =	vcvt.f32.s32 v15;
	v13 =	vmul.f32 v13, v6  }
0x208: {  	v16 =	vadd.s32 v0, v16;
	v7 =	vmul.f32 v7, v6;
	v8 =	vmul.f32 v8, v6  }
0x209: {  	v9 =	vadd.s32 v0, v9;
	v12 =	vmul.f32 v12, v6;
	v13 =	vtrunc.f32 v13  }
0x20a: {  	v14 =	vadd.s32 v0, v14;
	v7 =	vtrunc.f32 v7;
	v13 =	vcvt.f32.s32 v13  }
0x20b: {  	[tilespmem:v11+s9+$0x0] =	vst.idx.add.f32.msk $0xffff, v2;
	v15 =	vadd.s32 v0, v15;
	v8 =	vtrunc.f32 v8;
	v7 =	vcvt.f32.s32 v7  }
0x20c: {  	[tilespmem:v10+s9+$0x0] =	vst.idx.add.f32.msk $0xffff, v2;
	v12 =	vtrunc.f32 v12;
	v8 =	vcvt.f32.s32 v8;
	v10 =	vadd.s32 v0, v13  }
0x20d: {  	v11 =	vcvt.f32.s32 v12;
	[tilespmem:v16+s9+$0x0] =	vst.idx.add.f32.msk $0xffff, v2;
	v7 =	vadd.s32 v0, v7  }
0x20e: {  	v8 =	vadd.s32 v0, v8;
	[tilespmem:v9+s9+$0x0] =	vst.idx.add.f32.msk $0xffff, v2  }
0x20f: {  	v11 =	vadd.s32 v0, v11;
	[tilespmem:v14+s9+$0x0] =	vst.idx.add.f32.msk $0xffff, v2  }
0x210: {  	[tilespmem:v15+s9+$0x0] =	vst.idx.add.f32.msk $0xffff, v2  }
0x211: {  	[tilespmem:v10+s9+$0x0] =	vst.idx.add.f32.msk $0xffff, v2  }
0x212: {  	[tilespmem:v7+s9+$0x0] =	vst.idx.add.f32.msk $0xffff, v2  }
0x213: {  	[tilespmem:v8+s9+$0x0] =	vst.idx.add.f32.msk $0xffff, v2  }
0x214: {  	[tilespmem:v11+s9+$0x0] =	vst.idx.add.f32.msk $0xffff, v2  }
0x215: {  	_ =	swait.ge [sflag:s12], $0x8000  }
0x216: {  	[sflag:s12] =	ssyncset.done $0x0  }
0x217: {  	s14 =	rddreg [dreg:$0x11];
	[sflag:s12] =	ssyncadd.s32 $0xFFFF8000  }
0x218: {  	[tilespmem:s7], [sflag:$0x2] =	stream.linear.gather [hbm4b:s14+s1], $0x8000, $0x38;
	[tilespmem:$0x18CA0] =	vst v63  }
0x219: {  	_ =	swait.ge [sflag:s8], $0x8000  }
0x21a: {  	[sflag:s8] =	ssyncset.done $0x0  }
0x21b: {  	s17 =	simm.s32 $0x40;
	s16 =	rddreg [dreg:$0x12];
	[sflag:s8] =	ssyncadd.s32 $0xFFFF8000  }
0x21c: {  	[hbm4b:s16+s1] =	stream.linear.scatter [tilespmem:s1], [sflag:$0x3], $0x8000, $0x38;
	[tilespmem:$0x18CA0] =	vst v63  }
0x21d: {  	v7 =	vld [tilespmem:s17+$0x30]  }
0x21e: {  	v8 =	vld [tilespmem:s17+$0x20]  }
0x21f: {  	v9 =	vld [tilespmem:s17+$0xFFFFFFF0];
	_ =	sdelay $0x1  }
0x220: {  	v10 =	vld [tilespmem:s17+$0xFFFFFFC0]  }
0x221: {  	v11 =	vld [tilespmem:s17+$0x10];
	v7 =	vsub.f32 v7, v5  }
0x222: {  	v12 =	vld [tilespmem:s17+$0x0];
	v8 =	vsub.f32 v8, v5  }
0x223: {  	v9 =	vsub.f32 v9, v5;
	v7 =	vmul.f32 v7, v6  }
0x224: {  	v13 =	vld [tilespmem:s17+$0xFFFFFFD0];
	v8 =	vmul.f32 v8, v6  }
0x225: {  	v10 =	vsub.f32 v10, v5;
	v9 =	vmul.f32 v9, v6;
	v7 =	vtrunc.f32 v7  }
0x226: {  	v15 =	vld [tilespmem:s17+$0xFFFFFFE0];
	v11 =	vsub.f32 v11, v5;
	v8 =	vtrunc.f32 v8;
	v14 =	vcvt.f32.s32 v7  }
0x227: {  	s14 =	simm.s32 $0xC0;
	v12 =	vsub.f32 v12, v5;
	v9 =	vtrunc.f32 v9;
	v8 =	vcvt.f32.s32 v8  }
0x228: {  	v16 =	vld [tilespmem:s14+$0x20];
	v10 =	vmul.f32 v10, v6;
	v9 =	vcvt.f32.s32 v9;
	v14 =	vadd.s32 v0, v14  }
0x229: {  	v17 =	vld [tilespmem:s14+$0xFFFFFFF0];
	v13 =	vsub.f32 v13, v5;
	v11 =	vmul.f32 v11, v6;
	v8 =	vadd.s32 v0, v8  }
0x22a: {  	v19 =	vld [tilespmem:s14+$0x30];
	v12 =	vmul.f32 v12, v6;
	v10 =	vtrunc.f32 v10;
	v9 =	vadd.s32 v0, v9  }
0x22b: {  	v18 =	vld [tilespmem:s14+$0xFFFFFFC0];
	v15 =	vsub.f32 v15, v5;
	v11 =	vtrunc.f32 v11;
	v10 =	vcvt.f32.s32 v10  }
0x22c: {  	v13 =	vmul.f32 v13, v6;
	v7 =	vld [tilespmem:s14+$0xFFFFFFD0];
	v11 =	vcvt.f32.s32 v11  }
0x22d: {  	v12 =	vtrunc.f32 v12;
	v10 =	vadd.s32 v0, v10;
	[tilespmem:v14+s9+$0x0] =	vst.idx.add.f32.msk $0xffff, v2;
	v14 =	vmul.f32 v15, v6  }
0x22e: {  	v12 =	vcvt.f32.s32 v12;
	[tilespmem:v8+s9+$0x0] =	vst.idx.add.f32.msk $0xffff, v2;
	v15 =	vadd.s32 v0, v11;
	v11 =	vtrunc.f32 v13  }
0x22f: {  	v19 =	vsub.f32 v19, v5;
	[tilespmem:v9+s9+$0x0] =	vst.idx.add.f32.msk $0xffff, v2;
	v11 =	vcvt.f32.s32 v11;
	v14 =	vtrunc.f32 v14  }
0x230: {  	v9 =	vsub.f32 v18, v5;
	v18 =	vadd.s32 v0, v12;
	v13 =	vld [tilespmem:s14+$0x10];
	v20 =	vcvt.f32.s32 v14  }
0x231: {  	v16 =	vsub.f32 v16, v5;
	v12 =	vld [tilespmem:s14+$0x0];
	v11 =	vadd.s32 v0, v11  }
0x232: {  	v19 =	vmul.f32 v19, v6;
	[tilespmem:v10+s9+$0x0] =	vst.idx.add.f32.msk $0xffff, v2;
	v10 =	vadd.s32 v0, v20  }
0x233: {  	v17 =	vsub.f32 v17, v5;
	v8 =	vld [tilespmem:s14+$0xFFFFFFE0];
	v9 =	vmul.f32 v9, v6  }
0x234: {  	v14 =	vmul.f32 v16, v6;
	v16 =	vtrunc.f32 v19;
	[tilespmem:v15+s9+$0x0] =	vst.idx.add.f32.msk $0xffff, v2  }
0x235: {  	s15 =	simm.s32 $0x8;
	v9 =	vtrunc.f32 v9;
	v15 =	vmul.f32 v17, v6;
	[tilespmem:v18+s9+$0x0] =	vst.idx.add.f32.msk $0xffff, v2  }
.LBB2_16:
0x236: {  	s15 =	sadd.s32 $0x8, s15;
	v13 =	vsub.f32 v13, v5;
	v14 =	vtrunc.f32 v14;
	v16 =	vcvt.f32.s32 v16;
	[tilespmem:v11+s9+$0x0] =	vst.idx.add.f32.msk $0xffff, v2  }
0x237: {  	s14 =	sadd.s32 $0x80, s14;
	p1 =	slt.u32 s15, $0x7F8;
	v11 =	vtrunc.f32 v15;
	v12 =	vsub.f32 v12, v5;
	v14 =	vcvt.f32.s32 v14;
	[tilespmem:v10+s9+$0x0] =	vst.idx.add.f32.msk $0xffff, v2  }
0x238: {  	v10 =	vld [tilespmem:s14+$0xFFFFFFD0];
	v11 =	vcvt.f32.s32 v11;
	v13 =	vmul.f32 v13, v6;
	v15 =	vadd.s32 v0, v16  }
0x239: {  	v8 =	vsub.f32 v8, v5;
	v16 =	vld [tilespmem:s14+$0x20];
	v12 =	vmul.f32 v12, v6;
	v14 =	vadd.s32 v0, v14  }
0x23a: {  	v21 =	vsub.f32 v7, v5;
	v17 =	vld [tilespmem:s14+$0xFFFFFFF0];
	v11 =	vadd.s32 v0, v11;
	v13 =	vtrunc.f32 v13  }
0x23b: {  	v9 =	vcvt.f32.s32 v9;
	v18 =	vld [tilespmem:s14+$0xFFFFFFC0];
	v12 =	vtrunc.f32 v12  }
0x23c: {  	v20 =	vmul.f32 v21, v6;
	v8 =	vmul.f32 v8, v6;
	v19 =	vld [tilespmem:s14+$0x30]  }
0x23d: {  	v13 =	vcvt.f32.s32 v13;
	v12 =	vcvt.f32.s32 v12;
	[tilespmem:v15+s9+$0x0] =	vst.idx.add.f32.msk $0xffff, v2;
	v7 =	vmov v10  }
0x23e: {  	v9 =	vadd.s32 v0, v9;
	v8 =	vtrunc.f32 v8;
	v10 =	vtrunc.f32 v20;
	[tilespmem:v14+s9+$0x0] =	vst.idx.add.f32.msk $0xffff, v2  }
0x23f: {  	v15 =	vadd.s32 v0, v13;
	v10 =	vcvt.f32.s32 v10;
	v14 =	vcvt.f32.s32 v8;
	[tilespmem:v11+s9+$0x0] =	vst.idx.add.f32.msk $0xffff, v2  }
0x240: {  	v20 =	vadd.s32 v0, v12;
	v18 =	vsub.f32 v18, v5;
	v8 =	vld [tilespmem:s14+$0xFFFFFFE0]  }
.Ltmp7:
0x241: {  	v11 =	vadd.s32 v0, v10;
	v10 =	vadd.s32 v0, v14;
	v13 =	vld [tilespmem:s14+$0x10];
	v19 =	vsub.f32 v19, v5;
	(pc) =	sbr.rel @p1 .LBB2_16-.Ltmp7, $4  }
0x242: {  	v16 =	vsub.f32 v16, v5;
	v14 =	vmul.f32 v18, v6;
	v12 =	vld [tilespmem:s14+$0x0]  }
0x243: {  	v17 =	vsub.f32 v17, v5;
	v18 =	vmul.f32 v19, v6;
	[tilespmem:v9+s9+$0x0] =	vst.idx.add.f32.msk $0xffff, v2  }
0x244: {  	v9 =	vtrunc.f32 v14;
	v14 =	vmul.f32 v16, v6;
	[tilespmem:v15+s9+$0x0] =	vst.idx.add.f32.msk $0xffff, v2  }
0x245: {  	v15 =	vmul.f32 v17, v6;
	v16 =	vtrunc.f32 v18;
	[tilespmem:v20+s9+$0x0] =	vst.idx.add.f32.msk $0xffff, v2  }
0x246: {  	v13 =	vsub.f32 v13, v5;
	v14 =	vtrunc.f32 v14  }
0x247: {  	v16 =	vcvt.f32.s32 v16;
	v7 =	vsub.f32 v7, v5;
	v9 =	vcvt.f32.s32 v9  }
0x248: {  	v8 =	vsub.f32 v8, v5;
	v15 =	vtrunc.f32 v15;
	v14 =	vcvt.f32.s32 v14  }
0x249: {  	v12 =	vsub.f32 v12, v5;
	v15 =	vcvt.f32.s32 v15;
	v13 =	vmul.f32 v13, v6  }
0x24a: {  	v16 =	vadd.s32 v0, v16;
	v7 =	vmul.f32 v7, v6;
	v8 =	vmul.f32 v8, v6  }
0x24b: {  	v9 =	vadd.s32 v0, v9;
	v12 =	vmul.f32 v12, v6;
	v13 =	vtrunc.f32 v13  }
0x24c: {  	v14 =	vadd.s32 v0, v14;
	v7 =	vtrunc.f32 v7;
	v13 =	vcvt.f32.s32 v13  }
0x24d: {  	[tilespmem:v11+s9+$0x0] =	vst.idx.add.f32.msk $0xffff, v2;
	v15 =	vadd.s32 v0, v15;
	v8 =	vtrunc.f32 v8;
	v7 =	vcvt.f32.s32 v7  }
0x24e: {  	[tilespmem:v10+s9+$0x0] =	vst.idx.add.f32.msk $0xffff, v2;
	v12 =	vtrunc.f32 v12;
	v8 =	vcvt.f32.s32 v8;
	v10 =	vadd.s32 v0, v13  }
0x24f: {  	v11 =	vcvt.f32.s32 v12;
	[tilespmem:v16+s9+$0x0] =	vst.idx.add.f32.msk $0xffff, v2;
	v7 =	vadd.s32 v0, v7  }
0x250: {  	v8 =	vadd.s32 v0, v8;
	[tilespmem:v9+s9+$0x0] =	vst.idx.add.f32.msk $0xffff, v2  }
0x251: {  	v11 =	vadd.s32 v0, v11;
	[tilespmem:v14+s9+$0x0] =	vst.idx.add.f32.msk $0xffff, v2  }
0x252: {  	[tilespmem:v15+s9+$0x0] =	vst.idx.add.f32.msk $0xffff, v2  }
0x253: {  	[tilespmem:v10+s9+$0x0] =	vst.idx.add.f32.msk $0xffff, v2  }
0x254: {  	[tilespmem:v7+s9+$0x0] =	vst.idx.add.f32.msk $0xffff, v2  }
0x255: {  	[tilespmem:v8+s9+$0x0] =	vst.idx.add.f32.msk $0xffff, v2  }
0x256: {  	[tilespmem:v11+s9+$0x0] =	vst.idx.add.f32.msk $0xffff, v2  }
0x257: {  	_ =	swait.ge [sflag:s10], $0x8000  }
0x258: {  	[sflag:s10] =	ssyncset.done $0x0  }
0x259: {  	s14 =	rddreg [dreg:$0x13];
	[sflag:s10] =	ssyncadd.s32 $0xFFFF8000  }
0x25a: {  	[tilespmem:s1], [sflag:$0x1] =	stream.linear.gather [hbm4b:s14+s1], $0x8000, $0x38;
	[tilespmem:$0x18CA0] =	vst v63  }
0x25b: {  	_ =	swait.ge [sflag:s11], $0x8000  }
0x25c: {  	[sflag:s11] =	ssyncset.done $0x0  }
0x25d: {  	s17 =	simm.s32 $0x8040;
	s16 =	rddreg [dreg:$0x14];
	[sflag:s11] =	ssyncadd.s32 $0xFFFF8000  }
0x25e: {  	[hbm4b:s16+s1] =	stream.linear.scatter [tilespmem:s7], [sflag:$0x4], $0x8000, $0x38;
	[tilespmem:$0x18CA0] =	vst v63  }
0x25f: {  	v7 =	vld [tilespmem:s17+$0x30]  }
0x260: {  	v8 =	vld [tilespmem:s17+$0x20]  }
0x261: {  	v9 =	vld [tilespmem:s17+$0xFFFFFFF0];
	_ =	sdelay $0x1  }
0x262: {  	v10 =	vld [tilespmem:s17+$0xFFFFFFC0]  }
0x263: {  	v11 =	vld [tilespmem:s17+$0x10];
	v7 =	vsub.f32 v7, v5  }
0x264: {  	v12 =	vld [tilespmem:s17+$0x0];
	v8 =	vsub.f32 v8, v5  }
0x265: {  	v9 =	vsub.f32 v9, v5;
	v7 =	vmul.f32 v7, v6  }
0x266: {  	v13 =	vld [tilespmem:s17+$0xFFFFFFD0];
	v8 =	vmul.f32 v8, v6  }
0x267: {  	v10 =	vsub.f32 v10, v5;
	v9 =	vmul.f32 v9, v6;
	v7 =	vtrunc.f32 v7  }
0x268: {  	v15 =	vld [tilespmem:s17+$0xFFFFFFE0];
	v11 =	vsub.f32 v11, v5;
	v8 =	vtrunc.f32 v8;
	v14 =	vcvt.f32.s32 v7  }
0x269: {  	s14 =	simm.s32 $0x80C0;
	v12 =	vsub.f32 v12, v5;
	v9 =	vtrunc.f32 v9;
	v8 =	vcvt.f32.s32 v8  }
0x26a: {  	v16 =	vld [tilespmem:s14+$0x20];
	v10 =	vmul.f32 v10, v6;
	v9 =	vcvt.f32.s32 v9;
	v14 =	vadd.s32 v0, v14  }
0x26b: {  	v17 =	vld [tilespmem:s14+$0xFFFFFFF0];
	v13 =	vsub.f32 v13, v5;
	v11 =	vmul.f32 v11, v6;
	v8 =	vadd.s32 v0, v8  }
0x26c: {  	v19 =	vld [tilespmem:s14+$0x30];
	v12 =	vmul.f32 v12, v6;
	v10 =	vtrunc.f32 v10;
	v9 =	vadd.s32 v0, v9  }
0x26d: {  	v18 =	vld [tilespmem:s14+$0xFFFFFFC0];
	v15 =	vsub.f32 v15, v5;
	v11 =	vtrunc.f32 v11;
	v10 =	vcvt.f32.s32 v10  }
0x26e: {  	v13 =	vmul.f32 v13, v6;
	v7 =	vld [tilespmem:s14+$0xFFFFFFD0];
	v11 =	vcvt.f32.s32 v11  }
0x26f: {  	v12 =	vtrunc.f32 v12;
	v10 =	vadd.s32 v0, v10;
	[tilespmem:v14+s9+$0x0] =	vst.idx.add.f32.msk $0xffff, v2;
	v14 =	vmul.f32 v15, v6  }
0x270: {  	v12 =	vcvt.f32.s32 v12;
	[tilespmem:v8+s9+$0x0] =	vst.idx.add.f32.msk $0xffff, v2;
	v15 =	vadd.s32 v0, v11;
	v11 =	vtrunc.f32 v13  }
0x271: {  	v19 =	vsub.f32 v19, v5;
	[tilespmem:v9+s9+$0x0] =	vst.idx.add.f32.msk $0xffff, v2;
	v11 =	vcvt.f32.s32 v11;
	v14 =	vtrunc.f32 v14  }
0x272: {  	v9 =	vsub.f32 v18, v5;
	v18 =	vadd.s32 v0, v12;
	v13 =	vld [tilespmem:s14+$0x10];
	v20 =	vcvt.f32.s32 v14  }
0x273: {  	v16 =	vsub.f32 v16, v5;
	v12 =	vld [tilespmem:s14+$0x0];
	v11 =	vadd.s32 v0, v11  }
0x274: {  	v19 =	vmul.f32 v19, v6;
	[tilespmem:v10+s9+$0x0] =	vst.idx.add.f32.msk $0xffff, v2;
	v10 =	vadd.s32 v0, v20  }
0x275: {  	v17 =	vsub.f32 v17, v5;
	v8 =	vld [tilespmem:s14+$0xFFFFFFE0];
	v9 =	vmul.f32 v9, v6  }
0x276: {  	v14 =	vmul.f32 v16, v6;
	v16 =	vtrunc.f32 v19;
	[tilespmem:v15+s9+$0x0] =	vst.idx.add.f32.msk $0xffff, v2  }
0x277: {  	s15 =	simm.s32 $0x8;
	v9 =	vtrunc.f32 v9;
	v15 =	vmul.f32 v17, v6;
	[tilespmem:v18+s9+$0x0] =	vst.idx.add.f32.msk $0xffff, v2  }
.LBB2_18:
0x278: {  	s15 =	sadd.s32 $0x8, s15;
	v13 =	vsub.f32 v13, v5;
	v14 =	vtrunc.f32 v14;
	v16 =	vcvt.f32.s32 v16;
	[tilespmem:v11+s9+$0x0] =	vst.idx.add.f32.msk $0xffff, v2  }
0x279: {  	s14 =	sadd.s32 $0x80, s14;
	p1 =	slt.u32 s15, $0x7F8;
	v11 =	vtrunc.f32 v15;
	v12 =	vsub.f32 v12, v5;
	v14 =	vcvt.f32.s32 v14;
	[tilespmem:v10+s9+$0x0] =	vst.idx.add.f32.msk $0xffff, v2  }
0x27a: {  	v10 =	vld [tilespmem:s14+$0xFFFFFFD0];
	v11 =	vcvt.f32.s32 v11;
	v13 =	vmul.f32 v13, v6;
	v15 =	vadd.s32 v0, v16  }
0x27b: {  	v8 =	vsub.f32 v8, v5;
	v16 =	vld [tilespmem:s14+$0x20];
	v12 =	vmul.f32 v12, v6;
	v14 =	vadd.s32 v0, v14  }
0x27c: {  	v21 =	vsub.f32 v7, v5;
	v17 =	vld [tilespmem:s14+$0xFFFFFFF0];
	v11 =	vadd.s32 v0, v11;
	v13 =	vtrunc.f32 v13  }
0x27d: {  	v9 =	vcvt.f32.s32 v9;
	v18 =	vld [tilespmem:s14+$0xFFFFFFC0];
	v12 =	vtrunc.f32 v12  }
0x27e: {  	v20 =	vmul.f32 v21, v6;
	v8 =	vmul.f32 v8, v6;
	v19 =	vld [tilespmem:s14+$0x30]  }
0x27f: {  	v13 =	vcvt.f32.s32 v13;
	v12 =	vcvt.f32.s32 v12;
	[tilespmem:v15+s9+$0x0] =	vst.idx.add.f32.msk $0xffff, v2;
	v7 =	vmov v10  }
0x280: {  	v9 =	vadd.s32 v0, v9;
	v8 =	vtrunc.f32 v8;
	v10 =	vtrunc.f32 v20;
	[tilespmem:v14+s9+$0x0] =	vst.idx.add.f32.msk $0xffff, v2  }
0x281: {  	v15 =	vadd.s32 v0, v13;
	v10 =	vcvt.f32.s32 v10;
	v14 =	vcvt.f32.s32 v8;
	[tilespmem:v11+s9+$0x0] =	vst.idx.add.f32.msk $0xffff, v2  }
0x282: {  	v20 =	vadd.s32 v0, v12;
	v18 =	vsub.f32 v18, v5;
	v8 =	vld [tilespmem:s14+$0xFFFFFFE0]  }
.Ltmp8:
0x283: {  	v11 =	vadd.s32 v0, v10;
	v10 =	vadd.s32 v0, v14;
	v13 =	vld [tilespmem:s14+$0x10];
	v19 =	vsub.f32 v19, v5;
	(pc) =	sbr.rel @p1 .LBB2_18-.Ltmp8, $4  }
0x284: {  	v16 =	vsub.f32 v16, v5;
	v14 =	vmul.f32 v18, v6;
	v12 =	vld [tilespmem:s14+$0x0]  }
0x285: {  	v17 =	vsub.f32 v17, v5;
	v18 =	vmul.f32 v19, v6;
	[tilespmem:v9+s9+$0x0] =	vst.idx.add.f32.msk $0xffff, v2  }
0x286: {  	v9 =	vtrunc.f32 v14;
	v14 =	vmul.f32 v16, v6;
	[tilespmem:v15+s9+$0x0] =	vst.idx.add.f32.msk $0xffff, v2  }
0x287: {  	v15 =	vmul.f32 v17, v6;
	v16 =	vtrunc.f32 v18;
	[tilespmem:v20+s9+$0x0] =	vst.idx.add.f32.msk $0xffff, v2  }
0x288: {  	v13 =	vsub.f32 v13, v5;
	v14 =	vtrunc.f32 v14  }
0x289: {  	v16 =	vcvt.f32.s32 v16;
	v7 =	vsub.f32 v7, v5;
	v9 =	vcvt.f32.s32 v9  }
0x28a: {  	v8 =	vsub.f32 v8, v5;
	v15 =	vtrunc.f32 v15;
	v14 =	vcvt.f32.s32 v14  }
0x28b: {  	v12 =	vsub.f32 v12, v5;
	v15 =	vcvt.f32.s32 v15;
	v13 =	vmul.f32 v13, v6  }
0x28c: {  	v16 =	vadd.s32 v0, v16;
	v7 =	vmul.f32 v7, v6;
	v8 =	vmul.f32 v8, v6  }
0x28d: {  	v9 =	vadd.s32 v0, v9;
	v12 =	vmul.f32 v12, v6;
	v13 =	vtrunc.f32 v13  }
0x28e: {  	v14 =	vadd.s32 v0, v14;
	v7 =	vtrunc.f32 v7;
	v13 =	vcvt.f32.s32 v13  }
0x28f: {  	[tilespmem:v11+s9+$0x0] =	vst.idx.add.f32.msk $0xffff, v2;
	v15 =	vadd.s32 v0, v15;
	v8 =	vtrunc.f32 v8;
	v7 =	vcvt.f32.s32 v7  }
0x290: {  	[tilespmem:v10+s9+$0x0] =	vst.idx.add.f32.msk $0xffff, v2;
	v12 =	vtrunc.f32 v12;
	v8 =	vcvt.f32.s32 v8;
	v10 =	vadd.s32 v0, v13  }
0x291: {  	v11 =	vcvt.f32.s32 v12;
	[tilespmem:v16+s9+$0x0] =	vst.idx.add.f32.msk $0xffff, v2;
	v7 =	vadd.s32 v0, v7  }
0x292: {  	v8 =	vadd.s32 v0, v8;
	[tilespmem:v9+s9+$0x0] =	vst.idx.add.f32.msk $0xffff, v2  }
0x293: {  	v11 =	vadd.s32 v0, v11;
	[tilespmem:v14+s9+$0x0] =	vst.idx.add.f32.msk $0xffff, v2  }
0x294: {  	[tilespmem:v15+s9+$0x0] =	vst.idx.add.f32.msk $0xffff, v2  }
0x295: {  	[tilespmem:v10+s9+$0x0] =	vst.idx.add.f32.msk $0xffff, v2  }
0x296: {  	[tilespmem:v7+s9+$0x0] =	vst.idx.add.f32.msk $0xffff, v2  }
0x297: {  	[tilespmem:v8+s9+$0x0] =	vst.idx.add.f32.msk $0xffff, v2  }
0x298: {  	[tilespmem:v11+s9+$0x0] =	vst.idx.add.f32.msk $0xffff, v2  }
0x299: {  	_ =	swait.ge [sflag:s12], $0x8000  }
0x29a: {  	[sflag:s12] =	ssyncset.done $0x0  }
0x29b: {  	s14 =	rddreg [dreg:$0x15];
	[sflag:s12] =	ssyncadd.s32 $0xFFFF8000  }
0x29c: {  	[tilespmem:s7], [sflag:$0x2] =	stream.linear.gather [hbm4b:s14+s1], $0x8000, $0x38;
	[tilespmem:$0x18CA0] =	vst v63  }
0x29d: {  	_ =	swait.ge [sflag:s8], $0x8000  }
0x29e: {  	[sflag:s8] =	ssyncset.done $0x0  }
0x29f: {  	s17 =	simm.s32 $0x40;
	[sflag:s8] =	ssyncadd.s32 $0xFFFF8000  }
0x2a0: {  	[hbm4b:s18+s1] =	stream.linear.scatter [tilespmem:s1], [sflag:$0x3], $0x8000, $0x38;
	[tilespmem:$0x18CA0] =	vst v63  }
0x2a1: {  	v7 =	vld [tilespmem:s17+$0x30]  }
0x2a2: {  	v8 =	vld [tilespmem:s17+$0x20]  }
0x2a3: {  	v9 =	vld [tilespmem:s17+$0xFFFFFFF0];
	_ =	sdelay $0x1  }
0x2a4: {  	v10 =	vld [tilespmem:s17+$0xFFFFFFC0]  }
0x2a5: {  	v11 =	vld [tilespmem:s17+$0x10];
	v7 =	vsub.f32 v7, v5  }
0x2a6: {  	v12 =	vld [tilespmem:s17+$0x0];
	v8 =	vsub.f32 v8, v5  }
0x2a7: {  	v9 =	vsub.f32 v9, v5;
	v7 =	vmul.f32 v7, v6  }
0x2a8: {  	v13 =	vld [tilespmem:s17+$0xFFFFFFD0];
	v8 =	vmul.f32 v8, v6  }
0x2a9: {  	v10 =	vsub.f32 v10, v5;
	v9 =	vmul.f32 v9, v6;
	v7 =	vtrunc.f32 v7  }
0x2aa: {  	v15 =	vld [tilespmem:s17+$0xFFFFFFE0];
	v11 =	vsub.f32 v11, v5;
	v8 =	vtrunc.f32 v8;
	v14 =	vcvt.f32.s32 v7  }
0x2ab: {  	s14 =	simm.s32 $0xC0;
	v12 =	vsub.f32 v12, v5;
	v9 =	vtrunc.f32 v9;
	v8 =	vcvt.f32.s32 v8  }
0x2ac: {  	v16 =	vld [tilespmem:s14+$0x20];
	v10 =	vmul.f32 v10, v6;
	v9 =	vcvt.f32.s32 v9;
	v14 =	vadd.s32 v0, v14  }
0x2ad: {  	v17 =	vld [tilespmem:s14+$0xFFFFFFF0];
	v13 =	vsub.f32 v13, v5;
	v11 =	vmul.f32 v11, v6;
	v8 =	vadd.s32 v0, v8  }
0x2ae: {  	v19 =	vld [tilespmem:s14+$0x30];
	v12 =	vmul.f32 v12, v6;
	v10 =	vtrunc.f32 v10;
	v9 =	vadd.s32 v0, v9  }
0x2af: {  	v18 =	vld [tilespmem:s14+$0xFFFFFFC0];
	v15 =	vsub.f32 v15, v5;
	v11 =	vtrunc.f32 v11;
	v10 =	vcvt.f32.s32 v10  }
0x2b0: {  	v13 =	vmul.f32 v13, v6;
	v7 =	vld [tilespmem:s14+$0xFFFFFFD0];
	v11 =	vcvt.f32.s32 v11  }
0x2b1: {  	v12 =	vtrunc.f32 v12;
	v10 =	vadd.s32 v0, v10;
	[tilespmem:v14+s9+$0x0] =	vst.idx.add.f32.msk $0xffff, v2;
	v14 =	vmul.f32 v15, v6  }
0x2b2: {  	v12 =	vcvt.f32.s32 v12;
	[tilespmem:v8+s9+$0x0] =	vst.idx.add.f32.msk $0xffff, v2;
	v15 =	vadd.s32 v0, v11;
	v11 =	vtrunc.f32 v13  }
0x2b3: {  	v19 =	vsub.f32 v19, v5;
	[tilespmem:v9+s9+$0x0] =	vst.idx.add.f32.msk $0xffff, v2;
	v11 =	vcvt.f32.s32 v11;
	v14 =	vtrunc.f32 v14  }
0x2b4: {  	v9 =	vsub.f32 v18, v5;
	v18 =	vadd.s32 v0, v12;
	v13 =	vld [tilespmem:s14+$0x10];
	v20 =	vcvt.f32.s32 v14  }
0x2b5: {  	v16 =	vsub.f32 v16, v5;
	v12 =	vld [tilespmem:s14+$0x0];
	v11 =	vadd.s32 v0, v11  }
0x2b6: {  	v19 =	vmul.f32 v19, v6;
	[tilespmem:v10+s9+$0x0] =	vst.idx.add.f32.msk $0xffff, v2;
	v10 =	vadd.s32 v0, v20  }
0x2b7: {  	v17 =	vsub.f32 v17, v5;
	v8 =	vld [tilespmem:s14+$0xFFFFFFE0];
	v9 =	vmul.f32 v9, v6  }
0x2b8: {  	v14 =	vmul.f32 v16, v6;
	v16 =	vtrunc.f32 v19;
	[tilespmem:v15+s9+$0x0] =	vst.idx.add.f32.msk $0xffff, v2  }
0x2b9: {  	s15 =	simm.s32 $0x8;
	v9 =	vtrunc.f32 v9;
	v15 =	vmul.f32 v17, v6;
	[tilespmem:v18+s9+$0x0] =	vst.idx.add.f32.msk $0xffff, v2  }
.LBB2_20:
0x2ba: {  	s15 =	sadd.s32 $0x8, s15;
	v13 =	vsub.f32 v13, v5;
	v14 =	vtrunc.f32 v14;
	v16 =	vcvt.f32.s32 v16;
	[tilespmem:v11+s9+$0x0] =	vst.idx.add.f32.msk $0xffff, v2  }
0x2bb: {  	s14 =	sadd.s32 $0x80, s14;
	p1 =	slt.u32 s15, $0x7F8;
	v11 =	vtrunc.f32 v15;
	v12 =	vsub.f32 v12, v5;
	v14 =	vcvt.f32.s32 v14;
	[tilespmem:v10+s9+$0x0] =	vst.idx.add.f32.msk $0xffff, v2  }
0x2bc: {  	v10 =	vld [tilespmem:s14+$0xFFFFFFD0];
	v11 =	vcvt.f32.s32 v11;
	v13 =	vmul.f32 v13, v6;
	v15 =	vadd.s32 v0, v16  }
0x2bd: {  	v8 =	vsub.f32 v8, v5;
	v16 =	vld [tilespmem:s14+$0x20];
	v12 =	vmul.f32 v12, v6;
	v14 =	vadd.s32 v0, v14  }
0x2be: {  	v21 =	vsub.f32 v7, v5;
	v17 =	vld [tilespmem:s14+$0xFFFFFFF0];
	v11 =	vadd.s32 v0, v11;
	v13 =	vtrunc.f32 v13  }
0x2bf: {  	v9 =	vcvt.f32.s32 v9;
	v18 =	vld [tilespmem:s14+$0xFFFFFFC0];
	v12 =	vtrunc.f32 v12  }
0x2c0: {  	v20 =	vmul.f32 v21, v6;
	v8 =	vmul.f32 v8, v6;
	v19 =	vld [tilespmem:s14+$0x30]  }
0x2c1: {  	v13 =	vcvt.f32.s32 v13;
	v12 =	vcvt.f32.s32 v12;
	[tilespmem:v15+s9+$0x0] =	vst.idx.add.f32.msk $0xffff, v2;
	v7 =	vmov v10  }
0x2c2: {  	v9 =	vadd.s32 v0, v9;
	v8 =	vtrunc.f32 v8;
	v10 =	vtrunc.f32 v20;
	[tilespmem:v14+s9+$0x0] =	vst.idx.add.f32.msk $0xffff, v2  }
0x2c3: {  	v15 =	vadd.s32 v0, v13;
	v10 =	vcvt.f32.s32 v10;
	v14 =	vcvt.f32.s32 v8;
	[tilespmem:v11+s9+$0x0] =	vst.idx.add.f32.msk $0xffff, v2  }
0x2c4: {  	v20 =	vadd.s32 v0, v12;
	v18 =	vsub.f32 v18, v5;
	v8 =	vld [tilespmem:s14+$0xFFFFFFE0]  }
.Ltmp9:
0x2c5: {  	v11 =	vadd.s32 v0, v10;
	v10 =	vadd.s32 v0, v14;
	v13 =	vld [tilespmem:s14+$0x10];
	v19 =	vsub.f32 v19, v5;
	(pc) =	sbr.rel @p1 .LBB2_20-.Ltmp9, $4  }
0x2c6: {  	v16 =	vsub.f32 v16, v5;
	v14 =	vmul.f32 v18, v6;
	v12 =	vld [tilespmem:s14+$0x0]  }
0x2c7: {  	v17 =	vsub.f32 v17, v5;
	v18 =	vmul.f32 v19, v6;
	[tilespmem:v9+s9+$0x0] =	vst.idx.add.f32.msk $0xffff, v2  }
0x2c8: {  	v9 =	vtrunc.f32 v14;
	v14 =	vmul.f32 v16, v6;
	[tilespmem:v15+s9+$0x0] =	vst.idx.add.f32.msk $0xffff, v2  }
0x2c9: {  	v15 =	vmul.f32 v17, v6;
	v16 =	vtrunc.f32 v18;
	[tilespmem:v20+s9+$0x0] =	vst.idx.add.f32.msk $0xffff, v2  }
0x2ca: {  	v13 =	vsub.f32 v13, v5;
	v14 =	vtrunc.f32 v14  }
0x2cb: {  	v16 =	vcvt.f32.s32 v16;
	v7 =	vsub.f32 v7, v5;
	v9 =	vcvt.f32.s32 v9  }
0x2cc: {  	v8 =	vsub.f32 v8, v5;
	v15 =	vtrunc.f32 v15;
	v14 =	vcvt.f32.s32 v14  }
0x2cd: {  	v12 =	vsub.f32 v12, v5;
	v15 =	vcvt.f32.s32 v15;
	v13 =	vmul.f32 v13, v6  }
0x2ce: {  	v16 =	vadd.s32 v0, v16;
	v7 =	vmul.f32 v7, v6;
	v8 =	vmul.f32 v8, v6  }
0x2cf: {  	v9 =	vadd.s32 v0, v9;
	v12 =	vmul.f32 v12, v6;
	v13 =	vtrunc.f32 v13  }
0x2d0: {  	v14 =	vadd.s32 v0, v14;
	v7 =	vtrunc.f32 v7;
	v13 =	vcvt.f32.s32 v13  }
0x2d1: {  	[tilespmem:v11+s9+$0x0] =	vst.idx.add.f32.msk $0xffff, v2;
	v15 =	vadd.s32 v0, v15;
	v8 =	vtrunc.f32 v8;
	v7 =	vcvt.f32.s32 v7  }
0x2d2: {  	[tilespmem:v10+s9+$0x0] =	vst.idx.add.f32.msk $0xffff, v2;
	v12 =	vtrunc.f32 v12;
	v8 =	vcvt.f32.s32 v8;
	v10 =	vadd.s32 v0, v13  }
0x2d3: {  	v11 =	vcvt.f32.s32 v12;
	[tilespmem:v16+s9+$0x0] =	vst.idx.add.f32.msk $0xffff, v2;
	v7 =	vadd.s32 v0, v7  }
0x2d4: {  	v8 =	vadd.s32 v0, v8;
	[tilespmem:v9+s9+$0x0] =	vst.idx.add.f32.msk $0xffff, v2  }
0x2d5: {  	v11 =	vadd.s32 v0, v11;
	[tilespmem:v14+s9+$0x0] =	vst.idx.add.f32.msk $0xffff, v2  }
0x2d6: {  	[tilespmem:v15+s9+$0x0] =	vst.idx.add.f32.msk $0xffff, v2  }
0x2d7: {  	[tilespmem:v10+s9+$0x0] =	vst.idx.add.f32.msk $0xffff, v2  }
0x2d8: {  	[tilespmem:v7+s9+$0x0] =	vst.idx.add.f32.msk $0xffff, v2  }
0x2d9: {  	[tilespmem:v8+s9+$0x0] =	vst.idx.add.f32.msk $0xffff, v2  }
0x2da: {  	[tilespmem:v11+s9+$0x0] =	vst.idx.add.f32.msk $0xffff, v2  }
0x2db: {  	_ =	swait.ge [sflag:s10], $0x8000  }
0x2dc: {  	[sflag:s10] =	ssyncset.done $0x0  }
0x2dd: {  	[sflag:s10] =	ssyncadd.s32 $0xFFFF8000  }
0x2de: {  	[tilespmem:s1], [sflag:$0x1] =	stream.linear.gather [hbm4b:s20+s1], $0x8000, $0x38;
	[tilespmem:$0x18CA0] =	vst v63  }
0x2df: {  	_ =	swait.ge [sflag:s11], $0x8000  }
0x2e0: {  	[sflag:s11] =	ssyncset.done $0x0  }
0x2e1: {  	s14 =	simm.s32 $0x8040;
	[sflag:s11] =	ssyncadd.s32 $0xFFFF8000  }
0x2e2: {  	[hbm4b:s19+s1] =	stream.linear.scatter [tilespmem:s7], [sflag:$0x4], $0x8000, $0x38;
	[tilespmem:$0x18CA0] =	vst v63  }
0x2e3: {  	v7 =	vld [tilespmem:s14+$0x30]  }
0x2e4: {  	v8 =	vld [tilespmem:s14+$0x20]  }
0x2e5: {  	v9 =	vld [tilespmem:s14+$0xFFFFFFF0];
	_ =	sdelay $0x1  }
0x2e6: {  	v10 =	vld [tilespmem:s14+$0xFFFFFFC0]  }
0x2e7: {  	v11 =	vld [tilespmem:s14+$0x10];
	v7 =	vsub.f32 v7, v5  }
0x2e8: {  	v12 =	vld [tilespmem:s14+$0x0];
	v8 =	vsub.f32 v8, v5  }
0x2e9: {  	v9 =	vsub.f32 v9, v5;
	v7 =	vmul.f32 v7, v6  }
0x2ea: {  	v13 =	vld [tilespmem:s14+$0xFFFFFFD0];
	v8 =	vmul.f32 v8, v6  }
0x2eb: {  	v10 =	vsub.f32 v10, v5;
	v9 =	vmul.f32 v9, v6;
	v7 =	vtrunc.f32 v7  }
0x2ec: {  	v15 =	vld [tilespmem:s14+$0xFFFFFFE0];
	v11 =	vsub.f32 v11, v5;
	v8 =	vtrunc.f32 v8;
	v14 =	vcvt.f32.s32 v7  }
0x2ed: {  	s14 =	simm.s32 $0x80C0;
	v12 =	vsub.f32 v12, v5;
	v9 =	vtrunc.f32 v9;
	v8 =	vcvt.f32.s32 v8  }
0x2ee: {  	v16 =	vld [tilespmem:s14+$0x20];
	v10 =	vmul.f32 v10, v6;
	v9 =	vcvt.f32.s32 v9;
	v14 =	vadd.s32 v0, v14  }
0x2ef: {  	v17 =	vld [tilespmem:s14+$0xFFFFFFF0];
	v13 =	vsub.f32 v13, v5;
	v11 =	vmul.f32 v11, v6;
	v8 =	vadd.s32 v0, v8  }
0x2f0: {  	v19 =	vld [tilespmem:s14+$0x30];
	v12 =	vmul.f32 v12, v6;
	v10 =	vtrunc.f32 v10;
	v9 =	vadd.s32 v0, v9  }
0x2f1: {  	v18 =	vld [tilespmem:s14+$0xFFFFFFC0];
	v15 =	vsub.f32 v15, v5;
	v11 =	vtrunc.f32 v11;
	v10 =	vcvt.f32.s32 v10  }
0x2f2: {  	v13 =	vmul.f32 v13, v6;
	v7 =	vld [tilespmem:s14+$0xFFFFFFD0];
	v11 =	vcvt.f32.s32 v11  }
0x2f3: {  	v12 =	vtrunc.f32 v12;
	v10 =	vadd.s32 v0, v10;
	[tilespmem:v14+s9+$0x0] =	vst.idx.add.f32.msk $0xffff, v2;
	v14 =	vmul.f32 v15, v6  }
0x2f4: {  	v12 =	vcvt.f32.s32 v12;
	[tilespmem:v8+s9+$0x0] =	vst.idx.add.f32.msk $0xffff, v2;
	v15 =	vadd.s32 v0, v11;
	v11 =	vtrunc.f32 v13  }
0x2f5: {  	v19 =	vsub.f32 v19, v5;
	[tilespmem:v9+s9+$0x0] =	vst.idx.add.f32.msk $0xffff, v2;
	v11 =	vcvt.f32.s32 v11;
	v14 =	vtrunc.f32 v14  }
0x2f6: {  	v9 =	vsub.f32 v18, v5;
	v18 =	vadd.s32 v0, v12;
	v13 =	vld [tilespmem:s14+$0x10];
	v20 =	vcvt.f32.s32 v14  }
0x2f7: {  	v16 =	vsub.f32 v16, v5;
	v12 =	vld [tilespmem:s14+$0x0];
	v11 =	vadd.s32 v0, v11  }
0x2f8: {  	v19 =	vmul.f32 v19, v6;
	[tilespmem:v10+s9+$0x0] =	vst.idx.add.f32.msk $0xffff, v2;
	v10 =	vadd.s32 v0, v20  }
0x2f9: {  	v17 =	vsub.f32 v17, v5;
	v8 =	vld [tilespmem:s14+$0xFFFFFFE0];
	v9 =	vmul.f32 v9, v6  }
0x2fa: {  	v14 =	vmul.f32 v16, v6;
	v16 =	vtrunc.f32 v19;
	[tilespmem:v15+s9+$0x0] =	vst.idx.add.f32.msk $0xffff, v2  }
0x2fb: {  	s15 =	simm.s32 $0x8;
	v9 =	vtrunc.f32 v9;
	v15 =	vmul.f32 v17, v6;
	[tilespmem:v18+s9+$0x0] =	vst.idx.add.f32.msk $0xffff, v2  }
.LBB2_22:
0x2fc: {  	s15 =	sadd.s32 $0x8, s15;
	v13 =	vsub.f32 v13, v5;
	v14 =	vtrunc.f32 v14;
	v16 =	vcvt.f32.s32 v16;
	[tilespmem:v11+s9+$0x0] =	vst.idx.add.f32.msk $0xffff, v2  }
0x2fd: {  	s14 =	sadd.s32 $0x80, s14;
	p1 =	slt.u32 s15, $0x7F8;
	v11 =	vtrunc.f32 v15;
	v12 =	vsub.f32 v12, v5;
	v14 =	vcvt.f32.s32 v14;
	[tilespmem:v10+s9+$0x0] =	vst.idx.add.f32.msk $0xffff, v2  }
0x2fe: {  	v10 =	vld [tilespmem:s14+$0xFFFFFFD0];
	v11 =	vcvt.f32.s32 v11;
	v13 =	vmul.f32 v13, v6;
	v15 =	vadd.s32 v0, v16  }
0x2ff: {  	v8 =	vsub.f32 v8, v5;
	v16 =	vld [tilespmem:s14+$0x20];
	v12 =	vmul.f32 v12, v6;
	v14 =	vadd.s32 v0, v14  }
0x300: {  	v21 =	vsub.f32 v7, v5;
	v17 =	vld [tilespmem:s14+$0xFFFFFFF0];
	v11 =	vadd.s32 v0, v11;
	v13 =	vtrunc.f32 v13  }
0x301: {  	v9 =	vcvt.f32.s32 v9;
	v18 =	vld [tilespmem:s14+$0xFFFFFFC0];
	v12 =	vtrunc.f32 v12  }
0x302: {  	v20 =	vmul.f32 v21, v6;
	v8 =	vmul.f32 v8, v6;
	v19 =	vld [tilespmem:s14+$0x30]  }
0x303: {  	v13 =	vcvt.f32.s32 v13;
	v12 =	vcvt.f32.s32 v12;
	[tilespmem:v15+s9+$0x0] =	vst.idx.add.f32.msk $0xffff, v2;
	v7 =	vmov v10  }
0x304: {  	v9 =	vadd.s32 v0, v9;
	v8 =	vtrunc.f32 v8;
	v10 =	vtrunc.f32 v20;
	[tilespmem:v14+s9+$0x0] =	vst.idx.add.f32.msk $0xffff, v2  }
0x305: {  	v15 =	vadd.s32 v0, v13;
	v10 =	vcvt.f32.s32 v10;
	v14 =	vcvt.f32.s32 v8;
	[tilespmem:v11+s9+$0x0] =	vst.idx.add.f32.msk $0xffff, v2  }
0x306: {  	v20 =	vadd.s32 v0, v12;
	v18 =	vsub.f32 v18, v5;
	v8 =	vld [tilespmem:s14+$0xFFFFFFE0]  }
.Ltmp10:
0x307: {  	v11 =	vadd.s32 v0, v10;
	v10 =	vadd.s32 v0, v14;
	v13 =	vld [tilespmem:s14+$0x10];
	v19 =	vsub.f32 v19, v5;
	(pc) =	sbr.rel @p1 .LBB2_22-.Ltmp10, $4  }
0x308: {  	v16 =	vsub.f32 v16, v5;
	v14 =	vmul.f32 v18, v6;
	v12 =	vld [tilespmem:s14+$0x0]  }
0x309: {  	v17 =	vsub.f32 v17, v5;
	v18 =	vmul.f32 v19, v6;
	[tilespmem:v9+s9+$0x0] =	vst.idx.add.f32.msk $0xffff, v2  }
0x30a: {  	v9 =	vtrunc.f32 v14;
	v14 =	vmul.f32 v16, v6;
	[tilespmem:v15+s9+$0x0] =	vst.idx.add.f32.msk $0xffff, v2  }
0x30b: {  	v15 =	vmul.f32 v17, v6;
	v16 =	vtrunc.f32 v18;
	[tilespmem:v20+s9+$0x0] =	vst.idx.add.f32.msk $0xffff, v2  }
0x30c: {  	v13 =	vsub.f32 v13, v5;
	v14 =	vtrunc.f32 v14  }
0x30d: {  	v16 =	vcvt.f32.s32 v16;
	v7 =	vsub.f32 v7, v5;
	v9 =	vcvt.f32.s32 v9  }
0x30e: {  	v8 =	vsub.f32 v8, v5;
	v15 =	vtrunc.f32 v15;
	v14 =	vcvt.f32.s32 v14  }
0x30f: {  	v12 =	vsub.f32 v12, v5;
	v15 =	vcvt.f32.s32 v15;
	v13 =	vmul.f32 v13, v6  }
0x310: {  	v16 =	vadd.s32 v0, v16;
	v7 =	vmul.f32 v7, v6;
	v8 =	vmul.f32 v8, v6  }
0x311: {  	v9 =	vadd.s32 v0, v9;
	v12 =	vmul.f32 v12, v6;
	v13 =	vtrunc.f32 v13  }
0x312: {  	v14 =	vadd.s32 v0, v14;
	v7 =	vtrunc.f32 v7;
	v13 =	vcvt.f32.s32 v13  }
0x313: {  	[tilespmem:v11+s9+$0x0] =	vst.idx.add.f32.msk $0xffff, v2;
	v15 =	vadd.s32 v0, v15;
	v8 =	vtrunc.f32 v8;
	v7 =	vcvt.f32.s32 v7  }
0x314: {  	[tilespmem:v10+s9+$0x0] =	vst.idx.add.f32.msk $0xffff, v2;
	v12 =	vtrunc.f32 v12;
	v8 =	vcvt.f32.s32 v8;
	v10 =	vadd.s32 v0, v13  }
0x315: {  	v11 =	vcvt.f32.s32 v12;
	[tilespmem:v16+s9+$0x0] =	vst.idx.add.f32.msk $0xffff, v2;
	v7 =	vadd.s32 v0, v7  }
0x316: {  	v8 =	vadd.s32 v0, v8;
	[tilespmem:v9+s9+$0x0] =	vst.idx.add.f32.msk $0xffff, v2  }
0x317: {  	v11 =	vadd.s32 v0, v11;
	[tilespmem:v14+s9+$0x0] =	vst.idx.add.f32.msk $0xffff, v2  }
0x318: {  	[tilespmem:v15+s9+$0x0] =	vst.idx.add.f32.msk $0xffff, v2  }
0x319: {  	[tilespmem:v10+s9+$0x0] =	vst.idx.add.f32.msk $0xffff, v2  }
0x31a: {  	[tilespmem:v7+s9+$0x0] =	vst.idx.add.f32.msk $0xffff, v2  }
0x31b: {  	[tilespmem:v8+s9+$0x0] =	vst.idx.add.f32.msk $0xffff, v2  }
0x31c: {  	[tilespmem:v11+s9+$0x0] =	vst.idx.add.f32.msk $0xffff, v2  }
0x31d: {  	_ =	swait.ge [sflag:s12], $0x8000  }
0x31e: {  	[sflag:s12] =	ssyncset.done $0x0  }
0x31f: {  	[sflag:s12] =	ssyncadd.s32 $0xFFFF8000  }
0x320: {  	[tilespmem:s7], [sflag:$0x2] =	stream.linear.gather [hbm4b:s22+s1], $0x8000, $0x38;
	[tilespmem:$0x18CA0] =	vst v63  }
0x321: {  	_ =	swait.ge [sflag:s8], $0x8000  }
0x322: {  	[sflag:s8] =	ssyncset.done $0x0  }
0x323: {  	s14 =	simm.s32 $0x40;
	[sflag:s8] =	ssyncadd.s32 $0xFFFF8000  }
0x324: {  	[hbm4b:s21+s1] =	stream.linear.scatter [tilespmem:s1], [sflag:$0x3], $0x8000, $0x38;
	[tilespmem:$0x18CA0] =	vst v63  }
0x325: {  	v7 =	vld [tilespmem:s14+$0x30]  }
0x326: {  	v8 =	vld [tilespmem:s14+$0x20]  }
0x327: {  	v9 =	vld [tilespmem:s14+$0xFFFFFFF0];
	_ =	sdelay $0x1  }
0x328: {  	v10 =	vld [tilespmem:s14+$0xFFFFFFC0]  }
0x329: {  	v11 =	vld [tilespmem:s14+$0x10];
	v7 =	vsub.f32 v7, v5  }
0x32a: {  	v12 =	vld [tilespmem:s14+$0x0];
	v8 =	vsub.f32 v8, v5  }
0x32b: {  	v9 =	vsub.f32 v9, v5;
	v7 =	vmul.f32 v7, v6  }
0x32c: {  	v13 =	vld [tilespmem:s14+$0xFFFFFFD0];
	v8 =	vmul.f32 v8, v6  }
0x32d: {  	v10 =	vsub.f32 v10, v5;
	v9 =	vmul.f32 v9, v6;
	v7 =	vtrunc.f32 v7  }
0x32e: {  	v15 =	vld [tilespmem:s14+$0xFFFFFFE0];
	v11 =	vsub.f32 v11, v5;
	v8 =	vtrunc.f32 v8;
	v14 =	vcvt.f32.s32 v7  }
0x32f: {  	s14 =	simm.s32 $0xC0;
	v12 =	vsub.f32 v12, v5;
	v9 =	vtrunc.f32 v9;
	v8 =	vcvt.f32.s32 v8  }
0x330: {  	v16 =	vld [tilespmem:s14+$0x20];
	v10 =	vmul.f32 v10, v6;
	v9 =	vcvt.f32.s32 v9;
	v14 =	vadd.s32 v0, v14  }
0x331: {  	v17 =	vld [tilespmem:s14+$0xFFFFFFF0];
	v13 =	vsub.f32 v13, v5;
	v11 =	vmul.f32 v11, v6;
	v8 =	vadd.s32 v0, v8  }
0x332: {  	v19 =	vld [tilespmem:s14+$0x30];
	v12 =	vmul.f32 v12, v6;
	v10 =	vtrunc.f32 v10;
	v9 =	vadd.s32 v0, v9  }
0x333: {  	v18 =	vld [tilespmem:s14+$0xFFFFFFC0];
	v15 =	vsub.f32 v15, v5;
	v11 =	vtrunc.f32 v11;
	v10 =	vcvt.f32.s32 v10  }
0x334: {  	v13 =	vmul.f32 v13, v6;
	v7 =	vld [tilespmem:s14+$0xFFFFFFD0];
	v11 =	vcvt.f32.s32 v11  }
0x335: {  	v12 =	vtrunc.f32 v12;
	v10 =	vadd.s32 v0, v10;
	[tilespmem:v14+s9+$0x0] =	vst.idx.add.f32.msk $0xffff, v2;
	v14 =	vmul.f32 v15, v6  }
0x336: {  	v12 =	vcvt.f32.s32 v12;
	[tilespmem:v8+s9+$0x0] =	vst.idx.add.f32.msk $0xffff, v2;
	v15 =	vadd.s32 v0, v11;
	v11 =	vtrunc.f32 v13  }
0x337: {  	v19 =	vsub.f32 v19, v5;
	[tilespmem:v9+s9+$0x0] =	vst.idx.add.f32.msk $0xffff, v2;
	v11 =	vcvt.f32.s32 v11;
	v14 =	vtrunc.f32 v14  }
0x338: {  	v9 =	vsub.f32 v18, v5;
	v18 =	vadd.s32 v0, v12;
	v13 =	vld [tilespmem:s14+$0x10];
	v20 =	vcvt.f32.s32 v14  }
0x339: {  	v16 =	vsub.f32 v16, v5;
	v12 =	vld [tilespmem:s14+$0x0];
	v11 =	vadd.s32 v0, v11  }
0x33a: {  	v19 =	vmul.f32 v19, v6;
	[tilespmem:v10+s9+$0x0] =	vst.idx.add.f32.msk $0xffff, v2;
	v10 =	vadd.s32 v0, v20  }
0x33b: {  	v17 =	vsub.f32 v17, v5;
	v8 =	vld [tilespmem:s14+$0xFFFFFFE0];
	v9 =	vmul.f32 v9, v6  }
0x33c: {  	v14 =	vmul.f32 v16, v6;
	v16 =	vtrunc.f32 v19;
	[tilespmem:v15+s9+$0x0] =	vst.idx.add.f32.msk $0xffff, v2  }
0x33d: {  	s15 =	simm.s32 $0x8;
	v9 =	vtrunc.f32 v9;
	v15 =	vmul.f32 v17, v6;
	[tilespmem:v18+s9+$0x0] =	vst.idx.add.f32.msk $0xffff, v2  }
.LBB2_24:
0x33e: {  	s15 =	sadd.s32 $0x8, s15;
	v13 =	vsub.f32 v13, v5;
	v14 =	vtrunc.f32 v14;
	v16 =	vcvt.f32.s32 v16;
	[tilespmem:v11+s9+$0x0] =	vst.idx.add.f32.msk $0xffff, v2  }
0x33f: {  	s14 =	sadd.s32 $0x80, s14;
	p1 =	slt.u32 s15, $0x7F8;
	v11 =	vtrunc.f32 v15;
	v12 =	vsub.f32 v12, v5;
	v14 =	vcvt.f32.s32 v14;
	[tilespmem:v10+s9+$0x0] =	vst.idx.add.f32.msk $0xffff, v2  }
0x340: {  	v10 =	vld [tilespmem:s14+$0xFFFFFFD0];
	v11 =	vcvt.f32.s32 v11;
	v13 =	vmul.f32 v13, v6;
	v15 =	vadd.s32 v0, v16  }
0x341: {  	v8 =	vsub.f32 v8, v5;
	v16 =	vld [tilespmem:s14+$0x20];
	v12 =	vmul.f32 v12, v6;
	v14 =	vadd.s32 v0, v14  }
0x342: {  	v21 =	vsub.f32 v7, v5;
	v17 =	vld [tilespmem:s14+$0xFFFFFFF0];
	v11 =	vadd.s32 v0, v11;
	v13 =	vtrunc.f32 v13  }
0x343: {  	v9 =	vcvt.f32.s32 v9;
	v18 =	vld [tilespmem:s14+$0xFFFFFFC0];
	v12 =	vtrunc.f32 v12  }
0x344: {  	v20 =	vmul.f32 v21, v6;
	v8 =	vmul.f32 v8, v6;
	v19 =	vld [tilespmem:s14+$0x30]  }
0x345: {  	v13 =	vcvt.f32.s32 v13;
	v12 =	vcvt.f32.s32 v12;
	[tilespmem:v15+s9+$0x0] =	vst.idx.add.f32.msk $0xffff, v2;
	v7 =	vmov v10  }
0x346: {  	v9 =	vadd.s32 v0, v9;
	v8 =	vtrunc.f32 v8;
	v10 =	vtrunc.f32 v20;
	[tilespmem:v14+s9+$0x0] =	vst.idx.add.f32.msk $0xffff, v2  }
0x347: {  	v15 =	vadd.s32 v0, v13;
	v10 =	vcvt.f32.s32 v10;
	v14 =	vcvt.f32.s32 v8;
	[tilespmem:v11+s9+$0x0] =	vst.idx.add.f32.msk $0xffff, v2  }
0x348: {  	v20 =	vadd.s32 v0, v12;
	v18 =	vsub.f32 v18, v5;
	v8 =	vld [tilespmem:s14+$0xFFFFFFE0]  }
.Ltmp11:
0x349: {  	v11 =	vadd.s32 v0, v10;
	v10 =	vadd.s32 v0, v14;
	v13 =	vld [tilespmem:s14+$0x10];
	v19 =	vsub.f32 v19, v5;
	(pc) =	sbr.rel @p1 .LBB2_24-.Ltmp11, $4  }
0x34a: {  	v16 =	vsub.f32 v16, v5;
	v14 =	vmul.f32 v18, v6;
	v12 =	vld [tilespmem:s14+$0x0]  }
0x34b: {  	v17 =	vsub.f32 v17, v5;
	v18 =	vmul.f32 v19, v6;
	[tilespmem:v9+s9+$0x0] =	vst.idx.add.f32.msk $0xffff, v2  }
0x34c: {  	v9 =	vtrunc.f32 v14;
	v14 =	vmul.f32 v16, v6;
	[tilespmem:v15+s9+$0x0] =	vst.idx.add.f32.msk $0xffff, v2  }
0x34d: {  	v15 =	vmul.f32 v17, v6;
	v16 =	vtrunc.f32 v18;
	[tilespmem:v20+s9+$0x0] =	vst.idx.add.f32.msk $0xffff, v2  }
0x34e: {  	v13 =	vsub.f32 v13, v5;
	v14 =	vtrunc.f32 v14  }
0x34f: {  	v16 =	vcvt.f32.s32 v16;
	v7 =	vsub.f32 v7, v5;
	v9 =	vcvt.f32.s32 v9  }
0x350: {  	v8 =	vsub.f32 v8, v5;
	v15 =	vtrunc.f32 v15;
	v14 =	vcvt.f32.s32 v14  }
0x351: {  	v12 =	vsub.f32 v12, v5;
	v15 =	vcvt.f32.s32 v15;
	v13 =	vmul.f32 v13, v6  }
0x352: {  	v16 =	vadd.s32 v0, v16;
	v7 =	vmul.f32 v7, v6;
	v8 =	vmul.f32 v8, v6  }
0x353: {  	v9 =	vadd.s32 v0, v9;
	v12 =	vmul.f32 v12, v6;
	v13 =	vtrunc.f32 v13  }
0x354: {  	v14 =	vadd.s32 v0, v14;
	v7 =	vtrunc.f32 v7;
	v13 =	vcvt.f32.s32 v13  }
0x355: {  	[tilespmem:v11+s9+$0x0] =	vst.idx.add.f32.msk $0xffff, v2;
	v15 =	vadd.s32 v0, v15;
	v8 =	vtrunc.f32 v8;
	v7 =	vcvt.f32.s32 v7  }
0x356: {  	[tilespmem:v10+s9+$0x0] =	vst.idx.add.f32.msk $0xffff, v2;
	v12 =	vtrunc.f32 v12;
	v8 =	vcvt.f32.s32 v8;
	v10 =	vadd.s32 v0, v13  }
0x357: {  	v11 =	vcvt.f32.s32 v12;
	[tilespmem:v16+s9+$0x0] =	vst.idx.add.f32.msk $0xffff, v2;
	v7 =	vadd.s32 v0, v7  }
0x358: {  	v8 =	vadd.s32 v0, v8;
	[tilespmem:v9+s9+$0x0] =	vst.idx.add.f32.msk $0xffff, v2  }
0x359: {  	v11 =	vadd.s32 v0, v11;
	[tilespmem:v14+s9+$0x0] =	vst.idx.add.f32.msk $0xffff, v2  }
0x35a: {  	[tilespmem:v15+s9+$0x0] =	vst.idx.add.f32.msk $0xffff, v2  }
0x35b: {  	[tilespmem:v10+s9+$0x0] =	vst.idx.add.f32.msk $0xffff, v2  }
0x35c: {  	[tilespmem:v7+s9+$0x0] =	vst.idx.add.f32.msk $0xffff, v2  }
0x35d: {  	[tilespmem:v8+s9+$0x0] =	vst.idx.add.f32.msk $0xffff, v2  }
0x35e: {  	[tilespmem:v11+s9+$0x0] =	vst.idx.add.f32.msk $0xffff, v2  }
0x35f: {  	_ =	swait.ge [sflag:s10], $0x8000  }
0x360: {  	[sflag:s10] =	ssyncset.done $0x0  }
0x361: {  	[sflag:s10] =	ssyncadd.s32 $0xFFFF8000  }
0x362: {  	[tilespmem:s1], [sflag:$0x1] =	stream.linear.gather [hbm4b:s24+s1], $0x8000, $0x38;
	[tilespmem:$0x18CA0] =	vst v63  }
0x363: {  	_ =	swait.ge [sflag:s11], $0x8000  }
0x364: {  	[sflag:s11] =	ssyncset.done $0x0  }
0x365: {  	s14 =	simm.s32 $0x8040;
	[sflag:s11] =	ssyncadd.s32 $0xFFFF8000  }
0x366: {  	[hbm4b:s23+s1] =	stream.linear.scatter [tilespmem:s7], [sflag:$0x4], $0x8000, $0x38;
	[tilespmem:$0x18CA0] =	vst v63  }
0x367: {  	v7 =	vld [tilespmem:s14+$0x30]  }
0x368: {  	v8 =	vld [tilespmem:s14+$0x20]  }
0x369: {  	v9 =	vld [tilespmem:s14+$0xFFFFFFF0];
	_ =	sdelay $0x1  }
0x36a: {  	v10 =	vld [tilespmem:s14+$0xFFFFFFC0]  }
0x36b: {  	v11 =	vld [tilespmem:s14+$0x10];
	v7 =	vsub.f32 v7, v5  }
0x36c: {  	v12 =	vld [tilespmem:s14+$0x0];
	v8 =	vsub.f32 v8, v5  }
0x36d: {  	v9 =	vsub.f32 v9, v5;
	v7 =	vmul.f32 v7, v6  }
0x36e: {  	v13 =	vld [tilespmem:s14+$0xFFFFFFD0];
	v8 =	vmul.f32 v8, v6  }
0x36f: {  	v10 =	vsub.f32 v10, v5;
	v9 =	vmul.f32 v9, v6;
	v7 =	vtrunc.f32 v7  }
0x370: {  	v15 =	vld [tilespmem:s14+$0xFFFFFFE0];
	v11 =	vsub.f32 v11, v5;
	v8 =	vtrunc.f32 v8;
	v14 =	vcvt.f32.s32 v7  }
0x371: {  	s14 =	simm.s32 $0x80C0;
	v12 =	vsub.f32 v12, v5;
	v9 =	vtrunc.f32 v9;
	v8 =	vcvt.f32.s32 v8  }
0x372: {  	v16 =	vld [tilespmem:s14+$0x20];
	v10 =	vmul.f32 v10, v6;
	v9 =	vcvt.f32.s32 v9;
	v14 =	vadd.s32 v0, v14  }
0x373: {  	v17 =	vld [tilespmem:s14+$0xFFFFFFF0];
	v13 =	vsub.f32 v13, v5;
	v11 =	vmul.f32 v11, v6;
	v8 =	vadd.s32 v0, v8  }
0x374: {  	v19 =	vld [tilespmem:s14+$0x30];
	v12 =	vmul.f32 v12, v6;
	v10 =	vtrunc.f32 v10;
	v9 =	vadd.s32 v0, v9  }
0x375: {  	v18 =	vld [tilespmem:s14+$0xFFFFFFC0];
	v15 =	vsub.f32 v15, v5;
	v11 =	vtrunc.f32 v11;
	v10 =	vcvt.f32.s32 v10  }
0x376: {  	v13 =	vmul.f32 v13, v6;
	v7 =	vld [tilespmem:s14+$0xFFFFFFD0];
	v11 =	vcvt.f32.s32 v11  }
0x377: {  	v12 =	vtrunc.f32 v12;
	v10 =	vadd.s32 v0, v10;
	[tilespmem:v14+s9+$0x0] =	vst.idx.add.f32.msk $0xffff, v2;
	v14 =	vmul.f32 v15, v6  }
0x378: {  	v12 =	vcvt.f32.s32 v12;
	[tilespmem:v8+s9+$0x0] =	vst.idx.add.f32.msk $0xffff, v2;
	v15 =	vadd.s32 v0, v11;
	v11 =	vtrunc.f32 v13  }
0x379: {  	v19 =	vsub.f32 v19, v5;
	[tilespmem:v9+s9+$0x0] =	vst.idx.add.f32.msk $0xffff, v2;
	v11 =	vcvt.f32.s32 v11;
	v14 =	vtrunc.f32 v14  }
0x37a: {  	v9 =	vsub.f32 v18, v5;
	v18 =	vadd.s32 v0, v12;
	v13 =	vld [tilespmem:s14+$0x10];
	v20 =	vcvt.f32.s32 v14  }
0x37b: {  	v16 =	vsub.f32 v16, v5;
	v12 =	vld [tilespmem:s14+$0x0];
	v11 =	vadd.s32 v0, v11  }
0x37c: {  	v19 =	vmul.f32 v19, v6;
	[tilespmem:v10+s9+$0x0] =	vst.idx.add.f32.msk $0xffff, v2;
	v10 =	vadd.s32 v0, v20  }
0x37d: {  	v17 =	vsub.f32 v17, v5;
	v8 =	vld [tilespmem:s14+$0xFFFFFFE0];
	v9 =	vmul.f32 v9, v6  }
0x37e: {  	v14 =	vmul.f32 v16, v6;
	v16 =	vtrunc.f32 v19;
	[tilespmem:v15+s9+$0x0] =	vst.idx.add.f32.msk $0xffff, v2  }
0x37f: {  	s15 =	simm.s32 $0x8;
	v9 =	vtrunc.f32 v9;
	v15 =	vmul.f32 v17, v6;
	[tilespmem:v18+s9+$0x0] =	vst.idx.add.f32.msk $0xffff, v2  }
.LBB2_26:
0x380: {  	s15 =	sadd.s32 $0x8, s15;
	v13 =	vsub.f32 v13, v5;
	v14 =	vtrunc.f32 v14;
	v16 =	vcvt.f32.s32 v16;
	[tilespmem:v11+s9+$0x0] =	vst.idx.add.f32.msk $0xffff, v2  }
0x381: {  	s14 =	sadd.s32 $0x80, s14;
	p1 =	slt.u32 s15, $0x7F8;
	v11 =	vtrunc.f32 v15;
	v12 =	vsub.f32 v12, v5;
	v14 =	vcvt.f32.s32 v14;
	[tilespmem:v10+s9+$0x0] =	vst.idx.add.f32.msk $0xffff, v2  }
0x382: {  	v10 =	vld [tilespmem:s14+$0xFFFFFFD0];
	v11 =	vcvt.f32.s32 v11;
	v13 =	vmul.f32 v13, v6;
	v15 =	vadd.s32 v0, v16  }
0x383: {  	v8 =	vsub.f32 v8, v5;
	v16 =	vld [tilespmem:s14+$0x20];
	v12 =	vmul.f32 v12, v6;
	v14 =	vadd.s32 v0, v14  }
0x384: {  	v21 =	vsub.f32 v7, v5;
	v17 =	vld [tilespmem:s14+$0xFFFFFFF0];
	v11 =	vadd.s32 v0, v11;
	v13 =	vtrunc.f32 v13  }
0x385: {  	v9 =	vcvt.f32.s32 v9;
	v18 =	vld [tilespmem:s14+$0xFFFFFFC0];
	v12 =	vtrunc.f32 v12  }
0x386: {  	v20 =	vmul.f32 v21, v6;
	v8 =	vmul.f32 v8, v6;
	v19 =	vld [tilespmem:s14+$0x30]  }
0x387: {  	v13 =	vcvt.f32.s32 v13;
	v12 =	vcvt.f32.s32 v12;
	[tilespmem:v15+s9+$0x0] =	vst.idx.add.f32.msk $0xffff, v2;
	v7 =	vmov v10  }
0x388: {  	v9 =	vadd.s32 v0, v9;
	v8 =	vtrunc.f32 v8;
	v10 =	vtrunc.f32 v20;
	[tilespmem:v14+s9+$0x0] =	vst.idx.add.f32.msk $0xffff, v2  }
0x389: {  	v15 =	vadd.s32 v0, v13;
	v10 =	vcvt.f32.s32 v10;
	v14 =	vcvt.f32.s32 v8;
	[tilespmem:v11+s9+$0x0] =	vst.idx.add.f32.msk $0xffff, v2  }
0x38a: {  	v20 =	vadd.s32 v0, v12;
	v18 =	vsub.f32 v18, v5;
	v8 =	vld [tilespmem:s14+$0xFFFFFFE0]  }
.Ltmp12:
0x38b: {  	v11 =	vadd.s32 v0, v10;
	v10 =	vadd.s32 v0, v14;
	v13 =	vld [tilespmem:s14+$0x10];
	v19 =	vsub.f32 v19, v5;
	(pc) =	sbr.rel @p1 .LBB2_26-.Ltmp12, $4  }
0x38c: {  	v16 =	vsub.f32 v16, v5;
	v14 =	vmul.f32 v18, v6;
	v12 =	vld [tilespmem:s14+$0x0]  }
0x38d: {  	v17 =	vsub.f32 v17, v5;
	v18 =	vmul.f32 v19, v6;
	[tilespmem:v9+s9+$0x0] =	vst.idx.add.f32.msk $0xffff, v2  }
0x38e: {  	v9 =	vtrunc.f32 v14;
	v14 =	vmul.f32 v16, v6;
	[tilespmem:v15+s9+$0x0] =	vst.idx.add.f32.msk $0xffff, v2  }
0x38f: {  	v15 =	vmul.f32 v17, v6;
	v16 =	vtrunc.f32 v18;
	[tilespmem:v20+s9+$0x0] =	vst.idx.add.f32.msk $0xffff, v2  }
0x390: {  	v13 =	vsub.f32 v13, v5;
	v14 =	vtrunc.f32 v14  }
0x391: {  	v16 =	vcvt.f32.s32 v16;
	v7 =	vsub.f32 v7, v5;
	v9 =	vcvt.f32.s32 v9  }
0x392: {  	v8 =	vsub.f32 v8, v5;
	v15 =	vtrunc.f32 v15;
	v14 =	vcvt.f32.s32 v14  }
0x393: {  	v12 =	vsub.f32 v12, v5;
	v15 =	vcvt.f32.s32 v15;
	v13 =	vmul.f32 v13, v6  }
0x394: {  	v16 =	vadd.s32 v0, v16;
	v7 =	vmul.f32 v7, v6;
	v8 =	vmul.f32 v8, v6  }
0x395: {  	v9 =	vadd.s32 v0, v9;
	v12 =	vmul.f32 v12, v6;
	v13 =	vtrunc.f32 v13  }
0x396: {  	v14 =	vadd.s32 v0, v14;
	v7 =	vtrunc.f32 v7;
	v13 =	vcvt.f32.s32 v13  }
0x397: {  	[tilespmem:v11+s9+$0x0] =	vst.idx.add.f32.msk $0xffff, v2;
	v15 =	vadd.s32 v0, v15;
	v8 =	vtrunc.f32 v8;
	v7 =	vcvt.f32.s32 v7  }
0x398: {  	[tilespmem:v10+s9+$0x0] =	vst.idx.add.f32.msk $0xffff, v2;
	v12 =	vtrunc.f32 v12;
	v8 =	vcvt.f32.s32 v8;
	v10 =	vadd.s32 v0, v13  }
0x399: {  	v11 =	vcvt.f32.s32 v12;
	[tilespmem:v16+s9+$0x0] =	vst.idx.add.f32.msk $0xffff, v2;
	v7 =	vadd.s32 v0, v7  }
0x39a: {  	v8 =	vadd.s32 v0, v8;
	[tilespmem:v9+s9+$0x0] =	vst.idx.add.f32.msk $0xffff, v2  }
0x39b: {  	v11 =	vadd.s32 v0, v11;
	[tilespmem:v14+s9+$0x0] =	vst.idx.add.f32.msk $0xffff, v2  }
0x39c: {  	[tilespmem:v15+s9+$0x0] =	vst.idx.add.f32.msk $0xffff, v2  }
0x39d: {  	[tilespmem:v10+s9+$0x0] =	vst.idx.add.f32.msk $0xffff, v2  }
0x39e: {  	[tilespmem:v7+s9+$0x0] =	vst.idx.add.f32.msk $0xffff, v2  }
0x39f: {  	[tilespmem:v8+s9+$0x0] =	vst.idx.add.f32.msk $0xffff, v2  }
0x3a0: {  	[tilespmem:v11+s9+$0x0] =	vst.idx.add.f32.msk $0xffff, v2  }
0x3a1: {  	_ =	swait.ge [sflag:s12], $0x8000  }
0x3a2: {  	[sflag:s12] =	ssyncset.done $0x0  }
0x3a3: {  	[sflag:s12] =	ssyncadd.s32 $0xFFFF8000  }
0x3a4: {  	[tilespmem:s7], [sflag:$0x2] =	stream.linear.gather [hbm4b:s26+s1], $0x8000, $0x38;
	[tilespmem:$0x18CA0] =	vst v63  }
0x3a5: {  	_ =	swait.ge [sflag:s8], $0x8000  }
0x3a6: {  	[sflag:s8] =	ssyncset.done $0x0  }
0x3a7: {  	s14 =	simm.s32 $0x40;
	[sflag:s8] =	ssyncadd.s32 $0xFFFF8000  }
0x3a8: {  	[hbm4b:s25+s1] =	stream.linear.scatter [tilespmem:s1], [sflag:$0x3], $0x8000, $0x38;
	[tilespmem:$0x18CA0] =	vst v63  }
0x3a9: {  	v7 =	vld [tilespmem:s14+$0x30]  }
0x3aa: {  	v8 =	vld [tilespmem:s14+$0x20]  }
0x3ab: {  	v9 =	vld [tilespmem:s14+$0xFFFFFFF0];
	_ =	sdelay $0x1  }
0x3ac: {  	v10 =	vld [tilespmem:s14+$0xFFFFFFC0]  }
0x3ad: {  	v11 =	vld [tilespmem:s14+$0x10];
	v7 =	vsub.f32 v7, v5  }
0x3ae: {  	v12 =	vld [tilespmem:s14+$0x0];
	v8 =	vsub.f32 v8, v5  }
0x3af: {  	v9 =	vsub.f32 v9, v5;
	v7 =	vmul.f32 v7, v6  }
0x3b0: {  	v13 =	vld [tilespmem:s14+$0xFFFFFFD0];
	v8 =	vmul.f32 v8, v6  }
0x3b1: {  	v10 =	vsub.f32 v10, v5;
	v9 =	vmul.f32 v9, v6;
	v7 =	vtrunc.f32 v7  }
0x3b2: {  	v15 =	vld [tilespmem:s14+$0xFFFFFFE0];
	v11 =	vsub.f32 v11, v5;
	v8 =	vtrunc.f32 v8;
	v14 =	vcvt.f32.s32 v7  }
0x3b3: {  	s14 =	simm.s32 $0xC0;
	v12 =	vsub.f32 v12, v5;
	v9 =	vtrunc.f32 v9;
	v8 =	vcvt.f32.s32 v8  }
0x3b4: {  	v16 =	vld [tilespmem:s14+$0x20];
	v10 =	vmul.f32 v10, v6;
	v9 =	vcvt.f32.s32 v9;
	v14 =	vadd.s32 v0, v14  }
0x3b5: {  	v17 =	vld [tilespmem:s14+$0xFFFFFFF0];
	v13 =	vsub.f32 v13, v5;
	v11 =	vmul.f32 v11, v6;
	v8 =	vadd.s32 v0, v8  }
0x3b6: {  	v19 =	vld [tilespmem:s14+$0x30];
	v12 =	vmul.f32 v12, v6;
	v10 =	vtrunc.f32 v10;
	v9 =	vadd.s32 v0, v9  }
0x3b7: {  	v18 =	vld [tilespmem:s14+$0xFFFFFFC0];
	v15 =	vsub.f32 v15, v5;
	v11 =	vtrunc.f32 v11;
	v10 =	vcvt.f32.s32 v10  }
0x3b8: {  	v13 =	vmul.f32 v13, v6;
	v7 =	vld [tilespmem:s14+$0xFFFFFFD0];
	v11 =	vcvt.f32.s32 v11  }
0x3b9: {  	v12 =	vtrunc.f32 v12;
	v10 =	vadd.s32 v0, v10;
	[tilespmem:v14+s9+$0x0] =	vst.idx.add.f32.msk $0xffff, v2;
	v14 =	vmul.f32 v15, v6  }
0x3ba: {  	v12 =	vcvt.f32.s32 v12;
	[tilespmem:v8+s9+$0x0] =	vst.idx.add.f32.msk $0xffff, v2;
	v15 =	vadd.s32 v0, v11;
	v11 =	vtrunc.f32 v13  }
0x3bb: {  	v19 =	vsub.f32 v19, v5;
	[tilespmem:v9+s9+$0x0] =	vst.idx.add.f32.msk $0xffff, v2;
	v11 =	vcvt.f32.s32 v11;
	v14 =	vtrunc.f32 v14  }
0x3bc: {  	v9 =	vsub.f32 v18, v5;
	v18 =	vadd.s32 v0, v12;
	v13 =	vld [tilespmem:s14+$0x10];
	v20 =	vcvt.f32.s32 v14  }
0x3bd: {  	v16 =	vsub.f32 v16, v5;
	v12 =	vld [tilespmem:s14+$0x0];
	v11 =	vadd.s32 v0, v11  }
0x3be: {  	v19 =	vmul.f32 v19, v6;
	[tilespmem:v10+s9+$0x0] =	vst.idx.add.f32.msk $0xffff, v2;
	v10 =	vadd.s32 v0, v20  }
0x3bf: {  	v17 =	vsub.f32 v17, v5;
	v8 =	vld [tilespmem:s14+$0xFFFFFFE0];
	v9 =	vmul.f32 v9, v6  }
0x3c0: {  	v14 =	vmul.f32 v16, v6;
	v16 =	vtrunc.f32 v19;
	[tilespmem:v15+s9+$0x0] =	vst.idx.add.f32.msk $0xffff, v2  }
0x3c1: {  	s15 =	simm.s32 $0x8;
	v9 =	vtrunc.f32 v9;
	v15 =	vmul.f32 v17, v6;
	[tilespmem:v18+s9+$0x0] =	vst.idx.add.f32.msk $0xffff, v2  }
.LBB2_28:
0x3c2: {  	s15 =	sadd.s32 $0x8, s15;
	v13 =	vsub.f32 v13, v5;
	v14 =	vtrunc.f32 v14;
	v16 =	vcvt.f32.s32 v16;
	[tilespmem:v11+s9+$0x0] =	vst.idx.add.f32.msk $0xffff, v2  }
0x3c3: {  	s14 =	sadd.s32 $0x80, s14;
	p1 =	slt.u32 s15, $0x7F8;
	v11 =	vtrunc.f32 v15;
	v12 =	vsub.f32 v12, v5;
	v14 =	vcvt.f32.s32 v14;
	[tilespmem:v10+s9+$0x0] =	vst.idx.add.f32.msk $0xffff, v2  }
0x3c4: {  	v10 =	vld [tilespmem:s14+$0xFFFFFFD0];
	v11 =	vcvt.f32.s32 v11;
	v13 =	vmul.f32 v13, v6;
	v15 =	vadd.s32 v0, v16  }
0x3c5: {  	v8 =	vsub.f32 v8, v5;
	v16 =	vld [tilespmem:s14+$0x20];
	v12 =	vmul.f32 v12, v6;
	v14 =	vadd.s32 v0, v14  }
0x3c6: {  	v21 =	vsub.f32 v7, v5;
	v17 =	vld [tilespmem:s14+$0xFFFFFFF0];
	v11 =	vadd.s32 v0, v11;
	v13 =	vtrunc.f32 v13  }
0x3c7: {  	v9 =	vcvt.f32.s32 v9;
	v18 =	vld [tilespmem:s14+$0xFFFFFFC0];
	v12 =	vtrunc.f32 v12  }
0x3c8: {  	v20 =	vmul.f32 v21, v6;
	v8 =	vmul.f32 v8, v6;
	v19 =	vld [tilespmem:s14+$0x30]  }
0x3c9: {  	v13 =	vcvt.f32.s32 v13;
	v12 =	vcvt.f32.s32 v12;
	[tilespmem:v15+s9+$0x0] =	vst.idx.add.f32.msk $0xffff, v2;
	v7 =	vmov v10  }
0x3ca: {  	v9 =	vadd.s32 v0, v9;
	v8 =	vtrunc.f32 v8;
	v10 =	vtrunc.f32 v20;
	[tilespmem:v14+s9+$0x0] =	vst.idx.add.f32.msk $0xffff, v2  }
0x3cb: {  	v15 =	vadd.s32 v0, v13;
	v10 =	vcvt.f32.s32 v10;
	v14 =	vcvt.f32.s32 v8;
	[tilespmem:v11+s9+$0x0] =	vst.idx.add.f32.msk $0xffff, v2  }
0x3cc: {  	v20 =	vadd.s32 v0, v12;
	v18 =	vsub.f32 v18, v5;
	v8 =	vld [tilespmem:s14+$0xFFFFFFE0]  }
.Ltmp13:
0x3cd: {  	v11 =	vadd.s32 v0, v10;
	v10 =	vadd.s32 v0, v14;
	v13 =	vld [tilespmem:s14+$0x10];
	v19 =	vsub.f32 v19, v5;
	(pc) =	sbr.rel @p1 .LBB2_28-.Ltmp13, $4  }
0x3ce: {  	v16 =	vsub.f32 v16, v5;
	v14 =	vmul.f32 v18, v6;
	v12 =	vld [tilespmem:s14+$0x0]  }
0x3cf: {  	v17 =	vsub.f32 v17, v5;
	v18 =	vmul.f32 v19, v6;
	[tilespmem:v9+s9+$0x0] =	vst.idx.add.f32.msk $0xffff, v2  }
0x3d0: {  	v9 =	vtrunc.f32 v14;
	v14 =	vmul.f32 v16, v6;
	[tilespmem:v15+s9+$0x0] =	vst.idx.add.f32.msk $0xffff, v2  }
0x3d1: {  	v15 =	vmul.f32 v17, v6;
	v16 =	vtrunc.f32 v18;
	[tilespmem:v20+s9+$0x0] =	vst.idx.add.f32.msk $0xffff, v2  }
0x3d2: {  	v13 =	vsub.f32 v13, v5;
	v14 =	vtrunc.f32 v14  }
0x3d3: {  	v16 =	vcvt.f32.s32 v16;
	v7 =	vsub.f32 v7, v5;
	v9 =	vcvt.f32.s32 v9  }
0x3d4: {  	v8 =	vsub.f32 v8, v5;
	v15 =	vtrunc.f32 v15;
	v14 =	vcvt.f32.s32 v14  }
0x3d5: {  	v12 =	vsub.f32 v12, v5;
	v15 =	vcvt.f32.s32 v15;
	v13 =	vmul.f32 v13, v6  }
0x3d6: {  	v16 =	vadd.s32 v0, v16;
	v7 =	vmul.f32 v7, v6;
	v8 =	vmul.f32 v8, v6  }
0x3d7: {  	v9 =	vadd.s32 v0, v9;
	v12 =	vmul.f32 v12, v6;
	v13 =	vtrunc.f32 v13  }
0x3d8: {  	v14 =	vadd.s32 v0, v14;
	v7 =	vtrunc.f32 v7;
	v13 =	vcvt.f32.s32 v13  }
0x3d9: {  	[tilespmem:v11+s9+$0x0] =	vst.idx.add.f32.msk $0xffff, v2;
	v15 =	vadd.s32 v0, v15;
	v8 =	vtrunc.f32 v8;
	v7 =	vcvt.f32.s32 v7  }
0x3da: {  	[tilespmem:v10+s9+$0x0] =	vst.idx.add.f32.msk $0xffff, v2;
	v12 =	vtrunc.f32 v12;
	v8 =	vcvt.f32.s32 v8;
	v10 =	vadd.s32 v0, v13  }
0x3db: {  	v11 =	vcvt.f32.s32 v12;
	[tilespmem:v16+s9+$0x0] =	vst.idx.add.f32.msk $0xffff, v2;
	v7 =	vadd.s32 v0, v7  }
0x3dc: {  	v8 =	vadd.s32 v0, v8;
	[tilespmem:v9+s9+$0x0] =	vst.idx.add.f32.msk $0xffff, v2  }
0x3dd: {  	v11 =	vadd.s32 v0, v11;
	[tilespmem:v14+s9+$0x0] =	vst.idx.add.f32.msk $0xffff, v2  }
0x3de: {  	[tilespmem:v15+s9+$0x0] =	vst.idx.add.f32.msk $0xffff, v2  }
0x3df: {  	[tilespmem:v10+s9+$0x0] =	vst.idx.add.f32.msk $0xffff, v2  }
0x3e0: {  	[tilespmem:v7+s9+$0x0] =	vst.idx.add.f32.msk $0xffff, v2  }
0x3e1: {  	[tilespmem:v8+s9+$0x0] =	vst.idx.add.f32.msk $0xffff, v2  }
0x3e2: {  	[tilespmem:v11+s9+$0x0] =	vst.idx.add.f32.msk $0xffff, v2  }
0x3e3: {  	_ =	swait.ge [sflag:s10], $0x8000  }
0x3e4: {  	[sflag:s10] =	ssyncset.done $0x0  }
0x3e5: {  	[sflag:s10] =	ssyncadd.s32 $0xFFFF8000  }
0x3e6: {  	[tilespmem:s1], [sflag:$0x1] =	stream.linear.gather [hbm4b:s29+s1], $0x8000, $0x38;
	[tilespmem:$0x18CA0] =	vst v63  }
0x3e7: {  	_ =	swait.ge [sflag:s11], $0x8000  }
0x3e8: {  	[sflag:s11] =	ssyncset.done $0x0  }
0x3e9: {  	s14 =	simm.s32 $0x8040;
	[sflag:s11] =	ssyncadd.s32 $0xFFFF8000  }
0x3ea: {  	[hbm4b:s28+s1] =	stream.linear.scatter [tilespmem:s7], [sflag:$0x4], $0x8000, $0x38;
	[tilespmem:$0x18CA0] =	vst v63  }
0x3eb: {  	v7 =	vld [tilespmem:s14+$0x30]  }
0x3ec: {  	v8 =	vld [tilespmem:s14+$0x20]  }
0x3ed: {  	v9 =	vld [tilespmem:s14+$0xFFFFFFF0];
	_ =	sdelay $0x1  }
0x3ee: {  	v10 =	vld [tilespmem:s14+$0xFFFFFFC0]  }
0x3ef: {  	v11 =	vld [tilespmem:s14+$0x10];
	v7 =	vsub.f32 v7, v5  }
0x3f0: {  	v12 =	vld [tilespmem:s14+$0x0];
	v8 =	vsub.f32 v8, v5  }
0x3f1: {  	v9 =	vsub.f32 v9, v5;
	v7 =	vmul.f32 v7, v6  }
0x3f2: {  	v13 =	vld [tilespmem:s14+$0xFFFFFFD0];
	v8 =	vmul.f32 v8, v6  }
0x3f3: {  	v10 =	vsub.f32 v10, v5;
	v9 =	vmul.f32 v9, v6;
	v7 =	vtrunc.f32 v7  }
0x3f4: {  	v15 =	vld [tilespmem:s14+$0xFFFFFFE0];
	v11 =	vsub.f32 v11, v5;
	v8 =	vtrunc.f32 v8;
	v14 =	vcvt.f32.s32 v7  }
0x3f5: {  	s14 =	simm.s32 $0x80C0;
	v12 =	vsub.f32 v12, v5;
	v9 =	vtrunc.f32 v9;
	v8 =	vcvt.f32.s32 v8  }
0x3f6: {  	v16 =	vld [tilespmem:s14+$0x20];
	v10 =	vmul.f32 v10, v6;
	v9 =	vcvt.f32.s32 v9;
	v14 =	vadd.s32 v0, v14  }
0x3f7: {  	v17 =	vld [tilespmem:s14+$0xFFFFFFF0];
	v13 =	vsub.f32 v13, v5;
	v11 =	vmul.f32 v11, v6;
	v8 =	vadd.s32 v0, v8  }
0x3f8: {  	v19 =	vld [tilespmem:s14+$0x30];
	v12 =	vmul.f32 v12, v6;
	v10 =	vtrunc.f32 v10;
	v9 =	vadd.s32 v0, v9  }
0x3f9: {  	v18 =	vld [tilespmem:s14+$0xFFFFFFC0];
	v15 =	vsub.f32 v15, v5;
	v11 =	vtrunc.f32 v11;
	v10 =	vcvt.f32.s32 v10  }
0x3fa: {  	v13 =	vmul.f32 v13, v6;
	v7 =	vld [tilespmem:s14+$0xFFFFFFD0];
	v11 =	vcvt.f32.s32 v11  }
0x3fb: {  	v12 =	vtrunc.f32 v12;
	v10 =	vadd.s32 v0, v10;
	[tilespmem:v14+s9+$0x0] =	vst.idx.add.f32.msk $0xffff, v2;
	v14 =	vmul.f32 v15, v6  }
0x3fc: {  	v12 =	vcvt.f32.s32 v12;
	[tilespmem:v8+s9+$0x0] =	vst.idx.add.f32.msk $0xffff, v2;
	v15 =	vadd.s32 v0, v11;
	v11 =	vtrunc.f32 v13  }
0x3fd: {  	v19 =	vsub.f32 v19, v5;
	[tilespmem:v9+s9+$0x0] =	vst.idx.add.f32.msk $0xffff, v2;
	v11 =	vcvt.f32.s32 v11;
	v14 =	vtrunc.f32 v14  }
0x3fe: {  	v9 =	vsub.f32 v18, v5;
	v18 =	vadd.s32 v0, v12;
	v13 =	vld [tilespmem:s14+$0x10];
	v20 =	vcvt.f32.s32 v14  }
0x3ff: {  	v16 =	vsub.f32 v16, v5;
	v12 =	vld [tilespmem:s14+$0x0];
	v11 =	vadd.s32 v0, v11  }
0x400: {  	v19 =	vmul.f32 v19, v6;
	[tilespmem:v10+s9+$0x0] =	vst.idx.add.f32.msk $0xffff, v2;
	v10 =	vadd.s32 v0, v20  }
0x401: {  	v17 =	vsub.f32 v17, v5;
	v8 =	vld [tilespmem:s14+$0xFFFFFFE0];
	v9 =	vmul.f32 v9, v6  }
0x402: {  	v14 =	vmul.f32 v16, v6;
	v16 =	vtrunc.f32 v19;
	[tilespmem:v15+s9+$0x0] =	vst.idx.add.f32.msk $0xffff, v2  }
0x403: {  	s15 =	simm.s32 $0x8;
	v9 =	vtrunc.f32 v9;
	v15 =	vmul.f32 v17, v6;
	[tilespmem:v18+s9+$0x0] =	vst.idx.add.f32.msk $0xffff, v2  }
.LBB2_30:
0x404: {  	s15 =	sadd.s32 $0x8, s15;
	v13 =	vsub.f32 v13, v5;
	v14 =	vtrunc.f32 v14;
	v16 =	vcvt.f32.s32 v16;
	[tilespmem:v11+s9+$0x0] =	vst.idx.add.f32.msk $0xffff, v2  }
0x405: {  	s14 =	sadd.s32 $0x80, s14;
	p1 =	slt.u32 s15, $0x7F8;
	v11 =	vtrunc.f32 v15;
	v12 =	vsub.f32 v12, v5;
	v14 =	vcvt.f32.s32 v14;
	[tilespmem:v10+s9+$0x0] =	vst.idx.add.f32.msk $0xffff, v2  }
0x406: {  	v10 =	vld [tilespmem:s14+$0xFFFFFFD0];
	v11 =	vcvt.f32.s32 v11;
	v13 =	vmul.f32 v13, v6;
	v15 =	vadd.s32 v0, v16  }
0x407: {  	v8 =	vsub.f32 v8, v5;
	v16 =	vld [tilespmem:s14+$0x20];
	v12 =	vmul.f32 v12, v6;
	v14 =	vadd.s32 v0, v14  }
0x408: {  	v21 =	vsub.f32 v7, v5;
	v17 =	vld [tilespmem:s14+$0xFFFFFFF0];
	v11 =	vadd.s32 v0, v11;
	v13 =	vtrunc.f32 v13  }
0x409: {  	v9 =	vcvt.f32.s32 v9;
	v18 =	vld [tilespmem:s14+$0xFFFFFFC0];
	v12 =	vtrunc.f32 v12  }
0x40a: {  	v20 =	vmul.f32 v21, v6;
	v8 =	vmul.f32 v8, v6;
	v19 =	vld [tilespmem:s14+$0x30]  }
0x40b: {  	v13 =	vcvt.f32.s32 v13;
	v12 =	vcvt.f32.s32 v12;
	[tilespmem:v15+s9+$0x0] =	vst.idx.add.f32.msk $0xffff, v2;
	v7 =	vmov v10  }
0x40c: {  	v9 =	vadd.s32 v0, v9;
	v8 =	vtrunc.f32 v8;
	v10 =	vtrunc.f32 v20;
	[tilespmem:v14+s9+$0x0] =	vst.idx.add.f32.msk $0xffff, v2  }
0x40d: {  	v15 =	vadd.s32 v0, v13;
	v10 =	vcvt.f32.s32 v10;
	v14 =	vcvt.f32.s32 v8;
	[tilespmem:v11+s9+$0x0] =	vst.idx.add.f32.msk $0xffff, v2  }
0x40e: {  	v20 =	vadd.s32 v0, v12;
	v18 =	vsub.f32 v18, v5;
	v8 =	vld [tilespmem:s14+$0xFFFFFFE0]  }
.Ltmp14:
0x40f: {  	v11 =	vadd.s32 v0, v10;
	v10 =	vadd.s32 v0, v14;
	v13 =	vld [tilespmem:s14+$0x10];
	v19 =	vsub.f32 v19, v5;
	(pc) =	sbr.rel @p1 .LBB2_30-.Ltmp14, $4  }
0x410: {  	v16 =	vsub.f32 v16, v5;
	v14 =	vmul.f32 v18, v6;
	v12 =	vld [tilespmem:s14+$0x0]  }
0x411: {  	v17 =	vsub.f32 v17, v5;
	v18 =	vmul.f32 v19, v6;
	[tilespmem:v9+s9+$0x0] =	vst.idx.add.f32.msk $0xffff, v2  }
0x412: {  	v9 =	vtrunc.f32 v14;
	v14 =	vmul.f32 v16, v6;
	[tilespmem:v15+s9+$0x0] =	vst.idx.add.f32.msk $0xffff, v2  }
0x413: {  	v15 =	vmul.f32 v17, v6;
	v16 =	vtrunc.f32 v18;
	[tilespmem:v20+s9+$0x0] =	vst.idx.add.f32.msk $0xffff, v2  }
0x414: {  	v13 =	vsub.f32 v13, v5;
	v14 =	vtrunc.f32 v14  }
0x415: {  	v16 =	vcvt.f32.s32 v16;
	v7 =	vsub.f32 v7, v5;
	v9 =	vcvt.f32.s32 v9  }
0x416: {  	v8 =	vsub.f32 v8, v5;
	v15 =	vtrunc.f32 v15;
	v14 =	vcvt.f32.s32 v14  }
0x417: {  	v12 =	vsub.f32 v12, v5;
	v15 =	vcvt.f32.s32 v15;
	v13 =	vmul.f32 v13, v6  }
0x418: {  	v16 =	vadd.s32 v0, v16;
	v7 =	vmul.f32 v7, v6;
	v8 =	vmul.f32 v8, v6  }
0x419: {  	v9 =	vadd.s32 v0, v9;
	v12 =	vmul.f32 v12, v6;
	v13 =	vtrunc.f32 v13  }
0x41a: {  	v14 =	vadd.s32 v0, v14;
	v7 =	vtrunc.f32 v7;
	v13 =	vcvt.f32.s32 v13  }
0x41b: {  	[tilespmem:v11+s9+$0x0] =	vst.idx.add.f32.msk $0xffff, v2;
	v15 =	vadd.s32 v0, v15;
	v8 =	vtrunc.f32 v8;
	v7 =	vcvt.f32.s32 v7  }
0x41c: {  	[tilespmem:v10+s9+$0x0] =	vst.idx.add.f32.msk $0xffff, v2;
	v12 =	vtrunc.f32 v12;
	v8 =	vcvt.f32.s32 v8;
	v10 =	vadd.s32 v0, v13  }
0x41d: {  	v11 =	vcvt.f32.s32 v12;
	[tilespmem:v16+s9+$0x0] =	vst.idx.add.f32.msk $0xffff, v2;
	v7 =	vadd.s32 v0, v7  }
0x41e: {  	v8 =	vadd.s32 v0, v8;
	[tilespmem:v9+s9+$0x0] =	vst.idx.add.f32.msk $0xffff, v2  }
0x41f: {  	v11 =	vadd.s32 v0, v11;
	[tilespmem:v14+s9+$0x0] =	vst.idx.add.f32.msk $0xffff, v2  }
0x420: {  	[tilespmem:v15+s9+$0x0] =	vst.idx.add.f32.msk $0xffff, v2  }
0x421: {  	[tilespmem:v10+s9+$0x0] =	vst.idx.add.f32.msk $0xffff, v2  }
0x422: {  	[tilespmem:v7+s9+$0x0] =	vst.idx.add.f32.msk $0xffff, v2  }
0x423: {  	[tilespmem:v8+s9+$0x0] =	vst.idx.add.f32.msk $0xffff, v2  }
0x424: {  	[tilespmem:v11+s9+$0x0] =	vst.idx.add.f32.msk $0xffff, v2  }
0x425: {  	_ =	swait.ge [sflag:s12], $0x8000  }
0x426: {  	[sflag:s12] =	ssyncset.done $0x0  }
0x427: {  	[sflag:s12] =	ssyncadd.s32 $0xFFFF8000  }
0x428: {  	[tilespmem:s7], [sflag:$0x2] =	stream.linear.gather [hbm4b:s0+s1], $0x8000, $0x38;
	[tilespmem:$0x18CA0] =	vst v63  }
0x429: {  	_ =	swait.ge [sflag:s8], $0x8000  }
0x42a: {  	[sflag:s8] =	ssyncset.done $0x0  }
0x42b: {  	s14 =	simm.s32 $0x40;
	[sflag:s8] =	ssyncadd.s32 $0xFFFF8000  }
0x42c: {  	[hbm4b:s2+s1] =	stream.linear.scatter [tilespmem:s1], [sflag:$0x3], $0x8000, $0x38;
	[tilespmem:$0x18CA0] =	vst v63  }
0x42d: {  	v7 =	vld [tilespmem:s14+$0x30]  }
0x42e: {  	v8 =	vld [tilespmem:s14+$0x20]  }
0x42f: {  	v9 =	vld [tilespmem:s14+$0xFFFFFFF0];
	_ =	sdelay $0x1  }
0x430: {  	v10 =	vld [tilespmem:s14+$0xFFFFFFC0]  }
0x431: {  	v11 =	vld [tilespmem:s14+$0x10];
	v7 =	vsub.f32 v7, v5  }
0x432: {  	v12 =	vld [tilespmem:s14+$0x0];
	v8 =	vsub.f32 v8, v5  }
0x433: {  	v9 =	vsub.f32 v9, v5;
	v7 =	vmul.f32 v7, v6  }
0x434: {  	v13 =	vld [tilespmem:s14+$0xFFFFFFD0];
	v8 =	vmul.f32 v8, v6  }
0x435: {  	v10 =	vsub.f32 v10, v5;
	v9 =	vmul.f32 v9, v6;
	v7 =	vtrunc.f32 v7  }
0x436: {  	v15 =	vld [tilespmem:s14+$0xFFFFFFE0];
	v11 =	vsub.f32 v11, v5;
	v8 =	vtrunc.f32 v8;
	v14 =	vcvt.f32.s32 v7  }
0x437: {  	s14 =	simm.s32 $0xC0;
	v12 =	vsub.f32 v12, v5;
	v9 =	vtrunc.f32 v9;
	v8 =	vcvt.f32.s32 v8  }
0x438: {  	v16 =	vld [tilespmem:s14+$0x20];
	v10 =	vmul.f32 v10, v6;
	v9 =	vcvt.f32.s32 v9;
	v14 =	vadd.s32 v0, v14  }
0x439: {  	v17 =	vld [tilespmem:s14+$0xFFFFFFF0];
	v13 =	vsub.f32 v13, v5;
	v11 =	vmul.f32 v11, v6;
	v8 =	vadd.s32 v0, v8  }
0x43a: {  	v19 =	vld [tilespmem:s14+$0x30];
	v12 =	vmul.f32 v12, v6;
	v10 =	vtrunc.f32 v10;
	v9 =	vadd.s32 v0, v9  }
0x43b: {  	v18 =	vld [tilespmem:s14+$0xFFFFFFC0];
	v15 =	vsub.f32 v15, v5;
	v11 =	vtrunc.f32 v11;
	v10 =	vcvt.f32.s32 v10  }
0x43c: {  	v13 =	vmul.f32 v13, v6;
	v7 =	vld [tilespmem:s14+$0xFFFFFFD0];
	v11 =	vcvt.f32.s32 v11  }
0x43d: {  	v12 =	vtrunc.f32 v12;
	v10 =	vadd.s32 v0, v10;
	[tilespmem:v14+s9+$0x0] =	vst.idx.add.f32.msk $0xffff, v2;
	v14 =	vmul.f32 v15, v6  }
0x43e: {  	v12 =	vcvt.f32.s32 v12;
	[tilespmem:v8+s9+$0x0] =	vst.idx.add.f32.msk $0xffff, v2;
	v15 =	vadd.s32 v0, v11;
	v11 =	vtrunc.f32 v13  }
0x43f: {  	v19 =	vsub.f32 v19, v5;
	[tilespmem:v9+s9+$0x0] =	vst.idx.add.f32.msk $0xffff, v2;
	v11 =	vcvt.f32.s32 v11;
	v14 =	vtrunc.f32 v14  }
0x440: {  	v9 =	vsub.f32 v18, v5;
	v18 =	vadd.s32 v0, v12;
	v13 =	vld [tilespmem:s14+$0x10];
	v20 =	vcvt.f32.s32 v14  }
0x441: {  	v16 =	vsub.f32 v16, v5;
	v12 =	vld [tilespmem:s14+$0x0];
	v11 =	vadd.s32 v0, v11  }
0x442: {  	v19 =	vmul.f32 v19, v6;
	[tilespmem:v10+s9+$0x0] =	vst.idx.add.f32.msk $0xffff, v2;
	v10 =	vadd.s32 v0, v20  }
0x443: {  	v17 =	vsub.f32 v17, v5;
	v8 =	vld [tilespmem:s14+$0xFFFFFFE0];
	v9 =	vmul.f32 v9, v6  }
0x444: {  	v14 =	vmul.f32 v16, v6;
	v16 =	vtrunc.f32 v19;
	[tilespmem:v15+s9+$0x0] =	vst.idx.add.f32.msk $0xffff, v2  }
0x445: {  	s15 =	simm.s32 $0x8;
	v9 =	vtrunc.f32 v9;
	v15 =	vmul.f32 v17, v6;
	[tilespmem:v18+s9+$0x0] =	vst.idx.add.f32.msk $0xffff, v2  }
.LBB2_32:
0x446: {  	s15 =	sadd.s32 $0x8, s15;
	v13 =	vsub.f32 v13, v5;
	v14 =	vtrunc.f32 v14;
	v16 =	vcvt.f32.s32 v16;
	[tilespmem:v11+s9+$0x0] =	vst.idx.add.f32.msk $0xffff, v2  }
0x447: {  	s14 =	sadd.s32 $0x80, s14;
	p1 =	slt.u32 s15, $0x7F8;
	v11 =	vtrunc.f32 v15;
	v12 =	vsub.f32 v12, v5;
	v14 =	vcvt.f32.s32 v14;
	[tilespmem:v10+s9+$0x0] =	vst.idx.add.f32.msk $0xffff, v2  }
0x448: {  	v10 =	vld [tilespmem:s14+$0xFFFFFFD0];
	v11 =	vcvt.f32.s32 v11;
	v13 =	vmul.f32 v13, v6;
	v15 =	vadd.s32 v0, v16  }
0x449: {  	v8 =	vsub.f32 v8, v5;
	v16 =	vld [tilespmem:s14+$0x20];
	v12 =	vmul.f32 v12, v6;
	v14 =	vadd.s32 v0, v14  }
0x44a: {  	v21 =	vsub.f32 v7, v5;
	v17 =	vld [tilespmem:s14+$0xFFFFFFF0];
	v11 =	vadd.s32 v0, v11;
	v13 =	vtrunc.f32 v13  }
0x44b: {  	v9 =	vcvt.f32.s32 v9;
	v18 =	vld [tilespmem:s14+$0xFFFFFFC0];
	v12 =	vtrunc.f32 v12  }
0x44c: {  	v20 =	vmul.f32 v21, v6;
	v8 =	vmul.f32 v8, v6;
	v19 =	vld [tilespmem:s14+$0x30]  }
0x44d: {  	v13 =	vcvt.f32.s32 v13;
	v12 =	vcvt.f32.s32 v12;
	[tilespmem:v15+s9+$0x0] =	vst.idx.add.f32.msk $0xffff, v2;
	v7 =	vmov v10  }
0x44e: {  	v9 =	vadd.s32 v0, v9;
	v8 =	vtrunc.f32 v8;
	v10 =	vtrunc.f32 v20;
	[tilespmem:v14+s9+$0x0] =	vst.idx.add.f32.msk $0xffff, v2  }
0x44f: {  	v15 =	vadd.s32 v0, v13;
	v10 =	vcvt.f32.s32 v10;
	v14 =	vcvt.f32.s32 v8;
	[tilespmem:v11+s9+$0x0] =	vst.idx.add.f32.msk $0xffff, v2  }
0x450: {  	v20 =	vadd.s32 v0, v12;
	v18 =	vsub.f32 v18, v5;
	v8 =	vld [tilespmem:s14+$0xFFFFFFE0]  }
.Ltmp15:
0x451: {  	v11 =	vadd.s32 v0, v10;
	v10 =	vadd.s32 v0, v14;
	v13 =	vld [tilespmem:s14+$0x10];
	v19 =	vsub.f32 v19, v5;
	(pc) =	sbr.rel @p1 .LBB2_32-.Ltmp15, $4  }
0x452: {  	v16 =	vsub.f32 v16, v5;
	v14 =	vmul.f32 v18, v6;
	v12 =	vld [tilespmem:s14+$0x0]  }
0x453: {  	v17 =	vsub.f32 v17, v5;
	v18 =	vmul.f32 v19, v6;
	[tilespmem:v9+s9+$0x0] =	vst.idx.add.f32.msk $0xffff, v2  }
0x454: {  	v9 =	vtrunc.f32 v14;
	v14 =	vmul.f32 v16, v6;
	[tilespmem:v15+s9+$0x0] =	vst.idx.add.f32.msk $0xffff, v2  }
0x455: {  	v15 =	vmul.f32 v17, v6;
	v16 =	vtrunc.f32 v18;
	[tilespmem:v20+s9+$0x0] =	vst.idx.add.f32.msk $0xffff, v2  }
0x456: {  	v13 =	vsub.f32 v13, v5;
	v14 =	vtrunc.f32 v14  }
0x457: {  	v16 =	vcvt.f32.s32 v16;
	v7 =	vsub.f32 v7, v5;
	v9 =	vcvt.f32.s32 v9  }
0x458: {  	v8 =	vsub.f32 v8, v5;
	v15 =	vtrunc.f32 v15;
	v14 =	vcvt.f32.s32 v14  }
0x459: {  	v12 =	vsub.f32 v12, v5;
	v15 =	vcvt.f32.s32 v15;
	v13 =	vmul.f32 v13, v6  }
0x45a: {  	v16 =	vadd.s32 v0, v16;
	v7 =	vmul.f32 v7, v6;
	v8 =	vmul.f32 v8, v6  }
0x45b: {  	v9 =	vadd.s32 v0, v9;
	v12 =	vmul.f32 v12, v6;
	v13 =	vtrunc.f32 v13  }
0x45c: {  	v14 =	vadd.s32 v0, v14;
	v7 =	vtrunc.f32 v7;
	v13 =	vcvt.f32.s32 v13  }
0x45d: {  	[tilespmem:v11+s9+$0x0] =	vst.idx.add.f32.msk $0xffff, v2;
	v15 =	vadd.s32 v0, v15;
	v8 =	vtrunc.f32 v8;
	v7 =	vcvt.f32.s32 v7  }
0x45e: {  	[tilespmem:v10+s9+$0x0] =	vst.idx.add.f32.msk $0xffff, v2;
	v12 =	vtrunc.f32 v12;
	v8 =	vcvt.f32.s32 v8;
	v10 =	vadd.s32 v0, v13  }
0x45f: {  	v11 =	vcvt.f32.s32 v12;
	[tilespmem:v16+s9+$0x0] =	vst.idx.add.f32.msk $0xffff, v2;
	v7 =	vadd.s32 v0, v7  }
0x460: {  	v8 =	vadd.s32 v0, v8;
	[tilespmem:v9+s9+$0x0] =	vst.idx.add.f32.msk $0xffff, v2  }
0x461: {  	v11 =	vadd.s32 v0, v11;
	[tilespmem:v14+s9+$0x0] =	vst.idx.add.f32.msk $0xffff, v2  }
0x462: {  	[tilespmem:v15+s9+$0x0] =	vst.idx.add.f32.msk $0xffff, v2  }
0x463: {  	[tilespmem:v10+s9+$0x0] =	vst.idx.add.f32.msk $0xffff, v2  }
0x464: {  	[tilespmem:v7+s9+$0x0] =	vst.idx.add.f32.msk $0xffff, v2  }
0x465: {  	[tilespmem:v8+s9+$0x0] =	vst.idx.add.f32.msk $0xffff, v2  }
0x466: {  	[tilespmem:v11+s9+$0x0] =	vst.idx.add.f32.msk $0xffff, v2  }
0x467: {  	_ =	swait.ge [sflag:s11], $0x8000  }
0x468: {  	[sflag:s11] =	ssyncset.done $0x0  }
0x469: {  	s14 =	simm.s32 $0x8040;
	[sflag:s11] =	ssyncadd.s32 $0xFFFF8000  }
0x46a: {  	[hbm4b:s3+s1] =	stream.linear.scatter [tilespmem:s7], [sflag:$0x4], $0x8000, $0x38;
	[tilespmem:$0x18CA0] =	vst v63  }
0x46b: {  	v7 =	vld [tilespmem:s14+$0x30]  }
0x46c: {  	v8 =	vld [tilespmem:s14+$0x20]  }
0x46d: {  	v9 =	vld [tilespmem:s14+$0xFFFFFFF0];
	_ =	sdelay $0x1  }
0x46e: {  	v10 =	vld [tilespmem:s14+$0xFFFFFFC0]  }
0x46f: {  	v11 =	vld [tilespmem:s14+$0x10];
	v7 =	vsub.f32 v7, v5  }
0x470: {  	v12 =	vld [tilespmem:s14+$0x0];
	v8 =	vsub.f32 v8, v5  }
0x471: {  	v9 =	vsub.f32 v9, v5;
	v7 =	vmul.f32 v7, v6  }
0x472: {  	v13 =	vld [tilespmem:s14+$0xFFFFFFD0];
	v8 =	vmul.f32 v8, v6  }
0x473: {  	v10 =	vsub.f32 v10, v5;
	v9 =	vmul.f32 v9, v6;
	v7 =	vtrunc.f32 v7  }
0x474: {  	v15 =	vld [tilespmem:s14+$0xFFFFFFE0];
	v11 =	vsub.f32 v11, v5;
	v8 =	vtrunc.f32 v8;
	v14 =	vcvt.f32.s32 v7  }
0x475: {  	s14 =	simm.s32 $0x80C0;
	v12 =	vsub.f32 v12, v5;
	v9 =	vtrunc.f32 v9;
	v8 =	vcvt.f32.s32 v8  }
0x476: {  	v16 =	vld [tilespmem:s14+$0x20];
	v10 =	vmul.f32 v10, v6;
	v9 =	vcvt.f32.s32 v9;
	v14 =	vadd.s32 v0, v14  }
0x477: {  	v17 =	vld [tilespmem:s14+$0xFFFFFFF0];
	v13 =	vsub.f32 v13, v5;
	v11 =	vmul.f32 v11, v6;
	v8 =	vadd.s32 v0, v8  }
0x478: {  	v19 =	vld [tilespmem:s14+$0x30];
	v12 =	vmul.f32 v12, v6;
	v10 =	vtrunc.f32 v10;
	v9 =	vadd.s32 v0, v9  }
0x479: {  	v18 =	vld [tilespmem:s14+$0xFFFFFFC0];
	v15 =	vsub.f32 v15, v5;
	v11 =	vtrunc.f32 v11;
	v10 =	vcvt.f32.s32 v10  }
0x47a: {  	v13 =	vmul.f32 v13, v6;
	v7 =	vld [tilespmem:s14+$0xFFFFFFD0];
	v11 =	vcvt.f32.s32 v11  }
0x47b: {  	v12 =	vtrunc.f32 v12;
	v10 =	vadd.s32 v0, v10;
	[tilespmem:v14+s9+$0x0] =	vst.idx.add.f32.msk $0xffff, v2;
	v14 =	vmul.f32 v15, v6  }
0x47c: {  	v12 =	vcvt.f32.s32 v12;
	[tilespmem:v8+s9+$0x0] =	vst.idx.add.f32.msk $0xffff, v2;
	v15 =	vadd.s32 v0, v11;
	v11 =	vtrunc.f32 v13  }
0x47d: {  	v19 =	vsub.f32 v19, v5;
	[tilespmem:v9+s9+$0x0] =	vst.idx.add.f32.msk $0xffff, v2;
	v11 =	vcvt.f32.s32 v11;
	v14 =	vtrunc.f32 v14  }
0x47e: {  	v9 =	vsub.f32 v18, v5;
	v18 =	vadd.s32 v0, v12;
	v13 =	vld [tilespmem:s14+$0x10];
	v20 =	vcvt.f32.s32 v14  }
0x47f: {  	v16 =	vsub.f32 v16, v5;
	v12 =	vld [tilespmem:s14+$0x0];
	v11 =	vadd.s32 v0, v11  }
0x480: {  	v19 =	vmul.f32 v19, v6;
	[tilespmem:v10+s9+$0x0] =	vst.idx.add.f32.msk $0xffff, v2;
	v10 =	vadd.s32 v0, v20  }
0x481: {  	v17 =	vsub.f32 v17, v5;
	v8 =	vld [tilespmem:s14+$0xFFFFFFE0];
	v9 =	vmul.f32 v9, v6  }
0x482: {  	v14 =	vmul.f32 v16, v6;
	v16 =	vtrunc.f32 v19;
	[tilespmem:v15+s9+$0x0] =	vst.idx.add.f32.msk $0xffff, v2  }
0x483: {  	s15 =	simm.s32 $0x8;
	v9 =	vtrunc.f32 v9;
	v15 =	vmul.f32 v17, v6;
	[tilespmem:v18+s9+$0x0] =	vst.idx.add.f32.msk $0xffff, v2  }
.LBB2_34:
0x484: {  	s15 =	sadd.s32 $0x8, s15;
	v13 =	vsub.f32 v13, v5;
	v14 =	vtrunc.f32 v14;
	v16 =	vcvt.f32.s32 v16;
	[tilespmem:v11+s9+$0x0] =	vst.idx.add.f32.msk $0xffff, v2  }
0x485: {  	s14 =	sadd.s32 $0x80, s14;
	p1 =	slt.u32 s15, $0x7F8;
	v11 =	vtrunc.f32 v15;
	v12 =	vsub.f32 v12, v5;
	v14 =	vcvt.f32.s32 v14;
	[tilespmem:v10+s9+$0x0] =	vst.idx.add.f32.msk $0xffff, v2  }
0x486: {  	v10 =	vld [tilespmem:s14+$0xFFFFFFD0];
	v11 =	vcvt.f32.s32 v11;
	v13 =	vmul.f32 v13, v6;
	v15 =	vadd.s32 v0, v16  }
0x487: {  	v8 =	vsub.f32 v8, v5;
	v16 =	vld [tilespmem:s14+$0x20];
	v12 =	vmul.f32 v12, v6;
	v14 =	vadd.s32 v0, v14  }
0x488: {  	v21 =	vsub.f32 v7, v5;
	v17 =	vld [tilespmem:s14+$0xFFFFFFF0];
	v11 =	vadd.s32 v0, v11;
	v13 =	vtrunc.f32 v13  }
0x489: {  	v9 =	vcvt.f32.s32 v9;
	v18 =	vld [tilespmem:s14+$0xFFFFFFC0];
	v12 =	vtrunc.f32 v12  }
0x48a: {  	v20 =	vmul.f32 v21, v6;
	v8 =	vmul.f32 v8, v6;
	v19 =	vld [tilespmem:s14+$0x30]  }
0x48b: {  	v13 =	vcvt.f32.s32 v13;
	v12 =	vcvt.f32.s32 v12;
	[tilespmem:v15+s9+$0x0] =	vst.idx.add.f32.msk $0xffff, v2;
	v7 =	vmov v10  }
0x48c: {  	v9 =	vadd.s32 v0, v9;
	v8 =	vtrunc.f32 v8;
	v10 =	vtrunc.f32 v20;
	[tilespmem:v14+s9+$0x0] =	vst.idx.add.f32.msk $0xffff, v2  }
0x48d: {  	v15 =	vadd.s32 v0, v13;
	v10 =	vcvt.f32.s32 v10;
	v14 =	vcvt.f32.s32 v8;
	[tilespmem:v11+s9+$0x0] =	vst.idx.add.f32.msk $0xffff, v2  }
0x48e: {  	v20 =	vadd.s32 v0, v12;
	v18 =	vsub.f32 v18, v5;
	v8 =	vld [tilespmem:s14+$0xFFFFFFE0]  }
.Ltmp16:
0x48f: {  	v11 =	vadd.s32 v0, v10;
	v10 =	vadd.s32 v0, v14;
	v13 =	vld [tilespmem:s14+$0x10];
	v19 =	vsub.f32 v19, v5;
	(pc) =	sbr.rel @p1 .LBB2_34-.Ltmp16, $4  }
0x490: {  	v16 =	vsub.f32 v16, v5;
	v14 =	vmul.f32 v18, v6;
	v12 =	vld [tilespmem:s14+$0x0]  }
0x491: {  	v17 =	vsub.f32 v17, v5;
	v18 =	vmul.f32 v19, v6;
	[tilespmem:v9+s9+$0x0] =	vst.idx.add.f32.msk $0xffff, v2  }
0x492: {  	v9 =	vtrunc.f32 v14;
	v14 =	vmul.f32 v16, v6;
	[tilespmem:v15+s9+$0x0] =	vst.idx.add.f32.msk $0xffff, v2  }
0x493: {  	v15 =	vmul.f32 v17, v6;
	v16 =	vtrunc.f32 v18;
	[tilespmem:v20+s9+$0x0] =	vst.idx.add.f32.msk $0xffff, v2  }
0x494: {  	v13 =	vsub.f32 v13, v5;
	v14 =	vtrunc.f32 v14  }
0x495: {  	v16 =	vcvt.f32.s32 v16;
	v7 =	vsub.f32 v7, v5;
	v9 =	vcvt.f32.s32 v9  }
0x496: {  	v15 =	vtrunc.f32 v15;
	v12 =	vsub.f32 v12, v5;
	v14 =	vcvt.f32.s32 v14  }
0x497: {  	v5 =	vsub.f32 v8, v5;
	v15 =	vcvt.f32.s32 v15;
	v13 =	vmul.f32 v13, v6  }
0x498: {  	v16 =	vadd.s32 v0, v16;
	v7 =	vmul.f32 v7, v6;
	v12 =	vmul.f32 v12, v6  }
0x499: {  	v9 =	vadd.s32 v0, v9;
	v5 =	vmul.f32 v5, v6;
	v8 =	vtrunc.f32 v13  }
0x49a: {  	v57 =	vadd.s32 v0, v14;
	v7 =	vtrunc.f32 v7;
	v6 =	vcvt.f32.s32 v8  }
0x49b: {  	[tilespmem:v11+s9+$0x0] =	vst.idx.add.f32.msk $0xffff, v2;
	v58 =	vadd.s32 v0, v15;
	v12 =	vtrunc.f32 v12;
	v7 =	vcvt.f32.s32 v7  }
0x49c: {  	[tilespmem:v10+s9+$0x0] =	vst.idx.add.f32.msk $0xffff, v2;
	v5 =	vtrunc.f32 v5;
	v8 =	vcvt.f32.s32 v12;
	v6 =	vadd.s32 v0, v6  }
0x49d: {  	v5 =	vcvt.f32.s32 v5;
	[tilespmem:v16+s9+$0x0] =	vst.idx.add.f32.msk $0xffff, v2;
	v7 =	vadd.s32 v0, v7  }
0x49e: {  	[tilespmem:v9+s9+$0x0] =	vst.idx.add.f32.msk $0xffff, v2;
	v8 =	vadd.s32 v0, v8  }
0x49f: {  	[tilespmem:v57+s9+$0x0] =	vst.idx.add.f32.msk $0xffff, v2;
	v5 =	vadd.s32 v0, v5  }
0x4a0: {  	[tilespmem:v58+s9+$0x0] =	vst.idx.add.f32.msk $0xffff, v2  }
0x4a1: {  	[tilespmem:v6+s9+$0x0] =	vst.idx.add.f32.msk $0xffff, v2  }
0x4a2: {  	[tilespmem:v7+s9+$0x0] =	vst.idx.add.f32.msk $0xffff, v2  }
0x4a3: {  	[tilespmem:v8+s9+$0x0] =	vst.idx.add.f32.msk $0xffff, v2  }
0x4a4: {  	[tilespmem:v5+s9+$0x0] =	vst.idx.add.f32.msk $0xffff, v2  }
0x4a5: {  	_ =	swait.ge [sflag:s12], $0x8000  }
0x4a6: {  	[sflag:s12] =	ssyncset.done $0x0  }
0x4a7: {  	[sflag:s12] =	ssyncadd.s32 $0xFFFF8000  }
0x4a8: {  	_ =	swait.ge [sflag:s10], $0x8000  }
0x4a9: {  	[sflag:s10] =	ssyncset.done $0x0  }
0x4aa: {  	[sflag:s10] =	ssyncadd.s32 $0xFFFF8000  }
0x4ab: {  	v5 =	vld.idx.msk [tilespmem:v3+s9+$0x0], $0xffff  }
0x4ac: {  	v6 =	vld.idx.msk [tilespmem:v4+s9+$0x0], $0xffff;
	_ =	sdelay $0x4  }
0x4ad: {  	v5 =	vadd.f32 v6, v5;
	_ =	sdelay $0x1  }
0x4ae: {  	s14 =	simm.s32 $0x0;
	[tilespmem:v3+s9+$0x0] =	vst.idx.msk $0xffff, v5  }
0x4af: {  	v5 =	vld [tilespmem:s14+$0x10010]  }
0x4b0: {  	v6 =	vld [tilespmem:s14+$0x10818]  }
0x4b1: {  	v7 =	vld [tilespmem:s14+$0x10000]  }
0x4b2: {  	v8 =	vld [tilespmem:s14+$0x11020]  }
0x4b3: {  	v9 =	vld [tilespmem:s14+$0x10808]  }
0x4b4: {  	v10 =	vld [tilespmem:s14+$0x11828]  }
0x4b5: {  	v11 =	vld [tilespmem:s14+$0x11010];
	v5 =	vadd.f32 v6, v5  }
0x4b6: {  	v6 =	vld [tilespmem:s14+$0x12030]  }
0x4b7: {  	v59 =	vld [tilespmem:s14+$0x11818];
	v5 =	vadd.f32 v8, v5  }
0x4b8: {  	v7 =	vadd.f32 v9, v7;
	v8 =	vld [tilespmem:s14+$0x12838]  }
0x4b9: {  	v9 =	vld [tilespmem:s14+$0x12020];
	v5 =	vadd.f32 v10, v5  }
0x4ba: {  	v7 =	vadd.f32 v11, v7;
	v10 =	vld [tilespmem:s14+$0x13040]  }
0x4bb: {  	v11 =	vld [tilespmem:s14+$0x12828];
	v5 =	vadd.f32 v6, v5  }
0x4bc: {  	v7 =	vadd.f32 v59, v7;
	v6 =	vld [tilespmem:s14+$0x13848]  }
0x4bd: {  	v60 =	vld [tilespmem:s14+$0x13030];
	v5 =	vadd.f32 v8, v5  }
0x4be: {  	v7 =	vadd.f32 v9, v7;
	v8 =	vld [tilespmem:s14+$0x14050]  }
0x4bf: {  	v9 =	vld [tilespmem:s14+$0x13838];
	v5 =	vadd.f32 v10, v5  }
0x4c0: {  	v7 =	vadd.f32 v11, v7;
	v10 =	vld [tilespmem:s14+$0x14858]  }
0x4c1: {  	v11 =	vld [tilespmem:s14+$0x14040];
	v5 =	vadd.f32 v6, v5  }
0x4c2: {  	v7 =	vadd.f32 v60, v7;
	v6 =	vld [tilespmem:s14+$0x15060]  }
0x4c3: {  	v61 =	vld [tilespmem:s14+$0x14848];
	v5 =	vadd.f32 v8, v5  }
0x4c4: {  	v62 =	vld [tilespmem:s14+$0x15868];
	v7 =	vadd.f32 v9, v7  }
0x4c5: {  	v9 =	vld [tilespmem:s14+$0x15050];
	v5 =	vadd.f32 v10, v5  }
0x4c6: {  	v7 =	vadd.f32 v11, v7;
	v10 =	vld [tilespmem:s14+$0x16070]  }
0x4c7: {  	v11 =	vld [tilespmem:s14+$0x15858];
	v5 =	vadd.f32 v6, v5  }
0x4c8: {  	v63 =	vld [tilespmem:s14+$0x16878];
	v6 =	vadd.f32 v61, v7  }
0x4c9: {  	v8 =	vld [tilespmem:s14+$0x16060];
	v7 =	vadd.f32 v62, v5  }
0x4ca: {  	v5 =	vld [tilespmem:s14+$0x17080];
	v9 =	vadd.f32 v9, v6  }
0x4cb: {  	v6 =	vld [tilespmem:s14+$0x16868];
	v10 =	vadd.f32 v10, v7  }
0x4cc: {  	v7 =	vld [tilespmem:s14+$0x17888];
	v11 =	vadd.f32 v11, v9  }
0x4cd: {  	s15 =	simm.s32 $0x0;
	s16 =	simm.s32 $0x80;
	v9 =	vld [tilespmem:s14+$0x17070];
	v10 =	vadd.f32 v63, v10  }
.LBB2_36:
0x4ce: {  	s17 =	sshra.s32 s16, $0x2;
	v8 =	vadd.f32 v8, v11;
	v11 =	vld [tilespmem:s14+$0x17878]  }
0x4cf: {  	s15 =	sadd.s32 $0x2, s15;
	v12 =	vld [tilespmem:s17+$0x10010];
	v5 =	vadd.f32 v5, v10  }
0x4d0: {  	p1 =	slt.u32 s15, $0x7E;
	v10 =	vld [tilespmem:s17+$0x10818];
	v6 =	vadd.f32 v6, v8  }
0x4d1: {  	v8 =	vld [tilespmem:s17+$0x10000];
	v5 =	vadd.f32 v7, v5  }
0x4d2: {  	v7 =	vld [tilespmem:s17+$0x11020];
	v6 =	vadd.f32 v9, v6  }
0x4d3: {  	v9 =	vld [tilespmem:s17+$0x10808];
	[tilespmem:s14+$0x18090] =	vst v5  }
0x4d4: {  	v5 =	vld [tilespmem:s17+$0x11828];
	v6 =	vadd.f32 v11, v6  }
0x4d5: {  	v11 =	vld [tilespmem:s17+$0x11010];
	v10 =	vadd.f32 v10, v12  }
0x4d6: {  	v12 =	vld [tilespmem:s17+$0x12030];
	[tilespmem:s14+$0x18080] =	vst v6;
	s14 =	smov.u32 s17  }
0x4d7: {  	v6 =	vld [tilespmem:s14+$0x11818];
	v7 =	vadd.f32 v7, v10  }
0x4d8: {  	v8 =	vadd.f32 v9, v8;
	v9 =	vld [tilespmem:s14+$0x12838]  }
0x4d9: {  	v10 =	vld [tilespmem:s14+$0x12020];
	v5 =	vadd.f32 v5, v7  }
0x4da: {  	v7 =	vadd.f32 v11, v8;
	v8 =	vld [tilespmem:s14+$0x13040]  }
0x4db: {  	v11 =	vld [tilespmem:s14+$0x12828];
	v5 =	vadd.f32 v12, v5  }
0x4dc: {  	v6 =	vadd.f32 v6, v7;
	v7 =	vld [tilespmem:s14+$0x13848]  }
0x4dd: {  	v12 =	vld [tilespmem:s14+$0x13030];
	v5 =	vadd.f32 v9, v5  }
0x4de: {  	v6 =	vadd.f32 v10, v6;
	v9 =	vld [tilespmem:s14+$0x14050]  }
0x4df: {  	v10 =	vld [tilespmem:s14+$0x13838];
	v5 =	vadd.f32 v8, v5  }
0x4e0: {  	v6 =	vadd.f32 v11, v6;
	v8 =	vld [tilespmem:s14+$0x14858]  }
0x4e1: {  	v11 =	vld [tilespmem:s14+$0x14040];
	v5 =	vadd.f32 v7, v5  }
0x4e2: {  	v6 =	vadd.f32 v12, v6;
	v7 =	vld [tilespmem:s14+$0x15060]  }
0x4e3: {  	v12 =	vld [tilespmem:s14+$0x14848];
	v5 =	vadd.f32 v9, v5  }
0x4e4: {  	v6 =	vadd.f32 v10, v6;
	v9 =	vld [tilespmem:s14+$0x15868]  }
0x4e5: {  	v10 =	vld [tilespmem:s14+$0x15050];
	v5 =	vadd.f32 v8, v5  }
0x4e6: {  	v6 =	vadd.f32 v11, v6;
	v11 =	vld [tilespmem:s14+$0x16070]  }
0x4e7: {  	v13 =	vld [tilespmem:s14+$0x15858];
	v5 =	vadd.f32 v7, v5  }
0x4e8: {  	v6 =	vadd.f32 v12, v6;
	v12 =	vld [tilespmem:s14+$0x16878]  }
.Ltmp17:
0x4e9: {  	v8 =	vld [tilespmem:s14+$0x16060];
	v7 =	vadd.f32 v9, v5;
	(pc) =	sbr.rel @p1 .LBB2_36-.Ltmp17, $4  }
0x4ea: {  	v9 =	vadd.f32 v10, v6;
	v5 =	vld [tilespmem:s14+$0x17080]  }
0x4eb: {  	v6 =	vld [tilespmem:s14+$0x16868];
	v10 =	vadd.f32 v11, v7  }
0x4ec: {  	v11 =	vadd.f32 v13, v9;
	v7 =	vld [tilespmem:s14+$0x17888]  }
0x4ed: {  	s16 =	sadd.s32 $0x80, s16;
	v9 =	vld [tilespmem:s14+$0x17070];
	v10 =	vadd.f32 v12, v10  }
0x4ee: {  	v8 =	vadd.f32 v8, v11  }
0x4ef: {  	v63 =	vld [tilespmem:s14+$0x17878]  }
0x4f0: {  	v6 =	vadd.f32 v6, v8  }
0x4f1: {  	v5 =	vadd.f32 v5, v10  }
0x4f2: {  	v6 =	vadd.f32 v9, v6  }
0x4f3: {  	v5 =	vadd.f32 v7, v5  }
0x4f4: {  	s13 =	sadd.s32 $0x1, s13;
	v6 =	vadd.f32 v63, v6  }
0x4f5: {  	p1 =	sne.s32 s13, s5;
	[tilespmem:s14+$0x18090] =	vst v5  }
.Ltmp18:
0x4f6: {  	s17 =	simm.s32 $0x18080;
	[tilespmem:s14+$0x18080] =	vst v6;
	(pc) =	sbr.rel @p1 .LBB2_1-.Ltmp18, $4  }
0x4f7: {  	[hbm4b:s4+s1] =	stream.linear.scatter [tilespmem:s17], [sflag:$0x5], $0x800, $0x38;
	[tilespmem:$0x18CA0] =	vst v63  }
0x4f8: {  	_ =	swait.ge [sflag:s6], $0x800  }
0x4f9: {  	[sflag:s6] =	ssyncset.done $0x0  }
0x4fa: {  	[sflag:s6] =	ssyncadd.s32 $0xFFFFF800  }
0x4fb: {  	_ =	sfence.sel $0x180000  }
0x4fc: {  	[bflag:$0x0] =	sbarrier.arrive $0xFFFF  }
0x4fd: {  	_ =	strace $0x9000004A  }
0x4fe: {  	s0 =	stileid.u32;
	[bflag:$0x2] =	sbarrier.arrive $0xFFFF  }
0x4ff: {  	p0 =	sne.s32 s0, $0x0;
	s0 =	rddreg [dreg:$0x5]  }
0x500: {  	s0 =	sadd.s32 @!p0 $0x100000, s0  }
0x501: {  	[sflag:s0] =	ssyncadd.tile.s32 @!p0 $0x1;
	_ =	shalt  }
.Lfunc_end2:
_tile_overlayer_lowered:
.L_overlay_start_2:
0x502: {  	(tag) =	ssettag $0x2  }
0x503: {  	s0 =	rddreg [dreg:$0x0];
	s2 =	stileid.u32  }
0x504: {  	s1 =	rddreg [dreg:$0x1];
	p0 =	sne.s32 s2, $0x0  }
0x505: {  	s3 =	rddreg [dreg:$0x2];
	[bflag:$0x3] =	sbarrier.arrive $0xFFFF;
	s2 =	simm.s32 @!p0 $0x1C05  }
0x506: {  	[timem:s3], [sflag:s2] =	dma.local @!p0 [hbm:s0], s1  }
0x507: {  	s0 =	simm.s32 @!p0 $0x5  }
0x508: {  	_ =	swait.ge @!p0 [sflag:s0], s1  }
0x509: {  	s1 =	ssub.s32 @!p0 $0x0, s1;
	[sflag:s0] =	ssyncset.done @!p0 $0x0  }
0x50a: {  	[sflag:s0] =	ssyncadd.s32 @!p0 s1  }
0x50b: {  	[bflag:$0x3] =	sbarrier.arrive $0xFFFF  }
0x50c: {  	_ =	shalt  }

</sc_bundles>
